<compile_context>
chip_gen: v7x
topology: tpu7x:2x2x1
jax: 0.10.2.dev20260603
libtpu: 0.0.44.dev20260713+nightly
codegen_flags: <defaults>
</compile_context>

<pallas_src>
import jax
import jax.numpy as jnp
from jax import lax
from jax.experimental import pallas as pl
from jax.experimental.pallas import tpu as pltpu, tpu_sc as plsc

SIZE_VOCAB = 1000000
D = 64
B = 16384
L = 50

NC = 2
NS = 16
LANES = 16
NW = NC * NS
BC = B // NW
NCH = BC // 128


def _rsqrt(x):
    i = lax.bitcast_convert_type(x, jnp.int32)
    y = lax.bitcast_convert_type(
        jnp.int32(0x5F3759DF) - lax.shift_right_arithmetic(i, 1), jnp.float32)
    for _ in range(3):
        y = y * (1.5 - 0.5 * x * y * y)
    return y


def _body(cen_hbm, ctx_hbm, win_hbm, wout_hbm, out_hbm,
          cidx_v, ctxidx_v, in_v, out_v, invin_v, res_v, sem):
    wid = lax.axis_index("s") * NC + lax.axis_index("c")
    base = wid * BC

    lanes = lax.iota(jnp.int32, LANES)

    pltpu.sync_copy(cen_hbm.at[wid], cidx_v)
    pltpu.sync_copy(ctx_hbm.at[wid], ctxidx_v)

    for j in range(NCH):
        pltpu.async_copy(win_hbm.at[cidx_v.at[j]],
                         in_v.at[pl.ds(j * 128, 128), :], sem)
    for j in range(NCH):
        pltpu.make_async_copy(win_hbm.at[cidx_v.at[j]],
                              in_v.at[pl.ds(j * 128, 128), :], sem).wait()

    def norm_body(g, _):
        rows = g * LANES + lanes
        acc = jnp.zeros((LANES,), jnp.float32)
        for d in range(D):
            col = (lanes + d) & (D - 1)
            v = plsc.load_gather(in_v, [rows, col])
            acc += v * v
        invin_v[pl.ds(g * LANES, LANES)] = _rsqrt(acc)
        return ()

    lax.fori_loop(0, BC // LANES, norm_body, (), unroll=False)

    def l_body(l, _):
        for j in range(NCH):
            pltpu.async_copy(wout_hbm.at[ctxidx_v.at[l, j]],
                             out_v.at[pl.ds(j * 128, 128), :], sem)
        for j in range(NCH):
            pltpu.make_async_copy(wout_hbm.at[ctxidx_v.at[l, j]],
                                  out_v.at[pl.ds(j * 128, 128), :],
                                  sem).wait()

        def g_body(g, _):
            rows = g * LANES + lanes
            acc_d = jnp.zeros((LANES,), jnp.float32)
            acc_s = jnp.zeros((LANES,), jnp.float32)
            for d in range(D):
                col = (lanes + d) & (D - 1)
                o = plsc.load_gather(out_v, [rows, col])
                i = plsc.load_gather(in_v, [rows, col])
                acc_d += o * i
                acc_s += o * o
            res = acc_d * _rsqrt(acc_s) * invin_v[pl.ds(g * LANES, LANES)]
            res_v[pl.ds(g * LANES, LANES)] = res
            return ()

        lax.fori_loop(0, BC // LANES, g_body, (), unroll=False)
        pltpu.sync_copy(res_v, out_hbm.at[l, pl.ds(base, BC)])
        return ()

    lax.fori_loop(0, L, l_body, (), unroll=False)


@jax.jit
def kernel(center, context, emb_in_weight, emb_out_weight):
    cen = center.reshape(NW, NCH, 128).astype(jnp.int32)
    ctx = (context.reshape(L, NW, BC).transpose(1, 0, 2)
           .reshape(NW, L, NCH, 128).astype(jnp.int32))

    mesh = plsc.VectorSubcoreMesh(core_axis_name="c", subcore_axis_name="s")
    f = pl.kernel(
        _body,
        out_type=jax.ShapeDtypeStruct((L, B), jnp.float32),
        mesh=mesh,
        compiler_params=pltpu.CompilerParams(
            needs_layout_passes=False, use_tc_tiling_on_sc=False),
        scratch_types=[
            pltpu.VMEM((NCH, 128), jnp.int32),
            pltpu.VMEM((L, NCH, 128), jnp.int32),
            pltpu.VMEM((BC, D), jnp.float32),
            pltpu.VMEM((BC, D), jnp.float32),
            pltpu.VMEM((BC,), jnp.float32),
            pltpu.VMEM((BC,), jnp.float32),
            pltpu.SemaphoreType.DMA,
        ],
    )
    return f(cen, ctx, emb_in_weight, emb_out_weight)

# --- scband reference (transcript-rebuilt; emitter-appended) ---
"""Pipeline reference for scband-net-10290741641582 (READ-ONLY COPY).

The authoritative reference and input builder live on the scoring server;
editing this copy changes nothing except your own understanding.
"""

import jax, jax.numpy as jnp
import numpy as np

SIZE_VOCAB = 1000000
SIZE_EMBEDDING = 64
BATCH = 16384
HIST = 50


def setup_inputs(seed: int = 0) -> dict:
    key = jax.random.key(seed)
    k_c, k_x, k_wi, k_wo = jax.random.split(key, 4)
    center = jax.random.randint(k_c, (BATCH,), 0, SIZE_VOCAB, dtype=jnp.int64) if jax.config.jax_enable_x64 else jax.random.randint(k_c, (BATCH,), 0, SIZE_VOCAB).astype(jnp.int32)
    context = jax.random.randint(k_x, (HIST, BATCH), 0, SIZE_VOCAB).astype(center.dtype)
    initrange = 0.1
    emb_in_weight = jax.random.uniform(k_wi, (SIZE_VOCAB, SIZE_EMBEDDING), dtype=jnp.float32, minval=-initrange, maxval=initrange)
    emb_out_weight = jax.random.uniform(k_wo, (SIZE_VOCAB, SIZE_EMBEDDING), dtype=jnp.float32, minval=-initrange, maxval=initrange)
    return {"center": center, "context": context, "emb_in_weight": emb_in_weight, "emb_out_weight": emb_out_weight}


def reference(center, context, emb_in_weight, emb_out_weight):
    # emb_in: [B, D]
    emb_in = jnp.take(emb_in_weight, center, axis=0)
    # emb_out: [L, B, D]
    emb_out = jnp.take(emb_out_weight, context, axis=0)
    # broadcast [L, B, D] * [B, D]
    res = emb_out * emb_in
    # norm over dim 1 of [B, D] -> [B]
    norm_in = jnp.linalg.norm(emb_in, ord=2, axis=1)
    # norm over dim 2 of [L, B, D] -> [L, B]
    norm_out = jnp.linalg.norm(emb_out, ord=2, axis=2)
    norm = norm_out * norm_in
    res = res.sum(axis=2)
    res = res / norm
    return res

if __name__ == "__main__":
    import jax
    _d = setup_inputs()
    print(jax.jit(kernel)(*tuple(_d.values())))

</pallas_src>

<mosaic_0001>
#map = affine_map<(d0, d1) -> (0, 0, 0)>
#map1 = affine_map<(d0, d1) -> (0, 0, 0, 0)>
#map2 = affine_map<(d0, d1) -> (0, 0)>
module attributes {stable_mosaic.version = 14 : i64} {
  func.func @_body(%arg0: i32, %arg1: i32, %arg2: memref<32x4x128xi32, #tpu.memory_space<hbm>>, %arg3: memref<32x50x4x128xi32, #tpu.memory_space<hbm>>, %arg4: memref<1000000x64xf32, #tpu.memory_space<hbm>>, %arg5: memref<1000000x64xf32, #tpu.memory_space<hbm>>, %arg6: memref<50x16384xf32, #tpu.memory_space<hbm>>, %arg7: memref<4x128xi32, #tpu.memory_space<vmem>>, %arg8: memref<50x4x128xi32, #tpu.memory_space<vmem>>, %arg9: memref<512x64xf32, #tpu.memory_space<vmem>>, %arg10: memref<512x64xf32, #tpu.memory_space<vmem>>, %arg11: memref<512xf32, #tpu.memory_space<vmem>>, %arg12: memref<512xf32, #tpu.memory_space<vmem>>, %arg13: memref<!tpu.dma_semaphore, #tpu.memory_space<semaphore_mem>>) attributes {dimension_semantics = [#tpu.dimension_semantics<core_parallel>, #tpu.dimension_semantics<subcore_parallel>], iteration_bounds = array<i64: 2, 16>, scalar_prefetch = 0 : i64, scratch_operands = 7 : i64, tpu.core_type = #tpu.core_type<sc_vector_subcore>, window_params = [{transform_indices = #map}, {transform_indices = #map1}, {transform_indices = #map2}, {transform_indices = #map2}, {transform_indices = #map2}]} {
    %mul3A = arith.constant 2 : i32
    %mul3A_0 = arith.muli %arg1, %mul3A : i32
    %add3A = arith.addi %mul3A_0, %arg0 : i32
    %mul3A_1 = arith.constant 512 : i32
    %mul3A_2 = arith.muli %add3A, %mul3A_1 : i32
    %iota3A = tpu.iota {dimensions = array<i32: 0>} : vector<16xi32>
    "tpu.region"() ({
      %run_scoped3A = tpu.sem_alloc : memref<!tpu.dma_semaphore, #tpu.memory_space<semaphore_mem>>
      %dma_start3A_90 = arith.constant 0 : i32
      %dma_start3A_91 = arith.constant 0 : i32
      %dma_start3A_92 = tpu.memref_slice %arg2[%add3A, %dma_start3A_90, %dma_start3A_91] : memref<32x4x128xi32, #tpu.memory_space<hbm>> -> memref<1x4x128xi32, #tpu.memory_space<hbm>>
      %dma_start3A_93 = tpu.memref_squeeze %dma_start3A_92 : memref<1x4x128xi32, #tpu.memory_space<hbm>> -> memref<4x128xi32, #tpu.memory_space<hbm>>
      %dma_start3A_94 = arith.constant 0 : i32
      %dma_start3A_95 = arith.constant 0 : i32
      %dma_start3A_96 = tpu.memref_slice %arg2[%add3A, %dma_start3A_94, %dma_start3A_95] : memref<32x4x128xi32, #tpu.memory_space<hbm>> -> memref<1x4x128xi32, #tpu.memory_space<hbm>>
      %dma_start3A_97 = tpu.memref_squeeze %dma_start3A_96 : memref<1x4x128xi32, #tpu.memory_space<hbm>> -> memref<4x128xi32, #tpu.memory_space<hbm>>
      tpu.enqueue_dma source(%dma_start3A_97 : memref<4x128xi32, #tpu.memory_space<hbm>>) target(%arg7 : memref<4x128xi32, #tpu.memory_space<vmem>>) target_semaphore(%run_scoped3A : memref<!tpu.dma_semaphore, #tpu.memory_space<semaphore_mem>>)
      %dma_wait3A_98 = arith.constant 0 : i32
      %dma_wait3A_99 = arith.constant 0 : i32
      %dma_wait3A_100 = tpu.memref_slice %arg2[%add3A, %dma_wait3A_98, %dma_wait3A_99] : memref<32x4x128xi32, #tpu.memory_space<hbm>> -> memref<1x4x128xi32, #tpu.memory_space<hbm>>
      %dma_wait3A_101 = tpu.memref_squeeze %dma_wait3A_100 : memref<1x4x128xi32, #tpu.memory_space<hbm>> -> memref<4x128xi32, #tpu.memory_space<hbm>>
      %dma_wait3A_102 = arith.constant 0 : i32
      %dma_wait3A_103 = arith.constant 0 : i32
      %dma_wait3A_104 = tpu.memref_slice %arg2[%add3A, %dma_wait3A_102, %dma_wait3A_103] : memref<32x4x128xi32, #tpu.memory_space<hbm>> -> memref<1x4x128xi32, #tpu.memory_space<hbm>>
      %dma_wait3A_105 = tpu.memref_squeeze %dma_wait3A_104 : memref<1x4x128xi32, #tpu.memory_space<hbm>> -> memref<4x128xi32, #tpu.memory_space<hbm>>
      tpu.wait_dma2 semaphore(%run_scoped3A : memref<!tpu.dma_semaphore, #tpu.memory_space<semaphore_mem>>) src(%dma_wait3A_105 : memref<4x128xi32, #tpu.memory_space<hbm>>) dst(%arg7 : memref<4x128xi32, #tpu.memory_space<vmem>>)
      tpu.yield
    }) : () -> ()
    "tpu.region"() ({
      %run_scoped3A = tpu.sem_alloc : memref<!tpu.dma_semaphore, #tpu.memory_space<semaphore_mem>>
      %dma_start3A_90 = arith.constant 0 : i32
      %dma_start3A_91 = arith.constant 0 : i32
      %dma_start3A_92 = arith.constant 0 : i32
      %dma_start3A_93 = tpu.memref_slice %arg3[%add3A, %dma_start3A_90, %dma_start3A_91, %dma_start3A_92] : memref<32x50x4x128xi32, #tpu.memory_space<hbm>> -> memref<1x50x4x128xi32, #tpu.memory_space<hbm>>
      %dma_start3A_94 = tpu.memref_squeeze %dma_start3A_93 : memref<1x50x4x128xi32, #tpu.memory_space<hbm>> -> memref<50x4x128xi32, #tpu.memory_space<hbm>>
      %dma_start3A_95 = arith.constant 0 : i32
      %dma_start3A_96 = arith.constant 0 : i32
      %dma_start3A_97 = arith.constant 0 : i32
      %dma_start3A_98 = tpu.memref_slice %arg3[%add3A, %dma_start3A_95, %dma_start3A_96, %dma_start3A_97] : memref<32x50x4x128xi32, #tpu.memory_space<hbm>> -> memref<1x50x4x128xi32, #tpu.memory_space<hbm>>
      %dma_start3A_99 = tpu.memref_squeeze %dma_start3A_98 : memref<1x50x4x128xi32, #tpu.memory_space<hbm>> -> memref<50x4x128xi32, #tpu.memory_space<hbm>>
      tpu.enqueue_dma source(%dma_start3A_99 : memref<50x4x128xi32, #tpu.memory_space<hbm>>) target(%arg8 : memref<50x4x128xi32, #tpu.memory_space<vmem>>) target_semaphore(%run_scoped3A : memref<!tpu.dma_semaphore, #tpu.memory_space<semaphore_mem>>)
      %dma_wait3A_100 = arith.constant 0 : i32
      %dma_wait3A_101 = arith.constant 0 : i32
      %dma_wait3A_102 = arith.constant 0 : i32
      %dma_wait3A_103 = tpu.memref_slice %arg3[%add3A, %dma_wait3A_100, %dma_wait3A_101, %dma_wait3A_102] : memref<32x50x4x128xi32, #tpu.memory_space<hbm>> -> memref<1x50x4x128xi32, #tpu.memory_space<hbm>>
      %dma_wait3A_104 = tpu.memref_squeeze %dma_wait3A_103 : memref<1x50x4x128xi32, #tpu.memory_space<hbm>> -> memref<50x4x128xi32, #tpu.memory_space<hbm>>
      %dma_wait3A_105 = arith.constant 0 : i32
      %dma_wait3A_106 = arith.constant 0 : i32
      %dma_wait3A_107 = arith.constant 0 : i32
      %dma_wait3A_108 = tpu.memref_slice %arg3[%add3A, %dma_wait3A_105, %dma_wait3A_106, %dma_wait3A_107] : memref<32x50x4x128xi32, #tpu.memory_space<hbm>> -> memref<1x50x4x128xi32, #tpu.memory_space<hbm>>
      %dma_wait3A_109 = tpu.memref_squeeze %dma_wait3A_108 : memref<1x50x4x128xi32, #tpu.memory_space<hbm>> -> memref<50x4x128xi32, #tpu.memory_space<hbm>>
      tpu.wait_dma2 semaphore(%run_scoped3A : memref<!tpu.dma_semaphore, #tpu.memory_space<semaphore_mem>>) src(%dma_wait3A_109 : memref<50x4x128xi32, #tpu.memory_space<hbm>>) dst(%arg8 : memref<50x4x128xi32, #tpu.memory_space<vmem>>)
      tpu.yield
    }) : () -> ()
    %dma_start3A = arith.constant 0 : i32
    %dma_start3A_3 = arith.constant 0 : i32
    %dma_start3A_4 = arith.constant 0 : i32
    %dma_start3A_5 = tpu.memref_slice %arg9[%dma_start3A_3, %dma_start3A_4] : memref<512x64xf32, #tpu.memory_space<vmem>> -> memref<128x64xf32, #tpu.memory_space<vmem>>
    %dma_start3A_6 = arith.constant 0 : i32
    %dma_start3A_7 = tpu.memref_slice %arg7[%dma_start3A, %dma_start3A_6] : memref<4x128xi32, #tpu.memory_space<vmem>> -> memref<1x128xi32, #tpu.memory_space<vmem>>
    %dma_start3A_8 = tpu.memref_squeeze %dma_start3A_7 : memref<1x128xi32, #tpu.memory_space<vmem>> -> memref<128xi32, #tpu.memory_space<vmem>>
    %dma_start3A_9 = arith.constant 0 : i32
    %dma_start3A_10 = arith.constant 0 : i32
    %dma_start3A_11 = tpu.memref_slice %arg4[%dma_start3A_9, %dma_start3A_10] : memref<1000000x64xf32, #tpu.memory_space<hbm>> -> memref<1000000x64xf32, #tpu.memory_space<hbm>>
    tpu.enqueue_indirect_dma source(%dma_start3A_11 : memref<1000000x64xf32, #tpu.memory_space<hbm>>) target(%dma_start3A_5 : memref<128x64xf32, #tpu.memory_space<vmem>>) offsets(%dma_start3A_8 : memref<128xi32, #tpu.memory_space<vmem>>) semaphore(%arg13 : memref<!tpu.dma_semaphore, #tpu.memory_space<semaphore_mem>>)
    %dma_start3A_12 = arith.constant 1 : i32
    %dma_start3A_13 = arith.constant 128 : i32
    %dma_start3A_14 = arith.constant 0 : i32
    %dma_start3A_15 = tpu.memref_slice %arg9[%dma_start3A_13, %dma_start3A_14] : memref<512x64xf32, #tpu.memory_space<vmem>> -> memref<128x64xf32, #tpu.memory_space<vmem>>
    %dma_start3A_16 = arith.constant 0 : i32
    %dma_start3A_17 = tpu.memref_slice %arg7[%dma_start3A_12, %dma_start3A_16] : memref<4x128xi32, #tpu.memory_space<vmem>> -> memref<1x128xi32, #tpu.memory_space<vmem>>
    %dma_start3A_18 = tpu.memref_squeeze %dma_start3A_17 : memref<1x128xi32, #tpu.memory_space<vmem>> -> memref<128xi32, #tpu.memory_space<vmem>>
    %dma_start3A_19 = arith.constant 0 : i32
    %dma_start3A_20 = arith.constant 0 : i32
    %dma_start3A_21 = tpu.memref_slice %arg4[%dma_start3A_19, %dma_start3A_20] : memref<1000000x64xf32, #tpu.memory_space<hbm>> -> memref<1000000x64xf32, #tpu.memory_space<hbm>>
    tpu.enqueue_indirect_dma source(%dma_start3A_21 : memref<1000000x64xf32, #tpu.memory_space<hbm>>) target(%dma_start3A_15 : memref<128x64xf32, #tpu.memory_space<vmem>>) offsets(%dma_start3A_18 : memref<128xi32, #tpu.memory_space<vmem>>) semaphore(%arg13 : memref<!tpu.dma_semaphore, #tpu.memory_space<semaphore_mem>>)
    %dma_start3A_22 = arith.constant 2 : i32
    %dma_start3A_23 = arith.constant 256 : i32
    %dma_start3A_24 = arith.constant 0 : i32
    %dma_start3A_25 = tpu.memref_slice %arg9[%dma_start3A_23, %dma_start3A_24] : memref<512x64xf32, #tpu.memory_space<vmem>> -> memref<128x64xf32, #tpu.memory_space<vmem>>
    %dma_start3A_26 = arith.constant 0 : i32
    %dma_start3A_27 = tpu.memref_slice %arg7[%dma_start3A_22, %dma_start3A_26] : memref<4x128xi32, #tpu.memory_space<vmem>> -> memref<1x128xi32, #tpu.memory_space<vmem>>
    %dma_start3A_28 = tpu.memref_squeeze %dma_start3A_27 : memref<1x128xi32, #tpu.memory_space<vmem>> -> memref<128xi32, #tpu.memory_space<vmem>>
    %dma_start3A_29 = arith.constant 0 : i32
    %dma_start3A_30 = arith.constant 0 : i32
    %dma_start3A_31 = tpu.memref_slice %arg4[%dma_start3A_29, %dma_start3A_30] : memref<1000000x64xf32, #tpu.memory_space<hbm>> -> memref<1000000x64xf32, #tpu.memory_space<hbm>>
    tpu.enqueue_indirect_dma source(%dma_start3A_31 : memref<1000000x64xf32, #tpu.memory_space<hbm>>) target(%dma_start3A_25 : memref<128x64xf32, #tpu.memory_space<vmem>>) offsets(%dma_start3A_28 : memref<128xi32, #tpu.memory_space<vmem>>) semaphore(%arg13 : memref<!tpu.dma_semaphore, #tpu.memory_space<semaphore_mem>>)
    %dma_start3A_32 = arith.constant 3 : i32
    %dma_start3A_33 = arith.constant 384 : i32
    %dma_start3A_34 = arith.constant 0 : i32
    %dma_start3A_35 = tpu.memref_slice %arg9[%dma_start3A_33, %dma_start3A_34] : memref<512x64xf32, #tpu.memory_space<vmem>> -> memref<128x64xf32, #tpu.memory_space<vmem>>
    %dma_start3A_36 = arith.constant 0 : i32
    %dma_start3A_37 = tpu.memref_slice %arg7[%dma_start3A_32, %dma_start3A_36] : memref<4x128xi32, #tpu.memory_space<vmem>> -> memref<1x128xi32, #tpu.memory_space<vmem>>
    %dma_start3A_38 = tpu.memref_squeeze %dma_start3A_37 : memref<1x128xi32, #tpu.memory_space<vmem>> -> memref<128xi32, #tpu.memory_space<vmem>>
    %dma_start3A_39 = arith.constant 0 : i32
    %dma_start3A_40 = arith.constant 0 : i32
    %dma_start3A_41 = tpu.memref_slice %arg4[%dma_start3A_39, %dma_start3A_40] : memref<1000000x64xf32, #tpu.memory_space<hbm>> -> memref<1000000x64xf32, #tpu.memory_space<hbm>>
    tpu.enqueue_indirect_dma source(%dma_start3A_41 : memref<1000000x64xf32, #tpu.memory_space<hbm>>) target(%dma_start3A_35 : memref<128x64xf32, #tpu.memory_space<vmem>>) offsets(%dma_start3A_38 : memref<128xi32, #tpu.memory_space<vmem>>) semaphore(%arg13 : memref<!tpu.dma_semaphore, #tpu.memory_space<semaphore_mem>>)
    %dma_wait3A = arith.constant 0 : i32
    %dma_wait3A_42 = arith.constant 0 : i32
    %dma_wait3A_43 = arith.constant 0 : i32
    %dma_wait3A_44 = tpu.memref_slice %arg9[%dma_wait3A_42, %dma_wait3A_43] : memref<512x64xf32, #tpu.memory_space<vmem>> -> memref<128x64xf32, #tpu.memory_space<vmem>>
    %dma_wait3A_45 = arith.constant 0 : i32
    %dma_wait3A_46 = tpu.memref_slice %arg7[%dma_wait3A, %dma_wait3A_45] : memref<4x128xi32, #tpu.memory_space<vmem>> -> memref<1x128xi32, #tpu.memory_space<vmem>>
    %dma_wait3A_47 = tpu.memref_squeeze %dma_wait3A_46 : memref<1x128xi32, #tpu.memory_space<vmem>> -> memref<128xi32, #tpu.memory_space<vmem>>
    %dma_wait3A_48 = arith.constant 0 : i32
    %dma_wait3A_49 = arith.constant 0 : i32
    %dma_wait3A_50 = tpu.memref_slice %arg4[%dma_wait3A_48, %dma_wait3A_49] : memref<1000000x64xf32, #tpu.memory_space<hbm>> -> memref<1000000x64xf32, #tpu.memory_space<hbm>>
    tpu.wait_indirect_dma semaphore(%arg13 : memref<!tpu.dma_semaphore, #tpu.memory_space<semaphore_mem>>) src(%dma_wait3A_50 : memref<1000000x64xf32, #tpu.memory_space<hbm>>) dst(%dma_wait3A_44 : memref<128x64xf32, #tpu.memory_space<vmem>>)
    %dma_wait3A_51 = arith.constant 1 : i32
    %dma_wait3A_52 = arith.constant 128 : i32
    %dma_wait3A_53 = arith.constant 0 : i32
    %dma_wait3A_54 = tpu.memref_slice %arg9[%dma_wait3A_52, %dma_wait3A_53] : memref<512x64xf32, #tpu.memory_space<vmem>> -> memref<128x64xf32, #tpu.memory_space<vmem>>
    %dma_wait3A_55 = arith.constant 0 : i32
    %dma_wait3A_56 = tpu.memref_slice %arg7[%dma_wait3A_51, %dma_wait3A_55] : memref<4x128xi32, #tpu.memory_space<vmem>> -> memref<1x128xi32, #tpu.memory_space<vmem>>
    %dma_wait3A_57 = tpu.memref_squeeze %dma_wait3A_56 : memref<1x128xi32, #tpu.memory_space<vmem>> -> memref<128xi32, #tpu.memory_space<vmem>>
    %dma_wait3A_58 = arith.constant 0 : i32
    %dma_wait3A_59 = arith.constant 0 : i32
    %dma_wait3A_60 = tpu.memref_slice %arg4[%dma_wait3A_58, %dma_wait3A_59] : memref<1000000x64xf32, #tpu.memory_space<hbm>> -> memref<1000000x64xf32, #tpu.memory_space<hbm>>
    tpu.wait_indirect_dma semaphore(%arg13 : memref<!tpu.dma_semaphore, #tpu.memory_space<semaphore_mem>>) src(%dma_wait3A_60 : memref<1000000x64xf32, #tpu.memory_space<hbm>>) dst(%dma_wait3A_54 : memref<128x64xf32, #tpu.memory_space<vmem>>)
    %dma_wait3A_61 = arith.constant 2 : i32
    %dma_wait3A_62 = arith.constant 256 : i32
    %dma_wait3A_63 = arith.constant 0 : i32
    %dma_wait3A_64 = tpu.memref_slice %arg9[%dma_wait3A_62, %dma_wait3A_63] : memref<512x64xf32, #tpu.memory_space<vmem>> -> memref<128x64xf32, #tpu.memory_space<vmem>>
    %dma_wait3A_65 = arith.constant 0 : i32
    %dma_wait3A_66 = tpu.memref_slice %arg7[%dma_wait3A_61, %dma_wait3A_65] : memref<4x128xi32, #tpu.memory_space<vmem>> -> memref<1x128xi32, #tpu.memory_space<vmem>>
    %dma_wait3A_67 = tpu.memref_squeeze %dma_wait3A_66 : memref<1x128xi32, #tpu.memory_space<vmem>> -> memref<128xi32, #tpu.memory_space<vmem>>
    %dma_wait3A_68 = arith.constant 0 : i32
    %dma_wait3A_69 = arith.constant 0 : i32
    %dma_wait3A_70 = tpu.memref_slice %arg4[%dma_wait3A_68, %dma_wait3A_69] : memref<1000000x64xf32, #tpu.memory_space<hbm>> -> memref<1000000x64xf32, #tpu.memory_space<hbm>>
    tpu.wait_indirect_dma semaphore(%arg13 : memref<!tpu.dma_semaphore, #tpu.memory_space<semaphore_mem>>) src(%dma_wait3A_70 : memref<1000000x64xf32, #tpu.memory_space<hbm>>) dst(%dma_wait3A_64 : memref<128x64xf32, #tpu.memory_space<vmem>>)
    %dma_wait3A_71 = arith.constant 3 : i32
    %dma_wait3A_72 = arith.constant 384 : i32
    %dma_wait3A_73 = arith.constant 0 : i32
    %dma_wait3A_74 = tpu.memref_slice %arg9[%dma_wait3A_72, %dma_wait3A_73] : memref<512x64xf32, #tpu.memory_space<vmem>> -> memref<128x64xf32, #tpu.memory_space<vmem>>
    %dma_wait3A_75 = arith.constant 0 : i32
    %dma_wait3A_76 = tpu.memref_slice %arg7[%dma_wait3A_71, %dma_wait3A_75] : memref<4x128xi32, #tpu.memory_space<vmem>> -> memref<1x128xi32, #tpu.memory_space<vmem>>
    %dma_wait3A_77 = tpu.memref_squeeze %dma_wait3A_76 : memref<1x128xi32, #tpu.memory_space<vmem>> -> memref<128xi32, #tpu.memory_space<vmem>>
    %dma_wait3A_78 = arith.constant 0 : i32
    %dma_wait3A_79 = arith.constant 0 : i32
    %dma_wait3A_80 = tpu.memref_slice %arg4[%dma_wait3A_78, %dma_wait3A_79] : memref<1000000x64xf32, #tpu.memory_space<hbm>> -> memref<1000000x64xf32, #tpu.memory_space<hbm>>
    tpu.wait_indirect_dma semaphore(%arg13 : memref<!tpu.dma_semaphore, #tpu.memory_space<semaphore_mem>>) src(%dma_wait3A_80 : memref<1000000x64xf32, #tpu.memory_space<hbm>>) dst(%dma_wait3A_74 : memref<128x64xf32, #tpu.memory_space<vmem>>)
    %scan3A = arith.constant 0 : i32
    %scan3A_81 = arith.constant 32 : i32
    %scan3A_82 = arith.addi %scan3A, %scan3A_81 : i32
    %scan3A_83 = arith.constant 1 : i32
    scf.for %scan3A_90 = %scan3A to %scan3A_82 step %scan3A_83  : i32 {
      %mul3A_91 = arith.constant 16 : i32
      %mul3A_92 = arith.muli %scan3A_90, %mul3A_91 : i32
      %add3A_93 = vector.broadcast %mul3A_92 : i32 to vector<16xi32>
      %add3A_94 = arith.addi %add3A_93, %iota3A : vector<16xi32>
      %broadcast_in_dim3A = arith.constant 0.000000e+00 : f32
      %broadcast_in_dim3A_95 = vector.broadcast %broadcast_in_dim3A : f32 to vector<16xf32>
      %add3A_96 = arith.constant 0 : i32
      %add3A_97 = vector.broadcast %add3A_96 : i32 to vector<16xi32>
      %add3A_98 = arith.addi %iota3A, %add3A_97 : vector<16xi32>
      %and3A = arith.constant 63 : i32
      %and3A_99 = vector.broadcast %and3A : i32 to vector<16xi32>
      %and3A_100 = arith.andi %add3A_98, %and3A_99 : vector<16xi32>
      %gather3A = tpu.vector_load_idx %arg9[%add3A_94, %and3A_100] : memref<512x64xf32, #tpu.memory_space<vmem>>[vector<16xi32>, vector<16xi32>], vector<16xf32>,
      %mul3A_101 = arith.mulf %gather3A, %gather3A : vector<16xf32>
      %add3A_102 = arith.addf %broadcast_in_dim3A_95, %mul3A_101 : vector<16xf32>
      %add3A_103 = arith.constant 1 : i32
      %add3A_104 = vector.broadcast %add3A_103 : i32 to vector<16xi32>
      %add3A_105 = arith.addi %iota3A, %add3A_104 : vector<16xi32>
      %and3A_106 = arith.constant 63 : i32
      %and3A_107 = vector.broadcast %and3A_106 : i32 to vector<16xi32>
      %and3A_108 = arith.andi %add3A_105, %and3A_107 : vector<16xi32>
      %gather3A_109 = tpu.vector_load_idx %arg9[%add3A_94, %and3A_108] : memref<512x64xf32, #tpu.memory_space<vmem>>[vector<16xi32>, vector<16xi32>], vector<16xf32>,
      %mul3A_110 = arith.mulf %gather3A_109, %gather3A_109 : vector<16xf32>
      %add3A_111 = arith.addf %add3A_102, %mul3A_110 : vector<16xf32>
      %add3A_112 = arith.constant 2 : i32
      %add3A_113 = vector.broadcast %add3A_112 : i32 to vector<16xi32>
      %add3A_114 = arith.addi %iota3A, %add3A_113 : vector<16xi32>
      %and3A_115 = arith.constant 63 : i32
      %and3A_116 = vector.broadcast %and3A_115 : i32 to vector<16xi32>
      %and3A_117 = arith.andi %add3A_114, %and3A_116 : vector<16xi32>
      %gather3A_118 = tpu.vector_load_idx %arg9[%add3A_94, %and3A_117] : memref<512x64xf32, #tpu.memory_space<vmem>>[vector<16xi32>, vector<16xi32>], vector<16xf32>,
      %mul3A_119 = arith.mulf %gather3A_118, %gather3A_118 : vector<16xf32>
      %add3A_120 = arith.addf %add3A_111, %mul3A_119 : vector<16xf32>
      %add3A_121 = arith.constant 3 : i32
      %add3A_122 = vector.broadcast %add3A_121 : i32 to vector<16xi32>
      %add3A_123 = arith.addi %iota3A, %add3A_122 : vector<16xi32>
      %and3A_124 = arith.constant 63 : i32
      %and3A_125 = vector.broadcast %and3A_124 : i32 to vector<16xi32>
      %and3A_126 = arith.andi %add3A_123, %and3A_125 : vector<16xi32>
      %gather3A_127 = tpu.vector_load_idx %arg9[%add3A_94, %and3A_126] : memref<512x64xf32, #tpu.memory_space<vmem>>[vector<16xi32>, vector<16xi32>], vector<16xf32>,
      %mul3A_128 = arith.mulf %gather3A_127, %gather3A_127 : vector<16xf32>
      %add3A_129 = arith.addf %add3A_120, %mul3A_128 : vector<16xf32>
      %add3A_130 = arith.constant 4 : i32
      %add3A_131 = vector.broadcast %add3A_130 : i32 to vector<16xi32>
      %add3A_132 = arith.addi %iota3A, %add3A_131 : vector<16xi32>
      %and3A_133 = arith.constant 63 : i32
      %and3A_134 = vector.broadcast %and3A_133 : i32 to vector<16xi32>
      %and3A_135 = arith.andi %add3A_132, %and3A_134 : vector<16xi32>
      %gather3A_136 = tpu.vector_load_idx %arg9[%add3A_94, %and3A_135] : memref<512x64xf32, #tpu.memory_space<vmem>>[vector<16xi32>, vector<16xi32>], vector<16xf32>,
      %mul3A_137 = arith.mulf %gather3A_136, %gather3A_136 : vector<16xf32>
      %add3A_138 = arith.addf %add3A_129, %mul3A_137 : vector<16xf32>
      %add3A_139 = arith.constant 5 : i32
      %add3A_140 = vector.broadcast %add3A_139 : i32 to vector<16xi32>
      %add3A_141 = arith.addi %iota3A, %add3A_140 : vector<16xi32>
      %and3A_142 = arith.constant 63 : i32
      %and3A_143 = vector.broadcast %and3A_142 : i32 to vector<16xi32>
      %and3A_144 = arith.andi %add3A_141, %and3A_143 : vector<16xi32>
      %gather3A_145 = tpu.vector_load_idx %arg9[%add3A_94, %and3A_144] : memref<512x64xf32, #tpu.memory_space<vmem>>[vector<16xi32>, vector<16xi32>], vector<16xf32>,
      %mul3A_146 = arith.mulf %gather3A_145, %gather3A_145 : vector<16xf32>
      %add3A_147 = arith.addf %add3A_138, %mul3A_146 : vector<16xf32>
      %add3A_148 = arith.constant 6 : i32
      %add3A_149 = vector.broadcast %add3A_148 : i32 to vector<16xi32>
      %add3A_150 = arith.addi %iota3A, %add3A_149 : vector<16xi32>
      %and3A_151 = arith.constant 63 : i32
      %and3A_152 = vector.broadcast %and3A_151 : i32 to vector<16xi32>
      %and3A_153 = arith.andi %add3A_150, %and3A_152 : vector<16xi32>
      %gather3A_154 = tpu.vector_load_idx %arg9[%add3A_94, %and3A_153] : memref<512x64xf32, #tpu.memory_space<vmem>>[vector<16xi32>, vector<16xi32>], vector<16xf32>,
      %mul3A_155 = arith.mulf %gather3A_154, %gather3A_154 : vector<16xf32>
      %add3A_156 = arith.addf %add3A_147, %mul3A_155 : vector<16xf32>
      %add3A_157 = arith.constant 7 : i32
      %add3A_158 = vector.broadcast %add3A_157 : i32 to vector<16xi32>
      %add3A_159 = arith.addi %iota3A, %add3A_158 : vector<16xi32>
      %and3A_160 = arith.constant 63 : i32
      %and3A_161 = vector.broadcast %and3A_160 : i32 to vector<16xi32>
      %and3A_162 = arith.andi %add3A_159, %and3A_161 : vector<16xi32>
      %gather3A_163 = tpu.vector_load_idx %arg9[%add3A_94, %and3A_162] : memref<512x64xf32, #tpu.memory_space<vmem>>[vector<16xi32>, vector<16xi32>], vector<16xf32>,
      %mul3A_164 = arith.mulf %gather3A_163, %gather3A_163 : vector<16xf32>
      %add3A_165 = arith.addf %add3A_156, %mul3A_164 : vector<16xf32>
      %add3A_166 = arith.constant 8 : i32
      %add3A_167 = vector.broadcast %add3A_166 : i32 to vector<16xi32>
      %add3A_168 = arith.addi %iota3A, %add3A_167 : vector<16xi32>
      %and3A_169 = arith.constant 63 : i32
      %and3A_170 = vector.broadcast %and3A_169 : i32 to vector<16xi32>
      %and3A_171 = arith.andi %add3A_168, %and3A_170 : vector<16xi32>
      %gather3A_172 = tpu.vector_load_idx %arg9[%add3A_94, %and3A_171] : memref<512x64xf32, #tpu.memory_space<vmem>>[vector<16xi32>, vector<16xi32>], vector<16xf32>,
      %mul3A_173 = arith.mulf %gather3A_172, %gather3A_172 : vector<16xf32>
      %add3A_174 = arith.addf %add3A_165, %mul3A_173 : vector<16xf32>
      %add3A_175 = arith.constant 9 : i32
      %add3A_176 = vector.broadcast %add3A_175 : i32 to vector<16xi32>
      %add3A_177 = arith.addi %iota3A, %add3A_176 : vector<16xi32>
      %and3A_178 = arith.constant 63 : i32
      %and3A_179 = vector.broadcast %and3A_178 : i32 to vector<16xi32>
      %and3A_180 = arith.andi %add3A_177, %and3A_179 : vector<16xi32>
      %gather3A_181 = tpu.vector_load_idx %arg9[%add3A_94, %and3A_180] : memref<512x64xf32, #tpu.memory_space<vmem>>[vector<16xi32>, vector<16xi32>], vector<16xf32>,
      %mul3A_182 = arith.mulf %gather3A_181, %gather3A_181 : vector<16xf32>
      %add3A_183 = arith.addf %add3A_174, %mul3A_182 : vector<16xf32>
      %add3A_184 = arith.constant 10 : i32
      %add3A_185 = vector.broadcast %add3A_184 : i32 to vector<16xi32>
      %add3A_186 = arith.addi %iota3A, %add3A_185 : vector<16xi32>
      %and3A_187 = arith.constant 63 : i32
      %and3A_188 = vector.broadcast %and3A_187 : i32 to vector<16xi32>
      %and3A_189 = arith.andi %add3A_186, %and3A_188 : vector<16xi32>
      %gather3A_190 = tpu.vector_load_idx %arg9[%add3A_94, %and3A_189] : memref<512x64xf32, #tpu.memory_space<vmem>>[vector<16xi32>, vector<16xi32>], vector<16xf32>,
      %mul3A_191 = arith.mulf %gather3A_190, %gather3A_190 : vector<16xf32>
      %add3A_192 = arith.addf %add3A_183, %mul3A_191 : vector<16xf32>
      %add3A_193 = arith.constant 11 : i32
      %add3A_194 = vector.broadcast %add3A_193 : i32 to vector<16xi32>
      %add3A_195 = arith.addi %iota3A, %add3A_194 : vector<16xi32>
      %and3A_196 = arith.constant 63 : i32
      %and3A_197 = vector.broadcast %and3A_196 : i32 to vector<16xi32>
      %and3A_198 = arith.andi %add3A_195, %and3A_197 : vector<16xi32>
      %gather3A_199 = tpu.vector_load_idx %arg9[%add3A_94, %and3A_198] : memref<512x64xf32, #tpu.memory_space<vmem>>[vector<16xi32>, vector<16xi32>], vector<16xf32>,
      %mul3A_200 = arith.mulf %gather3A_199, %gather3A_199 : vector<16xf32>
      %add3A_201 = arith.addf %add3A_192, %mul3A_200 : vector<16xf32>
      %add3A_202 = arith.constant 12 : i32
      %add3A_203 = vector.broadcast %add3A_202 : i32 to vector<16xi32>
      %add3A_204 = arith.addi %iota3A, %add3A_203 : vector<16xi32>
      %and3A_205 = arith.constant 63 : i32
      %and3A_206 = vector.broadcast %and3A_205 : i32 to vector<16xi32>
      %and3A_207 = arith.andi %add3A_204, %and3A_206 : vector<16xi32>
      %gather3A_208 = tpu.vector_load_idx %arg9[%add3A_94, %and3A_207] : memref<512x64xf32, #tpu.memory_space<vmem>>[vector<16xi32>, vector<16xi32>], vector<16xf32>,
      %mul3A_209 = arith.mulf %gather3A_208, %gather3A_208 : vector<16xf32>
      %add3A_210 = arith.addf %add3A_201, %mul3A_209 : vector<16xf32>
      %add3A_211 = arith.constant 13 : i32
      %add3A_212 = vector.broadcast %add3A_211 : i32 to vector<16xi32>
      %add3A_213 = arith.addi %iota3A, %add3A_212 : vector<16xi32>
      %and3A_214 = arith.constant 63 : i32
      %and3A_215 = vector.broadcast %and3A_214 : i32 to vector<16xi32>
      %and3A_216 = arith.andi %add3A_213, %and3A_215 : vector<16xi32>
      %gather3A_217 = tpu.vector_load_idx %arg9[%add3A_94, %and3A_216] : memref<512x64xf32, #tpu.memory_space<vmem>>[vector<16xi32>, vector<16xi32>], vector<16xf32>,
      %mul3A_218 = arith.mulf %gather3A_217, %gather3A_217 : vector<16xf32>
      %add3A_219 = arith.addf %add3A_210, %mul3A_218 : vector<16xf32>
      %add3A_220 = arith.constant 14 : i32
      %add3A_221 = vector.broadcast %add3A_220 : i32 to vector<16xi32>
      %add3A_222 = arith.addi %iota3A, %add3A_221 : vector<16xi32>
      %and3A_223 = arith.constant 63 : i32
      %and3A_224 = vector.broadcast %and3A_223 : i32 to vector<16xi32>
      %and3A_225 = arith.andi %add3A_222, %and3A_224 : vector<16xi32>
      %gather3A_226 = tpu.vector_load_idx %arg9[%add3A_94, %and3A_225] : memref<512x64xf32, #tpu.memory_space<vmem>>[vector<16xi32>, vector<16xi32>], vector<16xf32>,
      %mul3A_227 = arith.mulf %gather3A_226, %gather3A_226 : vector<16xf32>
      %add3A_228 = arith.addf %add3A_219, %mul3A_227 : vector<16xf32>
      %add3A_229 = arith.constant 15 : i32
      %add3A_230 = vector.broadcast %add3A_229 : i32 to vector<16xi32>
      %add3A_231 = arith.addi %iota3A, %add3A_230 : vector<16xi32>
      %and3A_232 = arith.constant 63 : i32
      %and3A_233 = vector.broadcast %and3A_232 : i32 to vector<16xi32>
      %and3A_234 = arith.andi %add3A_231, %and3A_233 : vector<16xi32>
      %gather3A_235 = tpu.vector_load_idx %arg9[%add3A_94, %and3A_234] : memref<512x64xf32, #tpu.memory_space<vmem>>[vector<16xi32>, vector<16xi32>], vector<16xf32>,
      %mul3A_236 = arith.mulf %gather3A_235, %gather3A_235 : vector<16xf32>
      %add3A_237 = arith.addf %add3A_228, %mul3A_236 : vector<16xf32>
      %add3A_238 = arith.constant 16 : i32
      %add3A_239 = vector.broadcast %add3A_238 : i32 to vector<16xi32>
      %add3A_240 = arith.addi %iota3A, %add3A_239 : vector<16xi32>
      %and3A_241 = arith.constant 63 : i32
      %and3A_242 = vector.broadcast %and3A_241 : i32 to vector<16xi32>
      %and3A_243 = arith.andi %add3A_240, %and3A_242 : vector<16xi32>
      %gather3A_244 = tpu.vector_load_idx %arg9[%add3A_94, %and3A_243] : memref<512x64xf32, #tpu.memory_space<vmem>>[vector<16xi32>, vector<16xi32>], vector<16xf32>,
      %mul3A_245 = arith.mulf %gather3A_244, %gather3A_244 : vector<16xf32>
      %add3A_246 = arith.addf %add3A_237, %mul3A_245 : vector<16xf32>
      %add3A_247 = arith.constant 17 : i32
      %add3A_248 = vector.broadcast %add3A_247 : i32 to vector<16xi32>
      %add3A_249 = arith.addi %iota3A, %add3A_248 : vector<16xi32>
      %and3A_250 = arith.constant 63 : i32
      %and3A_251 = vector.broadcast %and3A_250 : i32 to vector<16xi32>
      %and3A_252 = arith.andi %add3A_249, %and3A_251 : vector<16xi32>
      %gather3A_253 = tpu.vector_load_idx %arg9[%add3A_94, %and3A_252] : memref<512x64xf32, #tpu.memory_space<vmem>>[vector<16xi32>, vector<16xi32>], vector<16xf32>,
      %mul3A_254 = arith.mulf %gather3A_253, %gather3A_253 : vector<16xf32>
      %add3A_255 = arith.addf %add3A_246, %mul3A_254 : vector<16xf32>
      %add3A_256 = arith.constant 18 : i32
      %add3A_257 = vector.broadcast %add3A_256 : i32 to vector<16xi32>
      %add3A_258 = arith.addi %iota3A, %add3A_257 : vector<16xi32>
      %and3A_259 = arith.constant 63 : i32
      %and3A_260 = vector.broadcast %and3A_259 : i32 to vector<16xi32>
      %and3A_261 = arith.andi %add3A_258, %and3A_260 : vector<16xi32>
      %gather3A_262 = tpu.vector_load_idx %arg9[%add3A_94, %and3A_261] : memref<512x64xf32, #tpu.memory_space<vmem>>[vector<16xi32>, vector<16xi32>], vector<16xf32>,
      %mul3A_263 = arith.mulf %gather3A_262, %gather3A_262 : vector<16xf32>
      %add3A_264 = arith.addf %add3A_255, %mul3A_263 : vector<16xf32>
      %add3A_265 = arith.constant 19 : i32
      %add3A_266 = vector.broadcast %add3A_265 : i32 to vector<16xi32>
      %add3A_267 = arith.addi %iota3A, %add3A_266 : vector<16xi32>
      %and3A_268 = arith.constant 63 : i32
      %and3A_269 = vector.broadcast %and3A_268 : i32 to vector<16xi32>
      %and3A_270 = arith.andi %add3A_267, %and3A_269 : vector<16xi32>
      %gather3A_271 = tpu.vector_load_idx %arg9[%add3A_94, %and3A_270] : memref<512x64xf32, #tpu.memory_space<vmem>>[vector<16xi32>, vector<16xi32>], vector<16xf32>,
      %mul3A_272 = arith.mulf %gather3A_271, %gather3A_271 : vector<16xf32>
      %add3A_273 = arith.addf %add3A_264, %mul3A_272 : vector<16xf32>
      %add3A_274 = arith.constant 20 : i32
      %add3A_275 = vector.broadcast %add3A_274 : i32 to vector<16xi32>
      %add3A_276 = arith.addi %iota3A, %add3A_275 : vector<16xi32>
      %and3A_277 = arith.constant 63 : i32
      %and3A_278 = vector.broadcast %and3A_277 : i32 to vector<16xi32>
      %and3A_279 = arith.andi %add3A_276, %and3A_278 : vector<16xi32>
      %gather3A_280 = tpu.vector_load_idx %arg9[%add3A_94, %and3A_279] : memref<512x64xf32, #tpu.memory_space<vmem>>[vector<16xi32>, vector<16xi32>], vector<16xf32>,
      %mul3A_281 = arith.mulf %gather3A_280, %gather3A_280 : vector<16xf32>
      %add3A_282 = arith.addf %add3A_273, %mul3A_281 : vector<16xf32>
      %add3A_283 = arith.constant 21 : i32
      %add3A_284 = vector.broadcast %add3A_283 : i32 to vector<16xi32>
      %add3A_285 = arith.addi %iota3A, %add3A_284 : vector<16xi32>
      %and3A_286 = arith.constant 63 : i32
      %and3A_287 = vector.broadcast %and3A_286 : i32 to vector<16xi32>
      %and3A_288 = arith.andi %add3A_285, %and3A_287 : vector<16xi32>
      %gather3A_289 = tpu.vector_load_idx %arg9[%add3A_94, %and3A_288] : memref<512x64xf32, #tpu.memory_space<vmem>>[vector<16xi32>, vector<16xi32>], vector<16xf32>,
      %mul3A_290 = arith.mulf %gather3A_289, %gather3A_289 : vector<16xf32>
      %add3A_291 = arith.addf %add3A_282, %mul3A_290 : vector<16xf32>
      %add3A_292 = arith.constant 22 : i32
      %add3A_293 = vector.broadcast %add3A_292 : i32 to vector<16xi32>
      %add3A_294 = arith.addi %iota3A, %add3A_293 : vector<16xi32>
      %and3A_295 = arith.constant 63 : i32
      %and3A_296 = vector.broadcast %and3A_295 : i32 to vector<16xi32>
      %and3A_297 = arith.andi %add3A_294, %and3A_296 : vector<16xi32>
      %gather3A_298 = tpu.vector_load_idx %arg9[%add3A_94, %and3A_297] : memref<512x64xf32, #tpu.memory_space<vmem>>[vector<16xi32>, vector<16xi32>], vector<16xf32>,
      %mul3A_299 = arith.mulf %gather3A_298, %gather3A_298 : vector<16xf32>
      %add3A_300 = arith.addf %add3A_291, %mul3A_299 : vector<16xf32>
      %add3A_301 = arith.constant 23 : i32
      %add3A_302 = vector.broadcast %add3A_301 : i32 to vector<16xi32>
      %add3A_303 = arith.addi %iota3A, %add3A_302 : vector<16xi32>
      %and3A_304 = arith.constant 63 : i32
      %and3A_305 = vector.broadcast %and3A_304 : i32 to vector<16xi32>
      %and3A_306 = arith.andi %add3A_303, %and3A_305 : vector<16xi32>
      %gather3A_307 = tpu.vector_load_idx %arg9[%add3A_94, %and3A_306] : memref<512x64xf32, #tpu.memory_space<vmem>>[vector<16xi32>, vector<16xi32>], vector<16xf32>,
      %mul3A_308 = arith.mulf %gather3A_307, %gather3A_307 : vector<16xf32>
      %add3A_309 = arith.addf %add3A_300, %mul3A_308 : vector<16xf32>
      %add3A_310 = arith.constant 24 : i32
      %add3A_311 = vector.broadcast %add3A_310 : i32 to vector<16xi32>
      %add3A_312 = arith.addi %iota3A, %add3A_311 : vector<16xi32>
      %and3A_313 = arith.constant 63 : i32
      %and3A_314 = vector.broadcast %and3A_313 : i32 to vector<16xi32>
      %and3A_315 = arith.andi %add3A_312, %and3A_314 : vector<16xi32>
      %gather3A_316 = tpu.vector_load_idx %arg9[%add3A_94, %and3A_315] : memref<512x64xf32, #tpu.memory_space<vmem>>[vector<16xi32>, vector<16xi32>], vector<16xf32>,
      %mul3A_317 = arith.mulf %gather3A_316, %gather3A_316 : vector<16xf32>
      %add3A_318 = arith.addf %add3A_309, %mul3A_317 : vector<16xf32>
      %add3A_319 = arith.constant 25 : i32
      %add3A_320 = vector.broadcast %add3A_319 : i32 to vector<16xi32>
      %add3A_321 = arith.addi %iota3A, %add3A_320 : vector<16xi32>
      %and3A_322 = arith.constant 63 : i32
      %and3A_323 = vector.broadcast %and3A_322 : i32 to vector<16xi32>
      %and3A_324 = arith.andi %add3A_321, %and3A_323 : vector<16xi32>
      %gather3A_325 = tpu.vector_load_idx %arg9[%add3A_94, %and3A_324] : memref<512x64xf32, #tpu.memory_space<vmem>>[vector<16xi32>, vector<16xi32>], vector<16xf32>,
      %mul3A_326 = arith.mulf %gather3A_325, %gather3A_325 : vector<16xf32>
      %add3A_327 = arith.addf %add3A_318, %mul3A_326 : vector<16xf32>
      %add3A_328 = arith.constant 26 : i32
      %add3A_329 = vector.broadcast %add3A_328 : i32 to vector<16xi32>
      %add3A_330 = arith.addi %iota3A, %add3A_329 : vector<16xi32>
      %and3A_331 = arith.constant 63 : i32
      %and3A_332 = vector.broadcast %and3A_331 : i32 to vector<16xi32>
      %and3A_333 = arith.andi %add3A_330, %and3A_332 : vector<16xi32>
      %gather3A_334 = tpu.vector_load_idx %arg9[%add3A_94, %and3A_333] : memref<512x64xf32, #tpu.memory_space<vmem>>[vector<16xi32>, vector<16xi32>], vector<16xf32>,
      %mul3A_335 = arith.mulf %gather3A_334, %gather3A_334 : vector<16xf32>
      %add3A_336 = arith.addf %add3A_327, %mul3A_335 : vector<16xf32>
      %add3A_337 = arith.constant 27 : i32
      %add3A_338 = vector.broadcast %add3A_337 : i32 to vector<16xi32>
      %add3A_339 = arith.addi %iota3A, %add3A_338 : vector<16xi32>
      %and3A_340 = arith.constant 63 : i32
      %and3A_341 = vector.broadcast %and3A_340 : i32 to vector<16xi32>
      %and3A_342 = arith.andi %add3A_339, %and3A_341 : vector<16xi32>
      %gather3A_343 = tpu.vector_load_idx %arg9[%add3A_94, %and3A_342] : memref<512x64xf32, #tpu.memory_space<vmem>>[vector<16xi32>, vector<16xi32>], vector<16xf32>,
      %mul3A_344 = arith.mulf %gather3A_343, %gather3A_343 : vector<16xf32>
      %add3A_345 = arith.addf %add3A_336, %mul3A_344 : vector<16xf32>
      %add3A_346 = arith.constant 28 : i32
      %add3A_347 = vector.broadcast %add3A_346 : i32 to vector<16xi32>
      %add3A_348 = arith.addi %iota3A, %add3A_347 : vector<16xi32>
      %and3A_349 = arith.constant 63 : i32
      %and3A_350 = vector.broadcast %and3A_349 : i32 to vector<16xi32>
      %and3A_351 = arith.andi %add3A_348, %and3A_350 : vector<16xi32>
      %gather3A_352 = tpu.vector_load_idx %arg9[%add3A_94, %and3A_351] : memref<512x64xf32, #tpu.memory_space<vmem>>[vector<16xi32>, vector<16xi32>], vector<16xf32>,
      %mul3A_353 = arith.mulf %gather3A_352, %gather3A_352 : vector<16xf32>
      %add3A_354 = arith.addf %add3A_345, %mul3A_353 : vector<16xf32>
      %add3A_355 = arith.constant 29 : i32
      %add3A_356 = vector.broadcast %add3A_355 : i32 to vector<16xi32>
      %add3A_357 = arith.addi %iota3A, %add3A_356 : vector<16xi32>
      %and3A_358 = arith.constant 63 : i32
      %and3A_359 = vector.broadcast %and3A_358 : i32 to vector<16xi32>
      %and3A_360 = arith.andi %add3A_357, %and3A_359 : vector<16xi32>
      %gather3A_361 = tpu.vector_load_idx %arg9[%add3A_94, %and3A_360] : memref<512x64xf32, #tpu.memory_space<vmem>>[vector<16xi32>, vector<16xi32>], vector<16xf32>,
      %mul3A_362 = arith.mulf %gather3A_361, %gather3A_361 : vector<16xf32>
      %add3A_363 = arith.addf %add3A_354, %mul3A_362 : vector<16xf32>
      %add3A_364 = arith.constant 30 : i32
      %add3A_365 = vector.broadcast %add3A_364 : i32 to vector<16xi32>
      %add3A_366 = arith.addi %iota3A, %add3A_365 : vector<16xi32>
      %and3A_367 = arith.constant 63 : i32
      %and3A_368 = vector.broadcast %and3A_367 : i32 to vector<16xi32>
      %and3A_369 = arith.andi %add3A_366, %and3A_368 : vector<16xi32>
      %gather3A_370 = tpu.vector_load_idx %arg9[%add3A_94, %and3A_369] : memref<512x64xf32, #tpu.memory_space<vmem>>[vector<16xi32>, vector<16xi32>], vector<16xf32>,
      %mul3A_371 = arith.mulf %gather3A_370, %gather3A_370 : vector<16xf32>
      %add3A_372 = arith.addf %add3A_363, %mul3A_371 : vector<16xf32>
      %add3A_373 = arith.constant 31 : i32
      %add3A_374 = vector.broadcast %add3A_373 : i32 to vector<16xi32>
      %add3A_375 = arith.addi %iota3A, %add3A_374 : vector<16xi32>
      %and3A_376 = arith.constant 63 : i32
      %and3A_377 = vector.broadcast %and3A_376 : i32 to vector<16xi32>
      %and3A_378 = arith.andi %add3A_375, %and3A_377 : vector<16xi32>
      %gather3A_379 = tpu.vector_load_idx %arg9[%add3A_94, %and3A_378] : memref<512x64xf32, #tpu.memory_space<vmem>>[vector<16xi32>, vector<16xi32>], vector<16xf32>,
      %mul3A_380 = arith.mulf %gather3A_379, %gather3A_379 : vector<16xf32>
      %add3A_381 = arith.addf %add3A_372, %mul3A_380 : vector<16xf32>
      %add3A_382 = arith.constant 32 : i32
      %add3A_383 = vector.broadcast %add3A_382 : i32 to vector<16xi32>
      %add3A_384 = arith.addi %iota3A, %add3A_383 : vector<16xi32>
      %and3A_385 = arith.constant 63 : i32
      %and3A_386 = vector.broadcast %and3A_385 : i32 to vector<16xi32>
      %and3A_387 = arith.andi %add3A_384, %and3A_386 : vector<16xi32>
      %gather3A_388 = tpu.vector_load_idx %arg9[%add3A_94, %and3A_387] : memref<512x64xf32, #tpu.memory_space<vmem>>[vector<16xi32>, vector<16xi32>], vector<16xf32>,
      %mul3A_389 = arith.mulf %gather3A_388, %gather3A_388 : vector<16xf32>
      %add3A_390 = arith.addf %add3A_381, %mul3A_389 : vector<16xf32>
      %add3A_391 = arith.constant 33 : i32
      %add3A_392 = vector.broadcast %add3A_391 : i32 to vector<16xi32>
      %add3A_393 = arith.addi %iota3A, %add3A_392 : vector<16xi32>
      %and3A_394 = arith.constant 63 : i32
      %and3A_395 = vector.broadcast %and3A_394 : i32 to vector<16xi32>
      %and3A_396 = arith.andi %add3A_393, %and3A_395 : vector<16xi32>
      %gather3A_397 = tpu.vector_load_idx %arg9[%add3A_94, %and3A_396] : memref<512x64xf32, #tpu.memory_space<vmem>>[vector<16xi32>, vector<16xi32>], vector<16xf32>,
      %mul3A_398 = arith.mulf %gather3A_397, %gather3A_397 : vector<16xf32>
      %add3A_399 = arith.addf %add3A_390, %mul3A_398 : vector<16xf32>
      %add3A_400 = arith.constant 34 : i32
      %add3A_401 = vector.broadcast %add3A_400 : i32 to vector<16xi32>
      %add3A_402 = arith.addi %iota3A, %add3A_401 : vector<16xi32>
      %and3A_403 = arith.constant 63 : i32
      %and3A_404 = vector.broadcast %and3A_403 : i32 to vector<16xi32>
      %and3A_405 = arith.andi %add3A_402, %and3A_404 : vector<16xi32>
      %gather3A_406 = tpu.vector_load_idx %arg9[%add3A_94, %and3A_405] : memref<512x64xf32, #tpu.memory_space<vmem>>[vector<16xi32>, vector<16xi32>], vector<16xf32>,
      %mul3A_407 = arith.mulf %gather3A_406, %gather3A_406 : vector<16xf32>
      %add3A_408 = arith.addf %add3A_399, %mul3A_407 : vector<16xf32>
      %add3A_409 = arith.constant 35 : i32
      %add3A_410 = vector.broadcast %add3A_409 : i32 to vector<16xi32>
      %add3A_411 = arith.addi %iota3A, %add3A_410 : vector<16xi32>
      %and3A_412 = arith.constant 63 : i32
      %and3A_413 = vector.broadcast %and3A_412 : i32 to vector<16xi32>
      %and3A_414 = arith.andi %add3A_411, %and3A_413 : vector<16xi32>
      %gather3A_415 = tpu.vector_load_idx %arg9[%add3A_94, %and3A_414] : memref<512x64xf32, #tpu.memory_space<vmem>>[vector<16xi32>, vector<16xi32>], vector<16xf32>,
      %mul3A_416 = arith.mulf %gather3A_415, %gather3A_415 : vector<16xf32>
      %add3A_417 = arith.addf %add3A_408, %mul3A_416 : vector<16xf32>
      %add3A_418 = arith.constant 36 : i32
      %add3A_419 = vector.broadcast %add3A_418 : i32 to vector<16xi32>
      %add3A_420 = arith.addi %iota3A, %add3A_419 : vector<16xi32>
      %and3A_421 = arith.constant 63 : i32
      %and3A_422 = vector.broadcast %and3A_421 : i32 to vector<16xi32>
      %and3A_423 = arith.andi %add3A_420, %and3A_422 : vector<16xi32>
      %gather3A_424 = tpu.vector_load_idx %arg9[%add3A_94, %and3A_423] : memref<512x64xf32, #tpu.memory_space<vmem>>[vector<16xi32>, vector<16xi32>], vector<16xf32>,
      %mul3A_425 = arith.mulf %gather3A_424, %gather3A_424 : vector<16xf32>
      %add3A_426 = arith.addf %add3A_417, %mul3A_425 : vector<16xf32>
      %add3A_427 = arith.constant 37 : i32
      %add3A_428 = vector.broadcast %add3A_427 : i32 to vector<16xi32>
      %add3A_429 = arith.addi %iota3A, %add3A_428 : vector<16xi32>
      %and3A_430 = arith.constant 63 : i32
      %and3A_431 = vector.broadcast %and3A_430 : i32 to vector<16xi32>
      %and3A_432 = arith.andi %add3A_429, %and3A_431 : vector<16xi32>
      %gather3A_433 = tpu.vector_load_idx %arg9[%add3A_94, %and3A_432] : memref<512x64xf32, #tpu.memory_space<vmem>>[vector<16xi32>, vector<16xi32>], vector<16xf32>,
      %mul3A_434 = arith.mulf %gather3A_433, %gather3A_433 : vector<16xf32>
      %add3A_435 = arith.addf %add3A_426, %mul3A_434 : vector<16xf32>
      %add3A_436 = arith.constant 38 : i32
      %add3A_437 = vector.broadcast %add3A_436 : i32 to vector<16xi32>
      %add3A_438 = arith.addi %iota3A, %add3A_437 : vector<16xi32>
      %and3A_439 = arith.constant 63 : i32
      %and3A_440 = vector.broadcast %and3A_439 : i32 to vector<16xi32>
      %and3A_441 = arith.andi %add3A_438, %and3A_440 : vector<16xi32>
      %gather3A_442 = tpu.vector_load_idx %arg9[%add3A_94, %and3A_441] : memref<512x64xf32, #tpu.memory_space<vmem>>[vector<16xi32>, vector<16xi32>], vector<16xf32>,
      %mul3A_443 = arith.mulf %gather3A_442, %gather3A_442 : vector<16xf32>
      %add3A_444 = arith.addf %add3A_435, %mul3A_443 : vector<16xf32>
      %add3A_445 = arith.constant 39 : i32
      %add3A_446 = vector.broadcast %add3A_445 : i32 to vector<16xi32>
      %add3A_447 = arith.addi %iota3A, %add3A_446 : vector<16xi32>
      %and3A_448 = arith.constant 63 : i32
      %and3A_449 = vector.broadcast %and3A_448 : i32 to vector<16xi32>
      %and3A_450 = arith.andi %add3A_447, %and3A_449 : vector<16xi32>
      %gather3A_451 = tpu.vector_load_idx %arg9[%add3A_94, %and3A_450] : memref<512x64xf32, #tpu.memory_space<vmem>>[vector<16xi32>, vector<16xi32>], vector<16xf32>,
      %mul3A_452 = arith.mulf %gather3A_451, %gather3A_451 : vector<16xf32>
      %add3A_453 = arith.addf %add3A_444, %mul3A_452 : vector<16xf32>
      %add3A_454 = arith.constant 40 : i32
      %add3A_455 = vector.broadcast %add3A_454 : i32 to vector<16xi32>
      %add3A_456 = arith.addi %iota3A, %add3A_455 : vector<16xi32>
      %and3A_457 = arith.constant 63 : i32
      %and3A_458 = vector.broadcast %and3A_457 : i32 to vector<16xi32>
      %and3A_459 = arith.andi %add3A_456, %and3A_458 : vector<16xi32>
      %gather3A_460 = tpu.vector_load_idx %arg9[%add3A_94, %and3A_459] : memref<512x64xf32, #tpu.memory_space<vmem>>[vector<16xi32>, vector<16xi32>], vector<16xf32>,
      %mul3A_461 = arith.mulf %gather3A_460, %gather3A_460 : vector<16xf32>
      %add3A_462 = arith.addf %add3A_453, %mul3A_461 : vector<16xf32>
      %add3A_463 = arith.constant 41 : i32
      %add3A_464 = vector.broadcast %add3A_463 : i32 to vector<16xi32>
      %add3A_465 = arith.addi %iota3A, %add3A_464 : vector<16xi32>
      %and3A_466 = arith.constant 63 : i32
      %and3A_467 = vector.broadcast %and3A_466 : i32 to vector<16xi32>
      %and3A_468 = arith.andi %add3A_465, %and3A_467 : vector<16xi32>
      %gather3A_469 = tpu.vector_load_idx %arg9[%add3A_94, %and3A_468] : memref<512x64xf32, #tpu.memory_space<vmem>>[vector<16xi32>, vector<16xi32>], vector<16xf32>,
      %mul3A_470 = arith.mulf %gather3A_469, %gather3A_469 : vector<16xf32>
      %add3A_471 = arith.addf %add3A_462, %mul3A_470 : vector<16xf32>
      %add3A_472 = arith.constant 42 : i32
      %add3A_473 = vector.broadcast %add3A_472 : i32 to vector<16xi32>
      %add3A_474 = arith.addi %iota3A, %add3A_473 : vector<16xi32>
      %and3A_475 = arith.constant 63 : i32
      %and3A_476 = vector.broadcast %and3A_475 : i32 to vector<16xi32>
      %and3A_477 = arith.andi %add3A_474, %and3A_476 : vector<16xi32>
      %gather3A_478 = tpu.vector_load_idx %arg9[%add3A_94, %and3A_477] : memref<512x64xf32, #tpu.memory_space<vmem>>[vector<16xi32>, vector<16xi32>], vector<16xf32>,
      %mul3A_479 = arith.mulf %gather3A_478, %gather3A_478 : vector<16xf32>
      %add3A_480 = arith.addf %add3A_471, %mul3A_479 : vector<16xf32>
      %add3A_481 = arith.constant 43 : i32
      %add3A_482 = vector.broadcast %add3A_481 : i32 to vector<16xi32>
      %add3A_483 = arith.addi %iota3A, %add3A_482 : vector<16xi32>
      %and3A_484 = arith.constant 63 : i32
      %and3A_485 = vector.broadcast %and3A_484 : i32 to vector<16xi32>
      %and3A_486 = arith.andi %add3A_483, %and3A_485 : vector<16xi32>
      %gather3A_487 = tpu.vector_load_idx %arg9[%add3A_94, %and3A_486] : memref<512x64xf32, #tpu.memory_space<vmem>>[vector<16xi32>, vector<16xi32>], vector<16xf32>,
      %mul3A_488 = arith.mulf %gather3A_487, %gather3A_487 : vector<16xf32>
      %add3A_489 = arith.addf %add3A_480, %mul3A_488 : vector<16xf32>
      %add3A_490 = arith.constant 44 : i32
      %add3A_491 = vector.broadcast %add3A_490 : i32 to vector<16xi32>
      %add3A_492 = arith.addi %iota3A, %add3A_491 : vector<16xi32>
      %and3A_493 = arith.constant 63 : i32
      %and3A_494 = vector.broadcast %and3A_493 : i32 to vector<16xi32>
      %and3A_495 = arith.andi %add3A_492, %and3A_494 : vector<16xi32>
      %gather3A_496 = tpu.vector_load_idx %arg9[%add3A_94, %and3A_495] : memref<512x64xf32, #tpu.memory_space<vmem>>[vector<16xi32>, vector<16xi32>], vector<16xf32>,
      %mul3A_497 = arith.mulf %gather3A_496, %gather3A_496 : vector<16xf32>
      %add3A_498 = arith.addf %add3A_489, %mul3A_497 : vector<16xf32>
      %add3A_499 = arith.constant 45 : i32
      %add3A_500 = vector.broadcast %add3A_499 : i32 to vector<16xi32>
      %add3A_501 = arith.addi %iota3A, %add3A_500 : vector<16xi32>
      %and3A_502 = arith.constant 63 : i32
      %and3A_503 = vector.broadcast %and3A_502 : i32 to vector<16xi32>
      %and3A_504 = arith.andi %add3A_501, %and3A_503 : vector<16xi32>
      %gather3A_505 = tpu.vector_load_idx %arg9[%add3A_94, %and3A_504] : memref<512x64xf32, #tpu.memory_space<vmem>>[vector<16xi32>, vector<16xi32>], vector<16xf32>,
      %mul3A_506 = arith.mulf %gather3A_505, %gather3A_505 : vector<16xf32>
      %add3A_507 = arith.addf %add3A_498, %mul3A_506 : vector<16xf32>
      %add3A_508 = arith.constant 46 : i32
      %add3A_509 = vector.broadcast %add3A_508 : i32 to vector<16xi32>
      %add3A_510 = arith.addi %iota3A, %add3A_509 : vector<16xi32>
      %and3A_511 = arith.constant 63 : i32
      %and3A_512 = vector.broadcast %and3A_511 : i32 to vector<16xi32>
      %and3A_513 = arith.andi %add3A_510, %and3A_512 : vector<16xi32>
      %gather3A_514 = tpu.vector_load_idx %arg9[%add3A_94, %and3A_513] : memref<512x64xf32, #tpu.memory_space<vmem>>[vector<16xi32>, vector<16xi32>], vector<16xf32>,
      %mul3A_515 = arith.mulf %gather3A_514, %gather3A_514 : vector<16xf32>
      %add3A_516 = arith.addf %add3A_507, %mul3A_515 : vector<16xf32>
      %add3A_517 = arith.constant 47 : i32
      %add3A_518 = vector.broadcast %add3A_517 : i32 to vector<16xi32>
      %add3A_519 = arith.addi %iota3A, %add3A_518 : vector<16xi32>
      %and3A_520 = arith.constant 63 : i32
      %and3A_521 = vector.broadcast %and3A_520 : i32 to vector<16xi32>
      %and3A_522 = arith.andi %add3A_519, %and3A_521 : vector<16xi32>
      %gather3A_523 = tpu.vector_load_idx %arg9[%add3A_94, %and3A_522] : memref<512x64xf32, #tpu.memory_space<vmem>>[vector<16xi32>, vector<16xi32>], vector<16xf32>,
      %mul3A_524 = arith.mulf %gather3A_523, %gather3A_523 : vector<16xf32>
      %add3A_525 = arith.addf %add3A_516, %mul3A_524 : vector<16xf32>
      %add3A_526 = arith.constant 48 : i32
      %add3A_527 = vector.broadcast %add3A_526 : i32 to vector<16xi32>
      %add3A_528 = arith.addi %iota3A, %add3A_527 : vector<16xi32>
      %and3A_529 = arith.constant 63 : i32
      %and3A_530 = vector.broadcast %and3A_529 : i32 to vector<16xi32>
      %and3A_531 = arith.andi %add3A_528, %and3A_530 : vector<16xi32>
      %gather3A_532 = tpu.vector_load_idx %arg9[%add3A_94, %and3A_531] : memref<512x64xf32, #tpu.memory_space<vmem>>[vector<16xi32>, vector<16xi32>], vector<16xf32>,
      %mul3A_533 = arith.mulf %gather3A_532, %gather3A_532 : vector<16xf32>
      %add3A_534 = arith.addf %add3A_525, %mul3A_533 : vector<16xf32>
      %add3A_535 = arith.constant 49 : i32
      %add3A_536 = vector.broadcast %add3A_535 : i32 to vector<16xi32>
      %add3A_537 = arith.addi %iota3A, %add3A_536 : vector<16xi32>
      %and3A_538 = arith.constant 63 : i32
      %and3A_539 = vector.broadcast %and3A_538 : i32 to vector<16xi32>
      %and3A_540 = arith.andi %add3A_537, %and3A_539 : vector<16xi32>
      %gather3A_541 = tpu.vector_load_idx %arg9[%add3A_94, %and3A_540] : memref<512x64xf32, #tpu.memory_space<vmem>>[vector<16xi32>, vector<16xi32>], vector<16xf32>,
      %mul3A_542 = arith.mulf %gather3A_541, %gather3A_541 : vector<16xf32>
      %add3A_543 = arith.addf %add3A_534, %mul3A_542 : vector<16xf32>
      %add3A_544 = arith.constant 50 : i32
      %add3A_545 = vector.broadcast %add3A_544 : i32 to vector<16xi32>
      %add3A_546 = arith.addi %iota3A, %add3A_545 : vector<16xi32>
      %and3A_547 = arith.constant 63 : i32
      %and3A_548 = vector.broadcast %and3A_547 : i32 to vector<16xi32>
      %and3A_549 = arith.andi %add3A_546, %and3A_548 : vector<16xi32>
      %gather3A_550 = tpu.vector_load_idx %arg9[%add3A_94, %and3A_549] : memref<512x64xf32, #tpu.memory_space<vmem>>[vector<16xi32>, vector<16xi32>], vector<16xf32>,
      %mul3A_551 = arith.mulf %gather3A_550, %gather3A_550 : vector<16xf32>
      %add3A_552 = arith.addf %add3A_543, %mul3A_551 : vector<16xf32>
      %add3A_553 = arith.constant 51 : i32
      %add3A_554 = vector.broadcast %add3A_553 : i32 to vector<16xi32>
      %add3A_555 = arith.addi %iota3A, %add3A_554 : vector<16xi32>
      %and3A_556 = arith.constant 63 : i32
      %and3A_557 = vector.broadcast %and3A_556 : i32 to vector<16xi32>
      %and3A_558 = arith.andi %add3A_555, %and3A_557 : vector<16xi32>
      %gather3A_559 = tpu.vector_load_idx %arg9[%add3A_94, %and3A_558] : memref<512x64xf32, #tpu.memory_space<vmem>>[vector<16xi32>, vector<16xi32>], vector<16xf32>,
      %mul3A_560 = arith.mulf %gather3A_559, %gather3A_559 : vector<16xf32>
      %add3A_561 = arith.addf %add3A_552, %mul3A_560 : vector<16xf32>
      %add3A_562 = arith.constant 52 : i32
      %add3A_563 = vector.broadcast %add3A_562 : i32 to vector<16xi32>
      %add3A_564 = arith.addi %iota3A, %add3A_563 : vector<16xi32>
      %and3A_565 = arith.constant 63 : i32
      %and3A_566 = vector.broadcast %and3A_565 : i32 to vector<16xi32>
      %and3A_567 = arith.andi %add3A_564, %and3A_566 : vector<16xi32>
      %gather3A_568 = tpu.vector_load_idx %arg9[%add3A_94, %and3A_567] : memref<512x64xf32, #tpu.memory_space<vmem>>[vector<16xi32>, vector<16xi32>], vector<16xf32>,
      %mul3A_569 = arith.mulf %gather3A_568, %gather3A_568 : vector<16xf32>
      %add3A_570 = arith.addf %add3A_561, %mul3A_569 : vector<16xf32>
      %add3A_571 = arith.constant 53 : i32
      %add3A_572 = vector.broadcast %add3A_571 : i32 to vector<16xi32>
      %add3A_573 = arith.addi %iota3A, %add3A_572 : vector<16xi32>
      %and3A_574 = arith.constant 63 : i32
      %and3A_575 = vector.broadcast %and3A_574 : i32 to vector<16xi32>
      %and3A_576 = arith.andi %add3A_573, %and3A_575 : vector<16xi32>
      %gather3A_577 = tpu.vector_load_idx %arg9[%add3A_94, %and3A_576] : memref<512x64xf32, #tpu.memory_space<vmem>>[vector<16xi32>, vector<16xi32>], vector<16xf32>,
      %mul3A_578 = arith.mulf %gather3A_577, %gather3A_577 : vector<16xf32>
      %add3A_579 = arith.addf %add3A_570, %mul3A_578 : vector<16xf32>
      %add3A_580 = arith.constant 54 : i32
      %add3A_581 = vector.broadcast %add3A_580 : i32 to vector<16xi32>
      %add3A_582 = arith.addi %iota3A, %add3A_581 : vector<16xi32>
      %and3A_583 = arith.constant 63 : i32
      %and3A_584 = vector.broadcast %and3A_583 : i32 to vector<16xi32>
      %and3A_585 = arith.andi %add3A_582, %and3A_584 : vector<16xi32>
      %gather3A_586 = tpu.vector_load_idx %arg9[%add3A_94, %and3A_585] : memref<512x64xf32, #tpu.memory_space<vmem>>[vector<16xi32>, vector<16xi32>], vector<16xf32>,
      %mul3A_587 = arith.mulf %gather3A_586, %gather3A_586 : vector<16xf32>
      %add3A_588 = arith.addf %add3A_579, %mul3A_587 : vector<16xf32>
      %add3A_589 = arith.constant 55 : i32
      %add3A_590 = vector.broadcast %add3A_589 : i32 to vector<16xi32>
      %add3A_591 = arith.addi %iota3A, %add3A_590 : vector<16xi32>
      %and3A_592 = arith.constant 63 : i32
      %and3A_593 = vector.broadcast %and3A_592 : i32 to vector<16xi32>
      %and3A_594 = arith.andi %add3A_591, %and3A_593 : vector<16xi32>
      %gather3A_595 = tpu.vector_load_idx %arg9[%add3A_94, %and3A_594] : memref<512x64xf32, #tpu.memory_space<vmem>>[vector<16xi32>, vector<16xi32>], vector<16xf32>,
      %mul3A_596 = arith.mulf %gather3A_595, %gather3A_595 : vector<16xf32>
      %add3A_597 = arith.addf %add3A_588, %mul3A_596 : vector<16xf32>
      %add3A_598 = arith.constant 56 : i32
      %add3A_599 = vector.broadcast %add3A_598 : i32 to vector<16xi32>
      %add3A_600 = arith.addi %iota3A, %add3A_599 : vector<16xi32>
      %and3A_601 = arith.constant 63 : i32
      %and3A_602 = vector.broadcast %and3A_601 : i32 to vector<16xi32>
      %and3A_603 = arith.andi %add3A_600, %and3A_602 : vector<16xi32>
      %gather3A_604 = tpu.vector_load_idx %arg9[%add3A_94, %and3A_603] : memref<512x64xf32, #tpu.memory_space<vmem>>[vector<16xi32>, vector<16xi32>], vector<16xf32>,
      %mul3A_605 = arith.mulf %gather3A_604, %gather3A_604 : vector<16xf32>
      %add3A_606 = arith.addf %add3A_597, %mul3A_605 : vector<16xf32>
      %add3A_607 = arith.constant 57 : i32
      %add3A_608 = vector.broadcast %add3A_607 : i32 to vector<16xi32>
      %add3A_609 = arith.addi %iota3A, %add3A_608 : vector<16xi32>
      %and3A_610 = arith.constant 63 : i32
      %and3A_611 = vector.broadcast %and3A_610 : i32 to vector<16xi32>
      %and3A_612 = arith.andi %add3A_609, %and3A_611 : vector<16xi32>
      %gather3A_613 = tpu.vector_load_idx %arg9[%add3A_94, %and3A_612] : memref<512x64xf32, #tpu.memory_space<vmem>>[vector<16xi32>, vector<16xi32>], vector<16xf32>,
      %mul3A_614 = arith.mulf %gather3A_613, %gather3A_613 : vector<16xf32>
      %add3A_615 = arith.addf %add3A_606, %mul3A_614 : vector<16xf32>
      %add3A_616 = arith.constant 58 : i32
      %add3A_617 = vector.broadcast %add3A_616 : i32 to vector<16xi32>
      %add3A_618 = arith.addi %iota3A, %add3A_617 : vector<16xi32>
      %and3A_619 = arith.constant 63 : i32
      %and3A_620 = vector.broadcast %and3A_619 : i32 to vector<16xi32>
      %and3A_621 = arith.andi %add3A_618, %and3A_620 : vector<16xi32>
      %gather3A_622 = tpu.vector_load_idx %arg9[%add3A_94, %and3A_621] : memref<512x64xf32, #tpu.memory_space<vmem>>[vector<16xi32>, vector<16xi32>], vector<16xf32>,
      %mul3A_623 = arith.mulf %gather3A_622, %gather3A_622 : vector<16xf32>
      %add3A_624 = arith.addf %add3A_615, %mul3A_623 : vector<16xf32>
      %add3A_625 = arith.constant 59 : i32
      %add3A_626 = vector.broadcast %add3A_625 : i32 to vector<16xi32>
      %add3A_627 = arith.addi %iota3A, %add3A_626 : vector<16xi32>
      %and3A_628 = arith.constant 63 : i32
      %and3A_629 = vector.broadcast %and3A_628 : i32 to vector<16xi32>
      %and3A_630 = arith.andi %add3A_627, %and3A_629 : vector<16xi32>
      %gather3A_631 = tpu.vector_load_idx %arg9[%add3A_94, %and3A_630] : memref<512x64xf32, #tpu.memory_space<vmem>>[vector<16xi32>, vector<16xi32>], vector<16xf32>,
      %mul3A_632 = arith.mulf %gather3A_631, %gather3A_631 : vector<16xf32>
      %add3A_633 = arith.addf %add3A_624, %mul3A_632 : vector<16xf32>
      %add3A_634 = arith.constant 60 : i32
      %add3A_635 = vector.broadcast %add3A_634 : i32 to vector<16xi32>
      %add3A_636 = arith.addi %iota3A, %add3A_635 : vector<16xi32>
      %and3A_637 = arith.constant 63 : i32
      %and3A_638 = vector.broadcast %and3A_637 : i32 to vector<16xi32>
      %and3A_639 = arith.andi %add3A_636, %and3A_638 : vector<16xi32>
      %gather3A_640 = tpu.vector_load_idx %arg9[%add3A_94, %and3A_639] : memref<512x64xf32, #tpu.memory_space<vmem>>[vector<16xi32>, vector<16xi32>], vector<16xf32>,
      %mul3A_641 = arith.mulf %gather3A_640, %gather3A_640 : vector<16xf32>
      %add3A_642 = arith.addf %add3A_633, %mul3A_641 : vector<16xf32>
      %add3A_643 = arith.constant 61 : i32
      %add3A_644 = vector.broadcast %add3A_643 : i32 to vector<16xi32>
      %add3A_645 = arith.addi %iota3A, %add3A_644 : vector<16xi32>
      %and3A_646 = arith.constant 63 : i32
      %and3A_647 = vector.broadcast %and3A_646 : i32 to vector<16xi32>
      %and3A_648 = arith.andi %add3A_645, %and3A_647 : vector<16xi32>
      %gather3A_649 = tpu.vector_load_idx %arg9[%add3A_94, %and3A_648] : memref<512x64xf32, #tpu.memory_space<vmem>>[vector<16xi32>, vector<16xi32>], vector<16xf32>,
      %mul3A_650 = arith.mulf %gather3A_649, %gather3A_649 : vector<16xf32>
      %add3A_651 = arith.addf %add3A_642, %mul3A_650 : vector<16xf32>
      %add3A_652 = arith.constant 62 : i32
      %add3A_653 = vector.broadcast %add3A_652 : i32 to vector<16xi32>
      %add3A_654 = arith.addi %iota3A, %add3A_653 : vector<16xi32>
      %and3A_655 = arith.constant 63 : i32
      %and3A_656 = vector.broadcast %and3A_655 : i32 to vector<16xi32>
      %and3A_657 = arith.andi %add3A_654, %and3A_656 : vector<16xi32>
      %gather3A_658 = tpu.vector_load_idx %arg9[%add3A_94, %and3A_657] : memref<512x64xf32, #tpu.memory_space<vmem>>[vector<16xi32>, vector<16xi32>], vector<16xf32>,
      %mul3A_659 = arith.mulf %gather3A_658, %gather3A_658 : vector<16xf32>
      %add3A_660 = arith.addf %add3A_651, %mul3A_659 : vector<16xf32>
      %add3A_661 = arith.constant 63 : i32
      %add3A_662 = vector.broadcast %add3A_661 : i32 to vector<16xi32>
      %add3A_663 = arith.addi %iota3A, %add3A_662 : vector<16xi32>
      %and3A_664 = arith.constant 63 : i32
      %and3A_665 = vector.broadcast %and3A_664 : i32 to vector<16xi32>
      %and3A_666 = arith.andi %add3A_663, %and3A_665 : vector<16xi32>
      %gather3A_667 = tpu.vector_load_idx %arg9[%add3A_94, %and3A_666] : memref<512x64xf32, #tpu.memory_space<vmem>>[vector<16xi32>, vector<16xi32>], vector<16xf32>,
      %mul3A_668 = arith.mulf %gather3A_667, %gather3A_667 : vector<16xf32>
      %add3A_669 = arith.addf %add3A_660, %mul3A_668 : vector<16xf32>
      %bitcast_convert_type3A = tpu.bitcast %add3A_669 : vector<16xf32> -> vector<16xi32>
      %shift_right_arithmetic3A = arith.constant 1 : i32
      %shift_right_arithmetic3A_670 = vector.broadcast %shift_right_arithmetic3A : i32 to vector<16xi32>
      %shift_right_arithmetic3A_671 = arith.shrsi %bitcast_convert_type3A, %shift_right_arithmetic3A_670 : vector<16xi32>
      %sub3A = arith.constant 1597463007 : i32
      %sub3A_672 = vector.broadcast %sub3A : i32 to vector<16xi32>
      %sub3A_673 = arith.subi %sub3A_672, %shift_right_arithmetic3A_671 : vector<16xi32>
      %bitcast_convert_type3A_674 = tpu.bitcast %sub3A_673 : vector<16xi32> -> vector<16xf32>
      %mul3A_675 = arith.constant 5.000000e-01 : f32
      %mul3A_676 = vector.broadcast %mul3A_675 : f32 to vector<16xf32>
      %mul3A_677 = arith.mulf %mul3A_676, %add3A_669 : vector<16xf32>
      %mul3A_678 = arith.mulf %mul3A_677, %bitcast_convert_type3A_674 : vector<16xf32>
      %mul3A_679 = arith.mulf %mul3A_678, %bitcast_convert_type3A_674 : vector<16xf32>
      %sub3A_680 = arith.constant 1.500000e+00 : f32
      %sub3A_681 = vector.broadcast %sub3A_680 : f32 to vector<16xf32>
      %sub3A_682 = arith.subf %sub3A_681, %mul3A_679 : vector<16xf32>
      %mul3A_683 = arith.mulf %bitcast_convert_type3A_674, %sub3A_682 : vector<16xf32>
      %mul3A_684 = arith.constant 5.000000e-01 : f32
      %mul3A_685 = vector.broadcast %mul3A_684 : f32 to vector<16xf32>
      %mul3A_686 = arith.mulf %mul3A_685, %add3A_669 : vector<16xf32>
      %mul3A_687 = arith.mulf %mul3A_686, %mul3A_683 : vector<16xf32>
      %mul3A_688 = arith.mulf %mul3A_687, %mul3A_683 : vector<16xf32>
      %sub3A_689 = arith.constant 1.500000e+00 : f32
      %sub3A_690 = vector.broadcast %sub3A_689 : f32 to vector<16xf32>
      %sub3A_691 = arith.subf %sub3A_690, %mul3A_688 : vector<16xf32>
      %mul3A_692 = arith.mulf %mul3A_683, %sub3A_691 : vector<16xf32>
      %mul3A_693 = arith.constant 5.000000e-01 : f32
      %mul3A_694 = vector.broadcast %mul3A_693 : f32 to vector<16xf32>
      %mul3A_695 = arith.mulf %mul3A_694, %add3A_669 : vector<16xf32>
      %mul3A_696 = arith.mulf %mul3A_695, %mul3A_692 : vector<16xf32>
      %mul3A_697 = arith.mulf %mul3A_696, %mul3A_692 : vector<16xf32>
      %sub3A_698 = arith.constant 1.500000e+00 : f32
      %sub3A_699 = vector.broadcast %sub3A_698 : f32 to vector<16xf32>
      %sub3A_700 = arith.subf %sub3A_699, %mul3A_697 : vector<16xf32>
      %mul3A_701 = arith.mulf %mul3A_692, %sub3A_700 : vector<16xf32>
      %mul3A_702 = arith.constant 16 : i32
      %mul3A_703 = arith.muli %scan3A_90, %mul3A_702 : i32
      %swap3A = arith.index_cast %mul3A_703 : i32 to index
      %swap3A_704 = tpu.vector_load %arg11[%swap3A] {strides = array<i32>} : memref<512xf32, #tpu.memory_space<vmem>>, vector<16xf32>,
      tpu.vector_store %arg11[%swap3A], %mul3A_701 {strides = array<i32>} : memref<512xf32, #tpu.memory_space<vmem>>, vector<16xf32>,
    }
    %scan3A_84 = arith.constant 32 : i32
    %scan3A_85 = arith.constant 0 : i32
    %scan3A_86 = arith.constant 50 : i32
    %scan3A_87 = arith.addi %scan3A_85, %scan3A_86 : i32
    %scan3A_88 = arith.constant 1 : i32
    scf.for %scan3A_90 = %scan3A_85 to %scan3A_87 step %scan3A_88  : i32 {
      %dma_start3A_91 = arith.constant 0 : i32
      %dma_start3A_92 = arith.constant 0 : i32
      %dma_start3A_93 = arith.constant 0 : i32
      %dma_start3A_94 = tpu.memref_slice %arg10[%dma_start3A_92, %dma_start3A_93] : memref<512x64xf32, #tpu.memory_space<vmem>> -> memref<128x64xf32, #tpu.memory_space<vmem>>
      %dma_start3A_95 = arith.constant 0 : i32
      %dma_start3A_96 = tpu.memref_slice %arg8[%scan3A_90, %dma_start3A_91, %dma_start3A_95] : memref<50x4x128xi32, #tpu.memory_space<vmem>> -> memref<1x1x128xi32, #tpu.memory_space<vmem>>
      %dma_start3A_97 = tpu.memref_squeeze %dma_start3A_96 : memref<1x1x128xi32, #tpu.memory_space<vmem>> -> memref<128xi32, #tpu.memory_space<vmem>>
      %dma_start3A_98 = arith.constant 0 : i32
      %dma_start3A_99 = arith.constant 0 : i32
      %dma_start3A_100 = tpu.memref_slice %arg5[%dma_start3A_98, %dma_start3A_99] : memref<1000000x64xf32, #tpu.memory_space<hbm>> -> memref<1000000x64xf32, #tpu.memory_space<hbm>>
      tpu.enqueue_indirect_dma source(%dma_start3A_100 : memref<1000000x64xf32, #tpu.memory_space<hbm>>) target(%dma_start3A_94 : memref<128x64xf32, #tpu.memory_space<vmem>>) offsets(%dma_start3A_97 : memref<128xi32, #tpu.memory_space<vmem>>) semaphore(%arg13 : memref<!tpu.dma_semaphore, #tpu.memory_space<semaphore_mem>>)
      %dma_start3A_101 = arith.constant 1 : i32
      %dma_start3A_102 = arith.constant 128 : i32
      %dma_start3A_103 = arith.constant 0 : i32
      %dma_start3A_104 = tpu.memref_slice %arg10[%dma_start3A_102, %dma_start3A_103] : memref<512x64xf32, #tpu.memory_space<vmem>> -> memref<128x64xf32, #tpu.memory_space<vmem>>
      %dma_start3A_105 = arith.constant 0 : i32
      %dma_start3A_106 = tpu.memref_slice %arg8[%scan3A_90, %dma_start3A_101, %dma_start3A_105] : memref<50x4x128xi32, #tpu.memory_space<vmem>> -> memref<1x1x128xi32, #tpu.memory_space<vmem>>
      %dma_start3A_107 = tpu.memref_squeeze %dma_start3A_106 : memref<1x1x128xi32, #tpu.memory_space<vmem>> -> memref<128xi32, #tpu.memory_space<vmem>>
      %dma_start3A_108 = arith.constant 0 : i32
      %dma_start3A_109 = arith.constant 0 : i32
      %dma_start3A_110 = tpu.memref_slice %arg5[%dma_start3A_108, %dma_start3A_109] : memref<1000000x64xf32, #tpu.memory_space<hbm>> -> memref<1000000x64xf32, #tpu.memory_space<hbm>>
      tpu.enqueue_indirect_dma source(%dma_start3A_110 : memref<1000000x64xf32, #tpu.memory_space<hbm>>) target(%dma_start3A_104 : memref<128x64xf32, #tpu.memory_space<vmem>>) offsets(%dma_start3A_107 : memref<128xi32, #tpu.memory_space<vmem>>) semaphore(%arg13 : memref<!tpu.dma_semaphore, #tpu.memory_space<semaphore_mem>>)
      %dma_start3A_111 = arith.constant 2 : i32
      %dma_start3A_112 = arith.constant 256 : i32
      %dma_start3A_113 = arith.constant 0 : i32
      %dma_start3A_114 = tpu.memref_slice %arg10[%dma_start3A_112, %dma_start3A_113] : memref<512x64xf32, #tpu.memory_space<vmem>> -> memref<128x64xf32, #tpu.memory_space<vmem>>
      %dma_start3A_115 = arith.constant 0 : i32
      %dma_start3A_116 = tpu.memref_slice %arg8[%scan3A_90, %dma_start3A_111, %dma_start3A_115] : memref<50x4x128xi32, #tpu.memory_space<vmem>> -> memref<1x1x128xi32, #tpu.memory_space<vmem>>
      %dma_start3A_117 = tpu.memref_squeeze %dma_start3A_116 : memref<1x1x128xi32, #tpu.memory_space<vmem>> -> memref<128xi32, #tpu.memory_space<vmem>>
      %dma_start3A_118 = arith.constant 0 : i32
      %dma_start3A_119 = arith.constant 0 : i32
      %dma_start3A_120 = tpu.memref_slice %arg5[%dma_start3A_118, %dma_start3A_119] : memref<1000000x64xf32, #tpu.memory_space<hbm>> -> memref<1000000x64xf32, #tpu.memory_space<hbm>>
      tpu.enqueue_indirect_dma source(%dma_start3A_120 : memref<1000000x64xf32, #tpu.memory_space<hbm>>) target(%dma_start3A_114 : memref<128x64xf32, #tpu.memory_space<vmem>>) offsets(%dma_start3A_117 : memref<128xi32, #tpu.memory_space<vmem>>) semaphore(%arg13 : memref<!tpu.dma_semaphore, #tpu.memory_space<semaphore_mem>>)
      %dma_start3A_121 = arith.constant 3 : i32
      %dma_start3A_122 = arith.constant 384 : i32
      %dma_start3A_123 = arith.constant 0 : i32
      %dma_start3A_124 = tpu.memref_slice %arg10[%dma_start3A_122, %dma_start3A_123] : memref<512x64xf32, #tpu.memory_space<vmem>> -> memref<128x64xf32, #tpu.memory_space<vmem>>
      %dma_start3A_125 = arith.constant 0 : i32
      %dma_start3A_126 = tpu.memref_slice %arg8[%scan3A_90, %dma_start3A_121, %dma_start3A_125] : memref<50x4x128xi32, #tpu.memory_space<vmem>> -> memref<1x1x128xi32, #tpu.memory_space<vmem>>
      %dma_start3A_127 = tpu.memref_squeeze %dma_start3A_126 : memref<1x1x128xi32, #tpu.memory_space<vmem>> -> memref<128xi32, #tpu.memory_space<vmem>>
      %dma_start3A_128 = arith.constant 0 : i32
      %dma_start3A_129 = arith.constant 0 : i32
      %dma_start3A_130 = tpu.memref_slice %arg5[%dma_start3A_128, %dma_start3A_129] : memref<1000000x64xf32, #tpu.memory_space<hbm>> -> memref<1000000x64xf32, #tpu.memory_space<hbm>>
      tpu.enqueue_indirect_dma source(%dma_start3A_130 : memref<1000000x64xf32, #tpu.memory_space<hbm>>) target(%dma_start3A_124 : memref<128x64xf32, #tpu.memory_space<vmem>>) offsets(%dma_start3A_127 : memref<128xi32, #tpu.memory_space<vmem>>) semaphore(%arg13 : memref<!tpu.dma_semaphore, #tpu.memory_space<semaphore_mem>>)
      %dma_wait3A_131 = arith.constant 0 : i32
      %dma_wait3A_132 = arith.constant 0 : i32
      %dma_wait3A_133 = arith.constant 0 : i32
      %dma_wait3A_134 = tpu.memref_slice %arg10[%dma_wait3A_132, %dma_wait3A_133] : memref<512x64xf32, #tpu.memory_space<vmem>> -> memref<128x64xf32, #tpu.memory_space<vmem>>
      %dma_wait3A_135 = arith.constant 0 : i32
      %dma_wait3A_136 = tpu.memref_slice %arg8[%scan3A_90, %dma_wait3A_131, %dma_wait3A_135] : memref<50x4x128xi32, #tpu.memory_space<vmem>> -> memref<1x1x128xi32, #tpu.memory_space<vmem>>
      %dma_wait3A_137 = tpu.memref_squeeze %dma_wait3A_136 : memref<1x1x128xi32, #tpu.memory_space<vmem>> -> memref<128xi32, #tpu.memory_space<vmem>>
      %dma_wait3A_138 = arith.constant 0 : i32
      %dma_wait3A_139 = arith.constant 0 : i32
      %dma_wait3A_140 = tpu.memref_slice %arg5[%dma_wait3A_138, %dma_wait3A_139] : memref<1000000x64xf32, #tpu.memory_space<hbm>> -> memref<1000000x64xf32, #tpu.memory_space<hbm>>
      tpu.wait_indirect_dma semaphore(%arg13 : memref<!tpu.dma_semaphore, #tpu.memory_space<semaphore_mem>>) src(%dma_wait3A_140 : memref<1000000x64xf32, #tpu.memory_space<hbm>>) dst(%dma_wait3A_134 : memref<128x64xf32, #tpu.memory_space<vmem>>)
      %dma_wait3A_141 = arith.constant 1 : i32
      %dma_wait3A_142 = arith.constant 128 : i32
      %dma_wait3A_143 = arith.constant 0 : i32
      %dma_wait3A_144 = tpu.memref_slice %arg10[%dma_wait3A_142, %dma_wait3A_143] : memref<512x64xf32, #tpu.memory_space<vmem>> -> memref<128x64xf32, #tpu.memory_space<vmem>>
      %dma_wait3A_145 = arith.constant 0 : i32
      %dma_wait3A_146 = tpu.memref_slice %arg8[%scan3A_90, %dma_wait3A_141, %dma_wait3A_145] : memref<50x4x128xi32, #tpu.memory_space<vmem>> -> memref<1x1x128xi32, #tpu.memory_space<vmem>>
      %dma_wait3A_147 = tpu.memref_squeeze %dma_wait3A_146 : memref<1x1x128xi32, #tpu.memory_space<vmem>> -> memref<128xi32, #tpu.memory_space<vmem>>
      %dma_wait3A_148 = arith.constant 0 : i32
      %dma_wait3A_149 = arith.constant 0 : i32
      %dma_wait3A_150 = tpu.memref_slice %arg5[%dma_wait3A_148, %dma_wait3A_149] : memref<1000000x64xf32, #tpu.memory_space<hbm>> -> memref<1000000x64xf32, #tpu.memory_space<hbm>>
      tpu.wait_indirect_dma semaphore(%arg13 : memref<!tpu.dma_semaphore, #tpu.memory_space<semaphore_mem>>) src(%dma_wait3A_150 : memref<1000000x64xf32, #tpu.memory_space<hbm>>) dst(%dma_wait3A_144 : memref<128x64xf32, #tpu.memory_space<vmem>>)
      %dma_wait3A_151 = arith.constant 2 : i32
      %dma_wait3A_152 = arith.constant 256 : i32
      %dma_wait3A_153 = arith.constant 0 : i32
      %dma_wait3A_154 = tpu.memref_slice %arg10[%dma_wait3A_152, %dma_wait3A_153] : memref<512x64xf32, #tpu.memory_space<vmem>> -> memref<128x64xf32, #tpu.memory_space<vmem>>
      %dma_wait3A_155 = arith.constant 0 : i32
      %dma_wait3A_156 = tpu.memref_slice %arg8[%scan3A_90, %dma_wait3A_151, %dma_wait3A_155] : memref<50x4x128xi32, #tpu.memory_space<vmem>> -> memref<1x1x128xi32, #tpu.memory_space<vmem>>
      %dma_wait3A_157 = tpu.memref_squeeze %dma_wait3A_156 : memref<1x1x128xi32, #tpu.memory_space<vmem>> -> memref<128xi32, #tpu.memory_space<vmem>>
      %dma_wait3A_158 = arith.constant 0 : i32
      %dma_wait3A_159 = arith.constant 0 : i32
      %dma_wait3A_160 = tpu.memref_slice %arg5[%dma_wait3A_158, %dma_wait3A_159] : memref<1000000x64xf32, #tpu.memory_space<hbm>> -> memref<1000000x64xf32, #tpu.memory_space<hbm>>
      tpu.wait_indirect_dma semaphore(%arg13 : memref<!tpu.dma_semaphore, #tpu.memory_space<semaphore_mem>>) src(%dma_wait3A_160 : memref<1000000x64xf32, #tpu.memory_space<hbm>>) dst(%dma_wait3A_154 : memref<128x64xf32, #tpu.memory_space<vmem>>)
      %dma_wait3A_161 = arith.constant 3 : i32
      %dma_wait3A_162 = arith.constant 384 : i32
      %dma_wait3A_163 = arith.constant 0 : i32
      %dma_wait3A_164 = tpu.memref_slice %arg10[%dma_wait3A_162, %dma_wait3A_163] : memref<512x64xf32, #tpu.memory_space<vmem>> -> memref<128x64xf32, #tpu.memory_space<vmem>>
      %dma_wait3A_165 = arith.constant 0 : i32
      %dma_wait3A_166 = tpu.memref_slice %arg8[%scan3A_90, %dma_wait3A_161, %dma_wait3A_165] : memref<50x4x128xi32, #tpu.memory_space<vmem>> -> memref<1x1x128xi32, #tpu.memory_space<vmem>>
      %dma_wait3A_167 = tpu.memref_squeeze %dma_wait3A_166 : memref<1x1x128xi32, #tpu.memory_space<vmem>> -> memref<128xi32, #tpu.memory_space<vmem>>
      %dma_wait3A_168 = arith.constant 0 : i32
      %dma_wait3A_169 = arith.constant 0 : i32
      %dma_wait3A_170 = tpu.memref_slice %arg5[%dma_wait3A_168, %dma_wait3A_169] : memref<1000000x64xf32, #tpu.memory_space<hbm>> -> memref<1000000x64xf32, #tpu.memory_space<hbm>>
      tpu.wait_indirect_dma semaphore(%arg13 : memref<!tpu.dma_semaphore, #tpu.memory_space<semaphore_mem>>) src(%dma_wait3A_170 : memref<1000000x64xf32, #tpu.memory_space<hbm>>) dst(%dma_wait3A_164 : memref<128x64xf32, #tpu.memory_space<vmem>>)
      %scan3A_171 = arith.constant 0 : i32
      %scan3A_172 = arith.constant 32 : i32
      %scan3A_173 = arith.addi %scan3A_171, %scan3A_172 : i32
      %scan3A_174 = arith.constant 1 : i32
      scf.for %scan3A_176 = %scan3A_171 to %scan3A_173 step %scan3A_174  : i32 {
        %mul3A_177 = arith.constant 16 : i32
        %mul3A_178 = arith.muli %scan3A_176, %mul3A_177 : i32
        %add3A_179 = vector.broadcast %mul3A_178 : i32 to vector<16xi32>
        %add3A_180 = arith.addi %add3A_179, %iota3A : vector<16xi32>
        %broadcast_in_dim3A = arith.constant 0.000000e+00 : f32
        %broadcast_in_dim3A_181 = vector.broadcast %broadcast_in_dim3A : f32 to vector<16xf32>
        %broadcast_in_dim3A_182 = arith.constant 0.000000e+00 : f32
        %broadcast_in_dim3A_183 = vector.broadcast %broadcast_in_dim3A_182 : f32 to vector<16xf32>
        %add3A_184 = arith.constant 0 : i32
        %add3A_185 = vector.broadcast %add3A_184 : i32 to vector<16xi32>
        %add3A_186 = arith.addi %iota3A, %add3A_185 : vector<16xi32>
        %and3A = arith.constant 63 : i32
        %and3A_187 = vector.broadcast %and3A : i32 to vector<16xi32>
        %and3A_188 = arith.andi %add3A_186, %and3A_187 : vector<16xi32>
        %gather3A = tpu.vector_load_idx %arg10[%add3A_180, %and3A_188] : memref<512x64xf32, #tpu.memory_space<vmem>>[vector<16xi32>, vector<16xi32>], vector<16xf32>,
        %gather3A_189 = tpu.vector_load_idx %arg9[%add3A_180, %and3A_188] : memref<512x64xf32, #tpu.memory_space<vmem>>[vector<16xi32>, vector<16xi32>], vector<16xf32>,
        %mul3A_190 = arith.mulf %gather3A, %gather3A_189 : vector<16xf32>
        %add3A_191 = arith.addf %broadcast_in_dim3A_181, %mul3A_190 : vector<16xf32>
        %mul3A_192 = arith.mulf %gather3A, %gather3A : vector<16xf32>
        %add3A_193 = arith.addf %broadcast_in_dim3A_183, %mul3A_192 : vector<16xf32>
        %add3A_194 = arith.constant 1 : i32
        %add3A_195 = vector.broadcast %add3A_194 : i32 to vector<16xi32>
        %add3A_196 = arith.addi %iota3A, %add3A_195 : vector<16xi32>
        %and3A_197 = arith.constant 63 : i32
        %and3A_198 = vector.broadcast %and3A_197 : i32 to vector<16xi32>
        %and3A_199 = arith.andi %add3A_196, %and3A_198 : vector<16xi32>
        %gather3A_200 = tpu.vector_load_idx %arg10[%add3A_180, %and3A_199] : memref<512x64xf32, #tpu.memory_space<vmem>>[vector<16xi32>, vector<16xi32>], vector<16xf32>,
        %gather3A_201 = tpu.vector_load_idx %arg9[%add3A_180, %and3A_199] : memref<512x64xf32, #tpu.memory_space<vmem>>[vector<16xi32>, vector<16xi32>], vector<16xf32>,
        %mul3A_202 = arith.mulf %gather3A_200, %gather3A_201 : vector<16xf32>
        %add3A_203 = arith.addf %add3A_191, %mul3A_202 : vector<16xf32>
        %mul3A_204 = arith.mulf %gather3A_200, %gather3A_200 : vector<16xf32>
        %add3A_205 = arith.addf %add3A_193, %mul3A_204 : vector<16xf32>
        %add3A_206 = arith.constant 2 : i32
        %add3A_207 = vector.broadcast %add3A_206 : i32 to vector<16xi32>
        %add3A_208 = arith.addi %iota3A, %add3A_207 : vector<16xi32>
        %and3A_209 = arith.constant 63 : i32
        %and3A_210 = vector.broadcast %and3A_209 : i32 to vector<16xi32>
        %and3A_211 = arith.andi %add3A_208, %and3A_210 : vector<16xi32>
        %gather3A_212 = tpu.vector_load_idx %arg10[%add3A_180, %and3A_211] : memref<512x64xf32, #tpu.memory_space<vmem>>[vector<16xi32>, vector<16xi32>], vector<16xf32>,
        %gather3A_213 = tpu.vector_load_idx %arg9[%add3A_180, %and3A_211] : memref<512x64xf32, #tpu.memory_space<vmem>>[vector<16xi32>, vector<16xi32>], vector<16xf32>,
        %mul3A_214 = arith.mulf %gather3A_212, %gather3A_213 : vector<16xf32>
        %add3A_215 = arith.addf %add3A_203, %mul3A_214 : vector<16xf32>
        %mul3A_216 = arith.mulf %gather3A_212, %gather3A_212 : vector<16xf32>
        %add3A_217 = arith.addf %add3A_205, %mul3A_216 : vector<16xf32>
        %add3A_218 = arith.constant 3 : i32
        %add3A_219 = vector.broadcast %add3A_218 : i32 to vector<16xi32>
        %add3A_220 = arith.addi %iota3A, %add3A_219 : vector<16xi32>
        %and3A_221 = arith.constant 63 : i32
        %and3A_222 = vector.broadcast %and3A_221 : i32 to vector<16xi32>
        %and3A_223 = arith.andi %add3A_220, %and3A_222 : vector<16xi32>
        %gather3A_224 = tpu.vector_load_idx %arg10[%add3A_180, %and3A_223] : memref<512x64xf32, #tpu.memory_space<vmem>>[vector<16xi32>, vector<16xi32>], vector<16xf32>,
        %gather3A_225 = tpu.vector_load_idx %arg9[%add3A_180, %and3A_223] : memref<512x64xf32, #tpu.memory_space<vmem>>[vector<16xi32>, vector<16xi32>], vector<16xf32>,
        %mul3A_226 = arith.mulf %gather3A_224, %gather3A_225 : vector<16xf32>
        %add3A_227 = arith.addf %add3A_215, %mul3A_226 : vector<16xf32>
        %mul3A_228 = arith.mulf %gather3A_224, %gather3A_224 : vector<16xf32>
        %add3A_229 = arith.addf %add3A_217, %mul3A_228 : vector<16xf32>
        %add3A_230 = arith.constant 4 : i32
        %add3A_231 = vector.broadcast %add3A_230 : i32 to vector<16xi32>
        %add3A_232 = arith.addi %iota3A, %add3A_231 : vector<16xi32>
        %and3A_233 = arith.constant 63 : i32
        %and3A_234 = vector.broadcast %and3A_233 : i32 to vector<16xi32>
        %and3A_235 = arith.andi %add3A_232, %and3A_234 : vector<16xi32>
        %gather3A_236 = tpu.vector_load_idx %arg10[%add3A_180, %and3A_235] : memref<512x64xf32, #tpu.memory_space<vmem>>[vector<16xi32>, vector<16xi32>], vector<16xf32>,
        %gather3A_237 = tpu.vector_load_idx %arg9[%add3A_180, %and3A_235] : memref<512x64xf32, #tpu.memory_space<vmem>>[vector<16xi32>, vector<16xi32>], vector<16xf32>,
        %mul3A_238 = arith.mulf %gather3A_236, %gather3A_237 : vector<16xf32>
        %add3A_239 = arith.addf %add3A_227, %mul3A_238 : vector<16xf32>
        %mul3A_240 = arith.mulf %gather3A_236, %gather3A_236 : vector<16xf32>
        %add3A_241 = arith.addf %add3A_229, %mul3A_240 : vector<16xf32>
        %add3A_242 = arith.constant 5 : i32
        %add3A_243 = vector.broadcast %add3A_242 : i32 to vector<16xi32>
        %add3A_244 = arith.addi %iota3A, %add3A_243 : vector<16xi32>
        %and3A_245 = arith.constant 63 : i32
        %and3A_246 = vector.broadcast %and3A_245 : i32 to vector<16xi32>
        %and3A_247 = arith.andi %add3A_244, %and3A_246 : vector<16xi32>
        %gather3A_248 = tpu.vector_load_idx %arg10[%add3A_180, %and3A_247] : memref<512x64xf32, #tpu.memory_space<vmem>>[vector<16xi32>, vector<16xi32>], vector<16xf32>,
        %gather3A_249 = tpu.vector_load_idx %arg9[%add3A_180, %and3A_247] : memref<512x64xf32, #tpu.memory_space<vmem>>[vector<16xi32>, vector<16xi32>], vector<16xf32>,
        %mul3A_250 = arith.mulf %gather3A_248, %gather3A_249 : vector<16xf32>
        %add3A_251 = arith.addf %add3A_239, %mul3A_250 : vector<16xf32>
        %mul3A_252 = arith.mulf %gather3A_248, %gather3A_248 : vector<16xf32>
        %add3A_253 = arith.addf %add3A_241, %mul3A_252 : vector<16xf32>
        %add3A_254 = arith.constant 6 : i32
        %add3A_255 = vector.broadcast %add3A_254 : i32 to vector<16xi32>
        %add3A_256 = arith.addi %iota3A, %add3A_255 : vector<16xi32>
        %and3A_257 = arith.constant 63 : i32
        %and3A_258 = vector.broadcast %and3A_257 : i32 to vector<16xi32>
        %and3A_259 = arith.andi %add3A_256, %and3A_258 : vector<16xi32>
        %gather3A_260 = tpu.vector_load_idx %arg10[%add3A_180, %and3A_259] : memref<512x64xf32, #tpu.memory_space<vmem>>[vector<16xi32>, vector<16xi32>], vector<16xf32>,
        %gather3A_261 = tpu.vector_load_idx %arg9[%add3A_180, %and3A_259] : memref<512x64xf32, #tpu.memory_space<vmem>>[vector<16xi32>, vector<16xi32>], vector<16xf32>,
        %mul3A_262 = arith.mulf %gather3A_260, %gather3A_261 : vector<16xf32>
        %add3A_263 = arith.addf %add3A_251, %mul3A_262 : vector<16xf32>
        %mul3A_264 = arith.mulf %gather3A_260, %gather3A_260 : vector<16xf32>
        %add3A_265 = arith.addf %add3A_253, %mul3A_264 : vector<16xf32>
        %add3A_266 = arith.constant 7 : i32
        %add3A_267 = vector.broadcast %add3A_266 : i32 to vector<16xi32>
        %add3A_268 = arith.addi %iota3A, %add3A_267 : vector<16xi32>
        %and3A_269 = arith.constant 63 : i32
        %and3A_270 = vector.broadcast %and3A_269 : i32 to vector<16xi32>
        %and3A_271 = arith.andi %add3A_268, %and3A_270 : vector<16xi32>
        %gather3A_272 = tpu.vector_load_idx %arg10[%add3A_180, %and3A_271] : memref<512x64xf32, #tpu.memory_space<vmem>>[vector<16xi32>, vector<16xi32>], vector<16xf32>,
        %gather3A_273 = tpu.vector_load_idx %arg9[%add3A_180, %and3A_271] : memref<512x64xf32, #tpu.memory_space<vmem>>[vector<16xi32>, vector<16xi32>], vector<16xf32>,
        %mul3A_274 = arith.mulf %gather3A_272, %gather3A_273 : vector<16xf32>
        %add3A_275 = arith.addf %add3A_263, %mul3A_274 : vector<16xf32>
        %mul3A_276 = arith.mulf %gather3A_272, %gather3A_272 : vector<16xf32>
        %add3A_277 = arith.addf %add3A_265, %mul3A_276 : vector<16xf32>
        %add3A_278 = arith.constant 8 : i32
        %add3A_279 = vector.broadcast %add3A_278 : i32 to vector<16xi32>
        %add3A_280 = arith.addi %iota3A, %add3A_279 : vector<16xi32>
        %and3A_281 = arith.constant 63 : i32
        %and3A_282 = vector.broadcast %and3A_281 : i32 to vector<16xi32>
        %and3A_283 = arith.andi %add3A_280, %and3A_282 : vector<16xi32>
        %gather3A_284 = tpu.vector_load_idx %arg10[%add3A_180, %and3A_283] : memref<512x64xf32, #tpu.memory_space<vmem>>[vector<16xi32>, vector<16xi32>], vector<16xf32>,
        %gather3A_285 = tpu.vector_load_idx %arg9[%add3A_180, %and3A_283] : memref<512x64xf32, #tpu.memory_space<vmem>>[vector<16xi32>, vector<16xi32>], vector<16xf32>,
        %mul3A_286 = arith.mulf %gather3A_284, %gather3A_285 : vector<16xf32>
        %add3A_287 = arith.addf %add3A_275, %mul3A_286 : vector<16xf32>
        %mul3A_288 = arith.mulf %gather3A_284, %gather3A_284 : vector<16xf32>
        %add3A_289 = arith.addf %add3A_277, %mul3A_288 : vector<16xf32>
        %add3A_290 = arith.constant 9 : i32
        %add3A_291 = vector.broadcast %add3A_290 : i32 to vector<16xi32>
        %add3A_292 = arith.addi %iota3A, %add3A_291 : vector<16xi32>
        %and3A_293 = arith.constant 63 : i32
        %and3A_294 = vector.broadcast %and3A_293 : i32 to vector<16xi32>
        %and3A_295 = arith.andi %add3A_292, %and3A_294 : vector<16xi32>
        %gather3A_296 = tpu.vector_load_idx %arg10[%add3A_180, %and3A_295] : memref<512x64xf32, #tpu.memory_space<vmem>>[vector<16xi32>, vector<16xi32>], vector<16xf32>,
        %gather3A_297 = tpu.vector_load_idx %arg9[%add3A_180, %and3A_295] : memref<512x64xf32, #tpu.memory_space<vmem>>[vector<16xi32>, vector<16xi32>], vector<16xf32>,
        %mul3A_298 = arith.mulf %gather3A_296, %gather3A_297 : vector<16xf32>
        %add3A_299 = arith.addf %add3A_287, %mul3A_298 : vector<16xf32>
        %mul3A_300 = arith.mulf %gather3A_296, %gather3A_296 : vector<16xf32>
        %add3A_301 = arith.addf %add3A_289, %mul3A_300 : vector<16xf32>
        %add3A_302 = arith.constant 10 : i32
        %add3A_303 = vector.broadcast %add3A_302 : i32 to vector<16xi32>
        %add3A_304 = arith.addi %iota3A, %add3A_303 : vector<16xi32>
        %and3A_305 = arith.constant 63 : i32
        %and3A_306 = vector.broadcast %and3A_305 : i32 to vector<16xi32>
        %and3A_307 = arith.andi %add3A_304, %and3A_306 : vector<16xi32>
        %gather3A_308 = tpu.vector_load_idx %arg10[%add3A_180, %and3A_307] : memref<512x64xf32, #tpu.memory_space<vmem>>[vector<16xi32>, vector<16xi32>], vector<16xf32>,
        %gather3A_309 = tpu.vector_load_idx %arg9[%add3A_180, %and3A_307] : memref<512x64xf32, #tpu.memory_space<vmem>>[vector<16xi32>, vector<16xi32>], vector<16xf32>,
        %mul3A_310 = arith.mulf %gather3A_308, %gather3A_309 : vector<16xf32>
        %add3A_311 = arith.addf %add3A_299, %mul3A_310 : vector<16xf32>
        %mul3A_312 = arith.mulf %gather3A_308, %gather3A_308 : vector<16xf32>
        %add3A_313 = arith.addf %add3A_301, %mul3A_312 : vector<16xf32>
        %add3A_314 = arith.constant 11 : i32
        %add3A_315 = vector.broadcast %add3A_314 : i32 to vector<16xi32>
        %add3A_316 = arith.addi %iota3A, %add3A_315 : vector<16xi32>
        %and3A_317 = arith.constant 63 : i32
        %and3A_318 = vector.broadcast %and3A_317 : i32 to vector<16xi32>
        %and3A_319 = arith.andi %add3A_316, %and3A_318 : vector<16xi32>
        %gather3A_320 = tpu.vector_load_idx %arg10[%add3A_180, %and3A_319] : memref<512x64xf32, #tpu.memory_space<vmem>>[vector<16xi32>, vector<16xi32>], vector<16xf32>,
        %gather3A_321 = tpu.vector_load_idx %arg9[%add3A_180, %and3A_319] : memref<512x64xf32, #tpu.memory_space<vmem>>[vector<16xi32>, vector<16xi32>], vector<16xf32>,
        %mul3A_322 = arith.mulf %gather3A_320, %gather3A_321 : vector<16xf32>
        %add3A_323 = arith.addf %add3A_311, %mul3A_322 : vector<16xf32>
        %mul3A_324 = arith.mulf %gather3A_320, %gather3A_320 : vector<16xf32>
        %add3A_325 = arith.addf %add3A_313, %mul3A_324 : vector<16xf32>
        %add3A_326 = arith.constant 12 : i32
        %add3A_327 = vector.broadcast %add3A_326 : i32 to vector<16xi32>
        %add3A_328 = arith.addi %iota3A, %add3A_327 : vector<16xi32>
        %and3A_329 = arith.constant 63 : i32
        %and3A_330 = vector.broadcast %and3A_329 : i32 to vector<16xi32>
        %and3A_331 = arith.andi %add3A_328, %and3A_330 : vector<16xi32>
        %gather3A_332 = tpu.vector_load_idx %arg10[%add3A_180, %and3A_331] : memref<512x64xf32, #tpu.memory_space<vmem>>[vector<16xi32>, vector<16xi32>], vector<16xf32>,
        %gather3A_333 = tpu.vector_load_idx %arg9[%add3A_180, %and3A_331] : memref<512x64xf32, #tpu.memory_space<vmem>>[vector<16xi32>, vector<16xi32>], vector<16xf32>,
        %mul3A_334 = arith.mulf %gather3A_332, %gather3A_333 : vector<16xf32>
        %add3A_335 = arith.addf %add3A_323, %mul3A_334 : vector<16xf32>
        %mul3A_336 = arith.mulf %gather3A_332, %gather3A_332 : vector<16xf32>
        %add3A_337 = arith.addf %add3A_325, %mul3A_336 : vector<16xf32>
        %add3A_338 = arith.constant 13 : i32
        %add3A_339 = vector.broadcast %add3A_338 : i32 to vector<16xi32>
        %add3A_340 = arith.addi %iota3A, %add3A_339 : vector<16xi32>
        %and3A_341 = arith.constant 63 : i32
        %and3A_342 = vector.broadcast %and3A_341 : i32 to vector<16xi32>
        %and3A_343 = arith.andi %add3A_340, %and3A_342 : vector<16xi32>
        %gather3A_344 = tpu.vector_load_idx %arg10[%add3A_180, %and3A_343] : memref<512x64xf32, #tpu.memory_space<vmem>>[vector<16xi32>, vector<16xi32>], vector<16xf32>,
        %gather3A_345 = tpu.vector_load_idx %arg9[%add3A_180, %and3A_343] : memref<512x64xf32, #tpu.memory_space<vmem>>[vector<16xi32>, vector<16xi32>], vector<16xf32>,
        %mul3A_346 = arith.mulf %gather3A_344, %gather3A_345 : vector<16xf32>
        %add3A_347 = arith.addf %add3A_335, %mul3A_346 : vector<16xf32>
        %mul3A_348 = arith.mulf %gather3A_344, %gather3A_344 : vector<16xf32>
        %add3A_349 = arith.addf %add3A_337, %mul3A_348 : vector<16xf32>
        %add3A_350 = arith.constant 14 : i32
        %add3A_351 = vector.broadcast %add3A_350 : i32 to vector<16xi32>
        %add3A_352 = arith.addi %iota3A, %add3A_351 : vector<16xi32>
        %and3A_353 = arith.constant 63 : i32
        %and3A_354 = vector.broadcast %and3A_353 : i32 to vector<16xi32>
        %and3A_355 = arith.andi %add3A_352, %and3A_354 : vector<16xi32>
        %gather3A_356 = tpu.vector_load_idx %arg10[%add3A_180, %and3A_355] : memref<512x64xf32, #tpu.memory_space<vmem>>[vector<16xi32>, vector<16xi32>], vector<16xf32>,
        %gather3A_357 = tpu.vector_load_idx %arg9[%add3A_180, %and3A_355] : memref<512x64xf32, #tpu.memory_space<vmem>>[vector<16xi32>, vector<16xi32>], vector<16xf32>,
        %mul3A_358 = arith.mulf %gather3A_356, %gather3A_357 : vector<16xf32>
        %add3A_359 = arith.addf %add3A_347, %mul3A_358 : vector<16xf32>
        %mul3A_360 = arith.mulf %gather3A_356, %gather3A_356 : vector<16xf32>
        %add3A_361 = arith.addf %add3A_349, %mul3A_360 : vector<16xf32>
        %add3A_362 = arith.constant 15 : i32
        %add3A_363 = vector.broadcast %add3A_362 : i32 to vector<16xi32>
        %add3A_364 = arith.addi %iota3A, %add3A_363 : vector<16xi32>
        %and3A_365 = arith.constant 63 : i32
        %and3A_366 = vector.broadcast %and3A_365 : i32 to vector<16xi32>
        %and3A_367 = arith.andi %add3A_364, %and3A_366 : vector<16xi32>
        %gather3A_368 = tpu.vector_load_idx %arg10[%add3A_180, %and3A_367] : memref<512x64xf32, #tpu.memory_space<vmem>>[vector<16xi32>, vector<16xi32>], vector<16xf32>,
        %gather3A_369 = tpu.vector_load_idx %arg9[%add3A_180, %and3A_367] : memref<512x64xf32, #tpu.memory_space<vmem>>[vector<16xi32>, vector<16xi32>], vector<16xf32>,
        %mul3A_370 = arith.mulf %gather3A_368, %gather3A_369 : vector<16xf32>
        %add3A_371 = arith.addf %add3A_359, %mul3A_370 : vector<16xf32>
        %mul3A_372 = arith.mulf %gather3A_368, %gather3A_368 : vector<16xf32>
        %add3A_373 = arith.addf %add3A_361, %mul3A_372 : vector<16xf32>
        %add3A_374 = arith.constant 16 : i32
        %add3A_375 = vector.broadcast %add3A_374 : i32 to vector<16xi32>
        %add3A_376 = arith.addi %iota3A, %add3A_375 : vector<16xi32>
        %and3A_377 = arith.constant 63 : i32
        %and3A_378 = vector.broadcast %and3A_377 : i32 to vector<16xi32>
        %and3A_379 = arith.andi %add3A_376, %and3A_378 : vector<16xi32>
        %gather3A_380 = tpu.vector_load_idx %arg10[%add3A_180, %and3A_379] : memref<512x64xf32, #tpu.memory_space<vmem>>[vector<16xi32>, vector<16xi32>], vector<16xf32>,
        %gather3A_381 = tpu.vector_load_idx %arg9[%add3A_180, %and3A_379] : memref<512x64xf32, #tpu.memory_space<vmem>>[vector<16xi32>, vector<16xi32>], vector<16xf32>,
        %mul3A_382 = arith.mulf %gather3A_380, %gather3A_381 : vector<16xf32>
        %add3A_383 = arith.addf %add3A_371, %mul3A_382 : vector<16xf32>
        %mul3A_384 = arith.mulf %gather3A_380, %gather3A_380 : vector<16xf32>
        %add3A_385 = arith.addf %add3A_373, %mul3A_384 : vector<16xf32>
        %add3A_386 = arith.constant 17 : i32
        %add3A_387 = vector.broadcast %add3A_386 : i32 to vector<16xi32>
        %add3A_388 = arith.addi %iota3A, %add3A_387 : vector<16xi32>
        %and3A_389 = arith.constant 63 : i32
        %and3A_390 = vector.broadcast %and3A_389 : i32 to vector<16xi32>
        %and3A_391 = arith.andi %add3A_388, %and3A_390 : vector<16xi32>
        %gather3A_392 = tpu.vector_load_idx %arg10[%add3A_180, %and3A_391] : memref<512x64xf32, #tpu.memory_space<vmem>>[vector<16xi32>, vector<16xi32>], vector<16xf32>,
        %gather3A_393 = tpu.vector_load_idx %arg9[%add3A_180, %and3A_391] : memref<512x64xf32, #tpu.memory_space<vmem>>[vector<16xi32>, vector<16xi32>], vector<16xf32>,
        %mul3A_394 = arith.mulf %gather3A_392, %gather3A_393 : vector<16xf32>
        %add3A_395 = arith.addf %add3A_383, %mul3A_394 : vector<16xf32>
        %mul3A_396 = arith.mulf %gather3A_392, %gather3A_392 : vector<16xf32>
        %add3A_397 = arith.addf %add3A_385, %mul3A_396 : vector<16xf32>
        %add3A_398 = arith.constant 18 : i32
        %add3A_399 = vector.broadcast %add3A_398 : i32 to vector<16xi32>
        %add3A_400 = arith.addi %iota3A, %add3A_399 : vector<16xi32>
        %and3A_401 = arith.constant 63 : i32
        %and3A_402 = vector.broadcast %and3A_401 : i32 to vector<16xi32>
        %and3A_403 = arith.andi %add3A_400, %and3A_402 : vector<16xi32>
        %gather3A_404 = tpu.vector_load_idx %arg10[%add3A_180, %and3A_403] : memref<512x64xf32, #tpu.memory_space<vmem>>[vector<16xi32>, vector<16xi32>], vector<16xf32>,
        %gather3A_405 = tpu.vector_load_idx %arg9[%add3A_180, %and3A_403] : memref<512x64xf32, #tpu.memory_space<vmem>>[vector<16xi32>, vector<16xi32>], vector<16xf32>,
        %mul3A_406 = arith.mulf %gather3A_404, %gather3A_405 : vector<16xf32>
        %add3A_407 = arith.addf %add3A_395, %mul3A_406 : vector<16xf32>
        %mul3A_408 = arith.mulf %gather3A_404, %gather3A_404 : vector<16xf32>
        %add3A_409 = arith.addf %add3A_397, %mul3A_408 : vector<16xf32>
        %add3A_410 = arith.constant 19 : i32
        %add3A_411 = vector.broadcast %add3A_410 : i32 to vector<16xi32>
        %add3A_412 = arith.addi %iota3A, %add3A_411 : vector<16xi32>
        %and3A_413 = arith.constant 63 : i32
        %and3A_414 = vector.broadcast %and3A_413 : i32 to vector<16xi32>
        %and3A_415 = arith.andi %add3A_412, %and3A_414 : vector<16xi32>
        %gather3A_416 = tpu.vector_load_idx %arg10[%add3A_180, %and3A_415] : memref<512x64xf32, #tpu.memory_space<vmem>>[vector<16xi32>, vector<16xi32>], vector<16xf32>,
        %gather3A_417 = tpu.vector_load_idx %arg9[%add3A_180, %and3A_415] : memref<512x64xf32, #tpu.memory_space<vmem>>[vector<16xi32>, vector<16xi32>], vector<16xf32>,
        %mul3A_418 = arith.mulf %gather3A_416, %gather3A_417 : vector<16xf32>
        %add3A_419 = arith.addf %add3A_407, %mul3A_418 : vector<16xf32>
        %mul3A_420 = arith.mulf %gather3A_416, %gather3A_416 : vector<16xf32>
        %add3A_421 = arith.addf %add3A_409, %mul3A_420 : vector<16xf32>
        %add3A_422 = arith.constant 20 : i32
        %add3A_423 = vector.broadcast %add3A_422 : i32 to vector<16xi32>
        %add3A_424 = arith.addi %iota3A, %add3A_423 : vector<16xi32>
        %and3A_425 = arith.constant 63 : i32
        %and3A_426 = vector.broadcast %and3A_425 : i32 to vector<16xi32>
        %and3A_427 = arith.andi %add3A_424, %and3A_426 : vector<16xi32>
        %gather3A_428 = tpu.vector_load_idx %arg10[%add3A_180, %and3A_427] : memref<512x64xf32, #tpu.memory_space<vmem>>[vector<16xi32>, vector<16xi32>], vector<16xf32>,
        %gather3A_429 = tpu.vector_load_idx %arg9[%add3A_180, %and3A_427] : memref<512x64xf32, #tpu.memory_space<vmem>>[vector<16xi32>, vector<16xi32>], vector<16xf32>,
        %mul3A_430 = arith.mulf %gather3A_428, %gather3A_429 : vector<16xf32>
        %add3A_431 = arith.addf %add3A_419, %mul3A_430 : vector<16xf32>
        %mul3A_432 = arith.mulf %gather3A_428, %gather3A_428 : vector<16xf32>
        %add3A_433 = arith.addf %add3A_421, %mul3A_432 : vector<16xf32>
        %add3A_434 = arith.constant 21 : i32
        %add3A_435 = vector.broadcast %add3A_434 : i32 to vector<16xi32>
        %add3A_436 = arith.addi %iota3A, %add3A_435 : vector<16xi32>
        %and3A_437 = arith.constant 63 : i32
        %and3A_438 = vector.broadcast %and3A_437 : i32 to vector<16xi32>
        %and3A_439 = arith.andi %add3A_436, %and3A_438 : vector<16xi32>
        %gather3A_440 = tpu.vector_load_idx %arg10[%add3A_180, %and3A_439] : memref<512x64xf32, #tpu.memory_space<vmem>>[vector<16xi32>, vector<16xi32>], vector<16xf32>,
        %gather3A_441 = tpu.vector_load_idx %arg9[%add3A_180, %and3A_439] : memref<512x64xf32, #tpu.memory_space<vmem>>[vector<16xi32>, vector<16xi32>], vector<16xf32>,
        %mul3A_442 = arith.mulf %gather3A_440, %gather3A_441 : vector<16xf32>
        %add3A_443 = arith.addf %add3A_431, %mul3A_442 : vector<16xf32>
        %mul3A_444 = arith.mulf %gather3A_440, %gather3A_440 : vector<16xf32>
        %add3A_445 = arith.addf %add3A_433, %mul3A_444 : vector<16xf32>
        %add3A_446 = arith.constant 22 : i32
        %add3A_447 = vector.broadcast %add3A_446 : i32 to vector<16xi32>
        %add3A_448 = arith.addi %iota3A, %add3A_447 : vector<16xi32>
        %and3A_449 = arith.constant 63 : i32
        %and3A_450 = vector.broadcast %and3A_449 : i32 to vector<16xi32>
        %and3A_451 = arith.andi %add3A_448, %and3A_450 : vector<16xi32>
        %gather3A_452 = tpu.vector_load_idx %arg10[%add3A_180, %and3A_451] : memref<512x64xf32, #tpu.memory_space<vmem>>[vector<16xi32>, vector<16xi32>], vector<16xf32>,
        %gather3A_453 = tpu.vector_load_idx %arg9[%add3A_180, %and3A_451] : memref<512x64xf32, #tpu.memory_space<vmem>>[vector<16xi32>, vector<16xi32>], vector<16xf32>,
        %mul3A_454 = arith.mulf %gather3A_452, %gather3A_453 : vector<16xf32>
        %add3A_455 = arith.addf %add3A_443, %mul3A_454 : vector<16xf32>
        %mul3A_456 = arith.mulf %gather3A_452, %gather3A_452 : vector<16xf32>
        %add3A_457 = arith.addf %add3A_445, %mul3A_456 : vector<16xf32>
        %add3A_458 = arith.constant 23 : i32
        %add3A_459 = vector.broadcast %add3A_458 : i32 to vector<16xi32>
        %add3A_460 = arith.addi %iota3A, %add3A_459 : vector<16xi32>
        %and3A_461 = arith.constant 63 : i32
        %and3A_462 = vector.broadcast %and3A_461 : i32 to vector<16xi32>
        %and3A_463 = arith.andi %add3A_460, %and3A_462 : vector<16xi32>
        %gather3A_464 = tpu.vector_load_idx %arg10[%add3A_180, %and3A_463] : memref<512x64xf32, #tpu.memory_space<vmem>>[vector<16xi32>, vector<16xi32>], vector<16xf32>,
        %gather3A_465 = tpu.vector_load_idx %arg9[%add3A_180, %and3A_463] : memref<512x64xf32, #tpu.memory_space<vmem>>[vector<16xi32>, vector<16xi32>], vector<16xf32>,
        %mul3A_466 = arith.mulf %gather3A_464, %gather3A_465 : vector<16xf32>
        %add3A_467 = arith.addf %add3A_455, %mul3A_466 : vector<16xf32>
        %mul3A_468 = arith.mulf %gather3A_464, %gather3A_464 : vector<16xf32>
        %add3A_469 = arith.addf %add3A_457, %mul3A_468 : vector<16xf32>
        %add3A_470 = arith.constant 24 : i32
        %add3A_471 = vector.broadcast %add3A_470 : i32 to vector<16xi32>
        %add3A_472 = arith.addi %iota3A, %add3A_471 : vector<16xi32>
        %and3A_473 = arith.constant 63 : i32
        %and3A_474 = vector.broadcast %and3A_473 : i32 to vector<16xi32>
        %and3A_475 = arith.andi %add3A_472, %and3A_474 : vector<16xi32>
        %gather3A_476 = tpu.vector_load_idx %arg10[%add3A_180, %and3A_475] : memref<512x64xf32, #tpu.memory_space<vmem>>[vector<16xi32>, vector<16xi32>], vector<16xf32>,
        %gather3A_477 = tpu.vector_load_idx %arg9[%add3A_180, %and3A_475] : memref<512x64xf32, #tpu.memory_space<vmem>>[vector<16xi32>, vector<16xi32>], vector<16xf32>,
        %mul3A_478 = arith.mulf %gather3A_476, %gather3A_477 : vector<16xf32>
        %add3A_479 = arith.addf %add3A_467, %mul3A_478 : vector<16xf32>
        %mul3A_480 = arith.mulf %gather3A_476, %gather3A_476 : vector<16xf32>
        %add3A_481 = arith.addf %add3A_469, %mul3A_480 : vector<16xf32>
        %add3A_482 = arith.constant 25 : i32
        %add3A_483 = vector.broadcast %add3A_482 : i32 to vector<16xi32>
        %add3A_484 = arith.addi %iota3A, %add3A_483 : vector<16xi32>
        %and3A_485 = arith.constant 63 : i32
        %and3A_486 = vector.broadcast %and3A_485 : i32 to vector<16xi32>
        %and3A_487 = arith.andi %add3A_484, %and3A_486 : vector<16xi32>
        %gather3A_488 = tpu.vector_load_idx %arg10[%add3A_180, %and3A_487] : memref<512x64xf32, #tpu.memory_space<vmem>>[vector<16xi32>, vector<16xi32>], vector<16xf32>,
        %gather3A_489 = tpu.vector_load_idx %arg9[%add3A_180, %and3A_487] : memref<512x64xf32, #tpu.memory_space<vmem>>[vector<16xi32>, vector<16xi32>], vector<16xf32>,
        %mul3A_490 = arith.mulf %gather3A_488, %gather3A_489 : vector<16xf32>
        %add3A_491 = arith.addf %add3A_479, %mul3A_490 : vector<16xf32>
        %mul3A_492 = arith.mulf %gather3A_488, %gather3A_488 : vector<16xf32>
        %add3A_493 = arith.addf %add3A_481, %mul3A_492 : vector<16xf32>
        %add3A_494 = arith.constant 26 : i32
        %add3A_495 = vector.broadcast %add3A_494 : i32 to vector<16xi32>
        %add3A_496 = arith.addi %iota3A, %add3A_495 : vector<16xi32>
        %and3A_497 = arith.constant 63 : i32
        %and3A_498 = vector.broadcast %and3A_497 : i32 to vector<16xi32>
        %and3A_499 = arith.andi %add3A_496, %and3A_498 : vector<16xi32>
        %gather3A_500 = tpu.vector_load_idx %arg10[%add3A_180, %and3A_499] : memref<512x64xf32, #tpu.memory_space<vmem>>[vector<16xi32>, vector<16xi32>], vector<16xf32>,
        %gather3A_501 = tpu.vector_load_idx %arg9[%add3A_180, %and3A_499] : memref<512x64xf32, #tpu.memory_space<vmem>>[vector<16xi32>, vector<16xi32>], vector<16xf32>,
        %mul3A_502 = arith.mulf %gather3A_500, %gather3A_501 : vector<16xf32>
        %add3A_503 = arith.addf %add3A_491, %mul3A_502 : vector<16xf32>
        %mul3A_504 = arith.mulf %gather3A_500, %gather3A_500 : vector<16xf32>
        %add3A_505 = arith.addf %add3A_493, %mul3A_504 : vector<16xf32>
        %add3A_506 = arith.constant 27 : i32
        %add3A_507 = vector.broadcast %add3A_506 : i32 to vector<16xi32>
        %add3A_508 = arith.addi %iota3A, %add3A_507 : vector<16xi32>
        %and3A_509 = arith.constant 63 : i32
        %and3A_510 = vector.broadcast %and3A_509 : i32 to vector<16xi32>
        %and3A_511 = arith.andi %add3A_508, %and3A_510 : vector<16xi32>
        %gather3A_512 = tpu.vector_load_idx %arg10[%add3A_180, %and3A_511] : memref<512x64xf32, #tpu.memory_space<vmem>>[vector<16xi32>, vector<16xi32>], vector<16xf32>,
        %gather3A_513 = tpu.vector_load_idx %arg9[%add3A_180, %and3A_511] : memref<512x64xf32, #tpu.memory_space<vmem>>[vector<16xi32>, vector<16xi32>], vector<16xf32>,
        %mul3A_514 = arith.mulf %gather3A_512, %gather3A_513 : vector<16xf32>
        %add3A_515 = arith.addf %add3A_503, %mul3A_514 : vector<16xf32>
        %mul3A_516 = arith.mulf %gather3A_512, %gather3A_512 : vector<16xf32>
        %add3A_517 = arith.addf %add3A_505, %mul3A_516 : vector<16xf32>
        %add3A_518 = arith.constant 28 : i32
        %add3A_519 = vector.broadcast %add3A_518 : i32 to vector<16xi32>
        %add3A_520 = arith.addi %iota3A, %add3A_519 : vector<16xi32>
        %and3A_521 = arith.constant 63 : i32
        %and3A_522 = vector.broadcast %and3A_521 : i32 to vector<16xi32>
        %and3A_523 = arith.andi %add3A_520, %and3A_522 : vector<16xi32>
        %gather3A_524 = tpu.vector_load_idx %arg10[%add3A_180, %and3A_523] : memref<512x64xf32, #tpu.memory_space<vmem>>[vector<16xi32>, vector<16xi32>], vector<16xf32>,
        %gather3A_525 = tpu.vector_load_idx %arg9[%add3A_180, %and3A_523] : memref<512x64xf32, #tpu.memory_space<vmem>>[vector<16xi32>, vector<16xi32>], vector<16xf32>,
        %mul3A_526 = arith.mulf %gather3A_524, %gather3A_525 : vector<16xf32>
        %add3A_527 = arith.addf %add3A_515, %mul3A_526 : vector<16xf32>
        %mul3A_528 = arith.mulf %gather3A_524, %gather3A_524 : vector<16xf32>
        %add3A_529 = arith.addf %add3A_517, %mul3A_528 : vector<16xf32>
        %add3A_530 = arith.constant 29 : i32
        %add3A_531 = vector.broadcast %add3A_530 : i32 to vector<16xi32>
        %add3A_532 = arith.addi %iota3A, %add3A_531 : vector<16xi32>
        %and3A_533 = arith.constant 63 : i32
        %and3A_534 = vector.broadcast %and3A_533 : i32 to vector<16xi32>
        %and3A_535 = arith.andi %add3A_532, %and3A_534 : vector<16xi32>
        %gather3A_536 = tpu.vector_load_idx %arg10[%add3A_180, %and3A_535] : memref<512x64xf32, #tpu.memory_space<vmem>>[vector<16xi32>, vector<16xi32>], vector<16xf32>,
        %gather3A_537 = tpu.vector_load_idx %arg9[%add3A_180, %and3A_535] : memref<512x64xf32, #tpu.memory_space<vmem>>[vector<16xi32>, vector<16xi32>], vector<16xf32>,
        %mul3A_538 = arith.mulf %gather3A_536, %gather3A_537 : vector<16xf32>
        %add3A_539 = arith.addf %add3A_527, %mul3A_538 : vector<16xf32>
        %mul3A_540 = arith.mulf %gather3A_536, %gather3A_536 : vector<16xf32>
        %add3A_541 = arith.addf %add3A_529, %mul3A_540 : vector<16xf32>
        %add3A_542 = arith.constant 30 : i32
        %add3A_543 = vector.broadcast %add3A_542 : i32 to vector<16xi32>
        %add3A_544 = arith.addi %iota3A, %add3A_543 : vector<16xi32>
        %and3A_545 = arith.constant 63 : i32
        %and3A_546 = vector.broadcast %and3A_545 : i32 to vector<16xi32>
        %and3A_547 = arith.andi %add3A_544, %and3A_546 : vector<16xi32>
        %gather3A_548 = tpu.vector_load_idx %arg10[%add3A_180, %and3A_547] : memref<512x64xf32, #tpu.memory_space<vmem>>[vector<16xi32>, vector<16xi32>], vector<16xf32>,
        %gather3A_549 = tpu.vector_load_idx %arg9[%add3A_180, %and3A_547] : memref<512x64xf32, #tpu.memory_space<vmem>>[vector<16xi32>, vector<16xi32>], vector<16xf32>,
        %mul3A_550 = arith.mulf %gather3A_548, %gather3A_549 : vector<16xf32>
        %add3A_551 = arith.addf %add3A_539, %mul3A_550 : vector<16xf32>
        %mul3A_552 = arith.mulf %gather3A_548, %gather3A_548 : vector<16xf32>
        %add3A_553 = arith.addf %add3A_541, %mul3A_552 : vector<16xf32>
        %add3A_554 = arith.constant 31 : i32
        %add3A_555 = vector.broadcast %add3A_554 : i32 to vector<16xi32>
        %add3A_556 = arith.addi %iota3A, %add3A_555 : vector<16xi32>
        %and3A_557 = arith.constant 63 : i32
        %and3A_558 = vector.broadcast %and3A_557 : i32 to vector<16xi32>
        %and3A_559 = arith.andi %add3A_556, %and3A_558 : vector<16xi32>
        %gather3A_560 = tpu.vector_load_idx %arg10[%add3A_180, %and3A_559] : memref<512x64xf32, #tpu.memory_space<vmem>>[vector<16xi32>, vector<16xi32>], vector<16xf32>,
        %gather3A_561 = tpu.vector_load_idx %arg9[%add3A_180, %and3A_559] : memref<512x64xf32, #tpu.memory_space<vmem>>[vector<16xi32>, vector<16xi32>], vector<16xf32>,
        %mul3A_562 = arith.mulf %gather3A_560, %gather3A_561 : vector<16xf32>
        %add3A_563 = arith.addf %add3A_551, %mul3A_562 : vector<16xf32>
        %mul3A_564 = arith.mulf %gather3A_560, %gather3A_560 : vector<16xf32>
        %add3A_565 = arith.addf %add3A_553, %mul3A_564 : vector<16xf32>
        %add3A_566 = arith.constant 32 : i32
        %add3A_567 = vector.broadcast %add3A_566 : i32 to vector<16xi32>
        %add3A_568 = arith.addi %iota3A, %add3A_567 : vector<16xi32>
        %and3A_569 = arith.constant 63 : i32
        %and3A_570 = vector.broadcast %and3A_569 : i32 to vector<16xi32>
        %and3A_571 = arith.andi %add3A_568, %and3A_570 : vector<16xi32>
        %gather3A_572 = tpu.vector_load_idx %arg10[%add3A_180, %and3A_571] : memref<512x64xf32, #tpu.memory_space<vmem>>[vector<16xi32>, vector<16xi32>], vector<16xf32>,
        %gather3A_573 = tpu.vector_load_idx %arg9[%add3A_180, %and3A_571] : memref<512x64xf32, #tpu.memory_space<vmem>>[vector<16xi32>, vector<16xi32>], vector<16xf32>,
        %mul3A_574 = arith.mulf %gather3A_572, %gather3A_573 : vector<16xf32>
        %add3A_575 = arith.addf %add3A_563, %mul3A_574 : vector<16xf32>
        %mul3A_576 = arith.mulf %gather3A_572, %gather3A_572 : vector<16xf32>
        %add3A_577 = arith.addf %add3A_565, %mul3A_576 : vector<16xf32>
        %add3A_578 = arith.constant 33 : i32
        %add3A_579 = vector.broadcast %add3A_578 : i32 to vector<16xi32>
        %add3A_580 = arith.addi %iota3A, %add3A_579 : vector<16xi32>
        %and3A_581 = arith.constant 63 : i32
        %and3A_582 = vector.broadcast %and3A_581 : i32 to vector<16xi32>
        %and3A_583 = arith.andi %add3A_580, %and3A_582 : vector<16xi32>
        %gather3A_584 = tpu.vector_load_idx %arg10[%add3A_180, %and3A_583] : memref<512x64xf32, #tpu.memory_space<vmem>>[vector<16xi32>, vector<16xi32>], vector<16xf32>,
        %gather3A_585 = tpu.vector_load_idx %arg9[%add3A_180, %and3A_583] : memref<512x64xf32, #tpu.memory_space<vmem>>[vector<16xi32>, vector<16xi32>], vector<16xf32>,
        %mul3A_586 = arith.mulf %gather3A_584, %gather3A_585 : vector<16xf32>
        %add3A_587 = arith.addf %add3A_575, %mul3A_586 : vector<16xf32>
        %mul3A_588 = arith.mulf %gather3A_584, %gather3A_584 : vector<16xf32>
        %add3A_589 = arith.addf %add3A_577, %mul3A_588 : vector<16xf32>
        %add3A_590 = arith.constant 34 : i32
        %add3A_591 = vector.broadcast %add3A_590 : i32 to vector<16xi32>
        %add3A_592 = arith.addi %iota3A, %add3A_591 : vector<16xi32>
        %and3A_593 = arith.constant 63 : i32
        %and3A_594 = vector.broadcast %and3A_593 : i32 to vector<16xi32>
        %and3A_595 = arith.andi %add3A_592, %and3A_594 : vector<16xi32>
        %gather3A_596 = tpu.vector_load_idx %arg10[%add3A_180, %and3A_595] : memref<512x64xf32, #tpu.memory_space<vmem>>[vector<16xi32>, vector<16xi32>], vector<16xf32>,
        %gather3A_597 = tpu.vector_load_idx %arg9[%add3A_180, %and3A_595] : memref<512x64xf32, #tpu.memory_space<vmem>>[vector<16xi32>, vector<16xi32>], vector<16xf32>,
        %mul3A_598 = arith.mulf %gather3A_596, %gather3A_597 : vector<16xf32>
        %add3A_599 = arith.addf %add3A_587, %mul3A_598 : vector<16xf32>
        %mul3A_600 = arith.mulf %gather3A_596, %gather3A_596 : vector<16xf32>
        %add3A_601 = arith.addf %add3A_589, %mul3A_600 : vector<16xf32>
        %add3A_602 = arith.constant 35 : i32
        %add3A_603 = vector.broadcast %add3A_602 : i32 to vector<16xi32>
        %add3A_604 = arith.addi %iota3A, %add3A_603 : vector<16xi32>
        %and3A_605 = arith.constant 63 : i32
        %and3A_606 = vector.broadcast %and3A_605 : i32 to vector<16xi32>
        %and3A_607 = arith.andi %add3A_604, %and3A_606 : vector<16xi32>
        %gather3A_608 = tpu.vector_load_idx %arg10[%add3A_180, %and3A_607] : memref<512x64xf32, #tpu.memory_space<vmem>>[vector<16xi32>, vector<16xi32>], vector<16xf32>,
        %gather3A_609 = tpu.vector_load_idx %arg9[%add3A_180, %and3A_607] : memref<512x64xf32, #tpu.memory_space<vmem>>[vector<16xi32>, vector<16xi32>], vector<16xf32>,
        %mul3A_610 = arith.mulf %gather3A_608, %gather3A_609 : vector<16xf32>
        %add3A_611 = arith.addf %add3A_599, %mul3A_610 : vector<16xf32>
        %mul3A_612 = arith.mulf %gather3A_608, %gather3A_608 : vector<16xf32>
        %add3A_613 = arith.addf %add3A_601, %mul3A_612 : vector<16xf32>
        %add3A_614 = arith.constant 36 : i32
        %add3A_615 = vector.broadcast %add3A_614 : i32 to vector<16xi32>
        %add3A_616 = arith.addi %iota3A, %add3A_615 : vector<16xi32>
        %and3A_617 = arith.constant 63 : i32
        %and3A_618 = vector.broadcast %and3A_617 : i32 to vector<16xi32>
        %and3A_619 = arith.andi %add3A_616, %and3A_618 : vector<16xi32>
        %gather3A_620 = tpu.vector_load_idx %arg10[%add3A_180, %and3A_619] : memref<512x64xf32, #tpu.memory_space<vmem>>[vector<16xi32>, vector<16xi32>], vector<16xf32>,
        %gather3A_621 = tpu.vector_load_idx %arg9[%add3A_180, %and3A_619] : memref<512x64xf32, #tpu.memory_space<vmem>>[vector<16xi32>, vector<16xi32>], vector<16xf32>,
        %mul3A_622 = arith.mulf %gather3A_620, %gather3A_621 : vector<16xf32>
        %add3A_623 = arith.addf %add3A_611, %mul3A_622 : vector<16xf32>
        %mul3A_624 = arith.mulf %gather3A_620, %gather3A_620 : vector<16xf32>
        %add3A_625 = arith.addf %add3A_613, %mul3A_624 : vector<16xf32>
        %add3A_626 = arith.constant 37 : i32
        %add3A_627 = vector.broadcast %add3A_626 : i32 to vector<16xi32>
        %add3A_628 = arith.addi %iota3A, %add3A_627 : vector<16xi32>
        %and3A_629 = arith.constant 63 : i32
        %and3A_630 = vector.broadcast %and3A_629 : i32 to vector<16xi32>
        %and3A_631 = arith.andi %add3A_628, %and3A_630 : vector<16xi32>
        %gather3A_632 = tpu.vector_load_idx %arg10[%add3A_180, %and3A_631] : memref<512x64xf32, #tpu.memory_space<vmem>>[vector<16xi32>, vector<16xi32>], vector<16xf32>,
        %gather3A_633 = tpu.vector_load_idx %arg9[%add3A_180, %and3A_631] : memref<512x64xf32, #tpu.memory_space<vmem>>[vector<16xi32>, vector<16xi32>], vector<16xf32>,
        %mul3A_634 = arith.mulf %gather3A_632, %gather3A_633 : vector<16xf32>
        %add3A_635 = arith.addf %add3A_623, %mul3A_634 : vector<16xf32>
        %mul3A_636 = arith.mulf %gather3A_632, %gather3A_632 : vector<16xf32>
        %add3A_637 = arith.addf %add3A_625, %mul3A_636 : vector<16xf32>
        %add3A_638 = arith.constant 38 : i32
        %add3A_639 = vector.broadcast %add3A_638 : i32 to vector<16xi32>
        %add3A_640 = arith.addi %iota3A, %add3A_639 : vector<16xi32>
        %and3A_641 = arith.constant 63 : i32
        %and3A_642 = vector.broadcast %and3A_641 : i32 to vector<16xi32>
        %and3A_643 = arith.andi %add3A_640, %and3A_642 : vector<16xi32>
        %gather3A_644 = tpu.vector_load_idx %arg10[%add3A_180, %and3A_643] : memref<512x64xf32, #tpu.memory_space<vmem>>[vector<16xi32>, vector<16xi32>], vector<16xf32>,
        %gather3A_645 = tpu.vector_load_idx %arg9[%add3A_180, %and3A_643] : memref<512x64xf32, #tpu.memory_space<vmem>>[vector<16xi32>, vector<16xi32>], vector<16xf32>,
        %mul3A_646 = arith.mulf %gather3A_644, %gather3A_645 : vector<16xf32>
        %add3A_647 = arith.addf %add3A_635, %mul3A_646 : vector<16xf32>
        %mul3A_648 = arith.mulf %gather3A_644, %gather3A_644 : vector<16xf32>
        %add3A_649 = arith.addf %add3A_637, %mul3A_648 : vector<16xf32>
        %add3A_650 = arith.constant 39 : i32
        %add3A_651 = vector.broadcast %add3A_650 : i32 to vector<16xi32>
        %add3A_652 = arith.addi %iota3A, %add3A_651 : vector<16xi32>
        %and3A_653 = arith.constant 63 : i32
        %and3A_654 = vector.broadcast %and3A_653 : i32 to vector<16xi32>
        %and3A_655 = arith.andi %add3A_652, %and3A_654 : vector<16xi32>
        %gather3A_656 = tpu.vector_load_idx %arg10[%add3A_180, %and3A_655] : memref<512x64xf32, #tpu.memory_space<vmem>>[vector<16xi32>, vector<16xi32>], vector<16xf32>,
        %gather3A_657 = tpu.vector_load_idx %arg9[%add3A_180, %and3A_655] : memref<512x64xf32, #tpu.memory_space<vmem>>[vector<16xi32>, vector<16xi32>], vector<16xf32>,
        %mul3A_658 = arith.mulf %gather3A_656, %gather3A_657 : vector<16xf32>
        %add3A_659 = arith.addf %add3A_647, %mul3A_658 : vector<16xf32>
        %mul3A_660 = arith.mulf %gather3A_656, %gather3A_656 : vector<16xf32>
        %add3A_661 = arith.addf %add3A_649, %mul3A_660 : vector<16xf32>
        %add3A_662 = arith.constant 40 : i32
        %add3A_663 = vector.broadcast %add3A_662 : i32 to vector<16xi32>
        %add3A_664 = arith.addi %iota3A, %add3A_663 : vector<16xi32>
        %and3A_665 = arith.constant 63 : i32
        %and3A_666 = vector.broadcast %and3A_665 : i32 to vector<16xi32>
        %and3A_667 = arith.andi %add3A_664, %and3A_666 : vector<16xi32>
        %gather3A_668 = tpu.vector_load_idx %arg10[%add3A_180, %and3A_667] : memref<512x64xf32, #tpu.memory_space<vmem>>[vector<16xi32>, vector<16xi32>], vector<16xf32>,
        %gather3A_669 = tpu.vector_load_idx %arg9[%add3A_180, %and3A_667] : memref<512x64xf32, #tpu.memory_space<vmem>>[vector<16xi32>, vector<16xi32>], vector<16xf32>,
        %mul3A_670 = arith.mulf %gather3A_668, %gather3A_669 : vector<16xf32>
        %add3A_671 = arith.addf %add3A_659, %mul3A_670 : vector<16xf32>
        %mul3A_672 = arith.mulf %gather3A_668, %gather3A_668 : vector<16xf32>
        %add3A_673 = arith.addf %add3A_661, %mul3A_672 : vector<16xf32>
        %add3A_674 = arith.constant 41 : i32
        %add3A_675 = vector.broadcast %add3A_674 : i32 to vector<16xi32>
        %add3A_676 = arith.addi %iota3A, %add3A_675 : vector<16xi32>
        %and3A_677 = arith.constant 63 : i32
        %and3A_678 = vector.broadcast %and3A_677 : i32 to vector<16xi32>
        %and3A_679 = arith.andi %add3A_676, %and3A_678 : vector<16xi32>
        %gather3A_680 = tpu.vector_load_idx %arg10[%add3A_180, %and3A_679] : memref<512x64xf32, #tpu.memory_space<vmem>>[vector<16xi32>, vector<16xi32>], vector<16xf32>,
        %gather3A_681 = tpu.vector_load_idx %arg9[%add3A_180, %and3A_679] : memref<512x64xf32, #tpu.memory_space<vmem>>[vector<16xi32>, vector<16xi32>], vector<16xf32>,
        %mul3A_682 = arith.mulf %gather3A_680, %gather3A_681 : vector<16xf32>
        %add3A_683 = arith.addf %add3A_671, %mul3A_682 : vector<16xf32>
        %mul3A_684 = arith.mulf %gather3A_680, %gather3A_680 : vector<16xf32>
        %add3A_685 = arith.addf %add3A_673, %mul3A_684 : vector<16xf32>
        %add3A_686 = arith.constant 42 : i32
        %add3A_687 = vector.broadcast %add3A_686 : i32 to vector<16xi32>
        %add3A_688 = arith.addi %iota3A, %add3A_687 : vector<16xi32>
        %and3A_689 = arith.constant 63 : i32
        %and3A_690 = vector.broadcast %and3A_689 : i32 to vector<16xi32>
        %and3A_691 = arith.andi %add3A_688, %and3A_690 : vector<16xi32>
        %gather3A_692 = tpu.vector_load_idx %arg10[%add3A_180, %and3A_691] : memref<512x64xf32, #tpu.memory_space<vmem>>[vector<16xi32>, vector<16xi32>], vector<16xf32>,
        %gather3A_693 = tpu.vector_load_idx %arg9[%add3A_180, %and3A_691] : memref<512x64xf32, #tpu.memory_space<vmem>>[vector<16xi32>, vector<16xi32>], vector<16xf32>,
        %mul3A_694 = arith.mulf %gather3A_692, %gather3A_693 : vector<16xf32>
        %add3A_695 = arith.addf %add3A_683, %mul3A_694 : vector<16xf32>
        %mul3A_696 = arith.mulf %gather3A_692, %gather3A_692 : vector<16xf32>
        %add3A_697 = arith.addf %add3A_685, %mul3A_696 : vector<16xf32>
        %add3A_698 = arith.constant 43 : i32
        %add3A_699 = vector.broadcast %add3A_698 : i32 to vector<16xi32>
        %add3A_700 = arith.addi %iota3A, %add3A_699 : vector<16xi32>
        %and3A_701 = arith.constant 63 : i32
        %and3A_702 = vector.broadcast %and3A_701 : i32 to vector<16xi32>
        %and3A_703 = arith.andi %add3A_700, %and3A_702 : vector<16xi32>
        %gather3A_704 = tpu.vector_load_idx %arg10[%add3A_180, %and3A_703] : memref<512x64xf32, #tpu.memory_space<vmem>>[vector<16xi32>, vector<16xi32>], vector<16xf32>,
        %gather3A_705 = tpu.vector_load_idx %arg9[%add3A_180, %and3A_703] : memref<512x64xf32, #tpu.memory_space<vmem>>[vector<16xi32>, vector<16xi32>], vector<16xf32>,
        %mul3A_706 = arith.mulf %gather3A_704, %gather3A_705 : vector<16xf32>
        %add3A_707 = arith.addf %add3A_695, %mul3A_706 : vector<16xf32>
        %mul3A_708 = arith.mulf %gather3A_704, %gather3A_704 : vector<16xf32>
        %add3A_709 = arith.addf %add3A_697, %mul3A_708 : vector<16xf32>
        %add3A_710 = arith.constant 44 : i32
        %add3A_711 = vector.broadcast %add3A_710 : i32 to vector<16xi32>
        %add3A_712 = arith.addi %iota3A, %add3A_711 : vector<16xi32>
        %and3A_713 = arith.constant 63 : i32
        %and3A_714 = vector.broadcast %and3A_713 : i32 to vector<16xi32>
        %and3A_715 = arith.andi %add3A_712, %and3A_714 : vector<16xi32>
        %gather3A_716 = tpu.vector_load_idx %arg10[%add3A_180, %and3A_715] : memref<512x64xf32, #tpu.memory_space<vmem>>[vector<16xi32>, vector<16xi32>], vector<16xf32>,
        %gather3A_717 = tpu.vector_load_idx %arg9[%add3A_180, %and3A_715] : memref<512x64xf32, #tpu.memory_space<vmem>>[vector<16xi32>, vector<16xi32>], vector<16xf32>,
        %mul3A_718 = arith.mulf %gather3A_716, %gather3A_717 : vector<16xf32>
        %add3A_719 = arith.addf %add3A_707, %mul3A_718 : vector<16xf32>
        %mul3A_720 = arith.mulf %gather3A_716, %gather3A_716 : vector<16xf32>
        %add3A_721 = arith.addf %add3A_709, %mul3A_720 : vector<16xf32>
        %add3A_722 = arith.constant 45 : i32
        %add3A_723 = vector.broadcast %add3A_722 : i32 to vector<16xi32>
        %add3A_724 = arith.addi %iota3A, %add3A_723 : vector<16xi32>
        %and3A_725 = arith.constant 63 : i32
        %and3A_726 = vector.broadcast %and3A_725 : i32 to vector<16xi32>
        %and3A_727 = arith.andi %add3A_724, %and3A_726 : vector<16xi32>
        %gather3A_728 = tpu.vector_load_idx %arg10[%add3A_180, %and3A_727] : memref<512x64xf32, #tpu.memory_space<vmem>>[vector<16xi32>, vector<16xi32>], vector<16xf32>,
        %gather3A_729 = tpu.vector_load_idx %arg9[%add3A_180, %and3A_727] : memref<512x64xf32, #tpu.memory_space<vmem>>[vector<16xi32>, vector<16xi32>], vector<16xf32>,
        %mul3A_730 = arith.mulf %gather3A_728, %gather3A_729 : vector<16xf32>
        %add3A_731 = arith.addf %add3A_719, %mul3A_730 : vector<16xf32>
        %mul3A_732 = arith.mulf %gather3A_728, %gather3A_728 : vector<16xf32>
        %add3A_733 = arith.addf %add3A_721, %mul3A_732 : vector<16xf32>
        %add3A_734 = arith.constant 46 : i32
        %add3A_735 = vector.broadcast %add3A_734 : i32 to vector<16xi32>
        %add3A_736 = arith.addi %iota3A, %add3A_735 : vector<16xi32>
        %and3A_737 = arith.constant 63 : i32
        %and3A_738 = vector.broadcast %and3A_737 : i32 to vector<16xi32>
        %and3A_739 = arith.andi %add3A_736, %and3A_738 : vector<16xi32>
        %gather3A_740 = tpu.vector_load_idx %arg10[%add3A_180, %and3A_739] : memref<512x64xf32, #tpu.memory_space<vmem>>[vector<16xi32>, vector<16xi32>], vector<16xf32>,
        %gather3A_741 = tpu.vector_load_idx %arg9[%add3A_180, %and3A_739] : memref<512x64xf32, #tpu.memory_space<vmem>>[vector<16xi32>, vector<16xi32>], vector<16xf32>,
        %mul3A_742 = arith.mulf %gather3A_740, %gather3A_741 : vector<16xf32>
        %add3A_743 = arith.addf %add3A_731, %mul3A_742 : vector<16xf32>
        %mul3A_744 = arith.mulf %gather3A_740, %gather3A_740 : vector<16xf32>
        %add3A_745 = arith.addf %add3A_733, %mul3A_744 : vector<16xf32>
        %add3A_746 = arith.constant 47 : i32
        %add3A_747 = vector.broadcast %add3A_746 : i32 to vector<16xi32>
        %add3A_748 = arith.addi %iota3A, %add3A_747 : vector<16xi32>
        %and3A_749 = arith.constant 63 : i32
        %and3A_750 = vector.broadcast %and3A_749 : i32 to vector<16xi32>
        %and3A_751 = arith.andi %add3A_748, %and3A_750 : vector<16xi32>
        %gather3A_752 = tpu.vector_load_idx %arg10[%add3A_180, %and3A_751] : memref<512x64xf32, #tpu.memory_space<vmem>>[vector<16xi32>, vector<16xi32>], vector<16xf32>,
        %gather3A_753 = tpu.vector_load_idx %arg9[%add3A_180, %and3A_751] : memref<512x64xf32, #tpu.memory_space<vmem>>[vector<16xi32>, vector<16xi32>], vector<16xf32>,
        %mul3A_754 = arith.mulf %gather3A_752, %gather3A_753 : vector<16xf32>
        %add3A_755 = arith.addf %add3A_743, %mul3A_754 : vector<16xf32>
        %mul3A_756 = arith.mulf %gather3A_752, %gather3A_752 : vector<16xf32>
        %add3A_757 = arith.addf %add3A_745, %mul3A_756 : vector<16xf32>
        %add3A_758 = arith.constant 48 : i32
        %add3A_759 = vector.broadcast %add3A_758 : i32 to vector<16xi32>
        %add3A_760 = arith.addi %iota3A, %add3A_759 : vector<16xi32>
        %and3A_761 = arith.constant 63 : i32
        %and3A_762 = vector.broadcast %and3A_761 : i32 to vector<16xi32>
        %and3A_763 = arith.andi %add3A_760, %and3A_762 : vector<16xi32>
        %gather3A_764 = tpu.vector_load_idx %arg10[%add3A_180, %and3A_763] : memref<512x64xf32, #tpu.memory_space<vmem>>[vector<16xi32>, vector<16xi32>], vector<16xf32>,
        %gather3A_765 = tpu.vector_load_idx %arg9[%add3A_180, %and3A_763] : memref<512x64xf32, #tpu.memory_space<vmem>>[vector<16xi32>, vector<16xi32>], vector<16xf32>,
        %mul3A_766 = arith.mulf %gather3A_764, %gather3A_765 : vector<16xf32>
        %add3A_767 = arith.addf %add3A_755, %mul3A_766 : vector<16xf32>
        %mul3A_768 = arith.mulf %gather3A_764, %gather3A_764 : vector<16xf32>
        %add3A_769 = arith.addf %add3A_757, %mul3A_768 : vector<16xf32>
        %add3A_770 = arith.constant 49 : i32
        %add3A_771 = vector.broadcast %add3A_770 : i32 to vector<16xi32>
        %add3A_772 = arith.addi %iota3A, %add3A_771 : vector<16xi32>
        %and3A_773 = arith.constant 63 : i32
        %and3A_774 = vector.broadcast %and3A_773 : i32 to vector<16xi32>
        %and3A_775 = arith.andi %add3A_772, %and3A_774 : vector<16xi32>
        %gather3A_776 = tpu.vector_load_idx %arg10[%add3A_180, %and3A_775] : memref<512x64xf32, #tpu.memory_space<vmem>>[vector<16xi32>, vector<16xi32>], vector<16xf32>,
        %gather3A_777 = tpu.vector_load_idx %arg9[%add3A_180, %and3A_775] : memref<512x64xf32, #tpu.memory_space<vmem>>[vector<16xi32>, vector<16xi32>], vector<16xf32>,
        %mul3A_778 = arith.mulf %gather3A_776, %gather3A_777 : vector<16xf32>
        %add3A_779 = arith.addf %add3A_767, %mul3A_778 : vector<16xf32>
        %mul3A_780 = arith.mulf %gather3A_776, %gather3A_776 : vector<16xf32>
        %add3A_781 = arith.addf %add3A_769, %mul3A_780 : vector<16xf32>
        %add3A_782 = arith.constant 50 : i32
        %add3A_783 = vector.broadcast %add3A_782 : i32 to vector<16xi32>
        %add3A_784 = arith.addi %iota3A, %add3A_783 : vector<16xi32>
        %and3A_785 = arith.constant 63 : i32
        %and3A_786 = vector.broadcast %and3A_785 : i32 to vector<16xi32>
        %and3A_787 = arith.andi %add3A_784, %and3A_786 : vector<16xi32>
        %gather3A_788 = tpu.vector_load_idx %arg10[%add3A_180, %and3A_787] : memref<512x64xf32, #tpu.memory_space<vmem>>[vector<16xi32>, vector<16xi32>], vector<16xf32>,
        %gather3A_789 = tpu.vector_load_idx %arg9[%add3A_180, %and3A_787] : memref<512x64xf32, #tpu.memory_space<vmem>>[vector<16xi32>, vector<16xi32>], vector<16xf32>,
        %mul3A_790 = arith.mulf %gather3A_788, %gather3A_789 : vector<16xf32>
        %add3A_791 = arith.addf %add3A_779, %mul3A_790 : vector<16xf32>
        %mul3A_792 = arith.mulf %gather3A_788, %gather3A_788 : vector<16xf32>
        %add3A_793 = arith.addf %add3A_781, %mul3A_792 : vector<16xf32>
        %add3A_794 = arith.constant 51 : i32
        %add3A_795 = vector.broadcast %add3A_794 : i32 to vector<16xi32>
        %add3A_796 = arith.addi %iota3A, %add3A_795 : vector<16xi32>
        %and3A_797 = arith.constant 63 : i32
        %and3A_798 = vector.broadcast %and3A_797 : i32 to vector<16xi32>
        %and3A_799 = arith.andi %add3A_796, %and3A_798 : vector<16xi32>
        %gather3A_800 = tpu.vector_load_idx %arg10[%add3A_180, %and3A_799] : memref<512x64xf32, #tpu.memory_space<vmem>>[vector<16xi32>, vector<16xi32>], vector<16xf32>,
        %gather3A_801 = tpu.vector_load_idx %arg9[%add3A_180, %and3A_799] : memref<512x64xf32, #tpu.memory_space<vmem>>[vector<16xi32>, vector<16xi32>], vector<16xf32>,
        %mul3A_802 = arith.mulf %gather3A_800, %gather3A_801 : vector<16xf32>
        %add3A_803 = arith.addf %add3A_791, %mul3A_802 : vector<16xf32>
        %mul3A_804 = arith.mulf %gather3A_800, %gather3A_800 : vector<16xf32>
        %add3A_805 = arith.addf %add3A_793, %mul3A_804 : vector<16xf32>
        %add3A_806 = arith.constant 52 : i32
        %add3A_807 = vector.broadcast %add3A_806 : i32 to vector<16xi32>
        %add3A_808 = arith.addi %iota3A, %add3A_807 : vector<16xi32>
        %and3A_809 = arith.constant 63 : i32
        %and3A_810 = vector.broadcast %and3A_809 : i32 to vector<16xi32>
        %and3A_811 = arith.andi %add3A_808, %and3A_810 : vector<16xi32>
        %gather3A_812 = tpu.vector_load_idx %arg10[%add3A_180, %and3A_811] : memref<512x64xf32, #tpu.memory_space<vmem>>[vector<16xi32>, vector<16xi32>], vector<16xf32>,
        %gather3A_813 = tpu.vector_load_idx %arg9[%add3A_180, %and3A_811] : memref<512x64xf32, #tpu.memory_space<vmem>>[vector<16xi32>, vector<16xi32>], vector<16xf32>,
        %mul3A_814 = arith.mulf %gather3A_812, %gather3A_813 : vector<16xf32>
        %add3A_815 = arith.addf %add3A_803, %mul3A_814 : vector<16xf32>
        %mul3A_816 = arith.mulf %gather3A_812, %gather3A_812 : vector<16xf32>
        %add3A_817 = arith.addf %add3A_805, %mul3A_816 : vector<16xf32>
        %add3A_818 = arith.constant 53 : i32
        %add3A_819 = vector.broadcast %add3A_818 : i32 to vector<16xi32>
        %add3A_820 = arith.addi %iota3A, %add3A_819 : vector<16xi32>
        %and3A_821 = arith.constant 63 : i32
        %and3A_822 = vector.broadcast %and3A_821 : i32 to vector<16xi32>
        %and3A_823 = arith.andi %add3A_820, %and3A_822 : vector<16xi32>
        %gather3A_824 = tpu.vector_load_idx %arg10[%add3A_180, %and3A_823] : memref<512x64xf32, #tpu.memory_space<vmem>>[vector<16xi32>, vector<16xi32>], vector<16xf32>,
        %gather3A_825 = tpu.vector_load_idx %arg9[%add3A_180, %and3A_823] : memref<512x64xf32, #tpu.memory_space<vmem>>[vector<16xi32>, vector<16xi32>], vector<16xf32>,
        %mul3A_826 = arith.mulf %gather3A_824, %gather3A_825 : vector<16xf32>
        %add3A_827 = arith.addf %add3A_815, %mul3A_826 : vector<16xf32>
        %mul3A_828 = arith.mulf %gather3A_824, %gather3A_824 : vector<16xf32>
        %add3A_829 = arith.addf %add3A_817, %mul3A_828 : vector<16xf32>
        %add3A_830 = arith.constant 54 : i32
        %add3A_831 = vector.broadcast %add3A_830 : i32 to vector<16xi32>
        %add3A_832 = arith.addi %iota3A, %add3A_831 : vector<16xi32>
        %and3A_833 = arith.constant 63 : i32
        %and3A_834 = vector.broadcast %and3A_833 : i32 to vector<16xi32>
        %and3A_835 = arith.andi %add3A_832, %and3A_834 : vector<16xi32>
        %gather3A_836 = tpu.vector_load_idx %arg10[%add3A_180, %and3A_835] : memref<512x64xf32, #tpu.memory_space<vmem>>[vector<16xi32>, vector<16xi32>], vector<16xf32>,
        %gather3A_837 = tpu.vector_load_idx %arg9[%add3A_180, %and3A_835] : memref<512x64xf32, #tpu.memory_space<vmem>>[vector<16xi32>, vector<16xi32>], vector<16xf32>,
        %mul3A_838 = arith.mulf %gather3A_836, %gather3A_837 : vector<16xf32>
        %add3A_839 = arith.addf %add3A_827, %mul3A_838 : vector<16xf32>
        %mul3A_840 = arith.mulf %gather3A_836, %gather3A_836 : vector<16xf32>
        %add3A_841 = arith.addf %add3A_829, %mul3A_840 : vector<16xf32>
        %add3A_842 = arith.constant 55 : i32
        %add3A_843 = vector.broadcast %add3A_842 : i32 to vector<16xi32>
        %add3A_844 = arith.addi %iota3A, %add3A_843 : vector<16xi32>
        %and3A_845 = arith.constant 63 : i32
        %and3A_846 = vector.broadcast %and3A_845 : i32 to vector<16xi32>
        %and3A_847 = arith.andi %add3A_844, %and3A_846 : vector<16xi32>
        %gather3A_848 = tpu.vector_load_idx %arg10[%add3A_180, %and3A_847] : memref<512x64xf32, #tpu.memory_space<vmem>>[vector<16xi32>, vector<16xi32>], vector<16xf32>,
        %gather3A_849 = tpu.vector_load_idx %arg9[%add3A_180, %and3A_847] : memref<512x64xf32, #tpu.memory_space<vmem>>[vector<16xi32>, vector<16xi32>], vector<16xf32>,
        %mul3A_850 = arith.mulf %gather3A_848, %gather3A_849 : vector<16xf32>
        %add3A_851 = arith.addf %add3A_839, %mul3A_850 : vector<16xf32>
        %mul3A_852 = arith.mulf %gather3A_848, %gather3A_848 : vector<16xf32>
        %add3A_853 = arith.addf %add3A_841, %mul3A_852 : vector<16xf32>
        %add3A_854 = arith.constant 56 : i32
        %add3A_855 = vector.broadcast %add3A_854 : i32 to vector<16xi32>
        %add3A_856 = arith.addi %iota3A, %add3A_855 : vector<16xi32>
        %and3A_857 = arith.constant 63 : i32
        %and3A_858 = vector.broadcast %and3A_857 : i32 to vector<16xi32>
        %and3A_859 = arith.andi %add3A_856, %and3A_858 : vector<16xi32>
        %gather3A_860 = tpu.vector_load_idx %arg10[%add3A_180, %and3A_859] : memref<512x64xf32, #tpu.memory_space<vmem>>[vector<16xi32>, vector<16xi32>], vector<16xf32>,
        %gather3A_861 = tpu.vector_load_idx %arg9[%add3A_180, %and3A_859] : memref<512x64xf32, #tpu.memory_space<vmem>>[vector<16xi32>, vector<16xi32>], vector<16xf32>,
        %mul3A_862 = arith.mulf %gather3A_860, %gather3A_861 : vector<16xf32>
        %add3A_863 = arith.addf %add3A_851, %mul3A_862 : vector<16xf32>
        %mul3A_864 = arith.mulf %gather3A_860, %gather3A_860 : vector<16xf32>
        %add3A_865 = arith.addf %add3A_853, %mul3A_864 : vector<16xf32>
        %add3A_866 = arith.constant 57 : i32
        %add3A_867 = vector.broadcast %add3A_866 : i32 to vector<16xi32>
        %add3A_868 = arith.addi %iota3A, %add3A_867 : vector<16xi32>
        %and3A_869 = arith.constant 63 : i32
        %and3A_870 = vector.broadcast %and3A_869 : i32 to vector<16xi32>
        %and3A_871 = arith.andi %add3A_868, %and3A_870 : vector<16xi32>
        %gather3A_872 = tpu.vector_load_idx %arg10[%add3A_180, %and3A_871] : memref<512x64xf32, #tpu.memory_space<vmem>>[vector<16xi32>, vector<16xi32>], vector<16xf32>,
        %gather3A_873 = tpu.vector_load_idx %arg9[%add3A_180, %and3A_871] : memref<512x64xf32, #tpu.memory_space<vmem>>[vector<16xi32>, vector<16xi32>], vector<16xf32>,
        %mul3A_874 = arith.mulf %gather3A_872, %gather3A_873 : vector<16xf32>
        %add3A_875 = arith.addf %add3A_863, %mul3A_874 : vector<16xf32>
        %mul3A_876 = arith.mulf %gather3A_872, %gather3A_872 : vector<16xf32>
        %add3A_877 = arith.addf %add3A_865, %mul3A_876 : vector<16xf32>
        %add3A_878 = arith.constant 58 : i32
        %add3A_879 = vector.broadcast %add3A_878 : i32 to vector<16xi32>
        %add3A_880 = arith.addi %iota3A, %add3A_879 : vector<16xi32>
        %and3A_881 = arith.constant 63 : i32
        %and3A_882 = vector.broadcast %and3A_881 : i32 to vector<16xi32>
        %and3A_883 = arith.andi %add3A_880, %and3A_882 : vector<16xi32>
        %gather3A_884 = tpu.vector_load_idx %arg10[%add3A_180, %and3A_883] : memref<512x64xf32, #tpu.memory_space<vmem>>[vector<16xi32>, vector<16xi32>], vector<16xf32>,
        %gather3A_885 = tpu.vector_load_idx %arg9[%add3A_180, %and3A_883] : memref<512x64xf32, #tpu.memory_space<vmem>>[vector<16xi32>, vector<16xi32>], vector<16xf32>,
        %mul3A_886 = arith.mulf %gather3A_884, %gather3A_885 : vector<16xf32>
        %add3A_887 = arith.addf %add3A_875, %mul3A_886 : vector<16xf32>
        %mul3A_888 = arith.mulf %gather3A_884, %gather3A_884 : vector<16xf32>
        %add3A_889 = arith.addf %add3A_877, %mul3A_888 : vector<16xf32>
        %add3A_890 = arith.constant 59 : i32
        %add3A_891 = vector.broadcast %add3A_890 : i32 to vector<16xi32>
        %add3A_892 = arith.addi %iota3A, %add3A_891 : vector<16xi32>
        %and3A_893 = arith.constant 63 : i32
        %and3A_894 = vector.broadcast %and3A_893 : i32 to vector<16xi32>
        %and3A_895 = arith.andi %add3A_892, %and3A_894 : vector<16xi32>
        %gather3A_896 = tpu.vector_load_idx %arg10[%add3A_180, %and3A_895] : memref<512x64xf32, #tpu.memory_space<vmem>>[vector<16xi32>, vector<16xi32>], vector<16xf32>,
        %gather3A_897 = tpu.vector_load_idx %arg9[%add3A_180, %and3A_895] : memref<512x64xf32, #tpu.memory_space<vmem>>[vector<16xi32>, vector<16xi32>], vector<16xf32>,
        %mul3A_898 = arith.mulf %gather3A_896, %gather3A_897 : vector<16xf32>
        %add3A_899 = arith.addf %add3A_887, %mul3A_898 : vector<16xf32>
        %mul3A_900 = arith.mulf %gather3A_896, %gather3A_896 : vector<16xf32>
        %add3A_901 = arith.addf %add3A_889, %mul3A_900 : vector<16xf32>
        %add3A_902 = arith.constant 60 : i32
        %add3A_903 = vector.broadcast %add3A_902 : i32 to vector<16xi32>
        %add3A_904 = arith.addi %iota3A, %add3A_903 : vector<16xi32>
        %and3A_905 = arith.constant 63 : i32
        %and3A_906 = vector.broadcast %and3A_905 : i32 to vector<16xi32>
        %and3A_907 = arith.andi %add3A_904, %and3A_906 : vector<16xi32>
        %gather3A_908 = tpu.vector_load_idx %arg10[%add3A_180, %and3A_907] : memref<512x64xf32, #tpu.memory_space<vmem>>[vector<16xi32>, vector<16xi32>], vector<16xf32>,
        %gather3A_909 = tpu.vector_load_idx %arg9[%add3A_180, %and3A_907] : memref<512x64xf32, #tpu.memory_space<vmem>>[vector<16xi32>, vector<16xi32>], vector<16xf32>,
        %mul3A_910 = arith.mulf %gather3A_908, %gather3A_909 : vector<16xf32>
        %add3A_911 = arith.addf %add3A_899, %mul3A_910 : vector<16xf32>
        %mul3A_912 = arith.mulf %gather3A_908, %gather3A_908 : vector<16xf32>
        %add3A_913 = arith.addf %add3A_901, %mul3A_912 : vector<16xf32>
        %add3A_914 = arith.constant 61 : i32
        %add3A_915 = vector.broadcast %add3A_914 : i32 to vector<16xi32>
        %add3A_916 = arith.addi %iota3A, %add3A_915 : vector<16xi32>
        %and3A_917 = arith.constant 63 : i32
        %and3A_918 = vector.broadcast %and3A_917 : i32 to vector<16xi32>
        %and3A_919 = arith.andi %add3A_916, %and3A_918 : vector<16xi32>
        %gather3A_920 = tpu.vector_load_idx %arg10[%add3A_180, %and3A_919] : memref<512x64xf32, #tpu.memory_space<vmem>>[vector<16xi32>, vector<16xi32>], vector<16xf32>,
        %gather3A_921 = tpu.vector_load_idx %arg9[%add3A_180, %and3A_919] : memref<512x64xf32, #tpu.memory_space<vmem>>[vector<16xi32>, vector<16xi32>], vector<16xf32>,
        %mul3A_922 = arith.mulf %gather3A_920, %gather3A_921 : vector<16xf32>
        %add3A_923 = arith.addf %add3A_911, %mul3A_922 : vector<16xf32>
        %mul3A_924 = arith.mulf %gather3A_920, %gather3A_920 : vector<16xf32>
        %add3A_925 = arith.addf %add3A_913, %mul3A_924 : vector<16xf32>
        %add3A_926 = arith.constant 62 : i32
        %add3A_927 = vector.broadcast %add3A_926 : i32 to vector<16xi32>
        %add3A_928 = arith.addi %iota3A, %add3A_927 : vector<16xi32>
        %and3A_929 = arith.constant 63 : i32
        %and3A_930 = vector.broadcast %and3A_929 : i32 to vector<16xi32>
        %and3A_931 = arith.andi %add3A_928, %and3A_930 : vector<16xi32>
        %gather3A_932 = tpu.vector_load_idx %arg10[%add3A_180, %and3A_931] : memref<512x64xf32, #tpu.memory_space<vmem>>[vector<16xi32>, vector<16xi32>], vector<16xf32>,
        %gather3A_933 = tpu.vector_load_idx %arg9[%add3A_180, %and3A_931] : memref<512x64xf32, #tpu.memory_space<vmem>>[vector<16xi32>, vector<16xi32>], vector<16xf32>,
        %mul3A_934 = arith.mulf %gather3A_932, %gather3A_933 : vector<16xf32>
        %add3A_935 = arith.addf %add3A_923, %mul3A_934 : vector<16xf32>
        %mul3A_936 = arith.mulf %gather3A_932, %gather3A_932 : vector<16xf32>
        %add3A_937 = arith.addf %add3A_925, %mul3A_936 : vector<16xf32>
        %add3A_938 = arith.constant 63 : i32
        %add3A_939 = vector.broadcast %add3A_938 : i32 to vector<16xi32>
        %add3A_940 = arith.addi %iota3A, %add3A_939 : vector<16xi32>
        %and3A_941 = arith.constant 63 : i32
        %and3A_942 = vector.broadcast %and3A_941 : i32 to vector<16xi32>
        %and3A_943 = arith.andi %add3A_940, %and3A_942 : vector<16xi32>
        %gather3A_944 = tpu.vector_load_idx %arg10[%add3A_180, %and3A_943] : memref<512x64xf32, #tpu.memory_space<vmem>>[vector<16xi32>, vector<16xi32>], vector<16xf32>,
        %gather3A_945 = tpu.vector_load_idx %arg9[%add3A_180, %and3A_943] : memref<512x64xf32, #tpu.memory_space<vmem>>[vector<16xi32>, vector<16xi32>], vector<16xf32>,
        %mul3A_946 = arith.mulf %gather3A_944, %gather3A_945 : vector<16xf32>
        %add3A_947 = arith.addf %add3A_935, %mul3A_946 : vector<16xf32>
        %mul3A_948 = arith.mulf %gather3A_944, %gather3A_944 : vector<16xf32>
        %add3A_949 = arith.addf %add3A_937, %mul3A_948 : vector<16xf32>
        %bitcast_convert_type3A = tpu.bitcast %add3A_949 : vector<16xf32> -> vector<16xi32>
        %shift_right_arithmetic3A = arith.constant 1 : i32
        %shift_right_arithmetic3A_950 = vector.broadcast %shift_right_arithmetic3A : i32 to vector<16xi32>
        %shift_right_arithmetic3A_951 = arith.shrsi %bitcast_convert_type3A, %shift_right_arithmetic3A_950 : vector<16xi32>
        %sub3A = arith.constant 1597463007 : i32
        %sub3A_952 = vector.broadcast %sub3A : i32 to vector<16xi32>
        %sub3A_953 = arith.subi %sub3A_952, %shift_right_arithmetic3A_951 : vector<16xi32>
        %bitcast_convert_type3A_954 = tpu.bitcast %sub3A_953 : vector<16xi32> -> vector<16xf32>
        %mul3A_955 = arith.constant 5.000000e-01 : f32
        %mul3A_956 = vector.broadcast %mul3A_955 : f32 to vector<16xf32>
        %mul3A_957 = arith.mulf %mul3A_956, %add3A_949 : vector<16xf32>
        %mul3A_958 = arith.mulf %mul3A_957, %bitcast_convert_type3A_954 : vector<16xf32>
        %mul3A_959 = arith.mulf %mul3A_958, %bitcast_convert_type3A_954 : vector<16xf32>
        %sub3A_960 = arith.constant 1.500000e+00 : f32
        %sub3A_961 = vector.broadcast %sub3A_960 : f32 to vector<16xf32>
        %sub3A_962 = arith.subf %sub3A_961, %mul3A_959 : vector<16xf32>
        %mul3A_963 = arith.mulf %bitcast_convert_type3A_954, %sub3A_962 : vector<16xf32>
        %mul3A_964 = arith.constant 5.000000e-01 : f32
        %mul3A_965 = vector.broadcast %mul3A_964 : f32 to vector<16xf32>
        %mul3A_966 = arith.mulf %mul3A_965, %add3A_949 : vector<16xf32>
        %mul3A_967 = arith.mulf %mul3A_966, %mul3A_963 : vector<16xf32>
        %mul3A_968 = arith.mulf %mul3A_967, %mul3A_963 : vector<16xf32>
        %sub3A_969 = arith.constant 1.500000e+00 : f32
        %sub3A_970 = vector.broadcast %sub3A_969 : f32 to vector<16xf32>
        %sub3A_971 = arith.subf %sub3A_970, %mul3A_968 : vector<16xf32>
        %mul3A_972 = arith.mulf %mul3A_963, %sub3A_971 : vector<16xf32>
        %mul3A_973 = arith.constant 5.000000e-01 : f32
        %mul3A_974 = vector.broadcast %mul3A_973 : f32 to vector<16xf32>
        %mul3A_975 = arith.mulf %mul3A_974, %add3A_949 : vector<16xf32>
        %mul3A_976 = arith.mulf %mul3A_975, %mul3A_972 : vector<16xf32>
        %mul3A_977 = arith.mulf %mul3A_976, %mul3A_972 : vector<16xf32>
        %sub3A_978 = arith.constant 1.500000e+00 : f32
        %sub3A_979 = vector.broadcast %sub3A_978 : f32 to vector<16xf32>
        %sub3A_980 = arith.subf %sub3A_979, %mul3A_977 : vector<16xf32>
        %mul3A_981 = arith.mulf %mul3A_972, %sub3A_980 : vector<16xf32>
        %mul3A_982 = arith.mulf %add3A_947, %mul3A_981 : vector<16xf32>
        %mul3A_983 = arith.constant 16 : i32
        %mul3A_984 = arith.muli %scan3A_176, %mul3A_983 : i32
        %get3A = arith.index_cast %mul3A_984 : i32 to index
        %get3A_985 = tpu.vector_load %arg11[%get3A] {strides = array<i32>} : memref<512xf32, #tpu.memory_space<vmem>>, vector<16xf32>,
        %mul3A_986 = arith.mulf %mul3A_982, %get3A_985 : vector<16xf32>
        %mul3A_987 = arith.constant 16 : i32
        %mul3A_988 = arith.muli %scan3A_176, %mul3A_987 : i32
        %swap3A = arith.index_cast %mul3A_988 : i32 to index
        %swap3A_989 = tpu.vector_load %arg12[%swap3A] {strides = array<i32>} : memref<512xf32, #tpu.memory_space<vmem>>, vector<16xf32>,
        tpu.vector_store %arg12[%swap3A], %mul3A_986 {strides = array<i32>} : memref<512xf32, #tpu.memory_space<vmem>>, vector<16xf32>,
      }
      %scan3A_175 = arith.constant 32 : i32
      "tpu.region"() ({
        %run_scoped3A = tpu.sem_alloc : memref<!tpu.dma_semaphore, #tpu.memory_space<semaphore_mem>>
        %dma_start3A_176 = tpu.memref_slice %arg6[%scan3A_90, %mul3A_2] : memref<50x16384xf32, #tpu.memory_space<hbm>> -> memref<1x512xf32, #tpu.memory_space<hbm>>
        %dma_start3A_177 = tpu.memref_squeeze %dma_start3A_176 : memref<1x512xf32, #tpu.memory_space<hbm>> -> memref<512xf32, #tpu.memory_space<hbm>>
        %dma_start3A_178 = tpu.memref_slice %arg6[%scan3A_90, %mul3A_2] : memref<50x16384xf32, #tpu.memory_space<hbm>> -> memref<1x512xf32, #tpu.memory_space<hbm>>
        %dma_start3A_179 = tpu.memref_squeeze %dma_start3A_178 : memref<1x512xf32, #tpu.memory_space<hbm>> -> memref<512xf32, #tpu.memory_space<hbm>>
        tpu.enqueue_dma source(%arg12 : memref<512xf32, #tpu.memory_space<vmem>>) target(%dma_start3A_179 : memref<512xf32, #tpu.memory_space<hbm>>) target_semaphore(%run_scoped3A : memref<!tpu.dma_semaphore, #tpu.memory_space<semaphore_mem>>)
        %dma_wait3A_180 = tpu.memref_slice %arg6[%scan3A_90, %mul3A_2] : memref<50x16384xf32, #tpu.memory_space<hbm>> -> memref<1x512xf32, #tpu.memory_space<hbm>>
        %dma_wait3A_181 = tpu.memref_squeeze %dma_wait3A_180 : memref<1x512xf32, #tpu.memory_space<hbm>> -> memref<512xf32, #tpu.memory_space<hbm>>
        %dma_wait3A_182 = tpu.memref_slice %arg6[%scan3A_90, %mul3A_2] : memref<50x16384xf32, #tpu.memory_space<hbm>> -> memref<1x512xf32, #tpu.memory_space<hbm>>
        %dma_wait3A_183 = tpu.memref_squeeze %dma_wait3A_182 : memref<1x512xf32, #tpu.memory_space<hbm>> -> memref<512xf32, #tpu.memory_space<hbm>>
        tpu.wait_dma2 semaphore(%run_scoped3A : memref<!tpu.dma_semaphore, #tpu.memory_space<semaphore_mem>>) src(%arg12 : memref<512xf32, #tpu.memory_space<vmem>>) dst(%dma_wait3A_183 : memref<512xf32, #tpu.memory_space<hbm>>)
        tpu.yield
      }) : () -> ()
    }
    %scan3A_89 = arith.constant 50 : i32
    return
  }
}

</mosaic_0001>

<sc_bundles>
// kernel: kernel.3.cloned.1.call-start
scs
__scs_entry_jumppad:
0x0: {  	(pc) =	sbr.rel $0x88, $3  }
0x1: {  	(tag) =	ssettag $0x0;
	lr =	simm.s32 $0x1  }
0x2: {  	[smem:$0x3F9D] =	sst lr;
	_ =	strace $0xD0000000  }
0x3: {  	_ = 	snop  }
0x4: {  	_ = 	snop  }
0x5: {  	_ = 	snop  }
0x6: {  	_ = 	snop  }
0x7: {  	_ = 	snop  }
__scs_overlays_trampoline_lowered:
0x8: {  	[smem:$0x3FAC] =	sst s0  }
0x9: {  	[smem:$0x3FAD] =	sst s1  }
0xa: {  	[smem:$0x3FAE] =	sst s2  }
0xb: {  	[smem:$0x3FAF] =	sst s3  }
0xc: {  	[smem:$0x3FB0] =	sst s4  }
0xd: {  	[smem:$0x3FB1] =	sst s5  }
0xe: {  	[smem:$0x3FB2] =	sst s6  }
0xf: {  	[smem:$0x3FB3] =	sst s7  }
0x10: {  	[smem:$0x3FB4] =	sst s8  }
0x11: {  	[smem:$0x3FB5] =	sst s9;
	s0 =	simm.s32 @!p0 $0x0  }
0x12: {  	s1 =	sld [smem:$0x3F9B];
	s0 =	simm.s32 @p0 $0x1  }
0x13: {  	[smem:$0x3FB6] =	sst s0;
	s0 =	simm.s32 @!p1 $0x0  }
0x14: {  	s2 =	sld [smem:$0x3F9A];
	s0 =	simm.s32 @p1 $0x1  }
0x15: {  	[smem:$0x3FB7] =	sst s0;
	s0 =	simm.s32 @!p2 $0x0  }
0x16: {  	s3 =	sld [smem:$0x3FDB];
	s0 =	simm.s32 @p2 $0x1  }
0x17: {  	s4 =	simm.s32 $0x1BF5;
	[smem:$0x3FB9] =	sst s0  }
0x18: {  	s0 =	sld [smem:$0x3F9C];
	_ =	swait.ge [sflag:s4], $0x0  }
0x19: {  	s7 =	sld [smem:$0x3F9D]  }
0x1a: {  	s8 =	sadd.s32 $0xFFFFE003, lr  }
0x1b: {  	s9 =	sadd.s32 $0xFFFFFEF7, lr;
	s5 =	simm.s32 $0xFFFFFFFF;
	p2 =	slt.u32 s8, $0xFFFFF086  }
0x1c: {  	p1 =	slt.u32 s9, $0xF7A;
	s5 =	simm.s32 @!p2 $0x0  }
0x1d: {  	s5 =	simm.s32 @p1 $0x1;
	p0 =	seq.s32 s7, s2  }
0x1e: {  	s7 =	smul.u32 @!p0 $0xF7A, s2;
	p2 =	seq.s32 @!p0 s5, $0x0  }
0x1f: {  	s9 =	smul.u32 $0xF7A, s1;
	s8 =	simm.s32 @!p0 $0x1BF5;
	p2 =	por !p2, p0  }
0x20: {  	[sflag:s8] =	ssyncset.s32 @!p0 $0xFFFFF086;
	s6 =	sadd.s32 @!p0 s3, s7;
	s7 =	simm.s32 @!p0 $0x108  }
0x21: {  	s3 =	sadd.s32 s3, s9;
	s6 =	sadd.s32 @!p0 $0x88, s6;
	s7 =	simm.s32 @p2 $0x1082  }
0x22: {  	[simem:s7], [sflag:s8] =	dma.local @!p0 [hbm:s6], $0xF7A  }
0x23: {  	s9 =	sor.u32 $0xD0000000, s2;
	s6 =	simm.s32 $0x108;
	_ =	swait.ge @!p0 [sflag:s8], $0x0  }
0x24: {  	s3 =	sadd.s32 $0x88, s3;
	s6 =	simm.s32 @!p1 $0x1082;
	[sflag:s4] =	ssyncset.s32 $0xFFFFF086  }
0x25: {  	[simem:s6], [sflag:s4] =	dma.local [hbm:s3], $0xF7A  }
0x26: {  	[smem:$0x3F9D] =	sst s1;
	(tag) =	ssettag s2;
	_ =	strace s9  }
0x27: {  	s1 =	sld [smem:$0x3FAD]  }
0x28: {  	s2 =	sld [smem:$0x3FAE]  }
0x29: {  	s4 =	sld [smem:$0x3FB0]  }
0x2a: {  	p0 =	seq.s32 s5, $0x0;
	s5 =	sld [smem:$0x3FB1]  }
0x2b: {  	s6 =	sld [smem:$0x3FB2]  }
0x2c: {  	s7 =	sld [smem:$0x3FB3]  }
0x2d: {  	s3 =	simm.s32 $0x108;
	s8 =	sld [smem:$0x3FB4]  }
0x2e: {  	s3 =	simm.s32 @!p0 $0x1082;
	s9 =	sld [smem:$0x3FB5]  }
0x2f: {  	lr =	sadd.s32 s0, s3;
	s0 =	sld [smem:$0x3FAC]  }
0x30: {  	s3 =	sld [smem:$0x3FAF]  }
0x31: {  	[smem:$0x3FB8] =	sst s10  }
0x32: {  	s10 =	sld [smem:$0x3FB6];
	_ =	sdelay $0x3  }
0x33: {  	p0 =	seq.s32 s10, $0x1;
	s10 =	sld [smem:$0x3FB8];
	_ =	sdelay $0x3  }
0x34: {  	[smem:$0x3FB8] =	sst s10  }
0x35: {  	s10 =	sld [smem:$0x3FB7];
	_ =	sdelay $0x3  }
0x36: {  	p1 =	seq.s32 s10, $0x1;
	s10 =	sld [smem:$0x3FB8];
	_ =	sdelay $0x3  }
0x37: {  	[smem:$0x3FB8] =	sst s10  }
0x38: {  	s10 =	sld [smem:$0x3FB9]  }
0x39: {  	_ = 	snop;
	(pc) =	sbr.ind lr, $3  }
0x3a: {  	_ = 	snop  }
0x3b: {  	_ = 	snop  }
0x3c: {  	p2 =	seq.s32 s10, $0x1;
	s10 =	sld [smem:$0x3FB8]  }
0x3d: {  	_ =	shalt  }
0x3e: {  	_ =	shalt  }
0x3f: {  	_ =	shalt  }
0x40: {  	_ =	shalt  }
0x41: {  	_ =	shalt  }
0x42: {  	_ =	shalt  }
0x43: {  	_ =	shalt  }
0x44: {  	_ =	shalt  }
0x45: {  	_ =	shalt  }
0x46: {  	_ =	shalt  }
0x47: {  	_ =	shalt  }
0x48: {  	_ =	shalt  }
0x49: {  	_ =	shalt  }
0x4a: {  	_ =	shalt  }
0x4b: {  	_ =	shalt  }
0x4c: {  	_ =	shalt  }
0x4d: {  	_ =	shalt  }
0x4e: {  	_ =	shalt  }
0x4f: {  	_ =	shalt  }
0x50: {  	_ =	shalt  }
0x51: {  	_ =	shalt  }
0x52: {  	_ =	shalt  }
0x53: {  	_ =	shalt  }
0x54: {  	_ =	shalt  }
0x55: {  	_ =	shalt  }
0x56: {  	_ =	shalt  }
0x57: {  	_ =	shalt  }
0x58: {  	_ =	shalt  }
0x59: {  	_ =	shalt  }
0x5a: {  	_ =	shalt  }
0x5b: {  	_ =	shalt  }
0x5c: {  	_ =	shalt  }
0x5d: {  	_ =	shalt  }
0x5e: {  	_ =	shalt  }
0x5f: {  	_ =	shalt  }
0x60: {  	_ =	shalt  }
0x61: {  	_ =	shalt  }
0x62: {  	_ =	shalt  }
0x63: {  	_ =	shalt  }
0x64: {  	_ =	shalt  }
0x65: {  	_ =	shalt  }
0x66: {  	_ =	shalt  }
0x67: {  	_ =	shalt  }
0x68: {  	_ =	shalt  }
0x69: {  	_ =	shalt  }
0x6a: {  	_ =	shalt  }
0x6b: {  	_ =	shalt  }
0x6c: {  	_ =	shalt  }
0x6d: {  	_ =	shalt  }
0x6e: {  	_ =	shalt  }
0x6f: {  	_ =	shalt  }
0x70: {  	_ =	shalt  }
0x71: {  	_ =	shalt  }
0x72: {  	_ =	shalt  }
0x73: {  	_ =	shalt  }
0x74: {  	_ =	shalt  }
0x75: {  	_ =	shalt  }
0x76: {  	_ =	shalt  }
0x77: {  	_ =	shalt  }
0x78: {  	_ =	shalt  }
0x79: {  	_ =	shalt  }
0x7a: {  	_ =	shalt  }
0x7b: {  	_ =	shalt  }
0x7c: {  	_ =	shalt  }
0x7d: {  	_ =	shalt  }
0x7e: {  	_ =	shalt  }
0x7f: {  	_ =	shalt  }
0x80: {  	_ =	shalt  }
0x81: {  	_ =	shalt  }
0x82: {  	_ =	shalt  }
0x83: {  	_ =	shalt  }
0x84: {  	_ =	shalt  }
0x85: {  	_ =	shalt  }
0x86: {  	_ =	shalt  }
0x87: {  	_ =	shalt  }
.Lfunc_end0:
.L_simem_size_0:
called_computation_lowered:
.L_overlay_start_0:
0x88: {  	s2 =	sld [smem:$0x3FD9]  }
0x89: {  	s3 =	sld [smem:$0x3FFE];
	_ =	sdelay $0x1  }
0x8a: {  	s1 =	srdreg.scid  }
0x8b: {  	s0 =	sand.u32 $0x1, s1  }
0x8c: {  	s17 =	sshll.u32 s0, $0xA;
	s2 =	sadd.s32 s3, s2  }
0x8d: {  	s2 =	sadd.s32 s2, s17  }
0x8e: {  	[smem:$0x3FC4] =	sst s2  }
0x8f: {  	_ = 	snop  }
0x90: {  	s2 =	sld [smem:$0x3FC9]  }
0x91: {  	s18 =	sld [smem:$0x3FD0];
	(tm) =	ssettm $0x1  }
0x92: {  	s4 =	sld [smem:$0x3FFB];
	_ =	sdelay $0x3  }
0x93: {  	_ =	strace s4  }
0x94: {  	s4 =	sld [smem:$0x3FFC];
	_ =	sdelay $0x3  }
0x95: {  	_ =	strace s4  }
0x96: {  	s4 =	sld [smem:$0x3FFD];
	_ =	sdelay $0x3  }
0x97: {  	_ =	strace s4  }
0x98: {  	_ =	strace $0x8FFFFFFF  }
0x99: {  	s19 =	sld [smem:$0x3FDB];
	_ =	sdelay $0x1  }
0x9a: {  	s5 =	simm.s32 $_scs_section_size  }
0x9b: {  	s6 =	simm.s32 $_size__tile_overlayer_lowered;
	s7 =	simm.s32 $_tile_overlayer_lowered  }
0x9c: {  	s22 =	simm.s32 $0x1BFF;
	s21 =	sshll.u32 s7, $0x1;
	s4 =	sadd.s32 s5, s19  }
0x9d: {  	s8 =	simm.s32 $0x0;
	s20 =	sshll.u32 s6, $0x1;
	s6 =	sadd.s32 s21, s4  }
0x9e: {  	[timem:s8], [sflag:s22] =	dma.local [hbm:s6], s20  }
0x9f: {  	_ =	swait.ge [sflag:s22], s20  }
0xa0: {  	s5 =	ssub.s32 $0x0, s20;
	[sflag:s22] =	ssyncset.done $0x0  }
0xa1: {  	[sflag:s22] =	ssyncadd.s32 s5;
	_ =	sdelay $0x1  }
0xa2: {  	s23 =	simm.s32 $0x1B8B  }
0xa3: {  	_ =	swait.ge [sflag:s23], $0x1  }
0xa4: {  	[sflag:s23] =	ssyncset.done $0x0  }
0xa5: {  	s25 =	simm.s32 $0x1B8E;
	s24 =	sld [smem:$0x3FFE];
	[sflag:s23] =	ssyncadd.s32 $0xFFFFFFFF  }
0xa6: {  	s26 =	simm.s32 $execute0_lowered;
	[smem:$0x3FD2] =	sst s25  }
0xa7: {  	s6 =	sshll.u32 s26, $0x1;
	_ =	strace $0x80000046;
	[dreg:$0x1] =	wrdreg $0xFFFFFFFF  }
0xa8: {  	s28 =	simm.s32 $_size_execute0_lowered;
	s4 =	sadd.s32 s4, s6;
	[dreg:$0x0] =	wrdreg $0x0  }
0xa9: {  	s6 =	sshll.u32 s28, $0x1;
	[dreg:$0x2] =	wrdreg s4  }
0xaa: {  	[dreg:$0x3] =	wrdreg s6  }
0xab: {  	[dreg:$0x4] =	wrdreg $0xC0  }
0xac: {  	_ =	task [dreg:s8], $0x5FFFF  }
0xad: {  	[dreg:$0x1] =	wrdreg $0xFFFFFFFF  }
0xae: {  	[dreg:$0x0] =	wrdreg $0x60  }
0xaf: {  	[dreg:$0x2] =	wrdreg s2  }
0xb0: {  	[dreg:$0x3] =	wrdreg s18  }
0xb1: {  	[dreg:$0x4] =	wrdreg s24  }
0xb2: {  	[dreg:$0x5] =	wrdreg $0x9  }
0xb3: {  	_ =	task.clear_ibuf [dreg:s8], $0x6FFFF;
	_ =	strace $0x90000046  }
0xb4: {  	s29 =	simm.s32 $0x9;
	_ =	strace $0x80000048  }
0xb5: {  	_ =	swait.ge [sflag:s29], $0x1  }
0xb6: {  	[sflag:s29] =	ssyncadd.s32 $0xFFFFFFFF  }
0xb7: {  	_ =	strace $0x90000048  }
0xb8: {  	_ =	sfence  }
0xb9: {  	s30 =	sld [smem:$0x0];
	_ =	sdelay $0x2  }
0xba: {  	s31 =	sshll.u32 s1, $0xD;
	s1 =	sshrl.u32 s1, $0x2  }
0xbb: {  	s3 =	sand.u32 $0x4000, s31;
	s1 =	sadd.s32 s1, s30  }
0xbc: {  	s0 =	sor.u32 s3, s0;
	s1 =	sshll.u32 s1, $0x11  }
0xbd: {  	s0 =	sor.u32 s1, s0  }
0xbe: {  	s0 =	sadd.s32 $0x8F2B, s0  }
0xbf: {  	[sflag:s0] =	ssyncadd.remote.s32 $0x1  }
0xc0: {  	_ =	sfence.sel $0xFFFF  }
0xc1: {  	[dreg:$0x0] =	wrdreg $0xFFFFFFFF;
	(pc) =	sbr.abs _section_cstart, $3  }
0xc2: {  	[dreg:$0x1] =	wrdreg $0xFFFFFFFF  }
0xc3: {  	_ =	task.clear_ibuf [dreg:s8], $0x2FFFF;
	_ =	strace $0x9FFFFFFF  }
0xc4: {  	(tm) =	ssettm $0x7FFFFFFF  }
0xc5: {  	_ =	shalt  }
tec
execute0_lowered:
.L_overlay_start_1:
0x0: {  	(tag) =	ssettag $0x1  }
0x1: {  	v43 =	vlaneseq.u32;
	v35 =	vimm.s32 $0x34333231  }
0x2: {  	v39 =	vimm.s32 $0x38373635;
	v2 =	vimm.s32 $0x3C3B3A39;
	v3 =	vimm.s32 $0x3F3E3D  }
0x3: {  	vm0 =	vcmask $0x1F10;
	v61 =	vimm.s32 $0x35343332;
	v62 =	vimm.s32 $0x39383736  }
0x4: {  	v63 =	vimm.s32 $0x3D3C3B3A;
	v6 =	vimm.s32 $0x1003F3E;
	v29 =	vimm.s32 $0x36353433  }
0x5: {  	v30 =	vimm.s32 $0x3020100;
	v31 =	vimm.s32 $0x3A393837;
	v32 =	vimm.s32 $0x201003F  }
0x6: {  	v8 =	vimm.s32 $0x3F3E3D3C;
	v9 =	vimm.s32 $0x37363534;
	v10 =	vimm.s32 $0x3B3A3938  }
0x7: {  	v33 =	vimm.s32 $0x87654321;
	vm1 =	vcmask $0x2F10;
	vm2 =	vcmask $0x3F30  }
0x8: {  	v0 =	vadd.s32 $0x15, v43;
	v1 =	vadd.s32 $0x22, v43;
	v36 =	vadd.s32 $0x23, v43  }
0x9: {  	v4 =	vunpack.c.0.s8.s32 v39;
	v5 =	vunpack.c.0.s8.s32 v2;
	v42 =	vadd.s32 $0x24, v43;
	[tilespmem:$0x1FCB0] =	vst v0  }
0xa: {  	v2 =	vunpack.c.0.s8.s32 v61;
	v7 =	vunpack.c.0.s8.s32 v62;
	v11 =	vunpack.c.0.s8.s32 v8;
	[tilespmem:$0x1FCC0] =	vst v1  }
0xb: {  	v8 =	vunpack.c.0.s8.s32 v9;
	v9 =	vunpack.c.0.s8.s32 v10;
	[tilespmem:$0x1FCD0] =	vst v36;
	v0 =	vunpack.c.0.s8.s32 v35  }
0xc: {  	v10 =	vunpack.c.0.s8.s32 v31;
	v1 =	vunpack.c.0.s8.s32 v3;
	[tilespmem:$0x1FCE0] =	vst v42;
	v35 =	vimm.s32 $0x4030201  }
0xd: {  	v36 =	vimm.s32 $0x32107654;
	[tilespmem:$0x1FCF0] =	vst v4;
	v28 =	vsel vm0, v7, v2;
	v0 =	vsel vm0, v4, v0  }
0xe: {  	[tilespmem:$0x1FD00] =	vst v5;
	v3 =	vsel vm0, v1, v5;
	v5 =	vunpack.c.0.s8.s32 v63;
	v4 =	vunpack.c.0.s8.s32 v6  }
0xf: {  	[tilespmem:$0x1FD50] =	vst v9;
	v34 =	vsel vm0, v9, v8;
	v8 =	vimm.s32 $0x5040302;
	v6 =	vunpack.c.l.s4.s8 v33  }
0x10: {  	v9 =	vimm.s32 $0x98765432;
	[tilespmem:$0x1FD30] =	vst v5;
	v2 =	vsel vm0, v4, v5;
	v5 =	vunpack.c.0.s8.s32 v30  }
0x11: {  	[tilespmem:$0x1FD20] =	vst v7;
	v8 =	vunpack.c.0.s8.s32 v8;
	v0 =	vcombine.low v0, v3;
	v6 =	vunpack.c.0.s8.s32 v6  }
0x12: {  	v7 =	vunpack.c.l.s4.s8 v36;
	[tilespmem:$0x1FDA0] =	vst v11;
	v9 =	vunpack.c.l.s4.s8 v9;
	v5 =	vsel vm0, v5, v11  }
0x13: {  	v39 =	vsel vm0, v8, v4;
	[tilespmem:$0x1FD10] =	vst v0;
	v6 =	vand.u32 $0xF, v6;
	v5 =	vcombine.low v34, v5  }
0x14: {  	v7 =	vunpack.c.0.s8.s32 v7;
	v42 =	vunpack.c.0.s8.s32 v9;
	[tilespmem:$0x1FD80] =	vst v39;
	v3 =	vcombine.low v3, v6  }
0x15: {  	v62 =	vimm.s32 $0x43218765;
	v0 =	vcombine.low v28, v2;
	[tilespmem:$0x1FD60] =	vst v5;
	v5 =	vunpack.c.0.s8.s32 v35  }
0x16: {  	v63 =	vimm.s32 $0xB0A0908;
	v61 =	vand.u32 $0xF, v7;
	[tilespmem:$0x1FD90] =	vst v3;
	v3 =	vand.u32 $0xF, v42  }
0x17: {  	v7 =	vunpack.c.0.s8.s32 v63;
	[tilespmem:$0x1FD40] =	vst v0;
	v2 =	vcombine.low v2, v3;
	v5 =	vsel vm0, v5, v1  }
0x18: {  	s0 =	rddreg [dreg:$0x0];
	v33 =	vimm.s32 $0x6050403;
	v8 =	vimm.s32 $0x54329876;
	[tilespmem:$0x1FD70] =	vst v5;
	v5 =	vsel vm1, v61, v11  }
0x19: {  	s2 =	rddreg [dreg:$0x1];
	s1 =	simm.s32 $0x0;
	v0 =	vunpack.c.0.s8.s32 v29;
	v34 =	vimm.s32 $0xA9876543;
	[tilespmem:$0x1FDB0] =	vst v2;
	v7 =	vsel vm2, v7, v5  }
0x1a: {  	[smem:$0x7FF] =	sst s1;
	v28 =	vunpack.c.0.s8.s32 v32;
	v6 =	vunpack.c.l.s4.s8 v62;
	v3 =	vunpack.c.l.s4.s8 v34;
	[tilespmem:$0x1FDC0] =	vst v7  }
0x1b: {  	s5 =	rddreg [dreg:$0x2];
	v29 =	vunpack.c.l.s4.s8 v8;
	v0 =	vsel vm0, v10, v0;
	v61 =	vunpack.c.0.s8.s32 v33;
	_ =	strace $0x80000047;
	[tilespmem:$0x1FDE0] =	vst v10  }
0x1c: {  	v31 =	vimm.s32 $0xC0B0A09;
	v3 =	vunpack.c.0.s8.s32 v3;
	[tilespmem:$0x1FDF0] =	vst v0  }
0x1d: {  	v6 =	vunpack.c.0.s8.s32 v6;
	v2 =	vunpack.c.0.s8.s32 v29;
	v29 =	vsel vm0, v61, v28;
	[tilespmem:$0x1FE10] =	vst v28  }
0x1e: {  	v32 =	vimm.s32 $0x6543A987;
	v5 =	vunpack.c.0.s8.s32 v31;
	v31 =	vand.u32 $0xF, v3;
	[tilespmem:$0x1FE20] =	vst v29  }
0x1f: {  	v30 =	vand.u32 $0xF, v6;
	v6 =	vunpack.c.l.s4.s8 v32;
	v32 =	vadd.s32 $0x2A, v43;
	[tilespmem:$0x1FE40] =	vst v31  }
0x20: {  	v33 =	vadd.s32 $0x2E, v43;
	[tilespmem:$0x1FE50] =	vst v32  }
0x21: {  	v55 =	vadd.s32 $0xB, v43;
	[tilespmem:$0x1FE60] =	vst v33  }
0x22: {  	v12 =	vadd.s32 $0x19, v43;
	[tilespmem:$0x1FE80] =	vst v55  }
0x23: {  	v13 =	vadd.s32 $0x1A, v43;
	[tilespmem:$0x1FE90] =	vst v12  }
0x24: {  	v14 =	vadd.s32 $0x1B, v43;
	[tilespmem:$0x1FEA0] =	vst v13  }
0x25: {  	v15 =	vadd.s32 $0x1C, v43;
	[tilespmem:$0x1FEB0] =	vst v14  }
0x26: {  	v16 =	vadd.s32 $0x1D, v43;
	[tilespmem:$0x1FEC0] =	vst v15  }
0x27: {  	v17 =	vadd.s32 $0x1E, v43;
	[tilespmem:$0x1FED0] =	vst v16  }
0x28: {  	v18 =	vadd.s32 $0x1F, v43;
	[tilespmem:$0x1FEE0] =	vst v17  }
0x29: {  	v19 =	vor.u32 $0x20, v43;
	[tilespmem:$0x1FEF0] =	vst v18  }
0x2a: {  	v20 =	vadd.s32 $0x21, v43;
	[tilespmem:$0x1FF00] =	vst v19  }
0x2b: {  	v24 =	vadd.s32 $0x25, v43;
	[tilespmem:$0x1FF10] =	vst v20  }
0x2c: {  	v25 =	vadd.s32 $0x26, v43;
	[tilespmem:$0x1FF20] =	vst v24  }
0x2d: {  	v9 =	vadd.s32 $0x2B, v43;
	[tilespmem:$0x1FF30] =	vst v25  }
0x2e: {  	v44 =	vmul.u32 $0x40, v43;
	v45 =	vadd.s32 $0x1, v43;
	v61 =	vadd.s32 $0x2D, v43;
	[tilespmem:$0x1FF90] =	vst v9  }
0x2f: {  	v50 =	vadd.s32 $0x2, v43;
	v53 =	vadd.s32 $0x3, v43;
	v22 =	vadd.s32 $0x16, v43;
	[tilespmem:$0x1FFB0] =	vst v61  }
0x30: {  	v54 =	vadd.s32 $0x4, v43;
	v51 =	vadd.s32 $0x5, v43;
	v21 =	vadd.s32 $0x17, v43;
	[tilespmem:$0x1FFC0] =	vst v22  }
0x31: {  	v52 =	vadd.s32 $0x6, v43;
	v23 =	vadd.s32 $0x18, v43;
	v63 =	vimm.s32 $0x3E3D3C3B;
	[tilespmem:$0x1FFD0] =	vst v21  }
0x32: {  	s3 =	srdreg.scid;
	v1 =	vsel vm1, v30, v1;
	v7 =	vunpack.c.0.s8.s32 v63;
	v63 =	vadd.s32 $0x2F, v43;
	[tilespmem:$0x1FFE0] =	vst v23  }
0x33: {  	s6 =	stileid.u32;
	s10 =	simm.s32 $0x200;
	s11 =	simm.s32 $0x80;
	v37 =	vadd.s32 $0x7, v43;
	v36 =	vunpack.c.0.s8.s32 v6;
	v1 =	vsel vm2, v5, v1;
	[tilespmem:$0x1FFF0] =	vst v63  }
0x34: {  	s12 =	simm.s32 $0x6600;
	s13 =	simm.s32 $0x8600;
	s14 =	simm.s32 $0x100;
	v38 =	vadd.s32 $0x8, v43;
	v40 =	vadd.s32 $0x9, v43;
	v42 =	vimm.s32 $0xE0D0C0B;
	[tilespmem:$0x1FDD0] =	vst v1  }
0x35: {  	s15 =	simm.s32 $0xA600;
	s16 =	simm.s32 $0x180;
	s17 =	simm.s32 $0xC600;
	v35 =	vand.u32 $0xF, v2;
	v2 =	vand.u32 $0xF, v36;
	v36 =	vadd.s32 $0x27, v43;
	[tilespmem:$0x1FE00] =	vst v7  }
0x36: {  	s18 =	simm.s32 $0x1;
	s19 =	simm.s32 $0xE600;
	s20 =	simm.s32 $0x10600;
	v39 =	vimm.s32 $0xD0C0B0A;
	v5 =	vunpack.c.0.s8.s32 v42;
	v42 =	vadd.s32 $0x29, v43;
	[tilespmem:$0x1FF60] =	vst v36  }
0x37: {  	s21 =	simm.s32 $0x12600;
	s22 =	simm.s32 $0x14600;
	s23 =	simm.s32 $0x16800;
	v10 =	vadd.s32 $0x2C, v43;
	v1 =	vsel vm1, v35, v4;
	v4 =	vunpack.c.0.s8.s32 v39;
	[tilespmem:$0x1FF80] =	vst v42  }
0x38: {  	s24 =	simm.s32 $0x0;
	s4 =	sand.u32 $0x1, s3;
	s6 =	sshll.u32 s6, $0x1;
	v62 =	vimm.s32 $0x76543210;
	v2 =	vsel vm1, v2, v28;
	v39 =	vadd.s32 $0x28, v43;
	[tilespmem:$0x1FFA0] =	vst v10  }
.Ltmp0:
0x39: {  	s3 =	sadd.s32 $0x16E3C00, s5;
	s6 =	sor.u32 s4, s6;
	v35 =	vsel vm2, v5, v2;
	[tilespmem:$0x1FF70] =	vst v39;
	v34 =	vsel vm2, v4, v1;
	v1 =	vunpack.c.l.s4.s8 v62;
	(pc) =	sbr.rel .LBB2_1-.Ltmp0, $4  }
0x3a: {  	v41 =	vadd.s32 $0xA, v43;
	v56 =	vadd.s32 $0xC, v43;
	s8 =	ssub.s32 $0x2, s4;
	s7 =	sshll.u32 s6, $0x6;
	s6 =	smul.u32 $0xC80, s6;
	v62 =	vor.u32 $0x30, v43;
	[tilespmem:$0x1FF50] =	vst v35  }
0x3b: {  	v57 =	vadd.s32 $0xD, v43;
	v58 =	vadd.s32 $0xE, v43;
	s4 =	sadd.s32 $0xF42A00, s5;
	s31 =	sshrl.u32 s8, $0x1;
	s9 =	sadd.s32 s7, s5;
	[tilespmem:$0x1FE70] =	vst v62;
	v30 =	vunpack.c.0.s8.s32 v1  }
0x3c: {  	v47 =	vadd.s32 $0xF, v43;
	v48 =	vor.u32 $0x10, v43;
	v46 =	vadd.s32 $0x11, v43;
	s8 =	ssub.s32 s8, s31;
	s5 =	sadd.s32 s0, s7;
	s6 =	sadd.s32 s2, s6;
	[tilespmem:$0x1FF40] =	vst v34  }
0x3d: {  	v49 =	vadd.s32 $0x12, v43;
	v59 =	vadd.s32 $0x13, v43;
	v60 =	vadd.s32 $0x14, v43;
	s7 =	sadd.s32 $0x600, s9;
	s8 =	smax.u32 s8, $0x1;
	s9 =	simm.s32 $0x2;
	[tilespmem:$0x1FE30] =	vst v30  }
.LBB2_13:
0x3e: {  	v12 =	vld [tilespmem:$0x1FE90]  }
0x3f: {  	v13 =	vld [tilespmem:$0x1FEA0]  }
0x40: {  	v14 =	vld [tilespmem:$0x1FEB0]  }
0x41: {  	v15 =	vld [tilespmem:$0x1FEC0]  }
0x42: {  	v16 =	vld [tilespmem:$0x1FED0]  }
0x43: {  	v17 =	vld [tilespmem:$0x1FEE0]  }
0x44: {  	v18 =	vld [tilespmem:$0x1FEF0]  }
0x45: {  	v19 =	vld [tilespmem:$0x1FF00]  }
0x46: {  	v20 =	vld [tilespmem:$0x1FF10]  }
0x47: {  	v24 =	vld [tilespmem:$0x1FF20]  }
0x48: {  	v25 =	vld [tilespmem:$0x1FF30]  }
0x49: {  	v34 =	vld [tilespmem:$0x1FF40]  }
0x4a: {  	v35 =	vld [tilespmem:$0x1FF50]  }
0x4b: {  	v36 =	vld [tilespmem:$0x1FF60]  }
0x4c: {  	v39 =	vld [tilespmem:$0x1FF70]  }
0x4d: {  	s24 =	sadd.s32 $0x1, s24;
	v42 =	vld [tilespmem:$0x1FF80]  }
0x4e: {  	v9 =	vld [tilespmem:$0x1FF90];
	p0 =	sne.s32 s24, s8  }
.Ltmp1:
0x4f: {  	v10 =	vld [tilespmem:$0x1FFA0];
	(pc) =	sbr.rel @!p0 .LBB2_14-.Ltmp1, $4  }
0x50: {  	v61 =	vld [tilespmem:$0x1FFB0]  }
0x51: {  	v22 =	vld [tilespmem:$0x1FFC0]  }
0x52: {  	v21 =	vld [tilespmem:$0x1FFD0]  }
0x53: {  	v23 =	vld [tilespmem:$0x1FFE0]  }
.LBB2_1:
0x54: {  	[tilespmem:s1], [sflag:$0x2] =	stream.linear.gather [hbm4b:s5+s1], $0x200, $0x38;
	[tilespmem:$0x16A00] =	vst v63  }
0x55: {  	_ =	swait.ge [sflag:s9], $0x200  }
0x56: {  	[sflag:s9] =	ssyncset.done $0x0  }
0x57: {  	[sflag:s9] =	ssyncadd.s32 $0xFFFFFE00  }
0x58: {  	[tilespmem:s10], [sflag:$0x2] =	stream.linear.gather [hbm4b:s6+s1], $0x6400, $0x38;
	[tilespmem:$0x16A00] =	vst v63  }
0x59: {  	_ =	swait.ge [sflag:s9], $0x6400  }
0x5a: {  	[sflag:s9] =	ssyncset.done $0x0  }
0x5b: {  	[sflag:s9] =	ssyncadd.s32 $0xFFFF9C00  }
0x5c: {  	[tilespmem:s12], [sflag:$0x1] =	stream.indirect.gather [hbm4b:s3+s11], $0x40, s1, s11, $0xb8;
	[tilespmem:$0x16A00] =	vst v63  }
0x5d: {  	_ = 	snop  }
0x5e: {  	[tilespmem:s13], [sflag:$0x1] =	stream.indirect.gather [hbm4b:s3+s11], $0x40, s11, s11, $0xb8;
	[tilespmem:$0x16A00] =	vst v63  }
0x5f: {  	_ = 	snop  }
0x60: {  	[tilespmem:s15], [sflag:$0x1] =	stream.indirect.gather [hbm4b:s3+s11], $0x40, s14, s11, $0xb8;
	[tilespmem:$0x16A00] =	vst v63  }
0x61: {  	_ = 	snop  }
0x62: {  	[tilespmem:s17], [sflag:$0x1] =	stream.indirect.gather [hbm4b:s3+s11], $0x40, s16, s11, $0xb8;
	[tilespmem:$0x16A00] =	vst v63  }
0x63: {  	_ =	swait.ge [sflag:s18], $0x2000  }
0x64: {  	[sflag:s18] =	ssyncset.done $0x0  }
0x65: {  	[sflag:s18] =	ssyncadd.s32 $0xFFFFE000  }
0x66: {  	_ =	swait.ge [sflag:s18], $0x2000  }
0x67: {  	v0 =	vmov s1;
	[sflag:s18] =	ssyncset.done $0x0  }
0x68: {  	v0 =	vshll.u32 v0, $0x6;
	[sflag:s18] =	ssyncadd.s32 $0xFFFFE000  }
0x69: {  	v1 =	vor.u32 v44, v0;
	_ =	swait.ge [sflag:s18], $0x2000  }
0x6a: {  	v0 =	vor.u32 v45, v1;
	[sflag:s18] =	ssyncset.done $0x0  }
0x6b: {  	v2 =	vor.u32 v43, v1;
	[sflag:s18] =	ssyncadd.s32 $0xFFFFE000  }
0x6c: {  	_ =	swait.ge [sflag:s18], $0x2000  }
0x6d: {  	v3 =	vor.u32 v50, v1;
	[sflag:s18] =	ssyncset.done $0x0  }
0x6e: {  	[sflag:s18] =	ssyncadd.s32 $0xFFFFE000  }
0x6f: {  	v4 =	vor.u32 v53, v1;
	v0 =	vld.idx.msk [tilespmem:v0+s12+$0x0], $0xffff  }
0x70: {  	v2 =	vld.idx.msk [tilespmem:v2+s12+$0x0], $0xffff  }
0x71: {  	v5 =	vor.u32 v54, v1  }
0x72: {  	v3 =	vld.idx.msk [tilespmem:v3+s12+$0x0], $0xffff  }
0x73: {  	v6 =	vor.u32 v51, v1  }
0x74: {  	v4 =	vld.idx.msk [tilespmem:v4+s12+$0x0], $0xffff  }
0x75: {  	v7 =	vor.u32 v52, v1;
	v2 =	vmul.f32 v2, v2;
	v0 =	vmul.f32 v0, v0  }
0x76: {  	v5 =	vld.idx.msk [tilespmem:v5+s12+$0x0], $0xffff  }
0x77: {  	v8 =	vor.u32 v37, v1;
	v0 =	vadd.f32 v0, v2;
	v2 =	vmul.f32 v3, v3  }
0x78: {  	v3 =	vld.idx.msk [tilespmem:v6+s12+$0x0], $0xffff  }
0x79: {  	v32 =	vor.u32 v38, v1;
	v0 =	vadd.f32 v2, v0;
	v2 =	vmul.f32 v4, v4  }
0x7a: {  	v4 =	vld.idx.msk [tilespmem:v7+s12+$0x0], $0xffff  }
0x7b: {  	v33 =	vor.u32 v40, v1;
	v0 =	vadd.f32 v2, v0;
	v2 =	vmul.f32 v5, v5  }
0x7c: {  	v5 =	vld.idx.msk [tilespmem:v8+s12+$0x0], $0xffff  }
0x7d: {  	v8 =	vor.u32 v41, v1;
	v0 =	vadd.f32 v2, v0;
	v2 =	vmul.f32 v3, v3  }
0x7e: {  	v3 =	vld.idx.msk [tilespmem:v32+s12+$0x0], $0xffff  }
0x7f: {  	v62 =	vor.u32 v55, v1;
	v0 =	vadd.f32 v2, v0;
	v2 =	vmul.f32 v4, v4  }
0x80: {  	v4 =	vld.idx.msk [tilespmem:v33+s12+$0x0], $0xffff  }
0x81: {  	v32 =	vor.u32 v56, v1;
	v0 =	vadd.f32 v2, v0;
	v2 =	vmul.f32 v5, v5  }
0x82: {  	v5 =	vld.idx.msk [tilespmem:v8+s12+$0x0], $0xffff  }
0x83: {  	v8 =	vor.u32 v57, v1;
	v0 =	vadd.f32 v2, v0;
	v2 =	vmul.f32 v3, v3  }
0x84: {  	v3 =	vld.idx.msk [tilespmem:v62+s12+$0x0], $0xffff  }
0x85: {  	v33 =	vor.u32 v58, v1;
	v0 =	vadd.f32 v2, v0;
	v2 =	vmul.f32 v4, v4  }
0x86: {  	v4 =	vld.idx.msk [tilespmem:v32+s12+$0x0], $0xffff  }
0x87: {  	v62 =	vor.u32 v47, v1;
	v0 =	vadd.f32 v2, v0;
	v2 =	vmul.f32 v5, v5  }
0x88: {  	v5 =	vld.idx.msk [tilespmem:v8+s12+$0x0], $0xffff  }
0x89: {  	v0 =	vadd.f32 v2, v0;
	v2 =	vmul.f32 v3, v3  }
0x8a: {  	v3 =	vld.idx.msk [tilespmem:v33+s12+$0x0], $0xffff  }
0x8b: {  	v8 =	vor.u32 v48, v1;
	v0 =	vadd.f32 v2, v0;
	v2 =	vmul.f32 v4, v4  }
0x8c: {  	v33 =	vor.u32 v49, v1;
	v4 =	vld.idx.msk [tilespmem:v62+s12+$0x0], $0xffff  }
0x8d: {  	v0 =	vadd.f32 v2, v0;
	v2 =	vmul.f32 v5, v5;
	_ =	sdelay $0x1  }
0x8e: {  	v32 =	vor.u32 v46, v1;
	v0 =	vadd.f32 v2, v0;
	v2 =	vmul.f32 v3, v3  }
0x8f: {  	v5 =	vld.idx.msk [tilespmem:v8+s12+$0x0], $0xffff  }
0x90: {  	v0 =	vadd.f32 v2, v0;
	v2 =	vmul.f32 v4, v4;
	v4 =	vld.idx.msk [tilespmem:v33+s12+$0x0], $0xffff  }
0x91: {  	v33 =	vld [tilespmem:$0x1FCB0]  }
0x92: {  	v8 =	vor.u32 v59, v1  }
0x93: {  	v3 =	vld.idx.msk [tilespmem:v32+s12+$0x0], $0xffff  }
0x94: {  	v6 =	vor.u32 v60, v1;
	_ =	sdelay $0x1  }
0x95: {  	v0 =	vadd.f32 v2, v0;
	v2 =	vmul.f32 v5, v5;
	v62 =	vor.u32 v33, v1  }
0x96: {  	v5 =	vld.idx.msk [tilespmem:v8+s12+$0x0], $0xffff  }
0x97: {  	v8 =	vor.u32 v22, v1;
	v0 =	vadd.f32 v2, v0;
	v2 =	vmul.f32 v3, v3  }
0x98: {  	v3 =	vld.idx.msk [tilespmem:v6+s12+$0x0], $0xffff  }
0x99: {  	v32 =	vor.u32 v21, v1;
	v0 =	vadd.f32 v2, v0;
	v2 =	vmul.f32 v4, v4  }
0x9a: {  	v4 =	vld.idx.msk [tilespmem:v62+s12+$0x0], $0xffff  }
0x9b: {  	v0 =	vadd.f32 v2, v0;
	v2 =	vmul.f32 v5, v5;
	v62 =	vor.u32 v23, v1  }
0x9c: {  	v5 =	vld.idx.msk [tilespmem:v8+s12+$0x0], $0xffff  }
0x9d: {  	v8 =	vor.u32 v12, v1;
	v0 =	vadd.f32 v2, v0;
	v2 =	vmul.f32 v3, v3  }
0x9e: {  	v3 =	vld.idx.msk [tilespmem:v32+s12+$0x0], $0xffff  }
0x9f: {  	v32 =	vor.u32 v13, v1;
	v0 =	vadd.f32 v2, v0;
	v2 =	vmul.f32 v4, v4  }
0xa0: {  	v4 =	vld.idx.msk [tilespmem:v62+s12+$0x0], $0xffff  }
0xa1: {  	v62 =	vor.u32 v14, v1;
	v0 =	vadd.f32 v2, v0;
	v2 =	vmul.f32 v5, v5  }
0xa2: {  	v5 =	vld.idx.msk [tilespmem:v8+s12+$0x0], $0xffff  }
0xa3: {  	v8 =	vor.u32 v15, v1;
	v0 =	vadd.f32 v2, v0;
	v2 =	vmul.f32 v3, v3  }
0xa4: {  	v3 =	vld.idx.msk [tilespmem:v32+s12+$0x0], $0xffff  }
0xa5: {  	v32 =	vor.u32 v16, v1;
	v0 =	vadd.f32 v2, v0;
	v2 =	vmul.f32 v4, v4  }
0xa6: {  	v4 =	vld.idx.msk [tilespmem:v62+s12+$0x0], $0xffff  }
0xa7: {  	v62 =	vor.u32 v17, v1;
	v0 =	vadd.f32 v2, v0;
	v2 =	vmul.f32 v5, v5  }
0xa8: {  	v5 =	vld.idx.msk [tilespmem:v8+s12+$0x0], $0xffff;
	v8 =	vor.u32 v18, v1  }
0xa9: {  	v0 =	vadd.f32 v2, v0;
	v2 =	vmul.f32 v3, v3  }
0xaa: {  	v3 =	vld.idx.msk [tilespmem:v32+s12+$0x0], $0xffff;
	v32 =	vor.u32 v19, v1  }
0xab: {  	v0 =	vadd.f32 v2, v0;
	v2 =	vmul.f32 v4, v4  }
0xac: {  	v4 =	vld.idx.msk [tilespmem:v62+s12+$0x0], $0xffff;
	v62 =	vor.u32 v20, v1  }
0xad: {  	v0 =	vadd.f32 v2, v0;
	v2 =	vmul.f32 v5, v5;
	v5 =	vld.idx.msk [tilespmem:v8+s12+$0x0], $0xffff  }
0xae: {  	v8 =	vld [tilespmem:$0x1FCC0]  }
0xaf: {  	v0 =	vadd.f32 v2, v0;
	v2 =	vmul.f32 v3, v3;
	v3 =	vld.idx.msk [tilespmem:v32+s12+$0x0], $0xffff  }
0xb0: {  	v32 =	vld [tilespmem:$0x1FCD0]  }
0xb1: {  	v0 =	vadd.f32 v2, v0;
	v2 =	vmul.f32 v4, v4;
	v4 =	vld.idx.msk [tilespmem:v62+s12+$0x0], $0xffff  }
0xb2: {  	v62 =	vld [tilespmem:$0x1FCE0]  }
0xb3: {  	v8 =	vor.u32 v8, v1;
	_ =	sdelay $0x1  }
0xb4: {  	v6 =	vor.u32 v32, v1;
	_ =	sdelay $0x1  }
0xb5: {  	v0 =	vadd.f32 v2, v0;
	v2 =	vmul.f32 v5, v5;
	v7 =	vor.u32 v62, v1  }
0xb6: {  	v5 =	vld.idx.msk [tilespmem:v8+s12+$0x0], $0xffff  }
0xb7: {  	v0 =	vadd.f32 v2, v0;
	v2 =	vmul.f32 v3, v3;
	v8 =	vor.u32 v24, v1  }
0xb8: {  	v3 =	vld.idx.msk [tilespmem:v6+s12+$0x0], $0xffff  }
0xb9: {  	v32 =	vor.u32 v25, v1;
	v0 =	vadd.f32 v2, v0;
	v2 =	vmul.f32 v4, v4  }
0xba: {  	v4 =	vld.idx.msk [tilespmem:v7+s12+$0x0], $0xffff  }
0xbb: {  	v11 =	vld [tilespmem:$0x1FE50];
	v62 =	vor.u32 v36, v1;
	v0 =	vadd.f32 v2, v0;
	v2 =	vmul.f32 v5, v5  }
0xbc: {  	v5 =	vld.idx.msk [tilespmem:v8+s12+$0x0], $0xffff  }
0xbd: {  	v0 =	vadd.f32 v2, v0;
	v2 =	vmul.f32 v3, v3  }
0xbe: {  	v3 =	vld.idx.msk [tilespmem:v32+s12+$0x0], $0xffff  }
0xbf: {  	v8 =	vor.u32 v39, v1;
	v0 =	vadd.f32 v2, v0;
	v2 =	vmul.f32 v4, v4  }
0xc0: {  	v4 =	vld.idx.msk [tilespmem:v62+s12+$0x0], $0xffff;
	v62 =	vor.u32 v11, v1  }
0xc1: {  	v0 =	vadd.f32 v2, v0;
	v2 =	vmul.f32 v5, v5  }
0xc2: {  	v32 =	vor.u32 v42, v1  }
0xc3: {  	v0 =	vadd.f32 v2, v0;
	v2 =	vmul.f32 v3, v3  }
0xc4: {  	v5 =	vld.idx.msk [tilespmem:v8+s12+$0x0], $0xffff  }
0xc5: {  	v0 =	vadd.f32 v2, v0;
	v2 =	vmul.f32 v4, v4;
	v4 =	vld.idx.msk [tilespmem:v62+s12+$0x0], $0xffff  }
0xc6: {  	v8 =	vor.u32 v9, v1;
	v62 =	vld [tilespmem:$0x1FE60]  }
0xc7: {  	v3 =	vld.idx.msk [tilespmem:v32+s12+$0x0], $0xffff;
	_ =	sdelay $0x1  }
0xc8: {  	v32 =	vor.u32 v10, v1  }
0xc9: {  	v0 =	vadd.f32 v2, v0;
	v2 =	vmul.f32 v5, v5  }
0xca: {  	v5 =	vld.idx.msk [tilespmem:v8+s12+$0x0], $0xffff;
	v8 =	vor.u32 v62, v1  }
0xcb: {  	v0 =	vadd.f32 v2, v0;
	v2 =	vmul.f32 v3, v3  }
0xcc: {  	v7 =	vor.u32 v61, v1  }
0xcd: {  	v3 =	vld.idx.msk [tilespmem:v32+s12+$0x0], $0xffff;
	v32 =	vor.u32 v63, v1;
	v0 =	vadd.f32 v2, v0;
	v2 =	vmul.f32 v4, v4  }
0xce: {  	v28 =	vld [tilespmem:$0x1FE00]  }
0xcf: {  	v0 =	vadd.f32 v2, v0;
	v2 =	vmul.f32 v5, v5;
	v5 =	vld.idx.msk [tilespmem:v8+s12+$0x0], $0xffff  }
0xd0: {  	v8 =	vld [tilespmem:$0x1FD10]  }
0xd1: {  	v4 =	vld.idx.msk [tilespmem:v7+s12+$0x0], $0xffff  }
0xd2: {  	v0 =	vadd.f32 v2, v0;
	v2 =	vmul.f32 v3, v3;
	v3 =	vld.idx.msk [tilespmem:v32+s12+$0x0], $0xffff  }
0xd3: {  	v32 =	vld [tilespmem:$0x1FE10]  }
0xd4: {  	v10 =	vld [tilespmem:$0x1FDF0]  }
0xd5: {  	v8 =	vor.u32 v8, v1;
	_ =	sdelay $0x1  }
0xd6: {  	v9 =	vld [tilespmem:$0x1FD40]  }
0xd7: {  	v0 =	vadd.f32 v2, v0;
	v2 =	vmul.f32 v4, v4;
	v6 =	vsel vm0, v32, v28  }
0xd8: {  	v27 =	vcombine.low v10, v6;
	v10 =	vld [tilespmem:$0x1FD00]  }
0xd9: {  	v0 =	vadd.f32 v2, v0;
	v2 =	vmul.f32 v5, v5;
	v5 =	vld.idx.msk [tilespmem:v8+s12+$0x0], $0xffff  }
0xda: {  	v8 =	vld [tilespmem:$0x1FCF0]  }
0xdb: {  	v9 =	vor.u32 v9, v1;
	v0 =	vadd.f32 v2, v0;
	v2 =	vmul.f32 v3, v3;
	v3 =	vld [tilespmem:$0x1FD70];
	_ =	sdelay $0x3  }
0xdc: {  	v8 =	vsel vm0, v10, v8  }
0xdd: {  	v30 =	vcombine.low v8, v3;
	v3 =	vld.idx.msk [tilespmem:v9+s12+$0x0], $0xffff  }
0xde: {  	v8 =	vld [tilespmem:$0x1FD20]  }
0xdf: {  	v9 =	vld [tilespmem:$0x1FD30];
	_ =	sdelay $0x3  }
0xe0: {  	v26 =	vld [tilespmem:$0x1FE70]  }
0xe1: {  	v8 =	vsel vm0, v9, v8;
	v9 =	vld [tilespmem:$0x1FD80]  }
0xe2: {  	v10 =	vld [tilespmem:$0x1FD60];
	_ =	sdelay $0x2  }
0xe3: {  	v7 =	vor.u32 v26, v1  }
0xe4: {  	v32 =	vcombine.low v8, v9;
	v8 =	vld [tilespmem:$0x1FDE0]  }
0xe5: {  	v10 =	vor.u32 v10, v1;
	v9 =	vld [tilespmem:$0x1FE20];
	_ =	sdelay $0x2  }
0xe6: {  	v4 =	vld.idx.msk [tilespmem:v7+s12+$0x0], $0xffff  }
0xe7: {  	v7 =	vor.u32 v27, v1;
	v8 =	vsel vm0, v28, v8  }
0xe8: {  	v29 =	vcombine.low v8, v9;
	v8 =	vld.idx.msk [tilespmem:v10+s12+$0x0], $0xffff  }
0xe9: {  	v9 =	vld [tilespmem:$0x1FDA0]  }
0xea: {  	v10 =	vld [tilespmem:$0x1FD50]  }
0xeb: {  	v0 =	vadd.f32 v2, v0;
	v2 =	vmul.f32 v4, v4  }
0xec: {  	v7 =	vld.idx.msk [tilespmem:v7+s12+$0x0], $0xffff;
	v4 =	vor.u32 v30, v1  }
0xed: {  	v0 =	vadd.f32 v2, v0;
	v2 =	vmul.f32 v5, v5;
	v5 =	vor.u32 v32, v1;
	_ =	sdelay $0x1  }
0xee: {  	v0 =	vadd.f32 v2, v0;
	v2 =	vmul.f32 v3, v3;
	v9 =	vsel vm0, v9, v10;
	v10 =	vld [tilespmem:$0x1FE30];
	_ =	sdelay $0x1  }
0xef: {  	v4 =	vld.idx.msk [tilespmem:v4+s12+$0x0], $0xffff;
	v0 =	vadd.f32 v2, v0;
	v2 =	vmul.f32 v7, v7  }
0xf0: {  	v5 =	vld.idx.msk [tilespmem:v5+s12+$0x0], $0xffff  }
0xf1: {  	v0 =	vadd.f32 v2, v0;
	v2 =	vmul.f32 v8, v8;
	v8 =	vld [tilespmem:$0x1FD90]  }
0xf2: {  	v31 =	vcombine.low v9, v10;
	v9 =	vld [tilespmem:$0x1FDB0]  }
0xf3: {  	v3 =	vor.u32 v29, v1;
	_ =	sdelay $0x1  }
0xf4: {  	v4 =	vmul.f32 v4, v4;
	v2 =	vadd.f32 v2, v0;
	v10 =	vld [tilespmem:$0x1FE40];
	v7 =	vor.u32 v31, v1  }
0xf5: {  	v8 =	vor.u32 v8, v1  }
0xf6: {  	v5 =	vmul.f32 v5, v5;
	v2 =	vadd.f32 v4, v2;
	v9 =	vor.u32 v9, v1  }
0xf7: {  	v3 =	vld.idx.msk [tilespmem:v3+s12+$0x0], $0xffff  }
0xf8: {  	v2 =	vadd.f32 v5, v2;
	v5 =	vld [tilespmem:$0x1FDC0]  }
0xf9: {  	v0 =	vmov v33;
	v33 =	vcombine.low v6, v10;
	v6 =	vld.idx.msk [tilespmem:v7+s12+$0x0], $0xffff  }
0xfa: {  	v7 =	vld.idx.msk [tilespmem:v8+s12+$0x0], $0xffff  }
0xfb: {  	v8 =	vld.idx.msk [tilespmem:v9+s12+$0x0], $0xffff  }
0xfc: {  	v9 =	vld [tilespmem:$0x1FDD0]  }
0xfd: {  	v4 =	vor.u32 v33, v1;
	_ =	sdelay $0x1  }
0xfe: {  	v3 =	vmul.f32 v3, v3;
	v5 =	vor.u32 v5, v1;
	_ =	sdelay $0x1  }
0xff: {  	v2 =	vadd.f32 v3, v2;
	v6 =	vmul.f32 v6, v6;
	v3 =	vor.u32 v9, v1  }
0x100: {  	v4 =	vld.idx.msk [tilespmem:v4+s12+$0x0], $0xffff  }
0x101: {  	v7 =	vmul.f32 v7, v7;
	v2 =	vadd.f32 v6, v2;
	v6 =	vor.u32 v34, v1  }
0x102: {  	v5 =	vld.idx.msk [tilespmem:v5+s12+$0x0], $0xffff  }
0x103: {  	v1 =	vor.u32 v35, v1;
	v2 =	vadd.f32 v7, v2;
	v7 =	vmul.f32 v8, v8  }
0x104: {  	v3 =	vld.idx.msk [tilespmem:v3+s12+$0x0], $0xffff  }
0x105: {  	v4 =	vmul.f32 v4, v4;
	v2 =	vadd.f32 v7, v2  }
0x106: {  	v6 =	vld.idx.msk [tilespmem:v6+s12+$0x0], $0xffff  }
0x107: {  	v2 =	vadd.f32 v4, v2;
	v4 =	vmul.f32 v5, v5  }
0x108: {  	v1 =	vld.idx.msk [tilespmem:v1+s12+$0x0], $0xffff  }
0x109: {  	v2 =	vadd.f32 v4, v2;
	v3 =	vmul.f32 v3, v3;
	_ =	sdelay $0x1  }
0x10a: {  	v2 =	vadd.f32 v3, v2;
	v3 =	vmul.f32 v6, v6;
	_ =	sdelay $0x1  }
0x10b: {  	v1 =	vmul.f32 v1, v1;
	v2 =	vadd.f32 v3, v2;
	_ =	sdelay $0x1  }
0x10c: {  	v1 =	vadd.f32 v1, v2;
	_ =	sdelay $0x1  }
0x10d: {  	v2 =	vshra.s32 v1, $0x1;
	v1 =	vmul.f32 $5.000000000e-01, v1  }
0x10e: {  	v2 =	vsub.s32 $0x5F3759DF, v2  }
0x10f: {  	v3 =	vmul.f32 v2, v1;
	_ =	sdelay $0x1  }
0x110: {  	v3 =	vmul.f32 v2, v3;
	_ =	sdelay $0x1  }
0x111: {  	v3 =	vsub.f32 $1.500000000e+00, v3;
	_ =	sdelay $0x1  }
0x112: {  	v2 =	vmul.f32 v2, v3;
	_ =	sdelay $0x1  }
0x113: {  	v3 =	vmul.f32 v2, v1;
	_ =	sdelay $0x1  }
0x114: {  	v3 =	vmul.f32 v3, v2;
	_ =	sdelay $0x1  }
0x115: {  	v3 =	vsub.f32 $1.500000000e+00, v3;
	_ =	sdelay $0x1  }
0x116: {  	v2 =	vmul.f32 v3, v2;
	_ =	sdelay $0x1  }
0x117: {  	s0 =	simm.s32 $0x10;
	v1 =	vmul.f32 v2, v1  }
0x118: {  	v3 =	vmov s0  }
0x119: {  	v3 =	vshll.u32 v3, $0x6;
	v4 =	vmul.f32 v1, v2  }
0x11a: {  	v1 =	vor.u32 v44, v3  }
0x11b: {  	v3 =	vor.u32 v45, v1;
	v4 =	vsub.f32 $1.500000000e+00, v4  }
0x11c: {  	v5 =	vor.u32 v43, v1  }
0x11d: {  	v2 =	vmul.f32 v4, v2  }
0x11e: {  	s25 =	simm.s32 $0x16600;
	v4 =	vor.u32 v50, v1  }
0x11f: {  	[tilespmem:s25+$0x0] =	vst v2  }
0x120: {  	v2 =	vld.idx.msk [tilespmem:v3+s12+$0x0], $0xffff;
	v3 =	vor.u32 v53, v1  }
0x121: {  	v5 =	vld.idx.msk [tilespmem:v5+s12+$0x0], $0xffff  }
0x122: {  	v6 =	vor.u32 v54, v1  }
0x123: {  	v4 =	vld.idx.msk [tilespmem:v4+s12+$0x0], $0xffff  }
0x124: {  	v7 =	vor.u32 v51, v1  }
0x125: {  	v3 =	vld.idx.msk [tilespmem:v3+s12+$0x0], $0xffff  }
0x126: {  	v8 =	vor.u32 v52, v1;
	v5 =	vmul.f32 v5, v5;
	v2 =	vmul.f32 v2, v2  }
0x127: {  	v6 =	vld.idx.msk [tilespmem:v6+s12+$0x0], $0xffff  }
0x128: {  	v2 =	vadd.f32 v2, v5;
	v5 =	vor.u32 v37, v1;
	v4 =	vmul.f32 v4, v4  }
0x129: {  	v7 =	vld.idx.msk [tilespmem:v7+s12+$0x0], $0xffff  }
0x12a: {  	v2 =	vadd.f32 v4, v2;
	v4 =	vor.u32 v38, v1;
	v3 =	vmul.f32 v3, v3  }
0x12b: {  	v8 =	vld.idx.msk [tilespmem:v8+s12+$0x0], $0xffff  }
0x12c: {  	v6 =	vmul.f32 v6, v6;
	v2 =	vadd.f32 v3, v2;
	v3 =	vor.u32 v40, v1  }
0x12d: {  	v5 =	vld.idx.msk [tilespmem:v5+s12+$0x0], $0xffff  }
0x12e: {  	v7 =	vmul.f32 v7, v7;
	v2 =	vadd.f32 v6, v2;
	v6 =	vor.u32 v41, v1  }
0x12f: {  	v4 =	vld.idx.msk [tilespmem:v4+s12+$0x0], $0xffff  }
0x130: {  	v8 =	vmul.f32 v8, v8;
	v2 =	vadd.f32 v7, v2;
	v7 =	vor.u32 v55, v1  }
0x131: {  	v3 =	vld.idx.msk [tilespmem:v3+s12+$0x0], $0xffff  }
0x132: {  	v5 =	vmul.f32 v5, v5;
	v2 =	vadd.f32 v8, v2;
	v8 =	vor.u32 v56, v1  }
0x133: {  	v6 =	vld.idx.msk [tilespmem:v6+s12+$0x0], $0xffff  }
0x134: {  	v4 =	vmul.f32 v4, v4;
	v2 =	vadd.f32 v5, v2;
	v5 =	vor.u32 v57, v1  }
0x135: {  	v7 =	vld.idx.msk [tilespmem:v7+s12+$0x0], $0xffff  }
0x136: {  	v2 =	vadd.f32 v4, v2;
	v4 =	vor.u32 v58, v1;
	v3 =	vmul.f32 v3, v3  }
0x137: {  	v8 =	vld.idx.msk [tilespmem:v8+s12+$0x0], $0xffff  }
0x138: {  	v2 =	vadd.f32 v3, v2;
	v3 =	vor.u32 v47, v1;
	v6 =	vmul.f32 v6, v6  }
0x139: {  	v5 =	vld.idx.msk [tilespmem:v5+s12+$0x0], $0xffff  }
0x13a: {  	v2 =	vadd.f32 v6, v2;
	v6 =	vor.u32 v48, v1;
	v7 =	vmul.f32 v7, v7  }
0x13b: {  	v4 =	vld.idx.msk [tilespmem:v4+s12+$0x0], $0xffff  }
0x13c: {  	v2 =	vadd.f32 v7, v2;
	v7 =	vor.u32 v46, v1;
	v8 =	vmul.f32 v8, v8  }
0x13d: {  	v3 =	vld.idx.msk [tilespmem:v3+s12+$0x0], $0xffff  }
0x13e: {  	v2 =	vadd.f32 v8, v2;
	v8 =	vor.u32 v49, v1;
	v5 =	vmul.f32 v5, v5  }
0x13f: {  	v6 =	vld.idx.msk [tilespmem:v6+s12+$0x0], $0xffff  }
0x140: {  	v2 =	vadd.f32 v5, v2;
	v5 =	vor.u32 v59, v1;
	v4 =	vmul.f32 v4, v4  }
0x141: {  	v7 =	vld.idx.msk [tilespmem:v7+s12+$0x0], $0xffff  }
0x142: {  	v2 =	vadd.f32 v4, v2;
	v4 =	vor.u32 v60, v1;
	v3 =	vmul.f32 v3, v3  }
0x143: {  	v8 =	vld.idx.msk [tilespmem:v8+s12+$0x0], $0xffff  }
0x144: {  	v2 =	vadd.f32 v3, v2;
	v3 =	vor.u32 v0, v1;
	v6 =	vmul.f32 v6, v6  }
0x145: {  	v5 =	vld.idx.msk [tilespmem:v5+s12+$0x0], $0xffff  }
0x146: {  	v2 =	vadd.f32 v6, v2;
	v6 =	vor.u32 v22, v1;
	v7 =	vmul.f32 v7, v7  }
0x147: {  	v4 =	vld.idx.msk [tilespmem:v4+s12+$0x0], $0xffff  }
0x148: {  	v2 =	vadd.f32 v7, v2;
	v7 =	vor.u32 v21, v1;
	v8 =	vmul.f32 v8, v8  }
0x149: {  	v3 =	vld.idx.msk [tilespmem:v3+s12+$0x0], $0xffff  }
0x14a: {  	v2 =	vadd.f32 v8, v2;
	v8 =	vor.u32 v23, v1;
	v5 =	vmul.f32 v5, v5  }
0x14b: {  	v6 =	vld.idx.msk [tilespmem:v6+s12+$0x0], $0xffff  }
0x14c: {  	v2 =	vadd.f32 v5, v2;
	v5 =	vor.u32 v12, v1;
	v4 =	vmul.f32 v4, v4  }
0x14d: {  	v7 =	vld.idx.msk [tilespmem:v7+s12+$0x0], $0xffff  }
0x14e: {  	v2 =	vadd.f32 v4, v2;
	v4 =	vor.u32 v13, v1;
	v3 =	vmul.f32 v3, v3  }
0x14f: {  	v8 =	vld.idx.msk [tilespmem:v8+s12+$0x0], $0xffff  }
0x150: {  	v2 =	vadd.f32 v3, v2;
	v3 =	vor.u32 v14, v1;
	v6 =	vmul.f32 v6, v6  }
0x151: {  	v5 =	vld.idx.msk [tilespmem:v5+s12+$0x0], $0xffff  }
0x152: {  	v2 =	vadd.f32 v6, v2;
	v6 =	vor.u32 v15, v1;
	v7 =	vmul.f32 v7, v7  }
0x153: {  	v4 =	vld.idx.msk [tilespmem:v4+s12+$0x0], $0xffff  }
0x154: {  	v2 =	vadd.f32 v7, v2;
	v7 =	vor.u32 v16, v1;
	v8 =	vmul.f32 v8, v8  }
0x155: {  	v3 =	vld.idx.msk [tilespmem:v3+s12+$0x0], $0xffff  }
0x156: {  	v2 =	vadd.f32 v8, v2;
	v8 =	vor.u32 v17, v1;
	v5 =	vmul.f32 v5, v5  }
0x157: {  	v6 =	vld.idx.msk [tilespmem:v6+s12+$0x0], $0xffff  }
0x158: {  	v2 =	vadd.f32 v5, v2;
	v4 =	vmul.f32 v4, v4  }
0x159: {  	v7 =	vld.idx.msk [tilespmem:v7+s12+$0x0], $0xffff  }
0x15a: {  	v2 =	vadd.f32 v4, v2;
	v3 =	vmul.f32 v3, v3  }
0x15b: {  	v8 =	vld.idx.msk [tilespmem:v8+s12+$0x0], $0xffff  }
0x15c: {  	v5 =	vor.u32 v18, v1;
	v2 =	vadd.f32 v3, v2;
	v6 =	vmul.f32 v6, v6;
	_ =	sdelay $0x1  }
0x15d: {  	v2 =	vadd.f32 v6, v2;
	v6 =	vld [tilespmem:$0x1FCC0];
	v7 =	vmul.f32 v7, v7  }
0x15e: {  	v4 =	vor.u32 v19, v1  }
0x15f: {  	v2 =	vadd.f32 v7, v2;
	v7 =	vld [tilespmem:$0x1FCD0];
	v8 =	vmul.f32 v8, v8  }
0x160: {  	v3 =	vor.u32 v20, v1;
	v5 =	vld.idx.msk [tilespmem:v5+s12+$0x0], $0xffff  }
0x161: {  	v2 =	vadd.f32 v8, v2;
	v8 =	vld [tilespmem:$0x1FCE0]  }
0x162: {  	v6 =	vor.u32 v6, v1  }
0x163: {  	v4 =	vld.idx.msk [tilespmem:v4+s12+$0x0], $0xffff  }
0x164: {  	v7 =	vor.u32 v7, v1  }
0x165: {  	v3 =	vld.idx.msk [tilespmem:v3+s12+$0x0], $0xffff  }
0x166: {  	v5 =	vmul.f32 v5, v5;
	v8 =	vor.u32 v8, v1  }
0x167: {  	v6 =	vld.idx.msk [tilespmem:v6+s12+$0x0], $0xffff  }
0x168: {  	v2 =	vadd.f32 v5, v2;
	v5 =	vor.u32 v24, v1;
	v4 =	vmul.f32 v4, v4  }
0x169: {  	v7 =	vld.idx.msk [tilespmem:v7+s12+$0x0], $0xffff  }
0x16a: {  	v2 =	vadd.f32 v4, v2;
	v4 =	vor.u32 v25, v1;
	v3 =	vmul.f32 v3, v3  }
0x16b: {  	v8 =	vld.idx.msk [tilespmem:v8+s12+$0x0], $0xffff  }
0x16c: {  	v2 =	vadd.f32 v3, v2;
	v3 =	vor.u32 v36, v1;
	v6 =	vmul.f32 v6, v6  }
0x16d: {  	v5 =	vld.idx.msk [tilespmem:v5+s12+$0x0], $0xffff  }
0x16e: {  	v10 =	vld [tilespmem:$0x1FF90];
	v2 =	vadd.f32 v6, v2;
	v6 =	vor.u32 v39, v1;
	v7 =	vmul.f32 v7, v7  }
0x16f: {  	v4 =	vld.idx.msk [tilespmem:v4+s12+$0x0], $0xffff  }
0x170: {  	v28 =	vld [tilespmem:$0x1FFA0];
	v2 =	vadd.f32 v7, v2;
	v7 =	vor.u32 v42, v1;
	v8 =	vmul.f32 v8, v8  }
0x171: {  	v3 =	vld.idx.msk [tilespmem:v3+s12+$0x0], $0xffff  }
0x172: {  	v5 =	vmul.f32 v5, v5;
	v2 =	vadd.f32 v8, v2;
	v8 =	vor.u32 v11, v1  }
0x173: {  	v6 =	vld.idx.msk [tilespmem:v6+s12+$0x0], $0xffff  }
0x174: {  	v4 =	vmul.f32 v4, v4;
	v2 =	vadd.f32 v5, v2;
	v5 =	vor.u32 v10, v1  }
0x175: {  	v7 =	vld.idx.msk [tilespmem:v7+s12+$0x0], $0xffff  }
0x176: {  	v3 =	vmul.f32 v3, v3;
	v2 =	vadd.f32 v4, v2;
	v4 =	vor.u32 v28, v1  }
0x177: {  	v8 =	vld.idx.msk [tilespmem:v8+s12+$0x0], $0xffff  }
0x178: {  	v2 =	vadd.f32 v3, v2;
	v3 =	vor.u32 v61, v1;
	v6 =	vmul.f32 v6, v6  }
0x179: {  	v5 =	vld.idx.msk [tilespmem:v5+s12+$0x0], $0xffff  }
0x17a: {  	v2 =	vadd.f32 v6, v2;
	v6 =	vor.u32 v62, v1;
	v7 =	vmul.f32 v7, v7  }
0x17b: {  	v4 =	vld.idx.msk [tilespmem:v4+s12+$0x0], $0xffff  }
0x17c: {  	v2 =	vadd.f32 v7, v2;
	v8 =	vmul.f32 v8, v8  }
0x17d: {  	v3 =	vld.idx.msk [tilespmem:v3+s12+$0x0], $0xffff  }
0x17e: {  	v2 =	vadd.f32 v8, v2;
	v5 =	vmul.f32 v5, v5  }
0x17f: {  	v6 =	vld.idx.msk [tilespmem:v6+s12+$0x0], $0xffff  }
0x180: {  	v7 =	vor.u32 v63, v1;
	v2 =	vadd.f32 v5, v2;
	v5 =	vld [tilespmem:$0x1FD10];
	v4 =	vmul.f32 v4, v4;
	_ =	sdelay $0x1  }
0x181: {  	v2 =	vadd.f32 v4, v2;
	v4 =	vld [tilespmem:$0x1FD40];
	v3 =	vmul.f32 v3, v3  }
0x182: {  	v8 =	vor.u32 v26, v1  }
0x183: {  	v2 =	vadd.f32 v3, v2;
	v6 =	vmul.f32 v6, v6  }
0x184: {  	v7 =	vld.idx.msk [tilespmem:v7+s12+$0x0], $0xffff;
	v5 =	vor.u32 v5, v1  }
0x185: {  	v2 =	vadd.f32 v6, v2;
	v6 =	vld [tilespmem:$0x1FD60]  }
0x186: {  	v4 =	vor.u32 v4, v1  }
0x187: {  	v8 =	vld.idx.msk [tilespmem:v8+s12+$0x0], $0xffff  }
0x188: {  	v3 =	vor.u32 v27, v1  }
0x189: {  	v5 =	vld.idx.msk [tilespmem:v5+s12+$0x0], $0xffff  }
0x18a: {  	v7 =	vmul.f32 v7, v7;
	v6 =	vor.u32 v6, v1  }
0x18b: {  	v4 =	vld.idx.msk [tilespmem:v4+s12+$0x0], $0xffff  }
0x18c: {  	v2 =	vadd.f32 v7, v2;
	v7 =	vor.u32 v30, v1;
	v8 =	vmul.f32 v8, v8  }
0x18d: {  	v3 =	vld.idx.msk [tilespmem:v3+s12+$0x0], $0xffff  }
0x18e: {  	v2 =	vadd.f32 v8, v2;
	v8 =	vor.u32 v32, v1;
	v5 =	vmul.f32 v5, v5  }
0x18f: {  	v6 =	vld.idx.msk [tilespmem:v6+s12+$0x0], $0xffff  }
0x190: {  	v2 =	vadd.f32 v5, v2;
	v4 =	vmul.f32 v4, v4  }
0x191: {  	v7 =	vld.idx.msk [tilespmem:v7+s12+$0x0], $0xffff  }
0x192: {  	v3 =	vmul.f32 v3, v3;
	v2 =	vadd.f32 v4, v2  }
0x193: {  	v8 =	vld.idx.msk [tilespmem:v8+s12+$0x0], $0xffff  }
0x194: {  	v5 =	vor.u32 v29, v1;
	v2 =	vadd.f32 v3, v2;
	v3 =	vld [tilespmem:$0x1FD90];
	v6 =	vmul.f32 v6, v6;
	_ =	sdelay $0x1  }
0x195: {  	v7 =	vmul.f32 v7, v7;
	v2 =	vadd.f32 v6, v2;
	v6 =	vld [tilespmem:$0x1FDB0]  }
0x196: {  	v4 =	vor.u32 v31, v1  }
0x197: {  	v8 =	vmul.f32 v8, v8;
	v2 =	vadd.f32 v7, v2  }
0x198: {  	v5 =	vld.idx.msk [tilespmem:v5+s12+$0x0], $0xffff;
	v3 =	vor.u32 v3, v1  }
0x199: {  	v2 =	vadd.f32 v8, v2;
	v8 =	vld [tilespmem:$0x1FDC0]  }
0x19a: {  	v6 =	vor.u32 v6, v1  }
0x19b: {  	v4 =	vld.idx.msk [tilespmem:v4+s12+$0x0], $0xffff  }
0x19c: {  	v7 =	vor.u32 v33, v1  }
0x19d: {  	v3 =	vld.idx.msk [tilespmem:v3+s12+$0x0], $0xffff  }
0x19e: {  	v5 =	vmul.f32 v5, v5;
	v8 =	vor.u32 v8, v1  }
0x19f: {  	v6 =	vld.idx.msk [tilespmem:v6+s12+$0x0], $0xffff  }
0x1a0: {  	v2 =	vadd.f32 v5, v2;
	v5 =	vor.u32 v9, v1;
	v4 =	vmul.f32 v4, v4  }
0x1a1: {  	v7 =	vld.idx.msk [tilespmem:v7+s12+$0x0], $0xffff  }
0x1a2: {  	v2 =	vadd.f32 v4, v2;
	v4 =	vor.u32 v34, v1;
	v3 =	vmul.f32 v3, v3  }
0x1a3: {  	v8 =	vld.idx.msk [tilespmem:v8+s12+$0x0], $0xffff  }
0x1a4: {  	v1 =	vor.u32 v35, v1;
	v2 =	vadd.f32 v3, v2;
	v3 =	vmul.f32 v6, v6  }
0x1a5: {  	v5 =	vld.idx.msk [tilespmem:v5+s12+$0x0], $0xffff  }
0x1a6: {  	v2 =	vadd.f32 v3, v2;
	v3 =	vmul.f32 v7, v7  }
0x1a7: {  	v4 =	vld.idx.msk [tilespmem:v4+s12+$0x0], $0xffff  }
0x1a8: {  	v2 =	vadd.f32 v3, v2;
	v3 =	vmul.f32 v8, v8  }
0x1a9: {  	v1 =	vld.idx.msk [tilespmem:v1+s12+$0x0], $0xffff  }
0x1aa: {  	v2 =	vadd.f32 v3, v2;
	v3 =	vmul.f32 v5, v5;
	_ =	sdelay $0x1  }
0x1ab: {  	v2 =	vadd.f32 v3, v2;
	v3 =	vmul.f32 v4, v4;
	_ =	sdelay $0x1  }
0x1ac: {  	v1 =	vmul.f32 v1, v1;
	v2 =	vadd.f32 v3, v2;
	_ =	sdelay $0x1  }
0x1ad: {  	v1 =	vadd.f32 v1, v2;
	_ =	sdelay $0x1  }
0x1ae: {  	v2 =	vshra.s32 v1, $0x1;
	v1 =	vmul.f32 $5.000000000e-01, v1  }
0x1af: {  	v2 =	vsub.s32 $0x5F3759DF, v2  }
0x1b0: {  	v3 =	vmul.f32 v2, v1;
	_ =	sdelay $0x1  }
0x1b1: {  	v3 =	vmul.f32 v2, v3;
	_ =	sdelay $0x1  }
0x1b2: {  	v3 =	vsub.f32 $1.500000000e+00, v3;
	_ =	sdelay $0x1  }
0x1b3: {  	v2 =	vmul.f32 v2, v3;
	_ =	sdelay $0x1  }
0x1b4: {  	v3 =	vmul.f32 v2, v1;
	_ =	sdelay $0x1  }
0x1b5: {  	v3 =	vmul.f32 v3, v2;
	_ =	sdelay $0x1  }
0x1b6: {  	v3 =	vsub.f32 $1.500000000e+00, v3;
	_ =	sdelay $0x1  }
0x1b7: {  	v2 =	vmul.f32 v3, v2;
	_ =	sdelay $0x1  }
0x1b8: {  	s31 =	simm.s32 $0x20;
	v3 =	vmul.f32 v2, v1  }
0x1b9: {  	v1 =	vmov s31  }
0x1ba: {  	s0 =	simm.s32 $0x30;
	v1 =	vshll.u32 v1, $0x6;
	v3 =	vmul.f32 v3, v2  }
.LBB2_2:
0x1bb: {  	v1 =	vor.u32 v44, v1  }
0x1bc: {  	v4 =	vor.u32 v45, v1;
	v3 =	vsub.f32 $1.500000000e+00, v3  }
0x1bd: {  	v5 =	vor.u32 v43, v1  }
0x1be: {  	v2 =	vmul.f32 v3, v2  }
0x1bf: {  	s25 =	sadd.s32 $0x10, s25;
	v3 =	vor.u32 v50, v1  }
0x1c0: {  	[tilespmem:s25+$0x0] =	vst v2  }
0x1c1: {  	v2 =	vld.idx.msk [tilespmem:v4+s12+$0x0], $0xffff;
	v4 =	vor.u32 v53, v1  }
0x1c2: {  	v5 =	vld.idx.msk [tilespmem:v5+s12+$0x0], $0xffff  }
0x1c3: {  	v6 =	vor.u32 v54, v1  }
0x1c4: {  	v3 =	vld.idx.msk [tilespmem:v3+s12+$0x0], $0xffff  }
0x1c5: {  	v7 =	vor.u32 v51, v1  }
0x1c6: {  	v4 =	vld.idx.msk [tilespmem:v4+s12+$0x0], $0xffff  }
0x1c7: {  	v8 =	vor.u32 v52, v1;
	v5 =	vmul.f32 v5, v5;
	v2 =	vmul.f32 v2, v2  }
0x1c8: {  	v6 =	vld.idx.msk [tilespmem:v6+s12+$0x0], $0xffff  }
0x1c9: {  	v9 =	vor.u32 v37, v1;
	v2 =	vadd.f32 v2, v5;
	v3 =	vmul.f32 v3, v3  }
0x1ca: {  	v5 =	vld.idx.msk [tilespmem:v7+s12+$0x0], $0xffff  }
0x1cb: {  	v7 =	vor.u32 v38, v1;
	v2 =	vadd.f32 v3, v2;
	v3 =	vmul.f32 v4, v4  }
0x1cc: {  	v4 =	vld.idx.msk [tilespmem:v8+s12+$0x0], $0xffff  }
0x1cd: {  	v8 =	vor.u32 v40, v1;
	v2 =	vadd.f32 v3, v2;
	v3 =	vmul.f32 v6, v6  }
0x1ce: {  	v6 =	vld.idx.msk [tilespmem:v9+s12+$0x0], $0xffff  }
0x1cf: {  	v9 =	vor.u32 v41, v1;
	v2 =	vadd.f32 v3, v2;
	v3 =	vmul.f32 v5, v5  }
0x1d0: {  	v5 =	vld.idx.msk [tilespmem:v7+s12+$0x0], $0xffff  }
0x1d1: {  	v7 =	vor.u32 v55, v1;
	v2 =	vadd.f32 v3, v2;
	v3 =	vmul.f32 v4, v4  }
0x1d2: {  	v4 =	vld.idx.msk [tilespmem:v8+s12+$0x0], $0xffff  }
0x1d3: {  	v8 =	vor.u32 v56, v1;
	v2 =	vadd.f32 v3, v2;
	v3 =	vmul.f32 v6, v6  }
0x1d4: {  	v6 =	vld.idx.msk [tilespmem:v9+s12+$0x0], $0xffff  }
0x1d5: {  	v9 =	vor.u32 v57, v1;
	v2 =	vadd.f32 v3, v2;
	v3 =	vmul.f32 v5, v5  }
0x1d6: {  	v5 =	vld.idx.msk [tilespmem:v7+s12+$0x0], $0xffff  }
0x1d7: {  	v7 =	vor.u32 v58, v1;
	v2 =	vadd.f32 v3, v2;
	v3 =	vmul.f32 v4, v4  }
0x1d8: {  	v4 =	vld.idx.msk [tilespmem:v8+s12+$0x0], $0xffff  }
0x1d9: {  	v8 =	vor.u32 v47, v1;
	v2 =	vadd.f32 v3, v2;
	v3 =	vmul.f32 v6, v6  }
0x1da: {  	v6 =	vld.idx.msk [tilespmem:v9+s12+$0x0], $0xffff  }
0x1db: {  	v9 =	vor.u32 v48, v1;
	v2 =	vadd.f32 v3, v2;
	v3 =	vmul.f32 v5, v5  }
0x1dc: {  	v5 =	vld.idx.msk [tilespmem:v7+s12+$0x0], $0xffff  }
0x1dd: {  	v7 =	vor.u32 v46, v1;
	v2 =	vadd.f32 v3, v2;
	v3 =	vmul.f32 v4, v4  }
0x1de: {  	v4 =	vld.idx.msk [tilespmem:v8+s12+$0x0], $0xffff  }
0x1df: {  	v8 =	vor.u32 v49, v1;
	v2 =	vadd.f32 v3, v2;
	v3 =	vmul.f32 v6, v6  }
0x1e0: {  	v6 =	vld.idx.msk [tilespmem:v9+s12+$0x0], $0xffff  }
0x1e1: {  	v9 =	vor.u32 v59, v1;
	v2 =	vadd.f32 v3, v2;
	v3 =	vmul.f32 v5, v5  }
0x1e2: {  	v5 =	vld.idx.msk [tilespmem:v7+s12+$0x0], $0xffff  }
0x1e3: {  	v7 =	vor.u32 v60, v1;
	v2 =	vadd.f32 v3, v2;
	v3 =	vmul.f32 v4, v4  }
0x1e4: {  	v4 =	vld.idx.msk [tilespmem:v8+s12+$0x0], $0xffff  }
0x1e5: {  	v8 =	vor.u32 v0, v1;
	v2 =	vadd.f32 v3, v2;
	v3 =	vmul.f32 v6, v6  }
0x1e6: {  	v6 =	vld.idx.msk [tilespmem:v9+s12+$0x0], $0xffff  }
0x1e7: {  	v9 =	vor.u32 v22, v1;
	v2 =	vadd.f32 v3, v2;
	v3 =	vmul.f32 v5, v5  }
0x1e8: {  	v5 =	vld.idx.msk [tilespmem:v7+s12+$0x0], $0xffff  }
0x1e9: {  	v7 =	vor.u32 v21, v1;
	v2 =	vadd.f32 v3, v2;
	v3 =	vmul.f32 v4, v4  }
0x1ea: {  	v4 =	vld.idx.msk [tilespmem:v8+s12+$0x0], $0xffff  }
0x1eb: {  	v8 =	vor.u32 v23, v1;
	v2 =	vadd.f32 v3, v2;
	v3 =	vmul.f32 v6, v6  }
0x1ec: {  	v6 =	vld.idx.msk [tilespmem:v9+s12+$0x0], $0xffff  }
0x1ed: {  	v9 =	vor.u32 v12, v1;
	v2 =	vadd.f32 v3, v2;
	v3 =	vmul.f32 v5, v5  }
0x1ee: {  	v5 =	vld.idx.msk [tilespmem:v7+s12+$0x0], $0xffff  }
0x1ef: {  	v7 =	vor.u32 v13, v1;
	v2 =	vadd.f32 v3, v2;
	v3 =	vmul.f32 v4, v4  }
0x1f0: {  	v4 =	vld.idx.msk [tilespmem:v8+s12+$0x0], $0xffff  }
0x1f1: {  	v8 =	vor.u32 v14, v1;
	v2 =	vadd.f32 v3, v2;
	v3 =	vmul.f32 v6, v6  }
0x1f2: {  	v6 =	vld.idx.msk [tilespmem:v9+s12+$0x0], $0xffff  }
0x1f3: {  	v9 =	vor.u32 v15, v1;
	v2 =	vadd.f32 v3, v2;
	v3 =	vmul.f32 v5, v5  }
0x1f4: {  	v5 =	vld.idx.msk [tilespmem:v7+s12+$0x0], $0xffff  }
0x1f5: {  	v7 =	vor.u32 v16, v1;
	v2 =	vadd.f32 v3, v2;
	v3 =	vmul.f32 v4, v4  }
0x1f6: {  	v4 =	vld.idx.msk [tilespmem:v8+s12+$0x0], $0xffff  }
0x1f7: {  	v8 =	vor.u32 v17, v1;
	v2 =	vadd.f32 v3, v2;
	v3 =	vmul.f32 v6, v6  }
0x1f8: {  	v6 =	vld.idx.msk [tilespmem:v9+s12+$0x0], $0xffff;
	v9 =	vor.u32 v18, v1  }
0x1f9: {  	v2 =	vadd.f32 v3, v2;
	v3 =	vmul.f32 v5, v5  }
0x1fa: {  	v5 =	vld.idx.msk [tilespmem:v7+s12+$0x0], $0xffff;
	v7 =	vor.u32 v19, v1  }
0x1fb: {  	v2 =	vadd.f32 v3, v2;
	v3 =	vmul.f32 v4, v4  }
0x1fc: {  	v4 =	vld.idx.msk [tilespmem:v8+s12+$0x0], $0xffff;
	v8 =	vor.u32 v20, v1  }
0x1fd: {  	v2 =	vadd.f32 v3, v2;
	v3 =	vmul.f32 v6, v6;
	v6 =	vld.idx.msk [tilespmem:v9+s12+$0x0], $0xffff  }
0x1fe: {  	v9 =	vld [tilespmem:$0x1FCC0]  }
0x1ff: {  	v2 =	vadd.f32 v3, v2;
	v3 =	vmul.f32 v5, v5;
	v5 =	vld.idx.msk [tilespmem:v7+s12+$0x0], $0xffff  }
0x200: {  	v7 =	vld [tilespmem:$0x1FCD0]  }
0x201: {  	v2 =	vadd.f32 v3, v2;
	v3 =	vmul.f32 v4, v4;
	v4 =	vld.idx.msk [tilespmem:v8+s12+$0x0], $0xffff  }
0x202: {  	v8 =	vld [tilespmem:$0x1FCE0]  }
0x203: {  	v9 =	vor.u32 v9, v1;
	_ =	sdelay $0x1  }
0x204: {  	v7 =	vor.u32 v7, v1;
	_ =	sdelay $0x1  }
0x205: {  	v2 =	vadd.f32 v3, v2;
	v3 =	vmul.f32 v6, v6;
	v8 =	vor.u32 v8, v1  }
0x206: {  	v6 =	vld.idx.msk [tilespmem:v9+s12+$0x0], $0xffff  }
0x207: {  	v2 =	vadd.f32 v3, v2;
	v3 =	vmul.f32 v5, v5;
	v9 =	vor.u32 v24, v1  }
0x208: {  	v5 =	vld.idx.msk [tilespmem:v7+s12+$0x0], $0xffff  }
0x209: {  	v2 =	vadd.f32 v3, v2;
	v3 =	vmul.f32 v4, v4;
	v7 =	vor.u32 v25, v1  }
0x20a: {  	v4 =	vld.idx.msk [tilespmem:v8+s12+$0x0], $0xffff  }
0x20b: {  	v2 =	vadd.f32 v3, v2;
	v8 =	vor.u32 v36, v1;
	v3 =	vmul.f32 v6, v6  }
0x20c: {  	v6 =	vld.idx.msk [tilespmem:v9+s12+$0x0], $0xffff  }
0x20d: {  	v9 =	vor.u32 v39, v1;
	v2 =	vadd.f32 v3, v2;
	v3 =	vmul.f32 v5, v5  }
0x20e: {  	v5 =	vld.idx.msk [tilespmem:v7+s12+$0x0], $0xffff  }
0x20f: {  	v7 =	vor.u32 v42, v1;
	v2 =	vadd.f32 v3, v2;
	v3 =	vmul.f32 v4, v4  }
0x210: {  	v4 =	vld.idx.msk [tilespmem:v8+s12+$0x0], $0xffff  }
0x211: {  	v8 =	vor.u32 v11, v1;
	v2 =	vadd.f32 v3, v2;
	v3 =	vmul.f32 v6, v6  }
0x212: {  	v6 =	vld.idx.msk [tilespmem:v9+s12+$0x0], $0xffff  }
0x213: {  	v9 =	vor.u32 v10, v1;
	v2 =	vadd.f32 v3, v2;
	v3 =	vmul.f32 v5, v5  }
0x214: {  	v5 =	vld.idx.msk [tilespmem:v7+s12+$0x0], $0xffff  }
0x215: {  	v2 =	vadd.f32 v3, v2;
	v3 =	vmul.f32 v4, v4  }
0x216: {  	v4 =	vld.idx.msk [tilespmem:v8+s12+$0x0], $0xffff  }
0x217: {  	v2 =	vadd.f32 v3, v2;
	v3 =	vmul.f32 v6, v6  }
0x218: {  	v6 =	vld.idx.msk [tilespmem:v9+s12+$0x0], $0xffff;
	v9 =	vor.u32 v62, v1  }
0x219: {  	v2 =	vadd.f32 v3, v2;
	v3 =	vmul.f32 v5, v5  }
0x21a: {  	v7 =	vor.u32 v28, v1  }
0x21b: {  	v2 =	vadd.f32 v3, v2;
	v3 =	vmul.f32 v4, v4  }
0x21c: {  	v8 =	vor.u32 v61, v1  }
0x21d: {  	v2 =	vadd.f32 v3, v2;
	v3 =	vmul.f32 v6, v6;
	v6 =	vld.idx.msk [tilespmem:v9+s12+$0x0], $0xffff  }
0x21e: {  	v9 =	vld [tilespmem:$0x1FD10]  }
0x21f: {  	v5 =	vld.idx.msk [tilespmem:v7+s12+$0x0], $0xffff;
	v7 =	vor.u32 v63, v1;
	_ =	sdelay $0x1  }
0x220: {  	v4 =	vld.idx.msk [tilespmem:v8+s12+$0x0], $0xffff;
	_ =	sdelay $0x1  }
0x221: {  	v9 =	vor.u32 v9, v1  }
0x222: {  	v2 =	vadd.f32 v3, v2;
	v3 =	vmul.f32 v5, v5;
	v5 =	vld.idx.msk [tilespmem:v7+s12+$0x0], $0xffff  }
0x223: {  	v7 =	vld [tilespmem:$0x1FD40]  }
0x224: {  	v8 =	vor.u32 v26, v1;
	v2 =	vadd.f32 v3, v2;
	v3 =	vmul.f32 v4, v4;
	_ =	sdelay $0x1  }
0x225: {  	v2 =	vadd.f32 v3, v2;
	v3 =	vmul.f32 v6, v6;
	v6 =	vld.idx.msk [tilespmem:v9+s12+$0x0], $0xffff  }
0x226: {  	v9 =	vld [tilespmem:$0x1FD60]  }
0x227: {  	v7 =	vor.u32 v7, v1  }
0x228: {  	v4 =	vld.idx.msk [tilespmem:v8+s12+$0x0], $0xffff  }
0x229: {  	v8 =	vor.u32 v27, v1;
	_ =	sdelay $0x1  }
0x22a: {  	v2 =	vadd.f32 v3, v2;
	v3 =	vmul.f32 v5, v5;
	v9 =	vor.u32 v9, v1  }
0x22b: {  	v5 =	vld.idx.msk [tilespmem:v7+s12+$0x0], $0xffff  }
0x22c: {  	v2 =	vadd.f32 v3, v2;
	v3 =	vmul.f32 v4, v4  }
0x22d: {  	v4 =	vld.idx.msk [tilespmem:v8+s12+$0x0], $0xffff;
	v8 =	vor.u32 v32, v1  }
0x22e: {  	v2 =	vadd.f32 v3, v2;
	v3 =	vmul.f32 v6, v6  }
0x22f: {  	v6 =	vld.idx.msk [tilespmem:v9+s12+$0x0], $0xffff;
	v9 =	vor.u32 v29, v1  }
0x230: {  	v2 =	vadd.f32 v3, v2;
	v3 =	vmul.f32 v5, v5  }
0x231: {  	v7 =	vor.u32 v30, v1  }
0x232: {  	v2 =	vadd.f32 v3, v2;
	v3 =	vmul.f32 v4, v4;
	v4 =	vld.idx.msk [tilespmem:v8+s12+$0x0], $0xffff  }
0x233: {  	v8 =	vld [tilespmem:$0x1FD90]  }
0x234: {  	v2 =	vadd.f32 v3, v2;
	v3 =	vmul.f32 v6, v6;
	v6 =	vld.idx.msk [tilespmem:v9+s12+$0x0], $0xffff  }
0x235: {  	v9 =	vld [tilespmem:$0x1FDB0]  }
0x236: {  	v5 =	vld.idx.msk [tilespmem:v7+s12+$0x0], $0xffff  }
0x237: {  	v7 =	vor.u32 v31, v1  }
0x238: {  	v8 =	vor.u32 v8, v1;
	_ =	sdelay $0x1  }
0x239: {  	v9 =	vor.u32 v9, v1  }
0x23a: {  	v2 =	vadd.f32 v3, v2;
	v3 =	vmul.f32 v5, v5  }
0x23b: {  	v5 =	vld.idx.msk [tilespmem:v7+s12+$0x0], $0xffff  }
0x23c: {  	v2 =	vadd.f32 v3, v2;
	v3 =	vmul.f32 v4, v4;
	v4 =	vld.idx.msk [tilespmem:v8+s12+$0x0], $0xffff  }
0x23d: {  	v8 =	vld [tilespmem:$0x1FDC0]  }
0x23e: {  	v2 =	vadd.f32 v3, v2;
	v3 =	vmul.f32 v6, v6;
	v6 =	vld.idx.msk [tilespmem:v9+s12+$0x0], $0xffff  }
0x23f: {  	v9 =	vld [tilespmem:$0x1FDD0]  }
0x240: {  	v7 =	vor.u32 v33, v1;
	_ =	sdelay $0x1  }
0x241: {  	v8 =	vor.u32 v8, v1;
	_ =	sdelay $0x1  }
0x242: {  	v2 =	vadd.f32 v3, v2;
	v3 =	vmul.f32 v5, v5;
	v9 =	vor.u32 v9, v1  }
0x243: {  	v5 =	vld.idx.msk [tilespmem:v7+s12+$0x0], $0xffff  }
0x244: {  	v7 =	vor.u32 v34, v1;
	v2 =	vadd.f32 v3, v2;
	v3 =	vmul.f32 v4, v4  }
0x245: {  	v4 =	vld.idx.msk [tilespmem:v8+s12+$0x0], $0xffff  }
0x246: {  	v2 =	vadd.f32 v3, v2;
	v1 =	vor.u32 v35, v1;
	v3 =	vmul.f32 v6, v6  }
0x247: {  	v6 =	vld.idx.msk [tilespmem:v9+s12+$0x0], $0xffff  }
0x248: {  	v2 =	vadd.f32 v3, v2;
	v3 =	vmul.f32 v5, v5  }
0x249: {  	v5 =	vld.idx.msk [tilespmem:v7+s12+$0x0], $0xffff  }
0x24a: {  	v2 =	vadd.f32 v3, v2;
	v3 =	vmul.f32 v4, v4  }
0x24b: {  	v1 =	vld.idx.msk [tilespmem:v1+s12+$0x0], $0xffff  }
0x24c: {  	v2 =	vadd.f32 v3, v2;
	v3 =	vmul.f32 v6, v6;
	_ =	sdelay $0x1  }
0x24d: {  	v2 =	vadd.f32 v3, v2;
	v3 =	vmul.f32 v5, v5;
	_ =	sdelay $0x1  }
0x24e: {  	v1 =	vmul.f32 v1, v1;
	v2 =	vadd.f32 v3, v2;
	_ =	sdelay $0x1  }
0x24f: {  	v1 =	vadd.f32 v1, v2;
	_ =	sdelay $0x1  }
0x250: {  	v2 =	vshra.s32 v1, $0x1;
	v1 =	vmul.f32 $5.000000000e-01, v1  }
0x251: {  	v2 =	vsub.s32 $0x5F3759DF, v2  }
0x252: {  	v3 =	vmul.f32 v2, v1;
	_ =	sdelay $0x1  }
0x253: {  	v3 =	vmul.f32 v2, v3;
	_ =	sdelay $0x1  }
0x254: {  	v3 =	vsub.f32 $1.500000000e+00, v3;
	_ =	sdelay $0x1  }
0x255: {  	v2 =	vmul.f32 v2, v3;
	_ =	sdelay $0x1  }
0x256: {  	v3 =	vmul.f32 v2, v1;
	_ =	sdelay $0x1  }
0x257: {  	v3 =	vmul.f32 v3, v2;
	_ =	sdelay $0x1  }
0x258: {  	v3 =	vsub.f32 $1.500000000e+00, v3  }
0x259: {  	p0 =	sne.s32 s0, $0x1F0  }
.Ltmp2:
0x25a: {  	v2 =	vmul.f32 v3, v2;
	(pc) =	sbr.rel @p0 .LBB2_2-.Ltmp2, $4  }
0x25b: {  	_ = 	snop  }
0x25c: {  	v3 =	vmul.f32 v2, v1  }
0x25d: {  	v1 =	vmov s0  }
0x25e: {  	s0 =	sadd.s32 $0x10, s0;
	v1 =	vshll.u32 v1, $0x6;
	v3 =	vmul.f32 v3, v2  }
0x25f: {  	v1 =	vor.u32 v44, v1  }
0x260: {  	v4 =	vor.u32 v45, v1;
	v3 =	vsub.f32 $1.500000000e+00, v3  }
0x261: {  	v5 =	vor.u32 v43, v1  }
0x262: {  	v2 =	vmul.f32 v3, v2  }
0x263: {  	s0 =	sadd.s32 $0x10, s25;
	v3 =	vor.u32 v50, v1  }
0x264: {  	[tilespmem:s0+$0x0] =	vst v2  }
0x265: {  	v9 =	vor.u32 v53, v1;
	v2 =	vld.idx.msk [tilespmem:v4+s12+$0x0], $0xffff  }
0x266: {  	v5 =	vld.idx.msk [tilespmem:v5+s12+$0x0], $0xffff  }
0x267: {  	v6 =	vor.u32 v54, v1  }
0x268: {  	v3 =	vld.idx.msk [tilespmem:v3+s12+$0x0], $0xffff  }
0x269: {  	v7 =	vor.u32 v51, v1  }
0x26a: {  	v4 =	vld.idx.msk [tilespmem:v9+s12+$0x0], $0xffff  }
0x26b: {  	v8 =	vor.u32 v52, v1;
	v5 =	vmul.f32 v5, v5;
	v2 =	vmul.f32 v2, v2  }
0x26c: {  	v6 =	vld.idx.msk [tilespmem:v6+s12+$0x0], $0xffff  }
0x26d: {  	v2 =	vadd.f32 v2, v5;
	v5 =	vor.u32 v37, v1;
	v3 =	vmul.f32 v3, v3  }
0x26e: {  	v7 =	vld.idx.msk [tilespmem:v7+s12+$0x0], $0xffff  }
0x26f: {  	v4 =	vmul.f32 v4, v4;
	v2 =	vadd.f32 v3, v2;
	v3 =	vor.u32 v38, v1  }
0x270: {  	v8 =	vld.idx.msk [tilespmem:v8+s12+$0x0], $0xffff  }
0x271: {  	v6 =	vmul.f32 v6, v6;
	v2 =	vadd.f32 v4, v2;
	v4 =	vor.u32 v40, v1  }
0x272: {  	v5 =	vld.idx.msk [tilespmem:v5+s12+$0x0], $0xffff  }
0x273: {  	v7 =	vmul.f32 v7, v7;
	v2 =	vadd.f32 v6, v2;
	v6 =	vor.u32 v41, v1  }
0x274: {  	v3 =	vld.idx.msk [tilespmem:v3+s12+$0x0], $0xffff  }
0x275: {  	v8 =	vmul.f32 v8, v8;
	v2 =	vadd.f32 v7, v2;
	v7 =	vor.u32 v55, v1  }
0x276: {  	v4 =	vld.idx.msk [tilespmem:v4+s12+$0x0], $0xffff  }
0x277: {  	v2 =	vadd.f32 v8, v2;
	v8 =	vor.u32 v56, v1;
	v5 =	vmul.f32 v5, v5  }
0x278: {  	v6 =	vld.idx.msk [tilespmem:v6+s12+$0x0], $0xffff  }
0x279: {  	v2 =	vadd.f32 v5, v2;
	v5 =	vor.u32 v57, v1;
	v3 =	vmul.f32 v3, v3  }
0x27a: {  	v7 =	vld.idx.msk [tilespmem:v7+s12+$0x0], $0xffff  }
0x27b: {  	v2 =	vadd.f32 v3, v2;
	v3 =	vor.u32 v58, v1;
	v4 =	vmul.f32 v4, v4  }
0x27c: {  	v8 =	vld.idx.msk [tilespmem:v8+s12+$0x0], $0xffff  }
0x27d: {  	v2 =	vadd.f32 v4, v2;
	v4 =	vor.u32 v47, v1;
	v6 =	vmul.f32 v6, v6  }
0x27e: {  	v5 =	vld.idx.msk [tilespmem:v5+s12+$0x0], $0xffff  }
0x27f: {  	v2 =	vadd.f32 v6, v2;
	v6 =	vor.u32 v48, v1;
	v7 =	vmul.f32 v7, v7  }
0x280: {  	v3 =	vld.idx.msk [tilespmem:v3+s12+$0x0], $0xffff  }
0x281: {  	v2 =	vadd.f32 v7, v2;
	v7 =	vor.u32 v46, v1;
	v8 =	vmul.f32 v8, v8  }
0x282: {  	v4 =	vld.idx.msk [tilespmem:v4+s12+$0x0], $0xffff  }
0x283: {  	v2 =	vadd.f32 v8, v2;
	v8 =	vor.u32 v49, v1;
	v5 =	vmul.f32 v5, v5  }
0x284: {  	v6 =	vld.idx.msk [tilespmem:v6+s12+$0x0], $0xffff  }
0x285: {  	v2 =	vadd.f32 v5, v2;
	v5 =	vor.u32 v59, v1;
	v3 =	vmul.f32 v3, v3  }
0x286: {  	v7 =	vld.idx.msk [tilespmem:v7+s12+$0x0], $0xffff  }
0x287: {  	v2 =	vadd.f32 v3, v2;
	v3 =	vor.u32 v60, v1;
	v4 =	vmul.f32 v4, v4  }
0x288: {  	v8 =	vld.idx.msk [tilespmem:v8+s12+$0x0], $0xffff  }
0x289: {  	v2 =	vadd.f32 v4, v2;
	v4 =	vor.u32 v0, v1;
	v6 =	vmul.f32 v6, v6  }
0x28a: {  	v5 =	vld.idx.msk [tilespmem:v5+s12+$0x0], $0xffff  }
0x28b: {  	v2 =	vadd.f32 v6, v2;
	v6 =	vor.u32 v22, v1;
	v7 =	vmul.f32 v7, v7  }
0x28c: {  	v3 =	vld.idx.msk [tilespmem:v3+s12+$0x0], $0xffff  }
0x28d: {  	v22 =	vor.u32 v21, v1;
	v2 =	vadd.f32 v7, v2;
	v8 =	vmul.f32 v8, v8  }
0x28e: {  	v4 =	vld.idx.msk [tilespmem:v4+s12+$0x0], $0xffff  }
0x28f: {  	v23 =	vor.u32 v23, v1;
	v2 =	vadd.f32 v8, v2;
	v5 =	vmul.f32 v5, v5  }
0x290: {  	v6 =	vld.idx.msk [tilespmem:v6+s12+$0x0], $0xffff  }
0x291: {  	v12 =	vor.u32 v12, v1;
	v2 =	vadd.f32 v5, v2;
	v3 =	vmul.f32 v3, v3  }
0x292: {  	v7 =	vld.idx.msk [tilespmem:v22+s12+$0x0], $0xffff  }
0x293: {  	v2 =	vadd.f32 v3, v2;
	v3 =	vor.u32 v13, v1;
	v4 =	vmul.f32 v4, v4  }
0x294: {  	v8 =	vld.idx.msk [tilespmem:v23+s12+$0x0], $0xffff  }
0x295: {  	v14 =	vor.u32 v14, v1;
	v2 =	vadd.f32 v4, v2;
	v6 =	vmul.f32 v6, v6  }
0x296: {  	v5 =	vld.idx.msk [tilespmem:v12+s12+$0x0], $0xffff  }
0x297: {  	v15 =	vor.u32 v15, v1;
	v7 =	vmul.f32 v7, v7;
	v2 =	vadd.f32 v6, v2  }
0x298: {  	v3 =	vld.idx.msk [tilespmem:v3+s12+$0x0], $0xffff  }
0x299: {  	v16 =	vor.u32 v16, v1;
	v8 =	vmul.f32 v8, v8;
	v2 =	vadd.f32 v7, v2  }
0x29a: {  	v4 =	vld.idx.msk [tilespmem:v14+s12+$0x0], $0xffff  }
0x29b: {  	v21 =	vor.u32 v17, v1;
	v5 =	vmul.f32 v5, v5;
	v2 =	vadd.f32 v8, v2  }
0x29c: {  	v6 =	vld.idx.msk [tilespmem:v15+s12+$0x0], $0xffff  }
0x29d: {  	v9 =	vld [tilespmem:$0x1FCC0];
	v22 =	vor.u32 v18, v1;
	v2 =	vadd.f32 v5, v2;
	v3 =	vmul.f32 v3, v3  }
0x29e: {  	v7 =	vld.idx.msk [tilespmem:v16+s12+$0x0], $0xffff  }
0x29f: {  	v12 =	vld [tilespmem:$0x1FCD0];
	v4 =	vmul.f32 v4, v4;
	v2 =	vadd.f32 v3, v2;
	v3 =	vor.u32 v19, v1  }
0x2a0: {  	v8 =	vld.idx.msk [tilespmem:v21+s12+$0x0], $0xffff  }
0x2a1: {  	v23 =	vor.u32 v20, v1;
	v13 =	vld [tilespmem:$0x1FCE0];
	v6 =	vmul.f32 v6, v6;
	v2 =	vadd.f32 v4, v2  }
0x2a2: {  	v5 =	vld.idx.msk [tilespmem:v22+s12+$0x0], $0xffff  }
0x2a3: {  	v7 =	vmul.f32 v7, v7;
	v2 =	vadd.f32 v6, v2;
	v6 =	vor.u32 v9, v1  }
0x2a4: {  	v3 =	vld.idx.msk [tilespmem:v3+s12+$0x0], $0xffff  }
0x2a5: {  	v8 =	vmul.f32 v8, v8;
	v2 =	vadd.f32 v7, v2;
	v7 =	vor.u32 v12, v1  }
0x2a6: {  	v4 =	vld.idx.msk [tilespmem:v23+s12+$0x0], $0xffff  }
0x2a7: {  	v5 =	vmul.f32 v5, v5;
	v2 =	vadd.f32 v8, v2;
	v8 =	vor.u32 v13, v1  }
0x2a8: {  	v6 =	vld.idx.msk [tilespmem:v6+s12+$0x0], $0xffff  }
0x2a9: {  	v14 =	vor.u32 v24, v1;
	v2 =	vadd.f32 v5, v2;
	v3 =	vmul.f32 v3, v3  }
0x2aa: {  	v7 =	vld.idx.msk [tilespmem:v7+s12+$0x0], $0xffff  }
0x2ab: {  	v4 =	vmul.f32 v4, v4;
	v2 =	vadd.f32 v3, v2;
	v3 =	vor.u32 v25, v1  }
0x2ac: {  	v8 =	vld.idx.msk [tilespmem:v8+s12+$0x0], $0xffff  }
0x2ad: {  	v15 =	vor.u32 v36, v1;
	v2 =	vadd.f32 v4, v2;
	v6 =	vmul.f32 v6, v6  }
0x2ae: {  	v5 =	vld.idx.msk [tilespmem:v14+s12+$0x0], $0xffff  }
0x2af: {  	v16 =	vor.u32 v39, v1;
	v2 =	vadd.f32 v6, v2;
	v7 =	vmul.f32 v7, v7  }
0x2b0: {  	v3 =	vld.idx.msk [tilespmem:v3+s12+$0x0], $0xffff  }
0x2b1: {  	v17 =	vor.u32 v42, v1;
	v2 =	vadd.f32 v7, v2;
	v8 =	vmul.f32 v8, v8  }
0x2b2: {  	v4 =	vld.idx.msk [tilespmem:v15+s12+$0x0], $0xffff  }
0x2b3: {  	v18 =	vor.u32 v11, v1;
	v5 =	vmul.f32 v5, v5;
	v2 =	vadd.f32 v8, v2  }
0x2b4: {  	v6 =	vld.idx.msk [tilespmem:v16+s12+$0x0], $0xffff  }
0x2b5: {  	v19 =	vor.u32 v10, v1;
	v2 =	vadd.f32 v5, v2;
	v3 =	vmul.f32 v3, v3  }
0x2b6: {  	v7 =	vld.idx.msk [tilespmem:v17+s12+$0x0], $0xffff  }
0x2b7: {  	v4 =	vmul.f32 v4, v4;
	v2 =	vadd.f32 v3, v2;
	v3 =	vor.u32 v28, v1  }
0x2b8: {  	v8 =	vld.idx.msk [tilespmem:v18+s12+$0x0], $0xffff  }
0x2b9: {  	v6 =	vmul.f32 v6, v6;
	v2 =	vadd.f32 v4, v2  }
0x2ba: {  	v5 =	vld.idx.msk [tilespmem:v19+s12+$0x0], $0xffff  }
0x2bb: {  	v7 =	vmul.f32 v7, v7;
	v2 =	vadd.f32 v6, v2  }
0x2bc: {  	v3 =	vld.idx.msk [tilespmem:v3+s12+$0x0], $0xffff  }
0x2bd: {  	v20 =	vor.u32 v61, v1;
	v8 =	vmul.f32 v8, v8;
	v2 =	vadd.f32 v7, v2;
	_ =	sdelay $0x1  }
0x2be: {  	v5 =	vmul.f32 v5, v5;
	v2 =	vadd.f32 v8, v2  }
0x2bf: {  	v21 =	vor.u32 v62, v1  }
0x2c0: {  	v24 =	vld [tilespmem:$0x1FD10];
	v2 =	vadd.f32 v5, v2;
	v3 =	vmul.f32 v3, v3  }
0x2c1: {  	v22 =	vor.u32 v63, v1;
	v4 =	vld.idx.msk [tilespmem:v20+s12+$0x0], $0xffff  }
0x2c2: {  	v2 =	vadd.f32 v3, v2;
	v3 =	vld [tilespmem:$0x1FD40]  }
0x2c3: {  	v23 =	vor.u32 v26, v1  }
0x2c4: {  	v6 =	vld.idx.msk [tilespmem:v21+s12+$0x0], $0xffff  }
0x2c5: {  	v5 =	vor.u32 v24, v1  }
0x2c6: {  	v7 =	vld.idx.msk [tilespmem:v22+s12+$0x0], $0xffff  }
0x2c7: {  	v26 =	vld [tilespmem:$0x1FD60];
	v4 =	vmul.f32 v4, v4;
	v3 =	vor.u32 v3, v1  }
0x2c8: {  	v8 =	vld.idx.msk [tilespmem:v23+s12+$0x0], $0xffff  }
0x2c9: {  	v6 =	vmul.f32 v6, v6;
	v2 =	vadd.f32 v4, v2  }
0x2ca: {  	v5 =	vld.idx.msk [tilespmem:v5+s12+$0x0], $0xffff  }
0x2cb: {  	v7 =	vmul.f32 v7, v7;
	v2 =	vadd.f32 v6, v2  }
0x2cc: {  	v25 =	vor.u32 v27, v1;
	v3 =	vld.idx.msk [tilespmem:v3+s12+$0x0], $0xffff  }
0x2cd: {  	v8 =	vmul.f32 v8, v8;
	v6 =	vor.u32 v26, v1;
	v2 =	vadd.f32 v7, v2;
	_ =	sdelay $0x1  }
0x2ce: {  	v2 =	vadd.f32 v8, v2;
	v5 =	vmul.f32 v5, v5  }
0x2cf: {  	[tilespmem:$0x1FC50] =	vst v27;
	v27 =	vor.u32 v30, v1  }
0x2d0: {  	v4 =	vld.idx.msk [tilespmem:v25+s12+$0x0], $0xffff;
	v2 =	vadd.f32 v5, v2;
	v3 =	vmul.f32 v3, v3  }
0x2d1: {  	[tilespmem:$0x1FC60] =	vst v30;
	v28 =	vor.u32 v32, v1;
	v6 =	vld.idx.msk [tilespmem:v6+s12+$0x0], $0xffff  }
0x2d2: {  	[tilespmem:$0x1FC90] =	vst v31;
	v2 =	vadd.f32 v3, v2;
	v3 =	vor.u32 v31, v1;
	v31 =	vld [tilespmem:$0x1FD90]  }
0x2d3: {  	[tilespmem:$0x1FC70] =	vst v32;
	v30 =	vor.u32 v29, v1;
	v32 =	vld [tilespmem:$0x1FDB0]  }
0x2d4: {  	v7 =	vld.idx.msk [tilespmem:v27+s12+$0x0], $0xffff  }
0x2d5: {  	v4 =	vmul.f32 v4, v4  }
0x2d6: {  	v8 =	vld.idx.msk [tilespmem:v28+s12+$0x0], $0xffff  }
0x2d7: {  	v36 =	vld [tilespmem:$0x1FDC0];
	v6 =	vmul.f32 v6, v6;
	v2 =	vadd.f32 v4, v2;
	v4 =	vor.u32 v31, v1  }
0x2d8: {  	v5 =	vld.idx.msk [tilespmem:v30+s12+$0x0], $0xffff  }
0x2d9: {  	v39 =	vld [tilespmem:$0x1FDD0];
	v7 =	vmul.f32 v7, v7;
	v2 =	vadd.f32 v6, v2;
	v6 =	vor.u32 v32, v1  }
0x2da: {  	v3 =	vld.idx.msk [tilespmem:v3+s12+$0x0], $0xffff  }
0x2db: {  	[tilespmem:$0x1FCA0] =	vst v33;
	v33 =	vor.u32 v33, v1;
	v8 =	vmul.f32 v8, v8;
	v2 =	vadd.f32 v7, v2  }
0x2dc: {  	v4 =	vld.idx.msk [tilespmem:v4+s12+$0x0], $0xffff  }
0x2dd: {  	v5 =	vmul.f32 v5, v5;
	v2 =	vadd.f32 v8, v2;
	v8 =	vor.u32 v36, v1  }
0x2de: {  	v6 =	vld.idx.msk [tilespmem:v6+s12+$0x0], $0xffff  }
0x2df: {  	v2 =	vadd.f32 v5, v2;
	v5 =	vor.u32 v39, v1;
	v3 =	vmul.f32 v3, v3  }
0x2e0: {  	v7 =	vld.idx.msk [tilespmem:v33+s12+$0x0], $0xffff  }
0x2e1: {  	v2 =	vadd.f32 v3, v2;
	v3 =	vor.u32 v34, v1;
	v4 =	vmul.f32 v4, v4  }
0x2e2: {  	v8 =	vld.idx.msk [tilespmem:v8+s12+$0x0], $0xffff  }
0x2e3: {  	v1 =	vor.u32 v35, v1;
	v42 =	vmul.f32 v6, v6;
	v2 =	vadd.f32 v4, v2  }
0x2e4: {  	v5 =	vld.idx.msk [tilespmem:v5+s12+$0x0], $0xffff  }
0x2e5: {  	v61 =	vmul.f32 v7, v7;
	v2 =	vadd.f32 v42, v2  }
0x2e6: {  	v3 =	vld.idx.msk [tilespmem:v3+s12+$0x0], $0xffff  }
0x2e7: {  	v62 =	vmul.f32 v8, v8;
	v2 =	vadd.f32 v61, v2  }
0x2e8: {  	v1 =	vld.idx.msk [tilespmem:v1+s12+$0x0], $0xffff  }
0x2e9: {  	v63 =	vmul.f32 v5, v5;
	v2 =	vadd.f32 v62, v2;
	_ =	sdelay $0x1  }
0x2ea: {  	v3 =	vmul.f32 v3, v3;
	v2 =	vadd.f32 v63, v2;
	_ =	sdelay $0x1  }
0x2eb: {  	v1 =	vmul.f32 v1, v1;
	v2 =	vadd.f32 v3, v2;
	_ =	sdelay $0x1  }
0x2ec: {  	v1 =	vadd.f32 v1, v2;
	_ =	sdelay $0x1  }
0x2ed: {  	v2 =	vshra.s32 v1, $0x1;
	v1 =	vmul.f32 $5.000000000e-01, v1  }
0x2ee: {  	v2 =	vsub.s32 $0x5F3759DF, v2  }
0x2ef: {  	v3 =	vmul.f32 v2, v1;
	_ =	sdelay $0x1  }
0x2f0: {  	v3 =	vmul.f32 v2, v3;
	_ =	sdelay $0x1  }
0x2f1: {  	v3 =	vsub.f32 $1.500000000e+00, v3;
	_ =	sdelay $0x1  }
0x2f2: {  	v2 =	vmul.f32 v2, v3;
	_ =	sdelay $0x1  }
0x2f3: {  	v3 =	vmul.f32 v2, v1;
	_ =	sdelay $0x1  }
0x2f4: {  	v3 =	vmul.f32 v3, v2;
	_ =	sdelay $0x1  }
0x2f5: {  	v3 =	vsub.f32 $1.500000000e+00, v3;
	_ =	sdelay $0x1  }
0x2f6: {  	v2 =	vmul.f32 v3, v2;
	_ =	sdelay $0x1  }
0x2f7: {  	v1 =	vmul.f32 v2, v1;
	_ =	sdelay $0x1  }
0x2f8: {  	v1 =	vmul.f32 v1, v2;
	_ =	sdelay $0x1  }
0x2f9: {  	v1 =	vsub.f32 $1.500000000e+00, v1;
	_ =	sdelay $0x1  }
0x2fa: {  	v1 =	vmul.f32 v1, v2  }
0x2fb: {  	[tilespmem:$0x1FC80] =	vst v29;
	s0 =	sadd.s32 $0x10, s0  }
0x2fc: {  	s25 =	simm.s32 $0x0;
	s26 =	simm.s32 $0x0;
	[tilespmem:s0+$0x0] =	vst v1  }
.LBB2_4:
0x2fd: {  	s28 =	sshll.u32 s26, $0xB  }
0x2fe: {  	s0 =	sshrl.u32 s28, $0x2  }
0x2ff: {  	s2 =	sadd.s32 $0x200, s0  }
0x300: {  	[tilespmem:s19], [sflag:$0x1] =	stream.indirect.gather [hbm4b:s4+s11], $0x40, s2, s11, $0xb8;
	[tilespmem:$0x16A00] =	vst v63  }
0x301: {  	s31 =	sadd.s32 $0x280, s0  }
0x302: {  	[tilespmem:s20], [sflag:$0x1] =	stream.indirect.gather [hbm4b:s4+s11], $0x40, s31, s11, $0xb8;
	[tilespmem:$0x16A00] =	vst v63  }
0x303: {  	s31 =	sadd.s32 $0x300, s0  }
0x304: {  	[tilespmem:s21], [sflag:$0x1] =	stream.indirect.gather [hbm4b:s4+s11], $0x40, s31, s11, $0xb8;
	[tilespmem:$0x16A00] =	vst v63  }
0x305: {  	s0 =	sadd.s32 $0x380, s0  }
0x306: {  	[tilespmem:s22], [sflag:$0x1] =	stream.indirect.gather [hbm4b:s4+s11], $0x40, s0, s11, $0xb8;
	[tilespmem:$0x16A00] =	vst v63  }
0x307: {  	_ =	swait.ge [sflag:s18], $0x2000  }
0x308: {  	[sflag:s18] =	ssyncset.done $0x0  }
0x309: {  	[sflag:s18] =	ssyncadd.s32 $0xFFFFE000  }
0x30a: {  	_ =	swait.ge [sflag:s18], $0x2000  }
0x30b: {  	[sflag:s18] =	ssyncset.done $0x0  }
0x30c: {  	[sflag:s18] =	ssyncadd.s32 $0xFFFFE000  }
0x30d: {  	p2 =	por $0x1, $0x1;
	_ =	swait.ge [sflag:s18], $0x2000  }
.Ltmp3:
0x30e: {  	[sflag:s18] =	ssyncset.done $0x0;
	(pc) =	sbr.rel @!p2 .LBB2_5-.Ltmp3, $4  }
0x30f: {  	[sflag:s18] =	ssyncadd.s32 $0xFFFFE000  }
0x310: {  	s30 =	simm.s32 $0x16600;
	_ =	swait.ge [sflag:s18], $0x2000  }
0x311: {  	s29 =	simm.s32 $0x16800;
	v1 =	vmov s25;
	p0 =	por $0x0, $0x0;
	[sflag:s18] =	ssyncset.done $0x0  }
0x312: {  	p1 =	por $0x0, $0x0;
	v1 =	vshll.u32 v1, $0x6;
	s0 =	simm.s32 $0x10;
	[sflag:s18] =	ssyncadd.s32 $0xFFFFE000  }
0x313: {  	v1 =	vor.u32 v44, v1  }
0x314: {  	v3 =	vor.u32 v43, v1;
	_ =	sdelay $0x1  }
0x315: {  	v2 =	vor.u32 v45, v1;
	_ =	sdelay $0x2  }
0x316: {  	v7 =	vld.idx.msk [tilespmem:v3+s19+$0x0], $0xffff  }
0x317: {  	v3 =	vld.idx.msk [tilespmem:v3+s12+$0x0], $0xffff  }
0x318: {  	v5 =	vld.idx.msk [tilespmem:v2+s19+$0x0], $0xffff  }
0x319: {  	v8 =	vor.u32 v54, v1;
	v2 =	vld.idx.msk [tilespmem:v2+s12+$0x0], $0xffff;
	_ =	sdelay $0x2  }
0x31a: {  	v3 =	vmul.f32 v3, v7;
	_ =	sdelay $0x1  }
0x31b: {  	v10 =	vor.u32 v51, v1;
	v15 =	vld.idx.msk [tilespmem:v8+s19+$0x0], $0xffff;
	v2 =	vmul.f32 v2, v5;
	v3 =	vadd.f32 $0.0e+00, v3  }
0x31c: {  	v8 =	vld.idx.msk [tilespmem:v8+s12+$0x0], $0xffff  }
0x31d: {  	v2 =	vadd.f32 v2, v3;
	v3 =	vld [tilespmem:$0x1FFC0];
	_ =	sdelay $0x2  }
0x31e: {  	v12 =	vor.u32 v52, v1;
	v17 =	vld.idx.msk [tilespmem:v10+s19+$0x0], $0xffff  }
0x31f: {  	v10 =	vld.idx.msk [tilespmem:v10+s12+$0x0], $0xffff  }
0x320: {  	v34 =	vmul.f32 v15, v15;
	v8 =	vmul.f32 v8, v15;
	v15 =	vor.u32 v3, v1;
	v3 =	vld [tilespmem:$0x1FFD0];
	_ =	sdelay $0x2  }
0x321: {  	v16 =	vor.u32 v37, v1;
	v19 =	vld.idx.msk [tilespmem:v12+s19+$0x0], $0xffff  }
0x322: {  	v12 =	vld.idx.msk [tilespmem:v12+s12+$0x0], $0xffff  }
0x323: {  	v35 =	vmul.f32 v17, v17;
	v10 =	vmul.f32 v10, v17;
	v17 =	vor.u32 v3, v1;
	v3 =	vld [tilespmem:$0x1FFE0];
	_ =	sdelay $0x2  }
0x324: {  	v18 =	vor.u32 v38, v1;
	v21 =	vld.idx.msk [tilespmem:v16+s19+$0x0], $0xffff  }
0x325: {  	v16 =	vld.idx.msk [tilespmem:v16+s12+$0x0], $0xffff  }
0x326: {  	v36 =	vmul.f32 v19, v19;
	v12 =	vmul.f32 v12, v19;
	v19 =	vor.u32 v3, v1;
	v3 =	vld [tilespmem:$0x1FE90]  }
0x327: {  	v4 =	vor.u32 v50, v1  }
0x328: {  	v20 =	vor.u32 v40, v1  }
0x329: {  	v23 =	vld.idx.msk [tilespmem:v18+s19+$0x0], $0xffff  }
0x32a: {  	v18 =	vld.idx.msk [tilespmem:v18+s12+$0x0], $0xffff  }
0x32b: {  	v39 =	vmul.f32 v21, v21;
	v16 =	vmul.f32 v16, v21;
	v21 =	vor.u32 v3, v1;
	v3 =	vld [tilespmem:$0x1FEA0]  }
0x32c: {  	v6 =	vor.u32 v53, v1;
	v9 =	vld.idx.msk [tilespmem:v4+s19+$0x0], $0xffff  }
0x32d: {  	v25 =	vld.idx.msk [tilespmem:v20+s19+$0x0], $0xffff  }
0x32e: {  	v22 =	vor.u32 v41, v1;
	v4 =	vld.idx.msk [tilespmem:v4+s12+$0x0], $0xffff  }
0x32f: {  	v20 =	vld.idx.msk [tilespmem:v20+s12+$0x0], $0xffff  }
0x330: {  	v42 =	vmul.f32 v23, v23;
	v18 =	vmul.f32 v18, v23;
	v23 =	vor.u32 v3, v1;
	v3 =	vld [tilespmem:$0x1FEB0]  }
0x331: {  	v11 =	vld.idx.msk [tilespmem:v6+s19+$0x0], $0xffff  }
0x332: {  	v6 =	vld.idx.msk [tilespmem:v6+s12+$0x0], $0xffff;
	v13 =	vmul.f32 v7, v7  }
0x333: {  	v24 =	vor.u32 v55, v1;
	v27 =	vld.idx.msk [tilespmem:v22+s19+$0x0], $0xffff;
	v14 =	vmul.f32 v5, v5;
	v32 =	vmul.f32 v9, v9  }
0x334: {  	v22 =	vld.idx.msk [tilespmem:v22+s12+$0x0], $0xffff;
	v61 =	vmul.f32 v25, v25;
	v4 =	vmul.f32 v4, v9  }
0x335: {  	v20 =	vmul.f32 v20, v25;
	v13 =	vadd.f32 v14, v13;
	v25 =	vor.u32 v3, v1;
	v3 =	vld [tilespmem:$0x1FEC0]  }
0x336: {  	v33 =	vmul.f32 v11, v11  }
0x337: {  	v6 =	vmul.f32 v6, v11;
	v13 =	vadd.f32 v32, v13;
	v2 =	vadd.f32 v4, v2  }
0x338: {  	v26 =	vor.u32 v56, v1;
	v29 =	vld.idx.msk [tilespmem:v24+s19+$0x0], $0xffff  }
0x339: {  	v24 =	vld.idx.msk [tilespmem:v24+s12+$0x0], $0xffff;
	v13 =	vadd.f32 v33, v13;
	v2 =	vadd.f32 v6, v2  }
0x33a: {  	v62 =	vmul.f32 v27, v27;
	v22 =	vmul.f32 v22, v27;
	v27 =	vor.u32 v3, v1;
	v3 =	vld [tilespmem:$0x1FED0]  }
0x33b: {  	v13 =	vadd.f32 v34, v13;
	v2 =	vadd.f32 v8, v2;
	_ =	sdelay $0x1  }
0x33c: {  	v28 =	vor.u32 v57, v1;
	v31 =	vld.idx.msk [tilespmem:v26+s19+$0x0], $0xffff;
	v13 =	vadd.f32 v35, v13;
	v2 =	vadd.f32 v10, v2  }
0x33d: {  	v26 =	vld.idx.msk [tilespmem:v26+s12+$0x0], $0xffff;
	v63 =	vmul.f32 v29, v29;
	v24 =	vmul.f32 v24, v29  }
0x33e: {  	v13 =	vadd.f32 v36, v13;
	v2 =	vadd.f32 v12, v2;
	v29 =	vor.u32 v3, v1;
	v3 =	vld [tilespmem:$0x1FEE0];
	_ =	sdelay $0x1  }
0x33f: {  	v30 =	vor.u32 v58, v1;
	v13 =	vadd.f32 v39, v13;
	v2 =	vadd.f32 v16, v2  }
0x340: {  	v33 =	vld.idx.msk [tilespmem:v28+s19+$0x0], $0xffff  }
0x341: {  	v32 =	vor.u32 v47, v1;
	v28 =	vld.idx.msk [tilespmem:v28+s12+$0x0], $0xffff;
	v13 =	vadd.f32 v42, v13;
	v2 =	vadd.f32 v18, v2  }
0x342: {  	v26 =	vmul.f32 v26, v31;
	v42 =	vmul.f32 v31, v31;
	v31 =	vor.u32 v3, v1;
	v3 =	vld [tilespmem:$0x1FEF0]  }
0x343: {  	v13 =	vadd.f32 v61, v13;
	v2 =	vadd.f32 v20, v2  }
0x344: {  	v34 =	vor.u32 v48, v1;
	v35 =	vld.idx.msk [tilespmem:v30+s19+$0x0], $0xffff  }
0x345: {  	v30 =	vld.idx.msk [tilespmem:v30+s12+$0x0], $0xffff;
	v13 =	vadd.f32 v62, v13;
	v2 =	vadd.f32 v22, v2  }
0x346: {  	v14 =	vmul.f32 v33, v33;
	v28 =	vmul.f32 v28, v33;
	v36 =	vld.idx.msk [tilespmem:v32+s19+$0x0], $0xffff;
	v39 =	vor.u32 v46, v1  }
0x347: {  	v13 =	vadd.f32 v63, v13;
	v2 =	vadd.f32 v24, v2;
	v33 =	vor.u32 v3, v1;
	v3 =	vld [tilespmem:$0x1FF00]  }
0x348: {  	v32 =	vld.idx.msk [tilespmem:v32+s12+$0x0], $0xffff  }
0x349: {  	v13 =	vadd.f32 v42, v13;
	v42 =	vld.idx.msk [tilespmem:v34+s19+$0x0], $0xffff;
	v2 =	vadd.f32 v26, v2  }
0x34a: {  	v34 =	vld.idx.msk [tilespmem:v34+s12+$0x0], $0xffff  }
0x34b: {  	v30 =	vmul.f32 v30, v35;
	v61 =	vor.u32 v49, v1;
	v62 =	vld.idx.msk [tilespmem:v39+s19+$0x0], $0xffff;
	v2 =	vadd.f32 v28, v2  }
0x34c: {  	v13 =	vadd.f32 v14, v13;
	v14 =	vmul.f32 v35, v35;
	v35 =	vor.u32 v3, v1;
	v3 =	vld.idx.msk [tilespmem:v39+s12+$0x0], $0xffff  }
0x34d: {  	v32 =	vmul.f32 v32, v36;
	v63 =	vor.u32 v59, v1;
	v2 =	vadd.f32 v30, v2;
	_ =	sdelay $0x1  }
0x34e: {  	v4 =	vld [tilespmem:$0x1FF10];
	v34 =	vmul.f32 v34, v42;
	v2 =	vadd.f32 v32, v2  }
0x34f: {  	v9 =	vor.u32 v60, v1;
	v5 =	vld [tilespmem:$0x1FCC0];
	v13 =	vadd.f32 v14, v13;
	v14 =	vmul.f32 v36, v36  }
0x350: {  	v11 =	vor.u32 v0, v1;
	v7 =	vld.idx.msk [tilespmem:v61+s19+$0x0], $0xffff;
	v2 =	vadd.f32 v34, v2;
	v3 =	vmul.f32 v3, v62  }
0x351: {  	v6 =	vld.idx.msk [tilespmem:v63+s19+$0x0], $0xffff;
	v13 =	vadd.f32 v14, v13;
	v14 =	vmul.f32 v42, v42  }
0x352: {  	v2 =	vadd.f32 v3, v2;
	v3 =	vld [tilespmem:$0x1FCE0]  }
0x353: {  	v36 =	vor.u32 v4, v1;
	v4 =	vld.idx.msk [tilespmem:v61+s12+$0x0], $0xffff;
	v13 =	vadd.f32 v14, v13;
	v14 =	vmul.f32 v62, v62  }
0x354: {  	v8 =	vld.idx.msk [tilespmem:v9+s19+$0x0], $0xffff  }
0x355: {  	v10 =	vld.idx.msk [tilespmem:v11+s19+$0x0], $0xffff;
	v13 =	vadd.f32 v14, v13;
	v14 =	vmul.f32 v7, v7  }
0x356: {  	v39 =	vor.u32 v5, v1;
	v5 =	vld.idx.msk [tilespmem:v63+s12+$0x0], $0xffff  }
0x357: {  	v13 =	vadd.f32 v14, v13;
	v14 =	vmul.f32 v6, v6;
	v63 =	vor.u32 v3, v1;
	v3 =	vld [tilespmem:$0x1FF20]  }
0x358: {  	v9 =	vld.idx.msk [tilespmem:v9+s12+$0x0], $0xffff;
	v4 =	vmul.f32 v4, v7  }
0x359: {  	v12 =	vld.idx.msk [tilespmem:v15+s19+$0x0], $0xffff;
	v13 =	vadd.f32 v14, v13;
	v14 =	vmul.f32 v8, v8  }
0x35a: {  	v16 =	vld.idx.msk [tilespmem:v17+s19+$0x0], $0xffff  }
0x35b: {  	v13 =	vadd.f32 v14, v13;
	v7 =	vld.idx.msk [tilespmem:v39+s19+$0x0], $0xffff  }
0x35c: {  	v14 =	vmul.f32 v10, v10;
	v2 =	vadd.f32 v4, v2;
	v4 =	vmovc v39;
	v39 =	vor.u32 v3, v1;
	v3 =	vld [tilespmem:$0x1FF30]  }
0x35d: {  	v18 =	vld.idx.msk [tilespmem:v19+s19+$0x0], $0xffff  }
0x35e: {  	v11 =	vld.idx.msk [tilespmem:v11+s12+$0x0], $0xffff;
	v13 =	vadd.f32 v14, v13;
	v14 =	vmul.f32 v12, v12  }
0x35f: {  	v20 =	vld.idx.msk [tilespmem:v21+s19+$0x0], $0xffff  }
0x360: {  	v22 =	vld.idx.msk [tilespmem:v23+s19+$0x0], $0xffff;
	v13 =	vadd.f32 v14, v13;
	v14 =	vmul.f32 v16, v16  }
0x361: {  	v8 =	vmul.f32 v9, v8;
	v9 =	vor.u32 v3, v1;
	v3 =	vld [tilespmem:$0x1FF60]  }
0x362: {  	v13 =	vadd.f32 v14, v13;
	v14 =	vmul.f32 v18, v18  }
0x363: {  	v24 =	vld.idx.msk [tilespmem:v25+s19+$0x0], $0xffff  }
0x364: {  	v13 =	vadd.f32 v14, v13;
	v14 =	vmul.f32 v20, v20  }
0x365: {  	v10 =	vmul.f32 v11, v10;
	v26 =	vld.idx.msk [tilespmem:v27+s19+$0x0], $0xffff;
	v5 =	vmul.f32 v5, v6  }
0x366: {  	v13 =	vadd.f32 v14, v13;
	v14 =	vmul.f32 v22, v22;
	v11 =	vor.u32 v3, v1;
	v3 =	vld [tilespmem:$0x1FF70]  }
0x367: {  	v15 =	vld.idx.msk [tilespmem:v15+s12+$0x0], $0xffff;
	v2 =	vadd.f32 v5, v2  }
0x368: {  	v28 =	vld.idx.msk [tilespmem:v29+s19+$0x0], $0xffff;
	v13 =	vadd.f32 v14, v13;
	v14 =	vmul.f32 v24, v24  }
0x369: {  	v42 =	vld [tilespmem:$0x1FCD0];
	v2 =	vadd.f32 v8, v2  }
0x36a: {  	v30 =	vld.idx.msk [tilespmem:v31+s19+$0x0], $0xffff;
	v13 =	vadd.f32 v14, v13  }
0x36b: {  	v14 =	vmul.f32 v26, v26;
	v2 =	vadd.f32 v10, v2;
	v10 =	vor.u32 v3, v1;
	v3 =	vld [tilespmem:$0x1FF80];
	_ =	sdelay $0x1  }
0x36c: {  	v13 =	vadd.f32 v14, v13;
	v14 =	vmul.f32 v28, v28;
	v32 =	vld.idx.msk [tilespmem:v33+s19+$0x0], $0xffff  }
0x36d: {  	v12 =	vmul.f32 v15, v12  }
0x36e: {  	v61 =	vor.u32 v42, v1;
	v13 =	vadd.f32 v14, v13;
	v34 =	vld.idx.msk [tilespmem:v35+s19+$0x0], $0xffff  }
0x36f: {  	v14 =	vmul.f32 v30, v30;
	v2 =	vadd.f32 v12, v2;
	v12 =	vor.u32 v3, v1;
	v3 =	vld [tilespmem:$0x1FE50]  }
0x370: {  	v42 =	vld.idx.msk [tilespmem:v36+s19+$0x0], $0xffff  }
0x371: {  	v13 =	vadd.f32 v14, v13;
	v62 =	vmul.f32 v32, v32  }
0x372: {  	v17 =	vld.idx.msk [tilespmem:v17+s12+$0x0], $0xffff  }
0x373: {  	v13 =	vadd.f32 v62, v13;
	v62 =	vld.idx.msk [tilespmem:v61+s19+$0x0], $0xffff;
	v14 =	vmul.f32 v34, v34  }
0x374: {  	v15 =	vor.u32 v3, v1;
	v3 =	vld [tilespmem:$0x1FF90]  }
0x375: {  	v5 =	vmov v61;
	v61 =	vmul.f32 v42, v42;
	v13 =	vadd.f32 v14, v13  }
0x376: {  	v8 =	vld.idx.msk [tilespmem:v63+s19+$0x0], $0xffff  }
0x377: {  	v19 =	vld.idx.msk [tilespmem:v19+s12+$0x0], $0xffff;
	v16 =	vmul.f32 v17, v16;
	v14 =	vmul.f32 v7, v7;
	v13 =	vadd.f32 v61, v13  }
0x378: {  	v6 =	vmov v63;
	v61 =	vmul.f32 v62, v62;
	v63 =	vld.idx.msk [tilespmem:v39+s19+$0x0], $0xffff  }
0x379: {  	v13 =	vadd.f32 v14, v13;
	v2 =	vadd.f32 v16, v2;
	v16 =	vor.u32 v3, v1;
	v3 =	vld [tilespmem:$0x1FFA0]  }
0x37a: {  	[tilespmem:$0x1FB90] =	vst v39;
	v39 =	vld.idx.msk [tilespmem:v9+s19+$0x0], $0xffff  }
0x37b: {  	v21 =	vld.idx.msk [tilespmem:v21+s12+$0x0], $0xffff;
	v13 =	vadd.f32 v61, v13;
	v14 =	vmul.f32 v8, v8  }
0x37c: {  	v61 =	vld.idx.msk [tilespmem:v11+s19+$0x0], $0xffff  }
0x37d: {  	v13 =	vadd.f32 v14, v13;
	v14 =	vmul.f32 v63, v63  }
0x37e: {  	v17 =	vor.u32 v3, v1;
	v3 =	vld [tilespmem:$0x1FFB0]  }
0x37f: {  	v13 =	vadd.f32 v14, v13;
	v14 =	vmul.f32 v39, v39  }
0x380: {  	v18 =	vmul.f32 v19, v18  }
0x381: {  	v20 =	vmul.f32 v21, v20;
	v21 =	vmovc v39;
	v13 =	vadd.f32 v14, v13;
	v39 =	vmul.f32 v61, v61  }
0x382: {  	v2 =	vadd.f32 v18, v2;
	v18 =	vld.idx.msk [tilespmem:v10+s19+$0x0], $0xffff  }
0x383: {  	v13 =	vadd.f32 v39, v13;
	v39 =	vld [tilespmem:$0x1FE60];
	v3 =	vor.u32 v3, v1;
	_ =	sdelay $0x3  }
0x384: {  	v27 =	vld.idx.msk [tilespmem:v27+s12+$0x0], $0xffff;
	[tilespmem:$0x1FBA0] =	vst v61  }
0x385: {  	[tilespmem:$0x1FBB0] =	vst v18;
	v61 =	vmul.f32 v18, v18;
	v18 =	vor.u32 v39, v1;
	v39 =	vld.idx.msk [tilespmem:v3+s19+$0x0], $0xffff  }
0x386: {  	[tilespmem:$0x1FBF0] =	vst v3;
	v3 =	vld [tilespmem:$0x1FE70];
	_ =	sdelay $0x3  }
0x387: {  	v33 =	vld.idx.msk [tilespmem:v33+s12+$0x0], $0xffff  }
0x388: {  	v26 =	vmul.f32 v27, v26;
	v27 =	vor.u32 v3, v1;
	v3 =	vld [tilespmem:$0x1FD10];
	_ =	sdelay $0x2  }
0x389: {  	v23 =	vld.idx.msk [tilespmem:v23+s12+$0x0], $0xffff  }
0x38a: {  	v19 =	vld.idx.msk [tilespmem:v12+s19+$0x0], $0xffff  }
0x38b: {  	v32 =	vmul.f32 v33, v32;
	v33 =	vor.u32 v3, v1;
	v3 =	vld.idx.msk [tilespmem:v4+s12+$0x0], $0xffff  }
0x38c: {  	v4 =	vld [tilespmem:$0x1FD40]  }
0x38d: {  	v25 =	vld.idx.msk [tilespmem:v25+s12+$0x0], $0xffff;
	_ =	sdelay $0x1  }
0x38e: {  	v29 =	vld.idx.msk [tilespmem:v29+s12+$0x0], $0xffff;
	v13 =	vadd.f32 v61, v13;
	v61 =	vmul.f32 v19, v19  }
0x38f: {  	v22 =	vmul.f32 v23, v22;
	v35 =	vld.idx.msk [tilespmem:v35+s12+$0x0], $0xffff;
	v2 =	vadd.f32 v20, v2  }
0x390: {  	v13 =	vadd.f32 v61, v13;
	v61 =	vor.u32 v4, v1;
	v4 =	vld.idx.msk [tilespmem:v5+s12+$0x0], $0xffff  }
0x391: {  	v24 =	vmul.f32 v25, v24;
	v2 =	vadd.f32 v22, v2;
	v5 =	vld [tilespmem:$0x1FC50]  }
0x392: {  	v31 =	vld.idx.msk [tilespmem:v31+s12+$0x0], $0xffff  }
0x393: {  	v2 =	vadd.f32 v24, v2;
	_ =	sdelay $0x1  }
0x394: {  	v28 =	vmul.f32 v29, v28;
	v2 =	vadd.f32 v26, v2  }
0x395: {  	v34 =	vmul.f32 v35, v34;
	v35 =	vor.u32 v5, v1;
	v5 =	vld.idx.msk [tilespmem:v6+s12+$0x0], $0xffff  }
0x396: {  	v30 =	vmul.f32 v31, v30;
	v2 =	vadd.f32 v28, v2;
	v6 =	vld [tilespmem:$0x1FD60]  }
0x397: {  	v36 =	vld.idx.msk [tilespmem:v36+s12+$0x0], $0xffff  }
0x398: {  	v2 =	vadd.f32 v30, v2;
	_ =	sdelay $0x1  }
0x399: {  	v2 =	vadd.f32 v32, v2  }
0x39a: {  	v29 =	vor.u32 v6, v1;
	v6 =	vld [tilespmem:$0x1FB90]  }
0x39b: {  	v36 =	vmul.f32 v36, v42;
	v2 =	vadd.f32 v34, v2;
	_ =	sdelay $0x1  }
0x39c: {  	v2 =	vadd.f32 v36, v2;
	v3 =	vmul.f32 v3, v7;
	_ =	sdelay $0x1  }
0x39d: {  	v2 =	vadd.f32 v3, v2;
	v3 =	vld [tilespmem:$0x1FC60];
	_ =	sdelay $0x1  }
0x39e: {  	v20 =	vld.idx.msk [tilespmem:v15+s19+$0x0], $0xffff  }
0x39f: {  	v6 =	vld.idx.msk [tilespmem:v6+s12+$0x0], $0xffff  }
0x3a0: {  	v22 =	vld.idx.msk [tilespmem:v16+s19+$0x0], $0xffff;
	v4 =	vmul.f32 v4, v62  }
0x3a1: {  	v30 =	vor.u32 v3, v1;
	v3 =	vld.idx.msk [tilespmem:v9+s12+$0x0], $0xffff  }
0x3a2: {  	v2 =	vadd.f32 v4, v2;
	v4 =	vld [tilespmem:$0x1FC70];
	v5 =	vmul.f32 v5, v8  }
0x3a3: {  	v26 =	vmul.f32 v20, v20;
	v24 =	vld.idx.msk [tilespmem:v17+s19+$0x0], $0xffff  }
0x3a4: {  	v25 =	vld [tilespmem:$0x1FFF0];
	v2 =	vadd.f32 v5, v2;
	v6 =	vmul.f32 v6, v63  }
0x3a5: {  	v31 =	vld.idx.msk [tilespmem:v18+s19+$0x0], $0xffff;
	v13 =	vadd.f32 v26, v13;
	[tilespmem:$0x1FC00] =	vst v22  }
0x3a6: {  	v22 =	vmul.f32 v22, v22;
	v34 =	vld.idx.msk [tilespmem:v27+s19+$0x0], $0xffff;
	v3 =	vmul.f32 v3, v21;
	v2 =	vadd.f32 v6, v2  }
0x3a7: {  	[tilespmem:$0x1FC40] =	vst v27;
	v27 =	vor.u32 v4, v1;
	v4 =	vld.idx.msk [tilespmem:v11+s12+$0x0], $0xffff  }
0x3a8: {  	v13 =	vadd.f32 v22, v13;
	v23 =	vmul.f32 v24, v24;
	v2 =	vadd.f32 v3, v2;
	v3 =	vld [tilespmem:$0x1FBA0]  }
0x3a9: {  	v5 =	vld [tilespmem:$0x1FC80]  }
0x3aa: {  	[tilespmem:$0x1FC20] =	vst v24;
	v13 =	vadd.f32 v23, v13;
	v24 =	vmul.f32 v39, v39;
	_ =	sdelay $0x1  }
0x3ab: {  	[tilespmem:$0x1FBD0] =	vst v17;
	v17 =	vor.u32 v25, v1;
	v25 =	vmul.f32 v31, v31;
	v13 =	vadd.f32 v24, v13  }
0x3ac: {  	v4 =	vmul.f32 v4, v3  }
0x3ad: {  	v13 =	vadd.f32 v25, v13;
	v25 =	vor.u32 v5, v1;
	v5 =	vld.idx.msk [tilespmem:v10+s12+$0x0], $0xffff  }
0x3ae: {  	v2 =	vadd.f32 v4, v2;
	v4 =	vld [tilespmem:$0x1FBB0];
	_ =	sdelay $0x3  }
0x3af: {  	v6 =	vld [tilespmem:$0x1FC90]  }
0x3b0: {  	v5 =	vmul.f32 v5, v4;
	v4 =	vld [tilespmem:$0x1FDB0];
	_ =	sdelay $0x3  }
0x3b1: {  	[tilespmem:$0x1FBC0] =	vst v19;
	v24 =	vor.u32 v6, v1;
	v6 =	vld.idx.msk [tilespmem:v12+s12+$0x0], $0xffff  }
0x3b2: {  	v19 =	vor.u32 v4, v1;
	v4 =	vld [tilespmem:$0x1FBC0];
	_ =	sdelay $0x4  }
0x3b3: {  	v6 =	vmul.f32 v6, v4;
	v4 =	vld [tilespmem:$0x1FCA0];
	_ =	sdelay $0x3  }
0x3b4: {  	v32 =	vld.idx.msk [tilespmem:v17+s19+$0x0], $0xffff  }
0x3b5: {  	[tilespmem:$0x1FC30] =	vst v17;
	v17 =	vor.u32 v4, v1;
	v4 =	vld [tilespmem:$0x1FBD0];
	_ =	sdelay $0x1  }
0x3b6: {  	v3 =	vld [tilespmem:$0x1FD90];
	_ =	sdelay $0x4  }
0x3b7: {  	v21 =	vor.u32 v3, v1;
	v3 =	vld.idx.msk [tilespmem:v15+s12+$0x0], $0xffff  }
0x3b8: {  	[tilespmem:$0x1FBE0] =	vst v20;
	v2 =	vadd.f32 v5, v2;
	v5 =	vld.idx.msk [tilespmem:v4+s12+$0x0], $0xffff  }
0x3b9: {  	v4 =	vld [tilespmem:$0x1FBE0];
	_ =	sdelay $0x1  }
0x3ba: {  	v36 =	vld.idx.msk [tilespmem:v33+s19+$0x0], $0xffff  }
0x3bb: {  	v26 =	vmul.f32 v32, v32;
	v7 =	vld.idx.msk [tilespmem:v16+s12+$0x0], $0xffff  }
0x3bc: {  	v28 =	vld.idx.msk [tilespmem:v61+s19+$0x0], $0xffff  }
0x3bd: {  	v13 =	vadd.f32 v26, v13;
	v26 =	vld.idx.msk [tilespmem:v35+s19+$0x0], $0xffff;
	v2 =	vadd.f32 v6, v2;
	v3 =	vmul.f32 v3, v4  }
0x3be: {  	v23 =	vld.idx.msk [tilespmem:v30+s19+$0x0], $0xffff  }
0x3bf: {  	v42 =	vmul.f32 v34, v34;
	v2 =	vadd.f32 v3, v2;
	v3 =	vld [tilespmem:$0x1FC00]  }
0x3c0: {  	v4 =	vld [tilespmem:$0x1FDC0]  }
0x3c1: {  	v13 =	vadd.f32 v42, v13;
	v62 =	vmul.f32 v36, v36;
	v6 =	vld [tilespmem:$0x1FC20]  }
0x3c2: {  	v22 =	vld.idx.msk [tilespmem:v29+s19+$0x0], $0xffff  }
0x3c3: {  	v13 =	vadd.f32 v62, v13;
	v9 =	vmul.f32 v28, v28;
	v20 =	vld.idx.msk [tilespmem:v27+s19+$0x0], $0xffff  }
0x3c4: {  	v7 =	vmul.f32 v7, v3;
	v3 =	vld [tilespmem:$0x1FDD0]  }
0x3c5: {  	v13 =	vadd.f32 v9, v13;
	v10 =	vmul.f32 v26, v26;
	v12 =	vor.u32 v4, v1;
	v4 =	vld [tilespmem:$0x1FBF0]  }
0x3c6: {  	v5 =	vmul.f32 v5, v6;
	v6 =	vld [tilespmem:$0x1FF40]  }
0x3c7: {  	[tilespmem:$0x1FC10] =	vst v18;
	v13 =	vadd.f32 v10, v13;
	v11 =	vmul.f32 v22, v22;
	v18 =	vld.idx.msk [tilespmem:v25+s19+$0x0], $0xffff  }
0x3c8: {  	v2 =	vadd.f32 v7, v2;
	v7 =	vld [tilespmem:$0x1FF50]  }
0x3c9: {  	v13 =	vadd.f32 v11, v13;
	v11 =	vor.u32 v3, v1;
	v3 =	vld [tilespmem:$0x1FC10]  }
0x3ca: {  	v42 =	vmul.f32 v23, v23;
	v16 =	vld.idx.msk [tilespmem:v24+s19+$0x0], $0xffff  }
0x3cb: {  	v8 =	vor.u32 v6, v1;
	v6 =	vld [tilespmem:$0x1FC30]  }
0x3cc: {  	v62 =	vmul.f32 v20, v20;
	v13 =	vadd.f32 v42, v13;
	v15 =	vld.idx.msk [tilespmem:v21+s19+$0x0], $0xffff  }
0x3cd: {  	v4 =	vld.idx.msk [tilespmem:v4+s12+$0x0], $0xffff  }
0x3ce: {  	v13 =	vadd.f32 v62, v13;
	v63 =	vmul.f32 v18, v18;
	v7 =	vor.u32 v7, v1;
	v1 =	vld [tilespmem:$0x1FC40]  }
0x3cf: {  	v10 =	vld.idx.msk [tilespmem:v19+s19+$0x0], $0xffff  }
0x3d0: {  	v13 =	vadd.f32 v63, v13;
	v42 =	vmul.f32 v16, v16;
	v9 =	vld.idx.msk [tilespmem:v17+s19+$0x0], $0xffff  }
0x3d1: {  	v3 =	vld.idx.msk [tilespmem:v3+s12+$0x0], $0xffff  }
0x3d2: {  	v13 =	vadd.f32 v42, v13;
	v62 =	vmul.f32 v15, v15;
	v2 =	vadd.f32 v5, v2;
	v5 =	vld.idx.msk [tilespmem:v12+s19+$0x0], $0xffff  }
0x3d3: {  	v6 =	vld.idx.msk [tilespmem:v6+s12+$0x0], $0xffff;
	v4 =	vmul.f32 v4, v39  }
0x3d4: {  	v13 =	vadd.f32 v62, v13;
	v63 =	vmul.f32 v10, v10  }
0x3d5: {  	v2 =	vadd.f32 v4, v2;
	v4 =	vld.idx.msk [tilespmem:v11+s19+$0x0], $0xffff  }
0x3d6: {  	v13 =	vadd.f32 v63, v13;
	v39 =	vmul.f32 v9, v9;
	v1 =	vld.idx.msk [tilespmem:v1+s12+$0x0], $0xffff;
	v3 =	vmul.f32 v3, v31  }
0x3d7: {  	v42 =	vld.idx.msk [tilespmem:v33+s12+$0x0], $0xffff;
	v62 =	vmul.f32 v5, v5  }
0x3d8: {  	v6 =	vmul.f32 v6, v32;
	v13 =	vadd.f32 v39, v13;
	v2 =	vadd.f32 v3, v2;
	v3 =	vld.idx.msk [tilespmem:v8+s19+$0x0], $0xffff  }
0x3d9: {  	v14 =	vld.idx.msk [tilespmem:v7+s19+$0x0], $0xffff  }
0x3da: {  	v13 =	vadd.f32 v62, v13;
	v63 =	vmul.f32 v4, v4;
	v2 =	vadd.f32 v6, v2;
	v6 =	vld.idx.msk [tilespmem:v61+s12+$0x0], $0xffff  }
0x3db: {  	v1 =	vmul.f32 v1, v34  }
0x3dc: {  	v39 =	vld.idx.msk [tilespmem:v35+s12+$0x0], $0xffff;
	v13 =	vadd.f32 v63, v13  }
0x3dd: {  	v29 =	vld.idx.msk [tilespmem:v29+s12+$0x0], $0xffff;
	v1 =	vadd.f32 v1, v2;
	v2 =	vmul.f32 v42, v36;
	v42 =	vmul.f32 v3, v3  }
0x3de: {  	v61 =	vmul.f32 v14, v14  }
0x3df: {  	v1 =	vadd.f32 v2, v1;
	v2 =	vmul.f32 v6, v28;
	v6 =	vadd.f32 v42, v13  }
0x3e0: {  	v62 =	vld.idx.msk [tilespmem:v30+s12+$0x0], $0xffff  }
0x3e1: {  	v1 =	vadd.f32 v2, v1;
	v2 =	vmul.f32 v39, v26;
	v6 =	vadd.f32 v61, v6  }
0x3e2: {  	v63 =	vmul.f32 v29, v22;
	v29 =	vld.idx.msk [tilespmem:v27+s12+$0x0], $0xffff  }
0x3e3: {  	v1 =	vadd.f32 v2, v1;
	v2 =	vshra.s32 v6, $0x1;
	v6 =	vmul.f32 $5.000000000e-01, v6  }
0x3e4: {  	v25 =	vld.idx.msk [tilespmem:v25+s12+$0x0], $0xffff;
	v2 =	vsub.s32 $0x5F3759DF, v2  }
0x3e5: {  	v30 =	vmul.f32 v62, v23;
	v1 =	vadd.f32 v63, v1;
	v31 =	vmul.f32 v2, v6  }
0x3e6: {  	v24 =	vld.idx.msk [tilespmem:v24+s12+$0x0], $0xffff  }
0x3e7: {  	v32 =	vmul.f32 v29, v20;
	v1 =	vadd.f32 v30, v1;
	v33 =	vmul.f32 v2, v31  }
0x3e8: {  	v21 =	vld.idx.msk [tilespmem:v21+s12+$0x0], $0xffff  }
0x3e9: {  	v34 =	vmul.f32 v25, v18;
	v1 =	vadd.f32 v32, v1;
	v35 =	vsub.f32 $1.500000000e+00, v33  }
0x3ea: {  	v19 =	vld.idx.msk [tilespmem:v19+s12+$0x0], $0xffff  }
0x3eb: {  	v36 =	vmul.f32 v24, v16;
	v1 =	vadd.f32 v34, v1;
	v2 =	vmul.f32 v2, v35  }
0x3ec: {  	v39 =	vld.idx.msk [tilespmem:v17+s12+$0x0], $0xffff  }
0x3ed: {  	v42 =	vmul.f32 v21, v15;
	v1 =	vadd.f32 v36, v1;
	v61 =	vmul.f32 v2, v6  }
0x3ee: {  	v12 =	vld.idx.msk [tilespmem:v12+s12+$0x0], $0xffff  }
0x3ef: {  	v10 =	vmul.f32 v19, v10;
	v1 =	vadd.f32 v42, v1;
	v62 =	vmul.f32 v61, v2  }
0x3f0: {  	v11 =	vld.idx.msk [tilespmem:v11+s12+$0x0], $0xffff  }
0x3f1: {  	v9 =	vmul.f32 v39, v9;
	v1 =	vadd.f32 v10, v1;
	v63 =	vsub.f32 $1.500000000e+00, v62  }
0x3f2: {  	v8 =	vld.idx.msk [tilespmem:v8+s12+$0x0], $0xffff  }
0x3f3: {  	v5 =	vmul.f32 v12, v5;
	v1 =	vadd.f32 v9, v1;
	v2 =	vmul.f32 v63, v2  }
0x3f4: {  	v7 =	vld.idx.msk [tilespmem:v7+s12+$0x0], $0xffff  }
0x3f5: {  	v4 =	vmul.f32 v11, v4;
	v1 =	vadd.f32 v5, v1;
	v5 =	vmul.f32 v2, v6  }
0x3f6: {  	p2 =	por $0x1, $0x1  }
.Ltmp4:
0x3f7: {  	v3 =	vmul.f32 v8, v3;
	v1 =	vadd.f32 v4, v1;
	v4 =	vmul.f32 v5, v2;
	(pc) =	sbr.rel @!p2 .LBB2_7-.Ltmp4, $4  }
0x3f8: {  	_ = 	snop  }
0x3f9: {  	v1 =	vadd.f32 v3, v1;
	v3 =	vmul.f32 v7, v14;
	v4 =	vsub.f32 $1.500000000e+00, v4  }
0x3fa: {  	v5 =	vmov s0  }
0x3fb: {  	p0 =	por $0x1, $0x1;
	s0 =	simm.s32 $0x20;
	v3 =	vadd.f32 v3, v1;
	v4 =	vmul.f32 v4, v2;
	v2 =	vld [tilespmem:s30+$0x0];
	v1 =	vshll.u32 v5, $0x6  }
0x3fc: {  	_ = 	snop  }
0x3fd: {  	v1 =	vor.u32 v44, v1  }
0x3fe: {  	v3 =	vmul.f32 v4, v3;
	v4 =	vor.u32 v43, v1;
	_ =	sdelay $0x1  }
0x3ff: {  	v5 =	vor.u32 v45, v1;
	v2 =	vmul.f32 v3, v2;
	_ =	sdelay $0x1  }
0x400: {  	v3 =	vor.u32 v50, v1;
	[tilespmem:s29+$0x0] =	vst v2  }
0x401: {  	v7 =	vld.idx.msk [tilespmem:v4+s19+$0x0], $0xffff  }
0x402: {  	v4 =	vld.idx.msk [tilespmem:v4+s12+$0x0], $0xffff  }
0x403: {  	v2 =	vld.idx.msk [tilespmem:v5+s19+$0x0], $0xffff  }
0x404: {  	v5 =	vld.idx.msk [tilespmem:v5+s12+$0x0], $0xffff  }
0x405: {  	v9 =	vld.idx.msk [tilespmem:v3+s19+$0x0], $0xffff  }
0x406: {  	v8 =	vor.u32 v54, v1;
	v3 =	vld.idx.msk [tilespmem:v3+s12+$0x0], $0xffff  }
0x407: {  	v4 =	vmul.f32 v4, v7;
	_ =	sdelay $0x1  }
0x408: {  	v14 =	vmul.f32 v2, v2;
	v2 =	vmul.f32 v5, v2;
	v4 =	vadd.f32 $0.0e+00, v4;
	_ =	sdelay $0x1  }
0x409: {  	v10 =	vor.u32 v51, v1;
	v15 =	vld.idx.msk [tilespmem:v8+s19+$0x0], $0xffff;
	v3 =	vmul.f32 v3, v9;
	v2 =	vadd.f32 v2, v4  }
0x40a: {  	v8 =	vld.idx.msk [tilespmem:v8+s12+$0x0], $0xffff  }
0x40b: {  	v2 =	vadd.f32 v3, v2;
	v3 =	vld [tilespmem:$0x1FFC0];
	_ =	sdelay $0x2  }
0x40c: {  	v12 =	vor.u32 v52, v1;
	v17 =	vld.idx.msk [tilespmem:v10+s19+$0x0], $0xffff  }
0x40d: {  	v10 =	vld.idx.msk [tilespmem:v10+s12+$0x0], $0xffff  }
0x40e: {  	v33 =	vmul.f32 v15, v15;
	v8 =	vmul.f32 v8, v15;
	v15 =	vor.u32 v3, v1;
	v3 =	vld [tilespmem:$0x1FFD0];
	_ =	sdelay $0x2  }
0x40f: {  	v20 =	vor.u32 v40, v1;
	v19 =	vld.idx.msk [tilespmem:v12+s19+$0x0], $0xffff  }
0x410: {  	v12 =	vld.idx.msk [tilespmem:v12+s12+$0x0], $0xffff  }
0x411: {  	v34 =	vmul.f32 v17, v17;
	v10 =	vmul.f32 v10, v17;
	v17 =	vor.u32 v3, v1;
	v3 =	vld [tilespmem:$0x1FFE0];
	_ =	sdelay $0x1  }
0x412: {  	v6 =	vor.u32 v53, v1  }
0x413: {  	v22 =	vor.u32 v41, v1;
	v25 =	vld.idx.msk [tilespmem:v20+s19+$0x0], $0xffff  }
0x414: {  	v20 =	vld.idx.msk [tilespmem:v20+s12+$0x0], $0xffff  }
0x415: {  	v35 =	vmul.f32 v19, v19;
	v12 =	vmul.f32 v12, v19;
	v19 =	vor.u32 v3, v1;
	v3 =	vld [tilespmem:$0x1FEB0];
	_ =	sdelay $0x1  }
0x416: {  	v24 =	vor.u32 v55, v1;
	v11 =	vld.idx.msk [tilespmem:v6+s19+$0x0], $0xffff  }
0x417: {  	v27 =	vld.idx.msk [tilespmem:v22+s19+$0x0], $0xffff  }
0x418: {  	v22 =	vld.idx.msk [tilespmem:v22+s12+$0x0], $0xffff;
	v13 =	vmul.f32 v7, v7  }
0x419: {  	v42 =	vmul.f32 v25, v25;
	v20 =	vmul.f32 v20, v25;
	v25 =	vor.u32 v3, v1;
	v3 =	vld [tilespmem:$0x1FEC0]  }
0x41a: {  	v16 =	vor.u32 v37, v1;
	v13 =	vadd.f32 v14, v13;
	v31 =	vmul.f32 v9, v9  }
0x41b: {  	v18 =	vor.u32 v38, v1;
	v29 =	vld.idx.msk [tilespmem:v24+s19+$0x0], $0xffff  }
0x41c: {  	v26 =	vor.u32 v56, v1;
	v6 =	vld.idx.msk [tilespmem:v6+s12+$0x0], $0xffff;
	v32 =	vmul.f32 v11, v11;
	v13 =	vadd.f32 v31, v13  }
0x41d: {  	v24 =	vld.idx.msk [tilespmem:v24+s12+$0x0], $0xffff;
	v61 =	vmul.f32 v27, v27  }
0x41e: {  	v22 =	vmul.f32 v22, v27;
	v13 =	vadd.f32 v32, v13;
	v27 =	vor.u32 v3, v1;
	v3 =	vld [tilespmem:$0x1FED0]  }
0x41f: {  	v21 =	vld.idx.msk [tilespmem:v16+s19+$0x0], $0xffff  }
0x420: {  	v23 =	vld.idx.msk [tilespmem:v18+s19+$0x0], $0xffff;
	v13 =	vadd.f32 v33, v13  }
0x421: {  	v28 =	vor.u32 v57, v1;
	v31 =	vld.idx.msk [tilespmem:v26+s19+$0x0], $0xffff  }
0x422: {  	v62 =	vmul.f32 v29, v29;
	v26 =	vld.idx.msk [tilespmem:v26+s12+$0x0], $0xffff;
	v13 =	vadd.f32 v34, v13  }
0x423: {  	v6 =	vmul.f32 v6, v11;
	v24 =	vmul.f32 v24, v29;
	v29 =	vor.u32 v3, v1;
	v3 =	vld [tilespmem:$0x1FEE0]  }
0x424: {  	v16 =	vld.idx.msk [tilespmem:v16+s12+$0x0], $0xffff;
	v36 =	vmul.f32 v21, v21;
	v13 =	vadd.f32 v35, v13  }
0x425: {  	v18 =	vld.idx.msk [tilespmem:v18+s12+$0x0], $0xffff;
	v2 =	vadd.f32 v6, v2  }
0x426: {  	v30 =	vor.u32 v58, v1;
	v39 =	vmul.f32 v23, v23;
	v33 =	vld.idx.msk [tilespmem:v28+s19+$0x0], $0xffff;
	v13 =	vadd.f32 v36, v13  }
0x427: {  	v28 =	vld.idx.msk [tilespmem:v28+s12+$0x0], $0xffff;
	v63 =	vmul.f32 v31, v31;
	v2 =	vadd.f32 v8, v2  }
0x428: {  	v26 =	vmul.f32 v26, v31;
	v13 =	vadd.f32 v39, v13;
	v31 =	vor.u32 v3, v1;
	v3 =	vld [tilespmem:$0x1FEF0]  }
0x429: {  	v2 =	vadd.f32 v10, v2  }
0x42a: {  	v4 =	vld [tilespmem:$0x1FE90];
	v13 =	vadd.f32 v42, v13  }
0x42b: {  	v16 =	vmul.f32 v16, v21;
	v32 =	vor.u32 v47, v1;
	v35 =	vld.idx.msk [tilespmem:v30+s19+$0x0], $0xffff;
	v2 =	vadd.f32 v12, v2  }
0x42c: {  	v18 =	vmul.f32 v18, v23;
	v30 =	vld.idx.msk [tilespmem:v30+s12+$0x0], $0xffff;
	v14 =	vmul.f32 v33, v33;
	v13 =	vadd.f32 v61, v13  }
0x42d: {  	v28 =	vmul.f32 v28, v33;
	v2 =	vadd.f32 v16, v2;
	v33 =	vor.u32 v3, v1;
	v3 =	vld [tilespmem:$0x1FF00]  }
0x42e: {  	v34 =	vor.u32 v48, v1;
	v13 =	vadd.f32 v62, v13  }
0x42f: {  	v6 =	vld [tilespmem:$0x1FEA0];
	v39 =	vor.u32 v46, v1;
	v2 =	vadd.f32 v18, v2  }
0x430: {  	v5 =	vor.u32 v0, v1;
	v21 =	vor.u32 v4, v1;
	v36 =	vld.idx.msk [tilespmem:v32+s19+$0x0], $0xffff;
	v13 =	vadd.f32 v63, v13  }
0x431: {  	v4 =	vld [tilespmem:$0x1FF10];
	[tilespmem:$0x1FAD0] =	vst v39;
	v30 =	vmul.f32 v30, v35;
	v42 =	vor.u32 v49, v1;
	v2 =	vadd.f32 v20, v2  }
0x432: {  	v13 =	vadd.f32 v14, v13;
	v14 =	vmul.f32 v35, v35;
	v35 =	vor.u32 v3, v1;
	v3 =	vld [tilespmem:$0x1FAD0]  }
0x433: {  	v2 =	vadd.f32 v22, v2;
	v63 =	vld.idx.msk [tilespmem:v34+s19+$0x0], $0xffff  }
0x434: {  	v61 =	vor.u32 v59, v1;
	v7 =	vld.idx.msk [tilespmem:v39+s19+$0x0], $0xffff  }
0x435: {  	v10 =	vld.idx.msk [tilespmem:v5+s19+$0x0], $0xffff;
	v39 =	vmul.f32 v36, v36;
	v2 =	vadd.f32 v24, v2  }
0x436: {  	v32 =	vld.idx.msk [tilespmem:v32+s12+$0x0], $0xffff;
	v62 =	vor.u32 v60, v1;
	v13 =	vadd.f32 v14, v13  }
0x437: {  	v9 =	vld.idx.msk [tilespmem:v42+s19+$0x0], $0xffff;
	v2 =	vadd.f32 v26, v2  }
0x438: {  	v34 =	vld.idx.msk [tilespmem:v34+s12+$0x0], $0xffff;
	v14 =	vmul.f32 v63, v63;
	v13 =	vadd.f32 v39, v13  }
0x439: {  	v11 =	vld.idx.msk [tilespmem:v61+s19+$0x0], $0xffff;
	v2 =	vadd.f32 v28, v2;
	v39 =	vmov v63;
	v63 =	vmul.f32 v7, v7  }
0x43a: {  	v13 =	vadd.f32 v14, v13;
	v3 =	vld.idx.msk [tilespmem:v3+s12+$0x0], $0xffff  }
0x43b: {  	v32 =	vmul.f32 v32, v36;
	v8 =	vld.idx.msk [tilespmem:v62+s19+$0x0], $0xffff;
	v2 =	vadd.f32 v30, v2  }
0x43c: {  	v23 =	vor.u32 v6, v1;
	v6 =	vld [tilespmem:$0x1FCD0];
	v14 =	vmul.f32 v9, v9;
	v13 =	vadd.f32 v63, v13  }
0x43d: {  	v34 =	vmul.f32 v34, v39;
	v2 =	vadd.f32 v32, v2;
	v63 =	vmov v5;
	v5 =	vld [tilespmem:$0x1FCC0]  }
0x43e: {  	v12 =	vld.idx.msk [tilespmem:v15+s19+$0x0], $0xffff;
	v13 =	vadd.f32 v14, v13;
	v14 =	vmul.f32 v11, v11  }
0x43f: {  	v16 =	vld.idx.msk [tilespmem:v17+s19+$0x0], $0xffff;
	v2 =	vadd.f32 v34, v2;
	v3 =	vmul.f32 v3, v7  }
0x440: {  	v36 =	vor.u32 v4, v1;
	v4 =	vld.idx.msk [tilespmem:v42+s12+$0x0], $0xffff;
	v13 =	vadd.f32 v14, v13;
	v14 =	vmul.f32 v8, v8  }
0x441: {  	v2 =	vadd.f32 v3, v2;
	v3 =	vld [tilespmem:$0x1FCE0]  }
0x442: {  	v42 =	vor.u32 v5, v1;
	v5 =	vld.idx.msk [tilespmem:v61+s12+$0x0], $0xffff;
	v13 =	vadd.f32 v14, v13;
	v14 =	vmul.f32 v10, v10  }
0x443: {  	v18 =	vld.idx.msk [tilespmem:v19+s19+$0x0], $0xffff  }
0x444: {  	v61 =	vor.u32 v6, v1;
	v6 =	vld.idx.msk [tilespmem:v62+s12+$0x0], $0xffff;
	v13 =	vadd.f32 v14, v13;
	v14 =	vmul.f32 v12, v12  }
0x445: {  	v20 =	vld.idx.msk [tilespmem:v21+s19+$0x0], $0xffff;
	v4 =	vmul.f32 v4, v9  }
0x446: {  	v13 =	vadd.f32 v14, v13;
	v14 =	vmul.f32 v16, v16;
	v62 =	vor.u32 v3, v1;
	v3 =	vld.idx.msk [tilespmem:v63+s12+$0x0], $0xffff  }
0x447: {  	v22 =	vld.idx.msk [tilespmem:v23+s19+$0x0], $0xffff;
	v5 =	vmul.f32 v5, v11;
	v2 =	vadd.f32 v4, v2  }
0x448: {  	v13 =	vadd.f32 v14, v13;
	v14 =	vmul.f32 v18, v18  }
0x449: {  	v24 =	vld.idx.msk [tilespmem:v25+s19+$0x0], $0xffff;
	v6 =	vmul.f32 v6, v8;
	v2 =	vadd.f32 v5, v2  }
0x44a: {  	v15 =	vld.idx.msk [tilespmem:v15+s12+$0x0], $0xffff;
	v13 =	vadd.f32 v14, v13;
	v14 =	vmul.f32 v20, v20  }
0x44b: {  	v26 =	vld.idx.msk [tilespmem:v27+s19+$0x0], $0xffff;
	v2 =	vadd.f32 v6, v2;
	v3 =	vmul.f32 v3, v10  }
0x44c: {  	v28 =	vld.idx.msk [tilespmem:v29+s19+$0x0], $0xffff;
	v13 =	vadd.f32 v14, v13;
	v14 =	vmul.f32 v22, v22  }
0x44d: {  	v2 =	vadd.f32 v3, v2;
	v3 =	vld [tilespmem:$0x1FF70]  }
0x44e: {  	v13 =	vadd.f32 v14, v13;
	v14 =	vmul.f32 v24, v24  }
0x44f: {  	v30 =	vld.idx.msk [tilespmem:v31+s19+$0x0], $0xffff  }
0x450: {  	v13 =	vadd.f32 v14, v13;
	v14 =	vmul.f32 v26, v26;
	v4 =	vld [tilespmem:$0x1FF20]  }
0x451: {  	v12 =	vmul.f32 v15, v12;
	v32 =	vld.idx.msk [tilespmem:v33+s19+$0x0], $0xffff  }
0x452: {  	v39 =	vmul.f32 v28, v28;
	v13 =	vadd.f32 v14, v13;
	v15 =	vor.u32 v3, v1;
	v3 =	vld [tilespmem:$0x1FF80]  }
0x453: {  	v17 =	vld.idx.msk [tilespmem:v17+s12+$0x0], $0xffff  }
0x454: {  	v34 =	vld.idx.msk [tilespmem:v35+s19+$0x0], $0xffff;
	v13 =	vadd.f32 v39, v13;
	v39 =	vmul.f32 v30, v30  }
0x455: {  	v11 =	vor.u32 v4, v1;
	v4 =	vld [tilespmem:$0x1FF30]  }
0x456: {  	v13 =	vadd.f32 v39, v13;
	v7 =	vld.idx.msk [tilespmem:v36+s19+$0x0], $0xffff  }
0x457: {  	v39 =	vmul.f32 v32, v32;
	v2 =	vadd.f32 v12, v2;
	v12 =	vor.u32 v3, v1;
	v3 =	vld [tilespmem:$0x1FE50];
	_ =	sdelay $0x1  }
0x458: {  	v9 =	vld.idx.msk [tilespmem:v42+s19+$0x0], $0xffff;
	v13 =	vadd.f32 v39, v13;
	v39 =	vmul.f32 v34, v34  }
0x459: {  	v16 =	vmul.f32 v17, v16;
	v8 =	vor.u32 v4, v1;
	v4 =	vld [tilespmem:$0x1FF60]  }
0x45a: {  	v13 =	vadd.f32 v39, v13;
	v63 =	vld.idx.msk [tilespmem:v61+s19+$0x0], $0xffff  }
0x45b: {  	v39 =	vmul.f32 v7, v7;
	v2 =	vadd.f32 v16, v2;
	v16 =	vor.u32 v3, v1;
	v3 =	vld [tilespmem:$0x1FF90]  }
0x45c: {  	v6 =	vld.idx.msk [tilespmem:v62+s19+$0x0], $0xffff  }
0x45d: {  	v13 =	vadd.f32 v39, v13;
	v39 =	vmul.f32 v9, v9  }
0x45e: {  	v10 =	vor.u32 v4, v1;
	v4 =	vld.idx.msk [tilespmem:v11+s19+$0x0], $0xffff  }
0x45f: {  	v13 =	vadd.f32 v39, v13;
	v39 =	vmul.f32 v63, v63  }
0x460: {  	v17 =	vor.u32 v3, v1;
	v3 =	vld [tilespmem:$0x1FFA0]  }
0x461: {  	v13 =	vadd.f32 v39, v13;
	v39 =	vmul.f32 v6, v6;
	_ =	sdelay $0x1  }
0x462: {  	v13 =	vadd.f32 v39, v13;
	v39 =	vmul.f32 v4, v4  }
0x463: {  	v19 =	vld.idx.msk [tilespmem:v19+s12+$0x0], $0xffff  }
0x464: {  	v13 =	vadd.f32 v39, v13;
	v39 =	vor.u32 v3, v1;
	v3 =	vld [tilespmem:$0x1FFB0];
	_ =	sdelay $0x2  }
0x465: {  	v21 =	vld.idx.msk [tilespmem:v21+s12+$0x0], $0xffff  }
0x466: {  	v5 =	vld.idx.msk [tilespmem:v8+s19+$0x0], $0xffff  }
0x467: {  	v18 =	vmul.f32 v19, v18;
	v19 =	vmov v4;
	v4 =	vor.u32 v3, v1;
	v3 =	vld [tilespmem:$0x1FE60];
	_ =	sdelay $0x1  }
0x468: {  	v23 =	vld.idx.msk [tilespmem:v23+s12+$0x0], $0xffff  }
0x469: {  	v25 =	vld.idx.msk [tilespmem:v25+s12+$0x0], $0xffff  }
0x46a: {  	v20 =	vmul.f32 v21, v20;
	[tilespmem:$0x1FAE0] =	vst v6;
	v6 =	vld.idx.msk [tilespmem:v10+s19+$0x0], $0xffff  }
0x46b: {  	v2 =	vadd.f32 v18, v2;
	v14 =	vmul.f32 v5, v5;
	v21 =	vmovc v5;
	v5 =	vor.u32 v3, v1;
	v3 =	vld [tilespmem:$0x1FFF0];
	_ =	sdelay $0x1  }
0x46c: {  	v27 =	vld.idx.msk [tilespmem:v27+s12+$0x0], $0xffff;
	v22 =	vmul.f32 v23, v22;
	v2 =	vadd.f32 v20, v2  }
0x46d: {  	v29 =	vld.idx.msk [tilespmem:v29+s12+$0x0], $0xffff  }
0x46e: {  	v31 =	vld.idx.msk [tilespmem:v31+s12+$0x0], $0xffff;
	v24 =	vmul.f32 v25, v24;
	v2 =	vadd.f32 v22, v2  }
0x46f: {  	v13 =	vadd.f32 v14, v13;
	[tilespmem:$0x1FAF0] =	vst v6;
	v14 =	vmul.f32 v6, v6;
	v6 =	vor.u32 v3, v1;
	v3 =	vld [tilespmem:$0x1FE70]  }
0x470: {  	v33 =	vld.idx.msk [tilespmem:v33+s12+$0x0], $0xffff  }
0x471: {  	v26 =	vmul.f32 v27, v26;
	v35 =	vld.idx.msk [tilespmem:v35+s12+$0x0], $0xffff;
	v2 =	vadd.f32 v24, v2  }
0x472: {  	v36 =	vld.idx.msk [tilespmem:v36+s12+$0x0], $0xffff  }
0x473: {  	v2 =	vadd.f32 v26, v2;
	v26 =	vld.idx.msk [tilespmem:v4+s19+$0x0], $0xffff  }
0x474: {  	v28 =	vmul.f32 v29, v28;
	v27 =	vor.u32 v3, v1;
	v3 =	vld [tilespmem:$0x1FD10]  }
0x475: {  	[tilespmem:$0x1FB30] =	vst v4;
	v4 =	vld [tilespmem:$0x1FD40]  }
0x476: {  	v30 =	vmul.f32 v31, v30;
	v18 =	vld.idx.msk [tilespmem:v15+s19+$0x0], $0xffff;
	v2 =	vadd.f32 v28, v2  }
0x477: {  	v20 =	vld.idx.msk [tilespmem:v12+s19+$0x0], $0xffff  }
0x478: {  	v32 =	vmul.f32 v33, v32;
	v2 =	vadd.f32 v30, v2;
	v29 =	vld.idx.msk [tilespmem:v5+s19+$0x0], $0xffff  }
0x479: {  	v33 =	vor.u32 v3, v1;
	v3 =	vld.idx.msk [tilespmem:v42+s12+$0x0], $0xffff  }
0x47a: {  	v34 =	vmul.f32 v35, v34;
	v2 =	vadd.f32 v32, v2;
	v35 =	vor.u32 v4, v1;
	v4 =	vld.idx.msk [tilespmem:v61+s12+$0x0], $0xffff  }
0x47b: {  	[tilespmem:$0x1FB50] =	vst v5;
	v5 =	vld [tilespmem:$0x1FC50]  }
0x47c: {  	v7 =	vmul.f32 v36, v7;
	v22 =	vld.idx.msk [tilespmem:v16+s19+$0x0], $0xffff;
	v2 =	vadd.f32 v34, v2  }
0x47d: {  	[tilespmem:$0x1FB00] =	vst v18;
	v18 =	vmul.f32 v18, v18;
	v13 =	vadd.f32 v14, v13  }
0x47e: {  	v2 =	vadd.f32 v7, v2;
	v32 =	vld.idx.msk [tilespmem:v6+s19+$0x0], $0xffff;
	v3 =	vmul.f32 v3, v9  }
0x47f: {  	v13 =	vadd.f32 v18, v13;
	v25 =	vmul.f32 v20, v20;
	[tilespmem:$0x1FB70] =	vst v6;
	v6 =	vld [tilespmem:$0x1FD60]  }
0x480: {  	v36 =	vor.u32 v5, v1;
	v5 =	vld.idx.msk [tilespmem:v62+s12+$0x0], $0xffff;
	v4 =	vmul.f32 v4, v63;
	v2 =	vadd.f32 v3, v2  }
0x481: {  	v13 =	vadd.f32 v25, v13;
	v25 =	vmul.f32 v22, v22;
	v3 =	vld [tilespmem:$0x1FC60]  }
0x482: {  	v2 =	vadd.f32 v4, v2;
	v4 =	vld [tilespmem:$0x1FAE0]  }
0x483: {  	v13 =	vadd.f32 v25, v13;
	v25 =	vmul.f32 v26, v26  }
0x484: {  	v61 =	vmovc v29;
	v42 =	vmov v26;
	v26 =	vmul.f32 v29, v29;
	v29 =	vor.u32 v6, v1;
	v6 =	vld.idx.msk [tilespmem:v11+s12+$0x0], $0xffff;
	_ =	sdelay $0x1  }
0x485: {  	v31 =	vor.u32 v3, v1;
	v3 =	vld.idx.msk [tilespmem:v8+s12+$0x0], $0xffff  }
0x486: {  	v5 =	vmul.f32 v5, v4;
	v4 =	vld [tilespmem:$0x1FC70]  }
0x487: {  	v23 =	vld.idx.msk [tilespmem:v17+s19+$0x0], $0xffff  }
0x488: {  	v6 =	vmul.f32 v6, v19;
	v2 =	vadd.f32 v5, v2  }
0x489: {  	v24 =	vld.idx.msk [tilespmem:v39+s19+$0x0], $0xffff  }
0x48a: {  	v34 =	vld.idx.msk [tilespmem:v27+s19+$0x0], $0xffff;
	v3 =	vmul.f32 v3, v21;
	v2 =	vadd.f32 v6, v2  }
0x48b: {  	[tilespmem:$0x1FB80] =	vst v27;
	v27 =	vor.u32 v4, v1;
	v4 =	vld.idx.msk [tilespmem:v10+s12+$0x0], $0xffff  }
0x48c: {  	v28 =	vmul.f32 v23, v23;
	v2 =	vadd.f32 v3, v2;
	v3 =	vld [tilespmem:$0x1FAF0]  }
0x48d: {  	v5 =	vld [tilespmem:$0x1FC80]  }
0x48e: {  	v13 =	vadd.f32 v28, v13;
	[tilespmem:$0x1FB60] =	vst v24;
	v24 =	vmul.f32 v24, v24;
	_ =	sdelay $0x1  }
0x48f: {  	v13 =	vadd.f32 v24, v13  }
0x490: {  	v4 =	vmul.f32 v4, v3  }
0x491: {  	v13 =	vadd.f32 v25, v13;
	v25 =	vor.u32 v5, v1;
	v5 =	vld.idx.msk [tilespmem:v15+s12+$0x0], $0xffff  }
0x492: {  	v2 =	vadd.f32 v4, v2;
	v4 =	vld [tilespmem:$0x1FB00];
	_ =	sdelay $0x3  }
0x493: {  	v6 =	vld [tilespmem:$0x1FC90]  }
0x494: {  	v5 =	vmul.f32 v5, v4;
	v4 =	vld [tilespmem:$0x1FDB0];
	_ =	sdelay $0x3  }
0x495: {  	[tilespmem:$0x1FB10] =	vst v20;
	v24 =	vor.u32 v6, v1;
	v6 =	vld.idx.msk [tilespmem:v12+s12+$0x0], $0xffff  }
0x496: {  	v19 =	vor.u32 v4, v1;
	v4 =	vld [tilespmem:$0x1FB10];
	_ =	sdelay $0x3  }
0x497: {  	v3 =	vld [tilespmem:$0x1FD90]  }
0x498: {  	v6 =	vmul.f32 v6, v4;
	v4 =	vld [tilespmem:$0x1FCA0];
	_ =	sdelay $0x1  }
0x499: {  	v7 =	vld.idx.msk [tilespmem:v17+s12+$0x0], $0xffff  }
0x49a: {  	v30 =	vld.idx.msk [tilespmem:v33+s19+$0x0], $0xffff  }
0x49b: {  	[tilespmem:$0x1FB20] =	vst v22;
	v21 =	vor.u32 v3, v1;
	v3 =	vld.idx.msk [tilespmem:v16+s12+$0x0], $0xffff  }
0x49c: {  	v13 =	vadd.f32 v26, v13;
	v9 =	vmul.f32 v32, v32;
	v17 =	vor.u32 v4, v1;
	v4 =	vld [tilespmem:$0x1FB20];
	_ =	sdelay $0x1  }
0x49d: {  	v28 =	vld.idx.msk [tilespmem:v35+s19+$0x0], $0xffff;
	v11 =	vmul.f32 v34, v34;
	v13 =	vadd.f32 v9, v13  }
0x49e: {  	v26 =	vld.idx.msk [tilespmem:v36+s19+$0x0], $0xffff;
	v2 =	vadd.f32 v5, v2  }
0x49f: {  	[tilespmem:$0x1FB40] =	vst v23;
	v22 =	vld.idx.msk [tilespmem:v29+s19+$0x0], $0xffff;
	v13 =	vadd.f32 v11, v13  }
0x4a0: {  	v18 =	vmul.f32 v30, v30;
	v23 =	vld.idx.msk [tilespmem:v31+s19+$0x0], $0xffff;
	v2 =	vadd.f32 v6, v2;
	v3 =	vmul.f32 v3, v4  }
0x4a1: {  	v20 =	vld.idx.msk [tilespmem:v27+s19+$0x0], $0xffff  }
0x4a2: {  	v62 =	vmul.f32 v28, v28;
	v13 =	vadd.f32 v18, v13;
	v2 =	vadd.f32 v3, v2;
	v3 =	vld [tilespmem:$0x1FB40]  }
0x4a3: {  	v5 =	vld.idx.msk [tilespmem:v39+s12+$0x0], $0xffff  }
0x4a4: {  	v63 =	vmul.f32 v26, v26;
	v13 =	vadd.f32 v62, v13;
	v6 =	vld [tilespmem:$0x1FB60]  }
0x4a5: {  	v4 =	vld [tilespmem:$0x1FDC0]  }
0x4a6: {  	v9 =	vmul.f32 v22, v22;
	v13 =	vadd.f32 v63, v13  }
0x4a7: {  	v7 =	vmul.f32 v7, v3;
	v3 =	vld [tilespmem:$0x1FDD0]  }
0x4a8: {  	v13 =	vadd.f32 v9, v13;
	v10 =	vmul.f32 v23, v23  }
0x4a9: {  	v5 =	vmul.f32 v5, v6;
	v6 =	vld [tilespmem:$0x1FF40]  }
0x4aa: {  	v13 =	vadd.f32 v10, v13;
	v11 =	vmul.f32 v20, v20;
	v12 =	vor.u32 v4, v1;
	v4 =	vld [tilespmem:$0x1FB30]  }
0x4ab: {  	v2 =	vadd.f32 v7, v2;
	v7 =	vld [tilespmem:$0x1FF50]  }
0x4ac: {  	v13 =	vadd.f32 v11, v13;
	v11 =	vor.u32 v3, v1;
	v3 =	vld [tilespmem:$0x1FB50]  }
0x4ad: {  	v18 =	vld.idx.msk [tilespmem:v25+s19+$0x0], $0xffff  }
0x4ae: {  	v8 =	vor.u32 v6, v1;
	v6 =	vld [tilespmem:$0x1FB70]  }
0x4af: {  	v16 =	vld.idx.msk [tilespmem:v24+s19+$0x0], $0xffff  }
0x4b0: {  	v7 =	vor.u32 v7, v1;
	v1 =	vld [tilespmem:$0x1FB80]  }
0x4b1: {  	v15 =	vld.idx.msk [tilespmem:v21+s19+$0x0], $0xffff  }
0x4b2: {  	v62 =	vmul.f32 v18, v18;
	v4 =	vld.idx.msk [tilespmem:v4+s12+$0x0], $0xffff  }
0x4b3: {  	v10 =	vld.idx.msk [tilespmem:v19+s19+$0x0], $0xffff  }
0x4b4: {  	v13 =	vadd.f32 v62, v13;
	v63 =	vmul.f32 v16, v16;
	v3 =	vld.idx.msk [tilespmem:v3+s12+$0x0], $0xffff  }
0x4b5: {  	v9 =	vld.idx.msk [tilespmem:v17+s19+$0x0], $0xffff  }
0x4b6: {  	v13 =	vadd.f32 v63, v13;
	v39 =	vmul.f32 v15, v15;
	v6 =	vld.idx.msk [tilespmem:v6+s12+$0x0], $0xffff  }
0x4b7: {  	v2 =	vadd.f32 v5, v2;
	v5 =	vld.idx.msk [tilespmem:v12+s19+$0x0], $0xffff;
	v4 =	vmul.f32 v4, v42  }
0x4b8: {  	v13 =	vadd.f32 v39, v13;
	v42 =	vmul.f32 v10, v10;
	v1 =	vld.idx.msk [tilespmem:v1+s12+$0x0], $0xffff  }
0x4b9: {  	v2 =	vadd.f32 v4, v2;
	v4 =	vld.idx.msk [tilespmem:v11+s19+$0x0], $0xffff;
	v3 =	vmul.f32 v3, v61  }
0x4ba: {  	v33 =	vld.idx.msk [tilespmem:v33+s12+$0x0], $0xffff;
	v13 =	vadd.f32 v42, v13;
	v61 =	vmul.f32 v9, v9  }
0x4bb: {  	v6 =	vmul.f32 v6, v32;
	v2 =	vadd.f32 v3, v2;
	v3 =	vld.idx.msk [tilespmem:v8+s19+$0x0], $0xffff  }
0x4bc: {  	v62 =	vmul.f32 v5, v5;
	v14 =	vld.idx.msk [tilespmem:v7+s19+$0x0], $0xffff;
	v13 =	vadd.f32 v61, v13  }
0x4bd: {  	v1 =	vmul.f32 v1, v34;
	v2 =	vadd.f32 v6, v2;
	v6 =	vld.idx.msk [tilespmem:v35+s12+$0x0], $0xffff  }
0x4be: {  	v63 =	vmul.f32 v4, v4;
	v13 =	vadd.f32 v62, v13  }
0x4bf: {  	v39 =	vld.idx.msk [tilespmem:v36+s12+$0x0], $0xffff;
	v1 =	vadd.f32 v1, v2  }
0x4c0: {  	v29 =	vld.idx.msk [tilespmem:v29+s12+$0x0], $0xffff;
	v2 =	vmul.f32 v33, v30;
	v13 =	vadd.f32 v63, v13;
	v42 =	vmul.f32 v3, v3  }
0x4c1: {  	v61 =	vmul.f32 v14, v14  }
0x4c2: {  	v1 =	vadd.f32 v2, v1;
	v2 =	vmul.f32 v6, v28;
	v6 =	vadd.f32 v42, v13  }
0x4c3: {  	v62 =	vld.idx.msk [tilespmem:v31+s12+$0x0], $0xffff  }
0x4c4: {  	v1 =	vadd.f32 v2, v1;
	v2 =	vmul.f32 v39, v26;
	v6 =	vadd.f32 v61, v6  }
0x4c5: {  	v63 =	vmul.f32 v29, v22;
	v29 =	vld.idx.msk [tilespmem:v27+s12+$0x0], $0xffff  }
0x4c6: {  	v1 =	vadd.f32 v2, v1;
	v2 =	vshra.s32 v6, $0x1;
	v6 =	vmul.f32 $5.000000000e-01, v6  }
0x4c7: {  	v25 =	vld.idx.msk [tilespmem:v25+s12+$0x0], $0xffff;
	v2 =	vsub.s32 $0x5F3759DF, v2  }
0x4c8: {  	v30 =	vmul.f32 v62, v23;
	v1 =	vadd.f32 v63, v1;
	v31 =	vmul.f32 v2, v6  }
0x4c9: {  	v24 =	vld.idx.msk [tilespmem:v24+s12+$0x0], $0xffff  }
0x4ca: {  	v32 =	vmul.f32 v29, v20;
	v1 =	vadd.f32 v30, v1;
	v33 =	vmul.f32 v2, v31  }
0x4cb: {  	v21 =	vld.idx.msk [tilespmem:v21+s12+$0x0], $0xffff  }
0x4cc: {  	v34 =	vmul.f32 v25, v18;
	v1 =	vadd.f32 v32, v1;
	v35 =	vsub.f32 $1.500000000e+00, v33  }
0x4cd: {  	v19 =	vld.idx.msk [tilespmem:v19+s12+$0x0], $0xffff  }
0x4ce: {  	v36 =	vmul.f32 v24, v16;
	v1 =	vadd.f32 v34, v1;
	v2 =	vmul.f32 v2, v35  }
0x4cf: {  	v39 =	vld.idx.msk [tilespmem:v17+s12+$0x0], $0xffff  }
0x4d0: {  	v42 =	vmul.f32 v21, v15;
	v1 =	vadd.f32 v36, v1;
	v61 =	vmul.f32 v2, v6  }
0x4d1: {  	v12 =	vld.idx.msk [tilespmem:v12+s12+$0x0], $0xffff  }
0x4d2: {  	v10 =	vmul.f32 v19, v10;
	v1 =	vadd.f32 v42, v1;
	v62 =	vmul.f32 v61, v2  }
0x4d3: {  	v11 =	vld.idx.msk [tilespmem:v11+s12+$0x0], $0xffff  }
0x4d4: {  	v9 =	vmul.f32 v39, v9;
	v1 =	vadd.f32 v10, v1;
	v63 =	vsub.f32 $1.500000000e+00, v62  }
0x4d5: {  	v8 =	vld.idx.msk [tilespmem:v8+s12+$0x0], $0xffff  }
0x4d6: {  	v5 =	vmul.f32 v12, v5;
	v1 =	vadd.f32 v9, v1;
	v2 =	vmul.f32 v63, v2  }
0x4d7: {  	v7 =	vld.idx.msk [tilespmem:v7+s12+$0x0], $0xffff  }
0x4d8: {  	v4 =	vmul.f32 v11, v4;
	v1 =	vadd.f32 v5, v1;
	v5 =	vmul.f32 v2, v6  }
0x4d9: {  	p2 =	por $0x1, $0x1  }
.Ltmp5:
0x4da: {  	v3 =	vmul.f32 v8, v3;
	v1 =	vadd.f32 v4, v1;
	v4 =	vmul.f32 v5, v2;
	(pc) =	sbr.rel @!p2 .LBB2_9-.Ltmp5, $4  }
0x4db: {  	_ = 	snop  }
0x4dc: {  	v1 =	vadd.f32 v3, v1;
	v3 =	vmul.f32 v7, v14;
	v4 =	vsub.f32 $1.500000000e+00, v4  }
0x4dd: {  	s31 =	simm.s32 $0x16610;
	v5 =	vmov s0  }
0x4de: {  	s2 =	simm.s32 $0x30;
	p1 =	por $0x1, $0x1;
	s0 =	simm.s32 $0x16800;
	v3 =	vadd.f32 v3, v1;
	v4 =	vmul.f32 v4, v2;
	v2 =	vld [tilespmem:s31+$0x0];
	v1 =	vshll.u32 v5, $0x6  }
.LBB2_10:
0x4df: {  	_ = 	snop  }
0x4e0: {  	v1 =	vor.u32 v44, v1  }
0x4e1: {  	v5 =	vor.u32 v45, v1;
	v3 =	vmul.f32 v4, v3  }
0x4e2: {  	v4 =	vor.u32 v43, v1  }
0x4e3: {  	v2 =	vmul.f32 v3, v2  }
0x4e4: {  	s0 =	sadd.s32 $0x10, s0;
	v3 =	vor.u32 v50, v1  }
0x4e5: {  	[tilespmem:s0+$0x0] =	vst v2  }
0x4e6: {  	v7 =	vor.u32 v53, v1;
	v6 =	vld.idx.msk [tilespmem:v5+s19+$0x0], $0xffff  }
0x4e7: {  	v8 =	vld.idx.msk [tilespmem:v4+s19+$0x0], $0xffff  }
0x4e8: {  	v9 =	vor.u32 v54, v1  }
0x4e9: {  	v10 =	vld.idx.msk [tilespmem:v3+s19+$0x0], $0xffff  }
0x4ea: {  	v11 =	vor.u32 v51, v1  }
0x4eb: {  	v12 =	vld.idx.msk [tilespmem:v7+s19+$0x0], $0xffff  }
0x4ec: {  	v13 =	vor.u32 v52, v1;
	v2 =	vmul.f32 v8, v8;
	v14 =	vmul.f32 v6, v6  }
0x4ed: {  	v15 =	vld.idx.msk [tilespmem:v9+s19+$0x0], $0xffff  }
0x4ee: {  	v16 =	vor.u32 v37, v1;
	v2 =	vadd.f32 v14, v2;
	v31 =	vmul.f32 v10, v10  }
0x4ef: {  	v17 =	vld.idx.msk [tilespmem:v11+s19+$0x0], $0xffff  }
0x4f0: {  	v32 =	vmul.f32 v12, v12;
	v2 =	vadd.f32 v31, v2  }
0x4f1: {  	v19 =	vld.idx.msk [tilespmem:v13+s19+$0x0], $0xffff  }
0x4f2: {  	v33 =	vmul.f32 v15, v15;
	v2 =	vadd.f32 v32, v2  }
0x4f3: {  	v21 =	vld.idx.msk [tilespmem:v16+s19+$0x0], $0xffff  }
0x4f4: {  	v18 =	vor.u32 v38, v1;
	v34 =	vmul.f32 v17, v17;
	v2 =	vadd.f32 v33, v2;
	_ =	sdelay $0x1  }
0x4f5: {  	v20 =	vor.u32 v40, v1;
	v35 =	vmul.f32 v19, v19;
	v2 =	vadd.f32 v34, v2;
	_ =	sdelay $0x1  }
0x4f6: {  	v43 =	vmul.f32 v21, v21;
	v2 =	vadd.f32 v35, v2  }
0x4f7: {  	v23 =	vor.u32 v41, v1;
	v25 =	vld.idx.msk [tilespmem:v18+s19+$0x0], $0xffff  }
0x4f8: {  	v2 =	vadd.f32 v43, v2;
	v43 =	vld.idx.msk [tilespmem:v5+s12+$0x0], $0xffff  }
0x4f9: {  	v39 =	vld.idx.msk [tilespmem:v20+s19+$0x0], $0xffff  }
0x4fa: {  	v42 =	vor.u32 v56, v1;
	v4 =	vld.idx.msk [tilespmem:v4+s12+$0x0], $0xffff  }
0x4fb: {  	v14 =	vld.idx.msk [tilespmem:v3+s12+$0x0], $0xffff  }
0x4fc: {  	v36 =	vor.u32 v55, v1;
	v22 =	vld.idx.msk [tilespmem:v23+s19+$0x0], $0xffff  }
0x4fd: {  	v6 =	vmul.f32 v43, v6;
	v43 =	vld.idx.msk [tilespmem:v9+s12+$0x0], $0xffff  }
0x4fe: {  	v27 =	vor.u32 v57, v1;
	v55 =	vmul.f32 v25, v25;
	v9 =	vor.u32 v0, v1;
	v0 =	vld [tilespmem:$0x1FFC0]  }
0x4ff: {  	v29 =	vor.u32 v58, v1;
	v26 =	vld.idx.msk [tilespmem:v42+s19+$0x0], $0xffff;
	v61 =	vmul.f32 v39, v39;
	v4 =	vmul.f32 v4, v8  }
0x500: {  	v8 =	vld.idx.msk [tilespmem:v7+s12+$0x0], $0xffff;
	v7 =	vor.u32 v60, v1;
	v31 =	vor.u32 v47, v1;
	v10 =	vmul.f32 v14, v10  }
0x501: {  	v24 =	vld.idx.msk [tilespmem:v36+s19+$0x0], $0xffff;
	v33 =	vor.u32 v48, v1;
	v34 =	vor.u32 v46, v1;
	v35 =	vor.u32 v49, v1  }
0x502: {  	v14 =	vld.idx.msk [tilespmem:v11+s12+$0x0], $0xffff;
	v2 =	vadd.f32 v55, v2;
	v55 =	vmovc v60;
	v60 =	vmovc v49;
	v49 =	vmov v46;
	v46 =	vmov v48  }
0x503: {  	v48 =	vmovc v47;
	v47 =	vmovc v58;
	v58 =	vmov v53;
	v53 =	vadd.f32 $0.0e+00, v4;
	v11 =	vor.u32 v0, v1;
	v0 =	vld [tilespmem:$0x1FFD0];
	_ =	sdelay $0x1  }
0x504: {  	v28 =	vld.idx.msk [tilespmem:v27+s19+$0x0], $0xffff;
	v62 =	vmul.f32 v22, v22;
	v2 =	vadd.f32 v61, v2;
	v53 =	vadd.f32 v6, v53  }
0x505: {  	v30 =	vld.idx.msk [tilespmem:v29+s19+$0x0], $0xffff  }
0x506: {  	v5 =	vmul.f32 v24, v24;
	v2 =	vadd.f32 v62, v2;
	v10 =	vadd.f32 v10, v53;
	v53 =	vld.idx.msk [tilespmem:v13+s12+$0x0], $0xffff  }
0x507: {  	v63 =	vmul.f32 v26, v26;
	v13 =	vor.u32 v0, v1;
	v0 =	vld [tilespmem:$0x1FFE0]  }
0x508: {  	v3 =	vadd.f32 v5, v2  }
0x509: {  	v12 =	vmul.f32 v8, v12;
	v32 =	vld.idx.msk [tilespmem:v31+s19+$0x0], $0xffff  }
0x50a: {  	v61 =	vmovc v44;
	v62 =	vmovc v56;
	v56 =	vmov v45;
	v45 =	vmul.f32 v28, v28;
	v44 =	vadd.f32 v63, v3  }
0x50b: {  	v2 =	vld.idx.msk [tilespmem:v33+s19+$0x0], $0xffff;
	v5 =	vor.u32 v59, v1;
	v63 =	vmovc v57;
	v57 =	vmov v50;
	v50 =	vmul.f32 v30, v30  }
0x50c: {  	v43 =	vmul.f32 v43, v15;
	v44 =	vadd.f32 v45, v44;
	v15 =	vor.u32 v0, v1;
	v0 =	vld [tilespmem:$0x1FE90]  }
0x50d: {  	v3 =	vld.idx.msk [tilespmem:v34+s19+$0x0], $0xffff;
	v12 =	vadd.f32 v12, v10  }
0x50e: {  	v16 =	vld.idx.msk [tilespmem:v16+s12+$0x0], $0xffff;
	v45 =	vmul.f32 v32, v32;
	v44 =	vadd.f32 v50, v44  }
0x50f: {  	v14 =	vmul.f32 v14, v17;
	v4 =	vld.idx.msk [tilespmem:v35+s19+$0x0], $0xffff;
	v43 =	vadd.f32 v43, v12  }
0x510: {  	v6 =	vld.idx.msk [tilespmem:v5+s19+$0x0], $0xffff;
	v50 =	vmul.f32 v2, v2;
	v44 =	vadd.f32 v45, v44  }
0x511: {  	v53 =	vmul.f32 v53, v19;
	v43 =	vadd.f32 v14, v43;
	v17 =	vor.u32 v0, v1;
	v0 =	vld [tilespmem:$0x1FEA0]  }
0x512: {  	v45 =	vmul.f32 v3, v3;
	v44 =	vadd.f32 v50, v44  }
0x513: {  	v18 =	vld.idx.msk [tilespmem:v18+s12+$0x0], $0xffff;
	v43 =	vadd.f32 v53, v43;
	v53 =	vmul.f32 v16, v21  }
0x514: {  	v20 =	vld.idx.msk [tilespmem:v20+s12+$0x0], $0xffff;
	v50 =	vmul.f32 v4, v4;
	v44 =	vadd.f32 v45, v44  }
0x515: {  	v8 =	vld.idx.msk [tilespmem:v7+s19+$0x0], $0xffff;
	v43 =	vadd.f32 v53, v43;
	v45 =	vmul.f32 v6, v6  }
0x516: {  	v53 =	vld [tilespmem:$0x1FEC0];
	v44 =	vadd.f32 v50, v44;
	v19 =	vor.u32 v0, v1;
	v0 =	vmovc v59;
	v59 =	vmovc v41;
	v41 =	vmov v40  }
0x517: {  	v40 =	vmovc v38;
	v38 =	vmovc v37;
	v37 =	vmov v52;
	v52 =	vmov v51;
	v51 =	vmov v54;
	v54 =	vld.idx.msk [tilespmem:v23+s12+$0x0], $0xffff  }
0x518: {  	v23 =	vadd.f32 v45, v44;
	v45 =	vld [tilespmem:$0x1FEB0];
	_ =	sdelay $0x1  }
0x519: {  	v25 =	vmul.f32 v18, v25  }
0x51a: {  	v50 =	vmul.f32 v8, v8  }
0x51b: {  	v39 =	vmul.f32 v20, v39;
	v43 =	vadd.f32 v25, v43  }
0x51c: {  	v21 =	vor.u32 v45, v1;
	v45 =	vadd.f32 v50, v23;
	v23 =	vor.u32 v53, v1;
	v53 =	vld [tilespmem:$0x1FED0]  }
0x51d: {  	v39 =	vadd.f32 v39, v43;
	v43 =	vmul.f32 v54, v22;
	v54 =	vld [tilespmem:$0x1FEE0];
	_ =	sdelay $0x3  }
0x51e: {  	v25 =	vor.u32 v53, v1;
	v53 =	vld.idx.msk [tilespmem:v27+s12+$0x0], $0xffff  }
0x51f: {  	v27 =	vor.u32 v54, v1;
	v54 =	vld [tilespmem:$0x1FEF0];
	_ =	sdelay $0x1  }
0x520: {  	v36 =	vld.idx.msk [tilespmem:v36+s12+$0x0], $0xffff  }
0x521: {  	v42 =	vld.idx.msk [tilespmem:v42+s12+$0x0], $0xffff  }
0x522: {  	v39 =	vadd.f32 v43, v39;
	v43 =	vld.idx.msk [tilespmem:v29+s12+$0x0], $0xffff  }
0x523: {  	v29 =	vor.u32 v54, v1;
	v54 =	vld [tilespmem:$0x1FF00];
	_ =	sdelay $0x1  }
0x524: {  	v36 =	vmul.f32 v36, v24;
	_ =	sdelay $0x1  }
0x525: {  	v36 =	vadd.f32 v36, v39;
	v39 =	vmul.f32 v42, v26;
	v42 =	vld.idx.msk [tilespmem:v31+s12+$0x0], $0xffff  }
0x526: {  	v31 =	vor.u32 v54, v1;
	v54 =	vld [tilespmem:$0x1FF10];
	_ =	sdelay $0x3  }
0x527: {  	v36 =	vadd.f32 v39, v36;
	v39 =	vmul.f32 v53, v28;
	v53 =	vld.idx.msk [tilespmem:v33+s12+$0x0], $0xffff  }
0x528: {  	v33 =	vor.u32 v54, v1;
	v54 =	vld [tilespmem:$0x1FCC0];
	_ =	sdelay $0x3  }
0x529: {  	v36 =	vadd.f32 v39, v36;
	v39 =	vmul.f32 v43, v30;
	v43 =	vld.idx.msk [tilespmem:v34+s12+$0x0], $0xffff  }
0x52a: {  	v34 =	vor.u32 v54, v1;
	v54 =	vld [tilespmem:$0x1FCD0]  }
0x52b: {  	v36 =	vadd.f32 v39, v36;
	v39 =	vmul.f32 v42, v32;
	_ =	sdelay $0x1  }
0x52c: {  	v36 =	vadd.f32 v39, v36;
	v39 =	vmul.f32 v53, v2;
	_ =	sdelay $0x1  }
0x52d: {  	v42 =	vld.idx.msk [tilespmem:v35+s12+$0x0], $0xffff;
	v36 =	vadd.f32 v39, v36;
	v35 =	vor.u32 v54, v1;
	v54 =	vmul.f32 v43, v3;
	_ =	sdelay $0x1  }
0x52e: {  	v36 =	vadd.f32 v54, v36;
	v54 =	vld [tilespmem:$0x1FF30];
	_ =	sdelay $0x1  }
0x52f: {  	v10 =	vld.idx.msk [tilespmem:v9+s19+$0x0], $0xffff  }
0x530: {  	v53 =	vld.idx.msk [tilespmem:v5+s12+$0x0], $0xffff  }
0x531: {  	v39 =	vmul.f32 v42, v4;
	v42 =	vld.idx.msk [tilespmem:v9+s12+$0x0], $0xffff  }
0x532: {  	v9 =	vor.u32 v54, v1;
	v54 =	vld [tilespmem:$0x1FF60];
	_ =	sdelay $0x1  }
0x533: {  	v12 =	vld.idx.msk [tilespmem:v11+s19+$0x0], $0xffff  }
0x534: {  	v43 =	vld.idx.msk [tilespmem:v7+s12+$0x0], $0xffff  }
0x535: {  	v36 =	vadd.f32 v39, v36;
	v39 =	vmul.f32 v53, v6;
	v53 =	vld.idx.msk [tilespmem:v11+s12+$0x0], $0xffff  }
0x536: {  	v11 =	vor.u32 v54, v1;
	v54 =	vld [tilespmem:$0x1FF70];
	_ =	sdelay $0x2  }
0x537: {  	v14 =	vld.idx.msk [tilespmem:v13+s19+$0x0], $0xffff  }
0x538: {  	v36 =	vadd.f32 v39, v36;
	v39 =	vmul.f32 v43, v8;
	v43 =	vld.idx.msk [tilespmem:v13+s12+$0x0], $0xffff  }
0x539: {  	v13 =	vor.u32 v54, v1;
	v54 =	vld [tilespmem:$0x1FF80];
	_ =	sdelay $0x2  }
0x53a: {  	v16 =	vld.idx.msk [tilespmem:v15+s19+$0x0], $0xffff  }
0x53b: {  	v36 =	vadd.f32 v39, v36;
	v39 =	vmul.f32 v42, v10;
	v42 =	vld.idx.msk [tilespmem:v15+s12+$0x0], $0xffff  }
0x53c: {  	v15 =	vor.u32 v54, v1;
	v54 =	vld [tilespmem:$0x1FE50]  }
0x53d: {  	v44 =	vmul.f32 v10, v10  }
0x53e: {  	v18 =	vld.idx.msk [tilespmem:v17+s19+$0x0], $0xffff  }
0x53f: {  	v50 =	vmul.f32 v12, v12;
	v20 =	vld.idx.msk [tilespmem:v19+s19+$0x0], $0xffff;
	v44 =	vadd.f32 v44, v45  }
0x540: {  	v36 =	vadd.f32 v39, v36;
	v39 =	vmul.f32 v53, v12;
	v53 =	vld.idx.msk [tilespmem:v17+s12+$0x0], $0xffff  }
0x541: {  	v45 =	vmul.f32 v14, v14;
	v44 =	vadd.f32 v50, v44;
	v17 =	vor.u32 v54, v1;
	v54 =	vld [tilespmem:$0x1FF90]  }
0x542: {  	v22 =	vld.idx.msk [tilespmem:v21+s19+$0x0], $0xffff  }
0x543: {  	v50 =	vmul.f32 v16, v16;
	v24 =	vld.idx.msk [tilespmem:v23+s19+$0x0], $0xffff;
	v44 =	vadd.f32 v45, v44  }
0x544: {  	v45 =	vmul.f32 v18, v18;
	v26 =	vld.idx.msk [tilespmem:v25+s19+$0x0], $0xffff  }
0x545: {  	v44 =	vadd.f32 v50, v44;
	v36 =	vadd.f32 v39, v36;
	v39 =	vmul.f32 v43, v14;
	v43 =	vld.idx.msk [tilespmem:v19+s12+$0x0], $0xffff  }
0x546: {  	v19 =	vor.u32 v54, v1;
	v54 =	vld [tilespmem:$0x1FFA0]  }
0x547: {  	v50 =	vmul.f32 v20, v20;
	v44 =	vadd.f32 v45, v44;
	v28 =	vld.idx.msk [tilespmem:v27+s19+$0x0], $0xffff  }
0x548: {  	v5 =	vld [tilespmem:$0x1FCE0]  }
0x549: {  	v45 =	vmul.f32 v22, v22;
	v44 =	vadd.f32 v50, v44;
	v30 =	vld.idx.msk [tilespmem:v29+s19+$0x0], $0xffff  }
0x54a: {  	v36 =	vadd.f32 v39, v36;
	v39 =	vmul.f32 v42, v16;
	v42 =	vld.idx.msk [tilespmem:v21+s12+$0x0], $0xffff  }
0x54b: {  	v50 =	vmul.f32 v24, v24;
	v44 =	vadd.f32 v45, v44;
	v21 =	vor.u32 v54, v1;
	v54 =	vld [tilespmem:$0x1FFB0]  }
0x54c: {  	v7 =	vld [tilespmem:$0x1FF20]  }
0x54d: {  	v45 =	vmul.f32 v26, v26;
	v44 =	vadd.f32 v50, v44;
	v32 =	vld.idx.msk [tilespmem:v31+s19+$0x0], $0xffff;
	v5 =	vor.u32 v5, v1  }
0x54e: {  	v50 =	vmul.f32 v28, v28;
	v2 =	vld.idx.msk [tilespmem:v33+s19+$0x0], $0xffff  }
0x54f: {  	v44 =	vadd.f32 v45, v44;
	v36 =	vadd.f32 v39, v36;
	v39 =	vmul.f32 v53, v18;
	v53 =	vld.idx.msk [tilespmem:v23+s12+$0x0], $0xffff  }
0x550: {  	v23 =	vor.u32 v54, v1;
	v54 =	vld [tilespmem:$0x1FE60]  }
0x551: {  	v45 =	vmul.f32 v30, v30;
	v44 =	vadd.f32 v50, v44;
	v3 =	vld.idx.msk [tilespmem:v34+s19+$0x0], $0xffff;
	v7 =	vor.u32 v7, v1  }
0x552: {  	v6 =	vld.idx.msk [tilespmem:v5+s19+$0x0], $0xffff  }
0x553: {  	v44 =	vadd.f32 v45, v44;
	v4 =	vld.idx.msk [tilespmem:v35+s19+$0x0], $0xffff  }
0x554: {  	v50 =	vmul.f32 v32, v32;
	v36 =	vadd.f32 v39, v36;
	v39 =	vmul.f32 v43, v20;
	v43 =	vld.idx.msk [tilespmem:v25+s12+$0x0], $0xffff  }
0x555: {  	v25 =	vor.u32 v54, v1;
	v54 =	vld [tilespmem:$0x1FFF0]  }
0x556: {  	v44 =	vadd.f32 v50, v44;
	v45 =	vmul.f32 v2, v2;
	v8 =	vld.idx.msk [tilespmem:v7+s19+$0x0], $0xffff  }
0x557: {  	v10 =	vld.idx.msk [tilespmem:v9+s19+$0x0], $0xffff  }
0x558: {  	v44 =	vadd.f32 v45, v44;
	v12 =	vld.idx.msk [tilespmem:v11+s19+$0x0], $0xffff  }
0x559: {  	v50 =	vmul.f32 v3, v3;
	v36 =	vadd.f32 v39, v36;
	v39 =	vmul.f32 v42, v22;
	v42 =	vld.idx.msk [tilespmem:v27+s12+$0x0], $0xffff  }
0x55a: {  	v27 =	vor.u32 v54, v1;
	v54 =	vld [tilespmem:$0x1FE70]  }
0x55b: {  	v44 =	vadd.f32 v50, v44;
	v45 =	vmul.f32 v4, v4;
	v14 =	vld.idx.msk [tilespmem:v13+s19+$0x0], $0xffff  }
0x55c: {  	v36 =	vadd.f32 v39, v36;
	v39 =	vmul.f32 v53, v24;
	v53 =	vld.idx.msk [tilespmem:v29+s12+$0x0], $0xffff  }
0x55d: {  	v50 =	vmul.f32 v6, v6;
	v44 =	vadd.f32 v45, v44;
	v13 =	vld.idx.msk [tilespmem:v13+s12+$0x0], $0xffff  }
0x55e: {  	v36 =	vadd.f32 v39, v36;
	v39 =	vmul.f32 v43, v26;
	v43 =	vld.idx.msk [tilespmem:v31+s12+$0x0], $0xffff  }
0x55f: {  	v44 =	vadd.f32 v50, v44;
	v29 =	vor.u32 v54, v1;
	v54 =	vld [tilespmem:$0x1FD10]  }
0x560: {  	v45 =	vmul.f32 v8, v8;
	v36 =	vadd.f32 v39, v36;
	v39 =	vmul.f32 v42, v28;
	v42 =	vld.idx.msk [tilespmem:v33+s12+$0x0], $0xffff  }
0x561: {  	v16 =	vld.idx.msk [tilespmem:v15+s19+$0x0], $0xffff  }
0x562: {  	v50 =	vmul.f32 v10, v10;
	v44 =	vadd.f32 v45, v44;
	v15 =	vld.idx.msk [tilespmem:v15+s12+$0x0], $0xffff  }
0x563: {  	v36 =	vadd.f32 v39, v36;
	v39 =	vmul.f32 v53, v30;
	v53 =	vld.idx.msk [tilespmem:v34+s12+$0x0], $0xffff  }
0x564: {  	v44 =	vadd.f32 v50, v44;
	v31 =	vor.u32 v54, v1;
	v54 =	vld [tilespmem:$0x1FD40]  }
0x565: {  	v45 =	vmul.f32 v12, v12;
	v36 =	vadd.f32 v39, v36;
	v39 =	vmul.f32 v43, v32;
	v43 =	vld.idx.msk [tilespmem:v35+s12+$0x0], $0xffff  }
0x566: {  	v18 =	vld.idx.msk [tilespmem:v17+s19+$0x0], $0xffff  }
0x567: {  	v44 =	vadd.f32 v45, v44;
	v50 =	vmul.f32 v14, v14;
	v17 =	vld.idx.msk [tilespmem:v17+s12+$0x0], $0xffff  }
0x568: {  	v20 =	vld.idx.msk [tilespmem:v19+s19+$0x0], $0xffff  }
0x569: {  	v44 =	vadd.f32 v50, v44;
	v33 =	vor.u32 v54, v1;
	v54 =	vld [tilespmem:$0x1FC50]  }
0x56a: {  	v45 =	vmul.f32 v16, v16;
	v36 =	vadd.f32 v39, v36;
	v39 =	vmul.f32 v53, v3;
	v53 =	vld.idx.msk [tilespmem:v7+s12+$0x0], $0xffff  }
0x56b: {  	v22 =	vld.idx.msk [tilespmem:v21+s19+$0x0], $0xffff  }
0x56c: {  	v7 =	vld [tilespmem:$0x1FC70];
	v44 =	vadd.f32 v45, v44;
	v50 =	vmul.f32 v18, v18  }
0x56d: {  	v24 =	vld.idx.msk [tilespmem:v23+s19+$0x0], $0xffff  }
0x56e: {  	v44 =	vadd.f32 v50, v44;
	v45 =	vmul.f32 v20, v20;
	v34 =	vor.u32 v54, v1;
	v54 =	vld [tilespmem:$0x1FD60]  }
0x56f: {  	v26 =	vld.idx.msk [tilespmem:v25+s19+$0x0], $0xffff  }
0x570: {  	v43 =	vmul.f32 v43, v4;
	v4 =	vld [tilespmem:$0x1FC80];
	v44 =	vadd.f32 v45, v44;
	v50 =	vmul.f32 v22, v22  }
0x571: {  	v28 =	vld.idx.msk [tilespmem:v27+s19+$0x0], $0xffff  }
0x572: {  	v44 =	vadd.f32 v50, v44;
	v45 =	vmul.f32 v24, v24;
	v30 =	vld.idx.msk [tilespmem:v29+s19+$0x0], $0xffff  }
0x573: {  	v35 =	vor.u32 v54, v1;
	v54 =	vmul.f32 v42, v2;
	v42 =	vld.idx.msk [tilespmem:v5+s12+$0x0], $0xffff  }
0x574: {  	v44 =	vadd.f32 v45, v44;
	v50 =	vmul.f32 v26, v26;
	v5 =	vld [tilespmem:$0x1FC60]  }
0x575: {  	v32 =	vld.idx.msk [tilespmem:v31+s19+$0x0], $0xffff;
	v36 =	vadd.f32 v54, v36  }
0x576: {  	v44 =	vadd.f32 v50, v44;
	v45 =	vmul.f32 v28, v28;
	v2 =	vld.idx.msk [tilespmem:v33+s19+$0x0], $0xffff  }
0x577: {  	v3 =	vld.idx.msk [tilespmem:v34+s19+$0x0], $0xffff;
	v39 =	vadd.f32 v39, v36  }
0x578: {  	v7 =	vor.u32 v7, v1;
	v50 =	vmul.f32 v30, v30;
	v54 =	vld.idx.msk [tilespmem:v9+s12+$0x0], $0xffff;
	v9 =	vadd.f32 v45, v44  }
0x579: {  	v5 =	vor.u32 v5, v1;
	v42 =	vmul.f32 v42, v6;
	v39 =	vadd.f32 v43, v39;
	v43 =	vld.idx.msk [tilespmem:v11+s12+$0x0], $0xffff  }
0x57a: {  	v4 =	vor.u32 v4, v1;
	v11 =	vadd.f32 v50, v9;
	v50 =	vld [tilespmem:$0x1FC90]  }
0x57b: {  	v44 =	vmul.f32 v32, v32;
	v39 =	vadd.f32 v42, v39;
	v42 =	vmul.f32 v53, v8;
	v53 =	vld [tilespmem:$0x1FD90]  }
0x57c: {  	v36 =	vld.idx.msk [tilespmem:v35+s19+$0x0], $0xffff  }
0x57d: {  	v45 =	vmul.f32 v2, v2;
	v44 =	vadd.f32 v44, v11;
	v8 =	vld.idx.msk [tilespmem:v7+s19+$0x0], $0xffff  }
0x57e: {  	v10 =	vmul.f32 v54, v10;
	v6 =	vld.idx.msk [tilespmem:v5+s19+$0x0], $0xffff;
	v39 =	vadd.f32 v42, v39  }
0x57f: {  	v42 =	vadd.f32 v45, v44;
	v45 =	vld.idx.msk [tilespmem:v4+s19+$0x0], $0xffff;
	v9 =	vor.u32 v50, v1;
	v50 =	vmul.f32 v3, v3  }
0x580: {  	v12 =	vmul.f32 v43, v12;
	v10 =	vadd.f32 v10, v39;
	v11 =	vor.u32 v53, v1;
	v53 =	vld [tilespmem:$0x1FDB0]  }
0x581: {  	v44 =	vmul.f32 v36, v36;
	v39 =	vadd.f32 v50, v42;
	v50 =	vld [tilespmem:$0x1FCA0]  }
0x582: {  	v10 =	vadd.f32 v12, v10;
	v12 =	vmul.f32 v13, v14;
	v13 =	vld.idx.msk [tilespmem:v19+s12+$0x0], $0xffff  }
0x583: {  	v14 =	vadd.f32 v44, v39;
	v44 =	vld [tilespmem:$0x1FDC0]  }
0x584: {  	v42 =	vmul.f32 v6, v6;
	v43 =	vld.idx.msk [tilespmem:v9+s19+$0x0], $0xffff  }
0x585: {  	v10 =	vadd.f32 v12, v10;
	v12 =	vmul.f32 v15, v16;
	v15 =	vld.idx.msk [tilespmem:v21+s12+$0x0], $0xffff  }
0x586: {  	v14 =	vadd.f32 v42, v14;
	v42 =	vld [tilespmem:$0x1FDD0]  }
0x587: {  	v39 =	vld.idx.msk [tilespmem:v11+s19+$0x0], $0xffff  }
0x588: {  	v53 =	vor.u32 v53, v1;
	v10 =	vadd.f32 v12, v10;
	v12 =	vmul.f32 v17, v18;
	v17 =	vld.idx.msk [tilespmem:v23+s12+$0x0], $0xffff  }
0x589: {  	v19 =	vmul.f32 v8, v8;
	v23 =	vld [tilespmem:$0x1FF40]  }
0x58a: {  	v50 =	vor.u32 v50, v1;
	v10 =	vadd.f32 v12, v10;
	v12 =	vmul.f32 v13, v20;
	v13 =	vld.idx.msk [tilespmem:v25+s12+$0x0], $0xffff  }
0x58b: {  	v44 =	vor.u32 v44, v1;
	v25 =	vld [tilespmem:$0x1FF50]  }
0x58c: {  	v16 =	vmul.f32 v45, v45;
	v14 =	vadd.f32 v19, v14  }
0x58d: {  	v21 =	vld.idx.msk [tilespmem:v53+s19+$0x0], $0xffff  }
0x58e: {  	v18 =	vmul.f32 v43, v43;
	v14 =	vadd.f32 v16, v14;
	v42 =	vor.u32 v42, v1  }
0x58f: {  	v10 =	vadd.f32 v12, v10;
	v19 =	vld.idx.msk [tilespmem:v50+s19+$0x0], $0xffff;
	v23 =	vor.u32 v23, v1;
	v16 =	vmul.f32 v39, v39  }
0x590: {  	v14 =	vadd.f32 v18, v14;
	v20 =	vld.idx.msk [tilespmem:v44+s19+$0x0], $0xffff;
	v1 =	vor.u32 v25, v1;
	v25 =	vmul.f32 v15, v22  }
0x591: {  	v12 =	vmul.f32 v17, v24;
	v15 =	vld.idx.msk [tilespmem:v27+s12+$0x0], $0xffff  }
0x592: {  	v17 =	vld.idx.msk [tilespmem:v29+s12+$0x0], $0xffff;
	v14 =	vadd.f32 v16, v14;
	v10 =	vadd.f32 v25, v10;
	v18 =	vmul.f32 v21, v21  }
0x593: {  	v29 =	vmul.f32 v13, v26;
	v22 =	vld.idx.msk [tilespmem:v42+s19+$0x0], $0xffff  }
0x594: {  	v16 =	vmul.f32 v19, v19;
	v24 =	vld.idx.msk [tilespmem:v23+s19+$0x0], $0xffff;
	v10 =	vadd.f32 v12, v10;
	v14 =	vadd.f32 v18, v14  }
0x595: {  	v13 =	vld.idx.msk [tilespmem:v31+s12+$0x0], $0xffff;
	v18 =	vmul.f32 v20, v20  }
0x596: {  	v25 =	vld.idx.msk [tilespmem:v1+s19+$0x0], $0xffff;
	v10 =	vadd.f32 v29, v10;
	v29 =	vmul.f32 v15, v28;
	v14 =	vadd.f32 v16, v14  }
0x597: {  	v15 =	vld.idx.msk [tilespmem:v33+s12+$0x0], $0xffff;
	v33 =	vmul.f32 v17, v30  }
0x598: {  	v31 =	vmul.f32 v22, v22;
	v10 =	vadd.f32 v29, v10;
	v14 =	vadd.f32 v18, v14  }
0x599: {  	v34 =	vld.idx.msk [tilespmem:v34+s12+$0x0], $0xffff;
	v28 =	vmul.f32 v24, v24  }
0x59a: {  	v35 =	vld.idx.msk [tilespmem:v35+s12+$0x0], $0xffff;
	v29 =	vmul.f32 v13, v32;
	v10 =	vadd.f32 v33, v10;
	v30 =	vadd.f32 v31, v14  }
0x59b: {  	v31 =	vmul.f32 v25, v25  }
0x59c: {  	v2 =	vmul.f32 v15, v2;
	v10 =	vadd.f32 v29, v10;
	v32 =	vadd.f32 v28, v30  }
0x59d: {  	v5 =	vld.idx.msk [tilespmem:v5+s12+$0x0], $0xffff  }
0x59e: {  	v3 =	vmul.f32 v34, v3;
	v2 =	vadd.f32 v2, v10;
	v33 =	vadd.f32 v31, v32  }
0x59f: {  	v7 =	vld.idx.msk [tilespmem:v7+s12+$0x0], $0xffff;
	v34 =	vmul.f32 v35, v36  }
0x5a0: {  	v2 =	vadd.f32 v3, v2;
	v3 =	vld.idx.msk [tilespmem:v4+s12+$0x0], $0xffff;
	v4 =	vshra.s32 v33, $0x1;
	v10 =	vmul.f32 $5.000000000e-01, v33  }
0x5a1: {  	v4 =	vsub.s32 $0x5F3759DF, v4  }
0x5a2: {  	v5 =	vmul.f32 v5, v6;
	v2 =	vadd.f32 v34, v2;
	v35 =	vmul.f32 v4, v10  }
0x5a3: {  	v6 =	vld.idx.msk [tilespmem:v9+s12+$0x0], $0xffff  }
0x5a4: {  	v2 =	vadd.f32 v5, v2;
	v5 =	vmul.f32 v7, v8;
	v36 =	vmul.f32 v4, v35  }
0x5a5: {  	v7 =	vld.idx.msk [tilespmem:v11+s12+$0x0], $0xffff  }
0x5a6: {  	v3 =	vmul.f32 v3, v45;
	v2 =	vadd.f32 v5, v2;
	v8 =	vsub.f32 $1.500000000e+00, v36  }
0x5a7: {  	v5 =	vld.idx.msk [tilespmem:v53+s12+$0x0], $0xffff  }
0x5a8: {  	v2 =	vadd.f32 v3, v2;
	v3 =	vmul.f32 v6, v43;
	v4 =	vmul.f32 v4, v8  }
0x5a9: {  	v6 =	vld.idx.msk [tilespmem:v50+s12+$0x0], $0xffff  }
0x5aa: {  	v2 =	vadd.f32 v3, v2;
	v3 =	vmul.f32 v7, v39;
	v8 =	vmul.f32 v4, v10  }
0x5ab: {  	v7 =	vld.idx.msk [tilespmem:v44+s12+$0x0], $0xffff  }
0x5ac: {  	v2 =	vadd.f32 v3, v2;
	v3 =	vmul.f32 v5, v21;
	v8 =	vmul.f32 v8, v4  }
0x5ad: {  	v5 =	vld.idx.msk [tilespmem:v42+s12+$0x0], $0xffff  }
0x5ae: {  	v2 =	vadd.f32 v3, v2;
	v3 =	vmul.f32 v6, v19;
	v8 =	vsub.f32 $1.500000000e+00, v8  }
0x5af: {  	v6 =	vld.idx.msk [tilespmem:v23+s12+$0x0], $0xffff  }
0x5b0: {  	v2 =	vadd.f32 v3, v2;
	v3 =	vmul.f32 v7, v20;
	v4 =	vmul.f32 v8, v4  }
0x5b1: {  	v54 =	vmov v51;
	v1 =	vld.idx.msk [tilespmem:v1+s12+$0x0], $0xffff  }
0x5b2: {  	v51 =	vmovc v52;
	v2 =	vadd.f32 v3, v2;
	v3 =	vmul.f32 v5, v22;
	v5 =	vmul.f32 v4, v10  }
0x5b3: {  	p2 =	sne.s32 s2, $0x1F0;
	v52 =	vmovc v37;
	v37 =	vmovc v38;
	v38 =	vmov v40;
	v40 =	vmov v41;
	v41 =	vmov v59  }
.Ltmp6:
0x5b4: {  	v59 =	vmovc v0;
	v2 =	vadd.f32 v3, v2;
	v3 =	vmul.f32 v6, v24;
	v5 =	vmul.f32 v5, v4;
	(pc) =	sbr.rel @p2 .LBB2_10-.Ltmp6, $4  }
0x5b5: {  	v45 =	vmovc v56;
	v56 =	vmovc v62;
	v53 =	vmov v58;
	v58 =	vmov v47;
	v47 =	vmov v48  }
0x5b6: {  	v0 =	vld [tilespmem:$0x1FCB0];
	v48 =	vmovc v46;
	v46 =	vmovc v49;
	v6 =	vmul.f32 v1, v25;
	v3 =	vadd.f32 v3, v2;
	v5 =	vsub.f32 $1.500000000e+00, v5  }
0x5b7: {  	s31 =	sadd.s32 $0x10, s31;
	v49 =	vmovc v60;
	v60 =	vmovc v55;
	v55 =	vld [tilespmem:$0x1FE80];
	v43 =	vlaneseq.u32;
	v50 =	vmov v57;
	v1 =	vmov s2  }
0x5b8: {  	v57 =	vmovc v63;
	v44 =	vmovc v61;
	s2 =	sadd.s32 $0x10, s2;
	v1 =	vshll.u32 v1, $0x6;
	v2 =	vld [tilespmem:s31+$0x0];
	v3 =	vadd.f32 v6, v3;
	v4 =	vmul.f32 v5, v4  }
0x5b9: {  	v63 =	vld [tilespmem:$0x1FFE0]  }
0x5ba: {  	v61 =	vld [tilespmem:$0x1FE60]  }
0x5bb: {  	v62 =	vld [tilespmem:$0x1FE70]  }
.LBB2_12:
0x5bc: {  	v1 =	vor.u32 v44, v1  }
0x5bd: {  	v3 =	vmul.f32 @p0 v4, v3;
	v12 =	vor.u32 v52, v1;
	_ =	sdelay $0x1  }
0x5be: {  	s2 =	sadd.s32 @p1 $0x10, s0;
	s0 =	simm.s32 $0x16800;
	v2 =	vmul.f32 @p0 v3, v2  }
0x5bf: {  	v5 =	vor.u32 v45, v1;
	s0 =	smov.u32 @p1 s2  }
0x5c0: {  	v16 =	vor.u32 v37, v1;
	[tilespmem:s0+$0x0] =	vst @p0 v2  }
0x5c1: {  	v19 =	vld.idx.msk [tilespmem:v12+s19+$0x0], $0xffff  }
0x5c2: {  	v12 =	vld.idx.msk [tilespmem:v12+s12+$0x0], $0xffff  }
0x5c3: {  	v42 =	vor.u32 v43, v1  }
0x5c4: {  	v18 =	vor.u32 v38, v1;
	v2 =	vld.idx.msk [tilespmem:v5+s19+$0x0], $0xffff  }
0x5c5: {  	v21 =	vld.idx.msk [tilespmem:v16+s19+$0x0], $0xffff  }
0x5c6: {  	v3 =	vor.u32 v50, v1;
	v16 =	vld.idx.msk [tilespmem:v16+s12+$0x0], $0xffff  }
0x5c7: {  	v33 =	vmul.f32 v19, v19;
	v12 =	vmul.f32 v12, v19;
	v19 =	vor.u32 v63, v1;
	v63 =	vld [tilespmem:$0x1FE90]  }
0x5c8: {  	v6 =	vor.u32 v53, v1;
	v7 =	vld.idx.msk [tilespmem:v42+s19+$0x0], $0xffff  }
0x5c9: {  	v8 =	vor.u32 v54, v1;
	v23 =	vld.idx.msk [tilespmem:v18+s19+$0x0], $0xffff  }
0x5ca: {  	v20 =	vor.u32 v40, v1;
	v18 =	vld.idx.msk [tilespmem:v18+s12+$0x0], $0xffff  }
0x5cb: {  	v9 =	vld.idx.msk [tilespmem:v3+s19+$0x0], $0xffff  }
0x5cc: {  	v34 =	vmul.f32 v21, v21;
	v16 =	vmul.f32 v16, v21;
	v21 =	vor.u32 v63, v1;
	v63 =	vld [tilespmem:$0x1FEA0]  }
0x5cd: {  	v10 =	vor.u32 v51, v1;
	v11 =	vld.idx.msk [tilespmem:v6+s19+$0x0], $0xffff  }
0x5ce: {  	v15 =	vld.idx.msk [tilespmem:v8+s19+$0x0], $0xffff  }
0x5cf: {  	v22 =	vor.u32 v41, v1;
	v25 =	vld.idx.msk [tilespmem:v20+s19+$0x0], $0xffff;
	v13 =	vmul.f32 v7, v7;
	v14 =	vmul.f32 v2, v2  }
0x5d0: {  	v20 =	vld.idx.msk [tilespmem:v20+s12+$0x0], $0xffff;
	v35 =	vmul.f32 v23, v23;
	v18 =	vmul.f32 v18, v23  }
0x5d1: {  	v29 =	vmul.f32 v9, v9;
	v13 =	vadd.f32 v14, v13;
	v23 =	vor.u32 v63, v1;
	v63 =	vld [tilespmem:$0x1FEB0]  }
0x5d2: {  	v17 =	vld.idx.msk [tilespmem:v10+s19+$0x0], $0xffff  }
0x5d3: {  	v30 =	vmul.f32 v11, v11;
	v13 =	vadd.f32 v29, v13  }
0x5d4: {  	v24 =	vor.u32 v55, v1;
	v27 =	vld.idx.msk [tilespmem:v22+s19+$0x0], $0xffff  }
0x5d5: {  	v22 =	vld.idx.msk [tilespmem:v22+s12+$0x0], $0xffff;
	v31 =	vmul.f32 v15, v15;
	v13 =	vadd.f32 v30, v13  }
0x5d6: {  	v36 =	vmul.f32 v25, v25;
	v20 =	vmul.f32 v20, v25;
	v25 =	vor.u32 v63, v1;
	v63 =	vld [tilespmem:$0x1FEC0]  }
0x5d7: {  	v32 =	vmul.f32 v17, v17;
	v13 =	vadd.f32 v31, v13;
	_ =	sdelay $0x1  }
0x5d8: {  	v26 =	vor.u32 v56, v1;
	v29 =	vld.idx.msk [tilespmem:v24+s19+$0x0], $0xffff;
	v13 =	vadd.f32 v32, v13  }
0x5d9: {  	v39 =	vmul.f32 v27, v27;
	v24 =	vld.idx.msk [tilespmem:v24+s12+$0x0], $0xffff  }
0x5da: {  	v22 =	vmul.f32 v22, v27;
	v13 =	vadd.f32 v33, v13;
	v27 =	vor.u32 v63, v1;
	v63 =	vld [tilespmem:$0x1FED0];
	_ =	sdelay $0x1  }
0x5db: {  	v4 =	vld.idx.msk [tilespmem:v42+s12+$0x0], $0xffff;
	v13 =	vadd.f32 v34, v13  }
0x5dc: {  	v28 =	vor.u32 v57, v1;
	v31 =	vld.idx.msk [tilespmem:v26+s19+$0x0], $0xffff  }
0x5dd: {  	v26 =	vld.idx.msk [tilespmem:v26+s12+$0x0], $0xffff;
	v13 =	vadd.f32 v35, v13  }
0x5de: {  	v42 =	vmul.f32 v29, v29;
	v24 =	vmul.f32 v24, v29;
	v29 =	vor.u32 v63, v1;
	v63 =	vld [tilespmem:$0x1FEE0]  }
0x5df: {  	v13 =	vadd.f32 v36, v13;
	_ =	sdelay $0x1  }
0x5e0: {  	v30 =	vor.u32 v58, v1;
	v33 =	vld.idx.msk [tilespmem:v28+s19+$0x0], $0xffff;
	v13 =	vadd.f32 v39, v13  }
0x5e1: {  	v28 =	vld.idx.msk [tilespmem:v28+s12+$0x0], $0xffff;
	v26 =	vmul.f32 v26, v31  }
0x5e2: {  	v13 =	vadd.f32 v42, v13;
	v42 =	vmul.f32 v31, v31;
	v31 =	vor.u32 v63, v1;
	v63 =	vld [tilespmem:$0x1FEF0];
	_ =	sdelay $0x2  }
0x5e3: {  	v32 =	vor.u32 v47, v1;
	v35 =	vld.idx.msk [tilespmem:v30+s19+$0x0], $0xffff  }
0x5e4: {  	v30 =	vld.idx.msk [tilespmem:v30+s12+$0x0], $0xffff  }
0x5e5: {  	v14 =	vmul.f32 v33, v33;
	v28 =	vmul.f32 v28, v33;
	v33 =	vor.u32 v63, v1;
	v63 =	vld [tilespmem:$0x1FF00];
	_ =	sdelay $0x2  }
0x5e6: {  	v34 =	vor.u32 v48, v1;
	v39 =	vld.idx.msk [tilespmem:v32+s19+$0x0], $0xffff;
	v13 =	vadd.f32 v42, v13  }
0x5e7: {  	v32 =	vld.idx.msk [tilespmem:v32+s12+$0x0], $0xffff;
	v30 =	vmul.f32 v30, v35  }
0x5e8: {  	v13 =	vadd.f32 v14, v13;
	v14 =	vmul.f32 v35, v35;
	v35 =	vor.u32 v63, v1;
	v63 =	vld [tilespmem:$0x1FF10]  }
0x5e9: {  	v5 =	vld.idx.msk [tilespmem:v5+s12+$0x0], $0xffff  }
0x5ea: {  	v3 =	vld.idx.msk [tilespmem:v3+s12+$0x0], $0xffff  }
0x5eb: {  	v36 =	vor.u32 v46, v1;
	v42 =	vld.idx.msk [tilespmem:v34+s19+$0x0], $0xffff  }
0x5ec: {  	v4 =	vmul.f32 v4, v7;
	v34 =	vld.idx.msk [tilespmem:v34+s12+$0x0], $0xffff;
	v32 =	vmul.f32 v32, v39  }
0x5ed: {  	v13 =	vadd.f32 v14, v13;
	v14 =	vmul.f32 v39, v39;
	v39 =	vor.u32 v63, v1;
	v63 =	vld [tilespmem:$0x1FCC0]  }
0x5ee: {  	v6 =	vld.idx.msk [tilespmem:v6+s12+$0x0], $0xffff;
	v2 =	vmul.f32 v5, v2;
	v4 =	vadd.f32 $0.0e+00, v4  }
0x5ef: {  	v8 =	vld.idx.msk [tilespmem:v8+s12+$0x0], $0xffff  }
0x5f0: {  	v7 =	vor.u32 v49, v1;
	v2 =	vadd.f32 v2, v4;
	v4 =	vld.idx.msk [tilespmem:v36+s19+$0x0], $0xffff  }
0x5f1: {  	v3 =	vmul.f32 v3, v9;
	v36 =	vld.idx.msk [tilespmem:v36+s12+$0x0], $0xffff;
	v34 =	vmul.f32 v34, v42  }
0x5f2: {  	v13 =	vadd.f32 v14, v13;
	v14 =	vmul.f32 v42, v42;
	v42 =	vor.u32 v63, v1;
	v63 =	vld [tilespmem:$0x1FCD0]  }
0x5f3: {  	v10 =	vld.idx.msk [tilespmem:v10+s12+$0x0], $0xffff;
	v5 =	vor.u32 v59, v1  }
0x5f4: {  	v6 =	vmul.f32 v6, v11;
	v8 =	vmul.f32 v8, v15;
	v15 =	vld [tilespmem:$0x1FFC0];
	v2 =	vadd.f32 v3, v2  }
0x5f5: {  	v3 =	vld.idx.msk [tilespmem:v7+s19+$0x0], $0xffff  }
0x5f6: {  	v9 =	vor.u32 v60, v1;
	v7 =	vld.idx.msk [tilespmem:v7+s12+$0x0], $0xffff;
	v2 =	vadd.f32 v6, v2;
	v13 =	vadd.f32 v14, v13  }
0x5f7: {  	v14 =	vmul.f32 v4, v4;
	v4 =	vmul.f32 v36, v4;
	v36 =	vor.u32 v63, v1;
	v63 =	vld [tilespmem:$0x1FCE0]  }
0x5f8: {  	v10 =	vmul.f32 v10, v17;
	v17 =	vld [tilespmem:$0x1FFD0]  }
0x5f9: {  	v11 =	vor.u32 v0, v1;
	v6 =	vld.idx.msk [tilespmem:v5+s19+$0x0], $0xffff;
	v2 =	vadd.f32 v8, v2  }
0x5fa: {  	v5 =	vld.idx.msk [tilespmem:v5+s12+$0x0], $0xffff  }
0x5fb: {  	v15 =	vor.u32 v15, v1;
	v8 =	vld.idx.msk [tilespmem:v9+s19+$0x0], $0xffff;
	v2 =	vadd.f32 v10, v2;
	v13 =	vadd.f32 v14, v13  }
0x5fc: {  	v14 =	vmul.f32 v3, v3;
	v3 =	vmul.f32 v7, v3;
	v7 =	vor.u32 v63, v1;
	v63 =	vld [tilespmem:$0x1FF20]  }
0x5fd: {  	v17 =	vor.u32 v17, v1  }
0x5fe: {  	v10 =	vld.idx.msk [tilespmem:v11+s19+$0x0], $0xffff;
	v2 =	vadd.f32 v12, v2  }
0x5ff: {  	v9 =	vld.idx.msk [tilespmem:v9+s12+$0x0], $0xffff;
	v13 =	vadd.f32 v14, v13;
	v14 =	vmul.f32 v6, v6  }
0x600: {  	v5 =	vmul.f32 v5, v6;
	v12 =	vld.idx.msk [tilespmem:v15+s19+$0x0], $0xffff;
	v2 =	vadd.f32 v16, v2  }
0x601: {  	v13 =	vadd.f32 v14, v13;
	v14 =	vmul.f32 v8, v8;
	v6 =	vor.u32 v63, v1;
	v63 =	vld [tilespmem:$0x1FF30]  }
0x602: {  	v16 =	vld.idx.msk [tilespmem:v17+s19+$0x0], $0xffff;
	v2 =	vadd.f32 v18, v2  }
0x603: {  	v11 =	vld.idx.msk [tilespmem:v11+s12+$0x0], $0xffff;
	v13 =	vadd.f32 v14, v13;
	v14 =	vmul.f32 v10, v10  }
0x604: {  	v18 =	vld.idx.msk [tilespmem:v19+s19+$0x0], $0xffff;
	v2 =	vadd.f32 v20, v2  }
0x605: {  	v20 =	vld.idx.msk [tilespmem:v21+s19+$0x0], $0xffff;
	v13 =	vadd.f32 v14, v13;
	v14 =	vmul.f32 v12, v12  }
0x606: {  	v2 =	vadd.f32 v22, v2;
	v8 =	vmul.f32 v9, v8;
	v9 =	vor.u32 v63, v1;
	v63 =	vld [tilespmem:$0x1FF60]  }
0x607: {  	v13 =	vadd.f32 v14, v13;
	v14 =	vmul.f32 v16, v16  }
0x608: {  	v22 =	vld.idx.msk [tilespmem:v23+s19+$0x0], $0xffff;
	v2 =	vadd.f32 v24, v2  }
0x609: {  	v15 =	vld.idx.msk [tilespmem:v15+s12+$0x0], $0xffff;
	v13 =	vadd.f32 v14, v13;
	v14 =	vmul.f32 v18, v18  }
0x60a: {  	v24 =	vld.idx.msk [tilespmem:v25+s19+$0x0], $0xffff;
	v2 =	vadd.f32 v26, v2;
	v10 =	vmul.f32 v11, v10  }
0x60b: {  	v13 =	vadd.f32 v14, v13;
	v14 =	vmul.f32 v20, v20;
	v11 =	vor.u32 v63, v1;
	v63 =	vld [tilespmem:$0x1FF70]  }
0x60c: {  	v26 =	vld.idx.msk [tilespmem:v27+s19+$0x0], $0xffff;
	v2 =	vadd.f32 v28, v2  }
0x60d: {  	v17 =	vld.idx.msk [tilespmem:v17+s12+$0x0], $0xffff;
	v13 =	vadd.f32 v14, v13;
	v14 =	vmul.f32 v22, v22  }
0x60e: {  	v28 =	vld.idx.msk [tilespmem:v29+s19+$0x0], $0xffff;
	v2 =	vadd.f32 v30, v2  }
0x60f: {  	v30 =	vld.idx.msk [tilespmem:v31+s19+$0x0], $0xffff;
	v13 =	vadd.f32 v14, v13;
	v14 =	vmul.f32 v24, v24  }
0x610: {  	v2 =	vadd.f32 v32, v2;
	v12 =	vmul.f32 v15, v12;
	v15 =	vor.u32 v63, v1;
	v63 =	vld [tilespmem:$0x1FF80]  }
0x611: {  	v13 =	vadd.f32 v14, v13;
	v14 =	vmul.f32 v26, v26  }
0x612: {  	v2 =	vadd.f32 v34, v2;
	v32 =	vld.idx.msk [tilespmem:v33+s19+$0x0], $0xffff  }
0x613: {  	v19 =	vld.idx.msk [tilespmem:v19+s12+$0x0], $0xffff;
	v13 =	vadd.f32 v14, v13;
	v14 =	vmul.f32 v28, v28  }
0x614: {  	v2 =	vadd.f32 v4, v2;
	v16 =	vmul.f32 v17, v16;
	v34 =	vld.idx.msk [tilespmem:v35+s19+$0x0], $0xffff  }
0x615: {  	v13 =	vadd.f32 v14, v13;
	v14 =	vmul.f32 v30, v30;
	v17 =	vor.u32 v63, v1;
	v63 =	vld [tilespmem:$0x1FE50]  }
0x616: {  	v2 =	vadd.f32 v3, v2;
	v4 =	vld.idx.msk [tilespmem:v39+s19+$0x0], $0xffff  }
0x617: {  	v21 =	vld.idx.msk [tilespmem:v21+s12+$0x0], $0xffff;
	v13 =	vadd.f32 v14, v13;
	v14 =	vmul.f32 v32, v32  }
0x618: {  	v2 =	vadd.f32 v5, v2;
	v3 =	vld.idx.msk [tilespmem:v42+s19+$0x0], $0xffff  }
0x619: {  	v5 =	vld.idx.msk [tilespmem:v36+s19+$0x0], $0xffff;
	v13 =	vadd.f32 v14, v13;
	v14 =	vmul.f32 v34, v34  }
0x61a: {  	v2 =	vadd.f32 v8, v2;
	v18 =	vmul.f32 v19, v18;
	v19 =	vor.u32 v63, v1;
	v63 =	vld [tilespmem:$0x1FF90]  }
0x61b: {  	v13 =	vadd.f32 v14, v13;
	v14 =	vmul.f32 v4, v4  }
0x61c: {  	v2 =	vadd.f32 v10, v2;
	v8 =	vld.idx.msk [tilespmem:v7+s19+$0x0], $0xffff  }
0x61d: {  	v23 =	vld.idx.msk [tilespmem:v23+s12+$0x0], $0xffff;
	v13 =	vadd.f32 v14, v13;
	v14 =	vmul.f32 v3, v3  }
0x61e: {  	v2 =	vadd.f32 v12, v2;
	v20 =	vmul.f32 v21, v20;
	v10 =	vld.idx.msk [tilespmem:v6+s19+$0x0], $0xffff  }
0x61f: {  	v13 =	vadd.f32 v14, v13;
	v14 =	vmul.f32 v5, v5;
	v21 =	vor.u32 v63, v1;
	v63 =	vld [tilespmem:$0x1FFA0]  }
0x620: {  	v12 =	vld.idx.msk [tilespmem:v9+s19+$0x0], $0xffff  }
0x621: {  	v25 =	vld.idx.msk [tilespmem:v25+s12+$0x0], $0xffff;
	v2 =	vadd.f32 v16, v2;
	v13 =	vadd.f32 v14, v13;
	v14 =	vmul.f32 v8, v8  }
0x622: {  	v16 =	vld.idx.msk [tilespmem:v11+s19+$0x0], $0xffff  }
0x623: {  	v2 =	vadd.f32 v18, v2;
	v13 =	vadd.f32 v14, v13;
	v14 =	vmul.f32 v10, v10;
	v18 =	vld.idx.msk [tilespmem:v15+s19+$0x0], $0xffff  }
0x624: {  	v22 =	vmul.f32 v23, v22;
	v23 =	vor.u32 v63, v1;
	v63 =	vld [tilespmem:$0x1FFB0]  }
0x625: {  	v13 =	vadd.f32 v14, v13;
	v14 =	vmul.f32 v12, v12  }
0x626: {  	v2 =	vadd.f32 v20, v2;
	v20 =	vld.idx.msk [tilespmem:v17+s19+$0x0], $0xffff  }
0x627: {  	v27 =	vld.idx.msk [tilespmem:v27+s12+$0x0], $0xffff;
	v13 =	vadd.f32 v14, v13;
	v14 =	vmul.f32 v16, v16  }
0x628: {  	v24 =	vmul.f32 v25, v24;
	v2 =	vadd.f32 v22, v2;
	v22 =	vld.idx.msk [tilespmem:v19+s19+$0x0], $0xffff  }
0x629: {  	v13 =	vadd.f32 v14, v13;
	v25 =	vor.u32 v63, v1;
	v63 =	vmul.f32 v18, v18;
	_ =	sdelay $0x1  }
0x62a: {  	v14 =	vmul.f32 v20, v20;
	v13 =	vadd.f32 v63, v13  }
0x62b: {  	v26 =	vmul.f32 v27, v26  }
0x62c: {  	v27 =	vor.u32 v61, v1;
	v61 =	vmul.f32 v22, v22;
	v13 =	vadd.f32 v14, v13  }
0x62d: {  	v33 =	vld.idx.msk [tilespmem:v33+s12+$0x0], $0xffff  }
0x62e: {  	v13 =	vadd.f32 v61, v13;
	v61 =	vld [tilespmem:$0x1FD10];
	_ =	sdelay $0x3  }
0x62f: {  	v35 =	vld.idx.msk [tilespmem:v35+s12+$0x0], $0xffff  }
0x630: {  	v32 =	vmul.f32 v33, v32;
	v33 =	vor.u32 v61, v1;
	v61 =	vld [tilespmem:$0x1FD40];
	_ =	sdelay $0x3  }
0x631: {  	v39 =	vld.idx.msk [tilespmem:v39+s12+$0x0], $0xffff  }
0x632: {  	v34 =	vmul.f32 v35, v34;
	v35 =	vor.u32 v61, v1;
	v61 =	vld [tilespmem:$0x1FC50];
	_ =	sdelay $0x3  }
0x633: {  	v42 =	vld.idx.msk [tilespmem:v42+s12+$0x0], $0xffff  }
0x634: {  	v4 =	vmul.f32 v39, v4;
	v39 =	vor.u32 v61, v1;
	v61 =	vld [tilespmem:$0x1FD60];
	_ =	sdelay $0x3  }
0x635: {  	v36 =	vld.idx.msk [tilespmem:v36+s12+$0x0], $0xffff  }
0x636: {  	v3 =	vmul.f32 v42, v3;
	v42 =	vor.u32 v61, v1;
	v61 =	vld [tilespmem:$0x1FC60];
	_ =	sdelay $0x3  }
0x637: {  	v7 =	vld.idx.msk [tilespmem:v7+s12+$0x0], $0xffff  }
0x638: {  	v5 =	vmul.f32 v36, v5;
	v36 =	vor.u32 v61, v1;
	v61 =	vld [tilespmem:$0x1FC70];
	_ =	sdelay $0x3  }
0x639: {  	v6 =	vld.idx.msk [tilespmem:v6+s12+$0x0], $0xffff  }
0x63a: {  	v7 =	vmul.f32 v7, v8;
	v8 =	vor.u32 v61, v1;
	v61 =	vld [tilespmem:$0x1FC80];
	_ =	sdelay $0x1  }
0x63b: {  	v29 =	vld.idx.msk [tilespmem:v29+s12+$0x0], $0xffff  }
0x63c: {  	v31 =	vld.idx.msk [tilespmem:v31+s12+$0x0], $0xffff  }
0x63d: {  	v9 =	vld.idx.msk [tilespmem:v9+s12+$0x0], $0xffff  }
0x63e: {  	v6 =	vmul.f32 v6, v10;
	v10 =	vor.u32 v61, v1;
	v61 =	vld [tilespmem:$0x1FC90]  }
0x63f: {  	v2 =	vadd.f32 v24, v2  }
0x640: {  	v11 =	vld.idx.msk [tilespmem:v11+s12+$0x0], $0xffff  }
0x641: {  	v28 =	vmul.f32 v29, v28;
	v2 =	vadd.f32 v26, v2;
	v63 =	vld [tilespmem:$0x1FFF0]  }
0x642: {  	v30 =	vmul.f32 v31, v30;
	v24 =	vld.idx.msk [tilespmem:v21+s19+$0x0], $0xffff  }
0x643: {  	v2 =	vadd.f32 v28, v2;
	v9 =	vmul.f32 v9, v12;
	v12 =	vor.u32 v61, v1;
	v61 =	vld [tilespmem:$0x1FD90];
	_ =	sdelay $0x1  }
0x644: {  	v31 =	vor.u32 v62, v1;
	v2 =	vadd.f32 v30, v2;
	v26 =	vld.idx.msk [tilespmem:v23+s19+$0x0], $0xffff  }
0x645: {  	v15 =	vld.idx.msk [tilespmem:v15+s12+$0x0], $0xffff;
	v29 =	vor.u32 v63, v1  }
0x646: {  	v2 =	vadd.f32 v32, v2;
	v28 =	vld.idx.msk [tilespmem:v25+s19+$0x0], $0xffff  }
0x647: {  	v11 =	vmul.f32 v11, v16;
	v62 =	vmul.f32 v24, v24;
	v16 =	vor.u32 v61, v1;
	v61 =	vld [tilespmem:$0x1FDB0]  }
0x648: {  	v30 =	vld.idx.msk [tilespmem:v27+s19+$0x0], $0xffff;
	v2 =	vadd.f32 v34, v2  }
0x649: {  	v34 =	vld.idx.msk [tilespmem:v31+s19+$0x0], $0xffff;
	v13 =	vadd.f32 v62, v13;
	v62 =	vmul.f32 v26, v26  }
0x64a: {  	v2 =	vadd.f32 v4, v2;
	v32 =	vld.idx.msk [tilespmem:v29+s19+$0x0], $0xffff  }
0x64b: {  	v17 =	vld.idx.msk [tilespmem:v17+s12+$0x0], $0xffff;
	v13 =	vadd.f32 v62, v13;
	v62 =	vmul.f32 v28, v28  }
0x64c: {  	v2 =	vadd.f32 v3, v2;
	v15 =	vmul.f32 v15, v18;
	v18 =	vor.u32 v61, v1;
	v61 =	vld [tilespmem:$0x1FCA0]  }
0x64d: {  	v13 =	vadd.f32 v62, v13;
	v62 =	vmul.f32 v30, v30  }
0x64e: {  	v2 =	vadd.f32 v5, v2;
	v4 =	vld.idx.msk [tilespmem:v33+s19+$0x0], $0xffff  }
0x64f: {  	v19 =	vld.idx.msk [tilespmem:v19+s12+$0x0], $0xffff;
	v13 =	vadd.f32 v62, v13;
	v62 =	vmul.f32 v32, v32  }
0x650: {  	v2 =	vadd.f32 v7, v2;
	v17 =	vmul.f32 v17, v20;
	v3 =	vld.idx.msk [tilespmem:v35+s19+$0x0], $0xffff  }
0x651: {  	v13 =	vadd.f32 v62, v13;
	v62 =	vmul.f32 v34, v34;
	v20 =	vor.u32 v61, v1;
	v61 =	vld [tilespmem:$0x1FDC0]  }
0x652: {  	v2 =	vadd.f32 v6, v2;
	v5 =	vld.idx.msk [tilespmem:v39+s19+$0x0], $0xffff  }
0x653: {  	v21 =	vld.idx.msk [tilespmem:v21+s12+$0x0], $0xffff;
	v13 =	vadd.f32 v62, v13;
	v62 =	vmul.f32 v4, v4  }
0x654: {  	v2 =	vadd.f32 v9, v2;
	v7 =	vld.idx.msk [tilespmem:v42+s19+$0x0], $0xffff  }
0x655: {  	v13 =	vadd.f32 v62, v13;
	v62 =	vmul.f32 v3, v3;
	v6 =	vld.idx.msk [tilespmem:v36+s19+$0x0], $0xffff  }
0x656: {  	v2 =	vadd.f32 v11, v2;
	v19 =	vmul.f32 v19, v22;
	v22 =	vor.u32 v61, v1;
	v61 =	vld [tilespmem:$0x1FDD0]  }
0x657: {  	v23 =	vld.idx.msk [tilespmem:v23+s12+$0x0], $0xffff;
	v13 =	vadd.f32 v62, v13;
	v62 =	vmul.f32 v5, v5  }
0x658: {  	v2 =	vadd.f32 v15, v2;
	v9 =	vld.idx.msk [tilespmem:v8+s19+$0x0], $0xffff  }
0x659: {  	v25 =	vld.idx.msk [tilespmem:v25+s12+$0x0], $0xffff;
	v13 =	vadd.f32 v62, v13;
	v62 =	vmul.f32 v7, v7  }
0x65a: {  	v2 =	vadd.f32 v17, v2;
	v21 =	vmul.f32 v21, v24;
	v11 =	vld.idx.msk [tilespmem:v10+s19+$0x0], $0xffff  }
0x65b: {  	v13 =	vadd.f32 v62, v13;
	v62 =	vmul.f32 v6, v6;
	v24 =	vor.u32 v61, v1;
	v61 =	vld [tilespmem:$0x1FF40]  }
0x65c: {  	v2 =	vadd.f32 v19, v2;
	v15 =	vld.idx.msk [tilespmem:v12+s19+$0x0], $0xffff  }
0x65d: {  	v27 =	vld.idx.msk [tilespmem:v27+s12+$0x0], $0xffff;
	v13 =	vadd.f32 v62, v13;
	v62 =	vmul.f32 v9, v9  }
0x65e: {  	v2 =	vadd.f32 v21, v2;
	v23 =	vmul.f32 v23, v26;
	v17 =	vld.idx.msk [tilespmem:v16+s19+$0x0], $0xffff  }
0x65f: {  	v13 =	vadd.f32 v62, v13;
	v62 =	vmul.f32 v11, v11;
	v19 =	vld.idx.msk [tilespmem:v18+s19+$0x0], $0xffff  }
0x660: {  	v2 =	vadd.f32 v23, v2;
	v26 =	vor.u32 v61, v1;
	v61 =	vld [tilespmem:$0x1FF50]  }
0x661: {  	v23 =	vmul.f32 v25, v28;
	v28 =	vld.idx.msk [tilespmem:v31+s12+$0x0], $0xffff;
	v13 =	vadd.f32 v62, v13;
	v62 =	vmul.f32 v15, v15  }
0x662: {  	v21 =	vld.idx.msk [tilespmem:v20+s19+$0x0], $0xffff  }
0x663: {  	v29 =	vld.idx.msk [tilespmem:v29+s12+$0x0], $0xffff;
	v13 =	vadd.f32 v62, v13;
	v62 =	vmul.f32 v17, v17  }
0x664: {  	v25 =	vld.idx.msk [tilespmem:v22+s19+$0x0], $0xffff  }
0x665: {  	v13 =	vadd.f32 v62, v13;
	v62 =	vmul.f32 v19, v19;
	v1 =	vor.u32 v61, v1  }
0x666: {  	v2 =	vadd.f32 v23, v2;
	v23 =	vmul.f32 v27, v30;
	v27 =	vld.idx.msk [tilespmem:v24+s19+$0x0], $0xffff  }
0x667: {  	v13 =	vadd.f32 v62, v13;
	v62 =	vld.idx.msk [tilespmem:v33+s12+$0x0], $0xffff;
	v61 =	vmul.f32 v21, v21  }
0x668: {  	v2 =	vadd.f32 v23, v2;
	v29 =	vmul.f32 v29, v32;
	v23 =	vld.idx.msk [tilespmem:v26+s19+$0x0], $0xffff  }
0x669: {  	v28 =	vmul.f32 v28, v34;
	v34 =	vld.idx.msk [tilespmem:v35+s12+$0x0], $0xffff;
	v33 =	vmul.f32 v25, v25;
	v13 =	vadd.f32 v61, v13  }
0x66a: {  	v2 =	vadd.f32 v29, v2;
	v14 =	vld.idx.msk [tilespmem:v1+s19+$0x0], $0xffff  }
0x66b: {  	v39 =	vld.idx.msk [tilespmem:v39+s12+$0x0], $0xffff;
	v35 =	vmul.f32 v27, v27;
	v13 =	vadd.f32 v33, v13  }
0x66c: {  	v2 =	vadd.f32 v28, v2;
	v4 =	vmul.f32 v62, v4  }
0x66d: {  	v62 =	vmul.f32 v23, v23;
	v13 =	vadd.f32 v35, v13  }
0x66e: {  	v3 =	vmul.f32 v34, v3;
	v2 =	vadd.f32 v4, v2;
	v61 =	vld.idx.msk [tilespmem:v42+s12+$0x0], $0xffff  }
0x66f: {  	v32 =	vadd.f32 v62, v13;
	v33 =	vmul.f32 v14, v14  }
0x670: {  	v34 =	vld.idx.msk [tilespmem:v36+s12+$0x0], $0xffff;
	v2 =	vadd.f32 v3, v2;
	v3 =	vmul.f32 v39, v5  }
0x671: {  	v4 =	vadd.f32 v33, v32  }
0x672: {  	v36 =	vld.idx.msk [tilespmem:v8+s12+$0x0], $0xffff;
	v2 =	vadd.f32 v3, v2  }
0x673: {  	v35 =	vmul.f32 v61, v7;
	v3 =	vshra.s32 v4, $0x1;
	v4 =	vmul.f32 $5.000000000e-01, v4  }
0x674: {  	v39 =	vld.idx.msk [tilespmem:v10+s12+$0x0], $0xffff;
	v3 =	vsub.s32 $0x5F3759DF, v3  }
0x675: {  	v42 =	vmul.f32 v34, v6;
	v2 =	vadd.f32 v35, v2;
	v61 =	vmul.f32 v3, v4  }
0x676: {  	v62 =	vld.idx.msk [tilespmem:v12+s12+$0x0], $0xffff  }
0x677: {  	v9 =	vmul.f32 v36, v9;
	v2 =	vadd.f32 v42, v2;
	v6 =	vmul.f32 v3, v61  }
0x678: {  	v12 =	vld.idx.msk [tilespmem:v16+s12+$0x0], $0xffff  }
0x679: {  	v13 =	vmul.f32 v39, v11;
	v2 =	vadd.f32 v9, v2;
	v6 =	vsub.f32 $1.500000000e+00, v6  }
0x67a: {  	v16 =	vld.idx.msk [tilespmem:v18+s12+$0x0], $0xffff  }
0x67b: {  	v18 =	vmul.f32 v62, v15;
	v2 =	vadd.f32 v13, v2;
	v3 =	vmul.f32 v3, v6  }
0x67c: {  	v28 =	vld.idx.msk [tilespmem:v20+s12+$0x0], $0xffff  }
0x67d: {  	v29 =	vmul.f32 v12, v17;
	v2 =	vadd.f32 v18, v2;
	v30 =	vmul.f32 v3, v4  }
0x67e: {  	v31 =	vld.idx.msk [tilespmem:v22+s12+$0x0], $0xffff  }
0x67f: {  	v32 =	vmul.f32 v16, v19;
	v2 =	vadd.f32 v29, v2;
	v7 =	vmul.f32 v30, v3  }
0x680: {  	v33 =	vld.idx.msk [tilespmem:v24+s12+$0x0], $0xffff  }
0x681: {  	v34 =	vmul.f32 v28, v21;
	v2 =	vadd.f32 v32, v2;
	v35 =	vsub.f32 $1.500000000e+00, v7  }
0x682: {  	v36 =	vld.idx.msk [tilespmem:v26+s12+$0x0], $0xffff  }
0x683: {  	v39 =	vmul.f32 v31, v25;
	v2 =	vadd.f32 v34, v2;
	v3 =	vmul.f32 v35, v3  }
0x684: {  	v1 =	vld.idx.msk [tilespmem:v1+s12+$0x0], $0xffff  }
0x685: {  	v42 =	vmul.f32 v33, v27;
	v2 =	vadd.f32 v39, v2;
	v4 =	vmul.f32 v3, v4;
	_ =	sdelay $0x1  }
0x686: {  	v61 =	vmul.f32 v36, v23;
	v2 =	vadd.f32 v42, v2;
	v4 =	vmul.f32 v4, v3  }
0x687: {  	s2 =	sadd.s32 @p0 $0x10, s31  }
0x688: {  	s30 =	smov.u32 @p0 s2;
	v1 =	vmul.f32 v1, v14;
	v2 =	vadd.f32 v61, v2;
	v4 =	vsub.f32 $1.500000000e+00, v4  }
0x689: {  	v62 =	vld [tilespmem:s30+$0x0]  }
0x68a: {  	v1 =	vadd.f32 v1, v2;
	v2 =	vmul.f32 v4, v3;
	_ =	sdelay $0x1  }
0x68b: {  	v1 =	vmul.f32 v2, v1;
	_ =	sdelay $0x1  }
0x68c: {  	s0 =	sadd.s32 @p0 $0x10, s0;
	v1 =	vmul.f32 v1, v62  }
0x68d: {  	s26 =	sadd.s32 $0x1, s26;
	s29 =	smov.u32 @p0 s0  }
0x68e: {  	s31 =	sadd.s32 s28, s7;
	p0 =	sne.s32 s26, $0x32;
	[tilespmem:s29+$0x0] =	vst v1  }
0x68f: {  	[hbm4b:s31+s1] =	stream.linear.scatter [tilespmem:s23], [sflag:$0x2], $0x200, $0x38;
	[tilespmem:$0x16A00] =	vst v63  }
.Ltmp7:
0x690: {  	_ = 	snop;
	(pc) =	sbr.rel @p0 .LBB2_4-.Ltmp7, $4  }
.Ltmp8:
0x691: {  	_ = 	snop;
	(pc) =	sbr.rel @!p0 .LBB2_13-.Ltmp8, $4  }
0x692: {  	_ =	swait.ge [sflag:s9], $0x200  }
0x693: {  	[sflag:s9] =	ssyncset.done $0x0  }
0x694: {  	[sflag:s9] =	ssyncadd.s32 $0xFFFFFE00  }
0x695: {  	_ = 	snop  }
.LBB2_5:
.Ltmp9:
0x696: {  	(pc) =	sbr.rel .LBB2_12-.Ltmp9, $4  }
0x697: {  	_ = 	snop  }
0x698: {  	v63 =	vld [tilespmem:$0x1FFE0]  }
0x699: {  	v62 =	vld [tilespmem:$0x1FE70]  }
0x69a: {  	s0 =	simm.s32 $0x16800;
	s31 =	simm.s32 $0x16600;
	v61 =	vld [tilespmem:$0x1FE60]  }
.LBB2_7:
.Ltmp10:
0x69b: {  	(pc) =	sbr.rel .LBB2_12-.Ltmp10, $4  }
0x69c: {  	_ = 	snop  }
0x69d: {  	v61 =	vld [tilespmem:$0x1FE60]  }
0x69e: {  	v62 =	vld [tilespmem:$0x1FE70]  }
0x69f: {  	s0 =	simm.s32 $0x16800;
	s31 =	simm.s32 $0x16600;
	v63 =	vld [tilespmem:$0x1FFE0]  }
.LBB2_9:
.Ltmp11:
0x6a0: {  	(pc) =	sbr.rel .LBB2_12-.Ltmp11, $4  }
0x6a1: {  	_ = 	snop  }
0x6a2: {  	v63 =	vld [tilespmem:$0x1FFE0]  }
0x6a3: {  	v61 =	vld [tilespmem:$0x1FE60]  }
0x6a4: {  	s0 =	simm.s32 $0x16800;
	v62 =	vld [tilespmem:$0x1FE70]  }
.LBB2_14:
0x6a5: {  	_ =	sfence.sel $0x180000  }
0x6a6: {  	[bflag:$0x0] =	sbarrier.arrive $0xFFFF  }
0x6a7: {  	_ =	strace $0x90000047  }
0x6a8: {  	s0 =	stileid.u32;
	[bflag:$0x2] =	sbarrier.arrive $0xFFFF  }
0x6a9: {  	p0 =	sne.s32 s0, $0x0;
	s0 =	rddreg [dreg:$0x3]  }
0x6aa: {  	s0 =	sadd.s32 @!p0 $0x100000, s0  }
0x6ab: {  	[sflag:s0] =	ssyncadd.tile.s32 @!p0 $0x1;
	_ =	shalt  }
.Lfunc_end2:
_tile_overlayer_lowered:
.L_overlay_start_2:
0x6ac: {  	(tag) =	ssettag $0x2  }
0x6ad: {  	s0 =	rddreg [dreg:$0x0];
	s2 =	stileid.u32  }
0x6ae: {  	s1 =	rddreg [dreg:$0x1];
	p0 =	sne.s32 s2, $0x0  }
0x6af: {  	s3 =	rddreg [dreg:$0x2];
	[bflag:$0x3] =	sbarrier.arrive $0xFFFF;
	s2 =	simm.s32 @!p0 $0x1C02  }
0x6b0: {  	[timem:s3], [sflag:s2] =	dma.local @!p0 [hbm:s0], s1  }
0x6b1: {  	s0 =	simm.s32 @!p0 $0x2  }
0x6b2: {  	_ =	swait.ge @!p0 [sflag:s0], s1  }
0x6b3: {  	s1 =	ssub.s32 @!p0 $0x0, s1;
	[sflag:s0] =	ssyncset.done @!p0 $0x0  }
0x6b4: {  	[sflag:s0] =	ssyncadd.s32 @!p0 s1  }
0x6b5: {  	[bflag:$0x3] =	sbarrier.arrive $0xFFFF  }
0x6b6: {  	_ =	shalt  }

</sc_bundles>
